<compile_context>
chip_gen: v7x
topology: tpu7x:2x2x1
jax: 0.10.2.dev20260603
libtpu: 0.0.44.dev20260713+nightly
codegen_flags: <defaults>
</compile_context>

<pallas_src>
import functools

import jax
import jax.numpy as jnp
from jax import lax
from jax.experimental import pallas as pl
from jax.experimental.pallas import tpu as pltpu
from jax.experimental.pallas import tpu_sc as plsc

N = 10000
NP = 10240
E = 320000
EP = 327680
NC = 2
NS = 16
EW = EP // (NC * NS)
CH = 128
NCH = EW // CH
SLAB = NP // NS

f32 = jnp.float32
i32 = jnp.int32

_mesh = plsc.VectorSubcoreMesh(core_axis_name="c", subcore_axis_name="s")


def _fill(buf, rows, cols, value):
    v = jnp.full((16,), value, f32)
    for r in range(rows):
        for j in range(cols // 16):
            buf[r, pl.ds(j * 16, 16)] = v


@functools.partial(
    pl.kernel,
    out_type=jax.ShapeDtypeStruct((NC, NP, 16), f32),
    mesh=_mesh,
    scratch_types=[
        pltpu.VMEM_SHARED((NP, 16), f32),
        pltpu.VMEM((16, 16), f32),
        pltpu.VMEM((CH, 16), f32),
        pltpu.VMEM((CH,), i32),
    ],
)
def _sc_degree(dst_hbm, out_hbm, acc, zbuf, obuf, sidx):
    cid = lax.axis_index("c")
    sid = lax.axis_index("s")
    _fill(zbuf, 16, 16, 0.0)
    _fill(obuf, CH, 16, 1.0)
    base = sid * SLAB

    def zrow(i, carry):
        pltpu.sync_copy(zbuf, acc.at[pl.ds(base + i * 16, 16)])
        return carry

    lax.fori_loop(0, SLAB // 16, zrow, None)
    plsc.subcore_barrier()

    ebase = (cid * NS + sid) * EW

    def body(g, carry):
        pltpu.sync_copy(dst_hbm.at[pl.ds(ebase + g * CH, CH)], sidx)
        pltpu.sync_copy(obuf, acc.at[sidx], add=True)
        return carry

    lax.fori_loop(0, NCH, body, None)
    plsc.subcore_barrier()
    pltpu.sync_copy(acc.at[pl.ds(base, SLAB)], out_hbm.at[cid, pl.ds(base, SLAB)])


@functools.partial(
    pl.kernel,
    out_type=jax.ShapeDtypeStruct((NC, NP, 128), f32),
    mesh=_mesh,
    scratch_types=[
        pltpu.VMEM_SHARED((NP, 128), f32),
        pltpu.VMEM((16, 128), f32),
        pltpu.VMEM((CH, 128), f32),
        pltpu.VMEM((CH,), i32),
        pltpu.VMEM((CH,), i32),
        pltpu.SemaphoreType.DMA,
    ],
)
def _sc_agg128(xs_hbm, src_hbm, dst_hbm, out_hbm, acc, zbuf, gbuf, gidx, sidx,
               sem):
    cid = lax.axis_index("c")
    sid = lax.axis_index("s")
    _fill(zbuf, 16, 128, 0.0)
    base = sid * SLAB

    def zrow(i, carry):
        pltpu.sync_copy(zbuf, acc.at[pl.ds(base + i * 16, 16)])
        return carry

    lax.fori_loop(0, SLAB // 16, zrow, None)
    plsc.subcore_barrier()

    ebase = (cid * NS + sid) * EW

    def body(g, carry):
        off = ebase + g * CH
        pltpu.sync_copy(src_hbm.at[pl.ds(off, CH)], gidx)
        pltpu.sync_copy(dst_hbm.at[pl.ds(off, CH)], sidx)
        pltpu.async_copy(xs_hbm.at[gidx], gbuf, sem).wait()
        pltpu.sync_copy(gbuf, acc.at[sidx], add=True)
        return carry

    lax.fori_loop(0, NCH, body, None)
    plsc.subcore_barrier()
    pltpu.sync_copy(acc.at[pl.ds(base, SLAB)], out_hbm.at[cid, pl.ds(base, SLAB)])


@functools.partial(
    pl.kernel,
    out_type=(
        jax.ShapeDtypeStruct((NC, NP, 16), f32),
        jax.ShapeDtypeStruct((NC, NP, 16), f32),
    ),
    mesh=_mesh,
    scratch_types=[
        pltpu.VMEM_SHARED((NP, 16), f32),
        pltpu.VMEM_SHARED((NP, 16), f32),
        pltpu.VMEM_SHARED((NP, 16), f32),
        pltpu.VMEM_SHARED((NP, 16), f32),
        pltpu.VMEM((16, 16), f32),
        pltpu.VMEM((CH, 16), f32),
        pltpu.VMEM((CH, 16), f32),
        pltpu.VMEM((CH,), i32),
        pltpu.VMEM((CH,), i32),
        pltpu.SemaphoreType.DMA,
        pltpu.SemaphoreType.DMA,
    ],
)
def _sc_pass2(z2s_hbm, dinv_hbm, src_hbm, dst_hbm, outa_hbm, outs_hbm,
              ztab, dtab, acca, accs, zbuf, bufa, bufs, gidx, sidx,
              sema, sems):
    cid = lax.axis_index("c")
    sid = lax.axis_index("s")
    _fill(zbuf, 16, 16, 0.0)
    base = sid * SLAB

    pltpu.sync_copy(z2s_hbm.at[pl.ds(base, SLAB)], ztab.at[pl.ds(base, SLAB)])
    pltpu.sync_copy(dinv_hbm.at[pl.ds(base, SLAB)], dtab.at[pl.ds(base, SLAB)])

    def zrow(i, carry):
        pltpu.sync_copy(zbuf, acca.at[pl.ds(base + i * 16, 16)])
        pltpu.sync_copy(zbuf, accs.at[pl.ds(base + i * 16, 16)])
        return carry

    lax.fori_loop(0, SLAB // 16, zrow, None)
    plsc.subcore_barrier()

    ebase = (cid * NS + sid) * EW

    def body(g, carry):
        off = ebase + g * CH
        pltpu.sync_copy(src_hbm.at[pl.ds(off, CH)], gidx)
        pltpu.sync_copy(dst_hbm.at[pl.ds(off, CH)], sidx)
        cpa = pltpu.async_copy(ztab.at[gidx], bufa, sema)
        cps = pltpu.async_copy(dtab.at[sidx], bufs, sems)
        cpa.wait()
        cps.wait()
        pltpu.sync_copy(bufa, acca.at[sidx], add=True)
        pltpu.sync_copy(bufs, accs.at[gidx], add=True)
        return carry

    lax.fori_loop(0, NCH, body, None)
    plsc.subcore_barrier()
    pltpu.sync_copy(acca.at[pl.ds(base, SLAB)],
                    outa_hbm.at[cid, pl.ds(base, SLAB)])
    pltpu.sync_copy(accs.at[pl.ds(base, SLAB)],
                    outs_hbm.at[cid, pl.ds(base, SLAB)])


RB = 1280


def _tc_prep(d0, d1, xp):
    def body(d0_ref, d1_ref, x_ref, xs_ref, dv_ref):
        deg = d0_ref[...] + d1_ref[...] + 1.0
        dinv = lax.rsqrt(deg)
        dv_ref[...] = dinv
        xs_ref[...] = x_ref[...] * dinv[:, 0:1]

    return pl.pallas_call(
        body,
        grid=(NP // RB,),
        in_specs=[
            pl.BlockSpec((RB, 16), lambda i: (i, 0)),
            pl.BlockSpec((RB, 16), lambda i: (i, 0)),
            pl.BlockSpec((RB, 128), lambda i: (i, 0)),
        ],
        out_specs=[
            pl.BlockSpec((RB, 128), lambda i: (i, 0)),
            pl.BlockSpec((RB, 16), lambda i: (i, 0)),
        ],
        out_shape=[
            jax.ShapeDtypeStruct((NP, 128), f32),
            jax.ShapeDtypeStruct((NP, 16), f32),
        ],
    )(d0, d1, xp)


RM = 512


def _tc_mid(r0, r1, xs, dv, w1, b1r, w2):
    def body(r0_ref, r1_ref, xs_ref, dv_ref, w1_ref, b1_ref, w2_ref, out_ref):
        dinv = dv_ref[:, 0:1]
        a = (r0_ref[...] + r1_ref[...] + xs_ref[...]) * dinv
        h1 = jnp.dot(a, w1_ref[...], preferred_element_type=f32) + b1_ref[...]
        h1 = jnp.maximum(h1, 0.0)
        z2 = jnp.dot(h1, w2_ref[...], preferred_element_type=f32)
        out_ref[...] = z2 * dinv

    return pl.pallas_call(
        body,
        grid=(NP // RM,),
        in_specs=[
            pl.BlockSpec((RM, 128), lambda i: (i, 0)),
            pl.BlockSpec((RM, 128), lambda i: (i, 0)),
            pl.BlockSpec((RM, 128), lambda i: (i, 0)),
            pl.BlockSpec((RM, 16), lambda i: (i, 0)),
            pl.BlockSpec((128, 1024), lambda i: (0, 0)),
            pl.BlockSpec((1, 1024), lambda i: (0, 0)),
            pl.BlockSpec((1024, 16), lambda i: (0, 0)),
        ],
        out_specs=pl.BlockSpec((RM, 16), lambda i: (i, 0)),
        out_shape=jax.ShapeDtypeStruct((NP, 16), f32),
    )(r0, r1, xs, dv, w1, b1r, w2)


RF = 1280


def _tc_final(r0, r1, z2s, dv, s0, s1, b2r, w3, b3r, wlp, blp):
    def body(r0_ref, r1_ref, z_ref, dv_ref, s0_ref, s1_ref, b2_ref, w3_ref,
             b3_ref, wl_ref, bl_ref, out_ref, acc):
        i = pl.program_id(0)
        dinv = dv_ref[:, 0:1]
        h2 = (r0_ref[...] + r1_ref[...] + z_ref[...]) * dinv + b2_ref[...]
        h2 = jnp.maximum(h2, 0.0)
        s = s0_ref[:, 0:1] + s1_ref[:, 0:1]
        c = dinv * s + dinv * dinv
        rows = i * RF + lax.broadcasted_iota(i32, (RF, 1), 0)
        c = jnp.where(rows < N, c, 0.0)
        part = jnp.sum(h2 * c, axis=0, keepdims=True)

        @pl.when(i == 0)
        def _():
            acc[...] = jnp.zeros_like(acc)

        acc[...] += part

        @pl.when(i == NP // RF - 1)
        def _():
            pooled = acc[...] * (1.0 / N)
            t = jnp.dot(pooled, w3_ref[...], preferred_element_type=f32)
            t = t + b3_ref[...]
            out_ref[...] = (
                jnp.dot(t, wl_ref[...], preferred_element_type=f32) + bl_ref[...]
            )

    return pl.pallas_call(
        body,
        grid=(NP // RF,),
        in_specs=[
            pl.BlockSpec((RF, 16), lambda i: (i, 0)),
            pl.BlockSpec((RF, 16), lambda i: (i, 0)),
            pl.BlockSpec((RF, 16), lambda i: (i, 0)),
            pl.BlockSpec((RF, 16), lambda i: (i, 0)),
            pl.BlockSpec((RF, 16), lambda i: (i, 0)),
            pl.BlockSpec((RF, 16), lambda i: (i, 0)),
            pl.BlockSpec((1, 16), lambda i: (0, 0)),
            pl.BlockSpec((16, 16), lambda i: (0, 0)),
            pl.BlockSpec((1, 16), lambda i: (0, 0)),
            pl.BlockSpec((16, 128), lambda i: (0, 0)),
            pl.BlockSpec((1, 128), lambda i: (0, 0)),
        ],
        out_specs=pl.BlockSpec((1, 128), lambda i: (0, 0)),
        out_shape=jax.ShapeDtypeStruct((1, 128), f32),
        scratch_shapes=[pltpu.VMEM((1, 16), f32)],
    )(r0, r1, z2s, dv, s0, s1, b2r, w3, b3r, wlp, blp)


def kernel(x, edge_index, W1, b1, W2, b2, W3, b3, Wl, bl):
    src = edge_index[0].astype(i32)
    dst = edge_index[1].astype(i32)
    pad_e = N + (jnp.arange(EP - E, dtype=i32) % (NP - N))
    src_p = jnp.concatenate([src, pad_e])
    dst_p = jnp.concatenate([dst, pad_e])
    x_p = jnp.pad(x, ((0, NP - N), (0, 0)))

    deg2 = _sc_degree(dst_p)
    xs, dinv16 = _tc_prep(deg2[0], deg2[1], x_p)
    agg1 = _sc_agg128(xs, src_p, dst_p)
    z2s = _tc_mid(agg1[0], agg1[1], xs, dinv16, W1,
                  b1.reshape(1, 1024), W2)
    agg2, s16 = _sc_pass2(z2s, dinv16, src_p, dst_p)
    wlp = jnp.pad(Wl, ((0, 0), (0, 125)))
    blp = jnp.pad(bl, (0, 125)).reshape(1, 128)
    out = _tc_final(agg2[0], agg2[1], z2s, dinv16, s16[0], s16[1],
                    b2.reshape(1, 16), W3, b3.reshape(1, 16), wlp, blp)
    return out[:, :3]

# --- scband reference (transcript-rebuilt; emitter-appended) ---
"""Pipeline reference for scband-basic-model-large-12300786336355 (READ-ONLY COPY).

The authoritative reference and input builder live on the scoring server;
editing this copy changes nothing except your own understanding.
"""

import jax, jax.numpy as jnp
import numpy as np

N_NODES = 10000
N_EDGES = 320000
D_IN = 128
H1 = 1024
H2 = 16
NUM_CLASSES = 16


def gcn_conv(x, edge_index, W, b):
    # x: [N, d_in], edge_index: [2, E] (src, dst)
    n = x.shape[0]
    x = x @ W
    loop = jnp.arange(n, dtype=edge_index.dtype)
    src = jnp.concatenate([edge_index[0], loop])
    dst = jnp.concatenate([edge_index[1], loop])
    deg = jnp.zeros((n,), dtype=x.dtype).at[dst].add(1.0)
    dinv = jnp.where(deg > 0, jax.lax.rsqrt(deg), 0.0)
    norm = dinv[src] * dinv[dst]
    msg = x[src] * norm[:, None]
    out = jnp.zeros((n, x.shape[1]), dtype=x.dtype).at[dst].add(msg)
    return out + b


def setup_inputs(seed: int = 0) -> dict:
    key = jax.random.key(seed)
    ks = jax.random.split(key, 12)
    x = jax.random.normal(ks[0], (N_NODES, D_IN), dtype=jnp.float32)
    edge_index = jax.random.randint(ks[1], (2, N_EDGES), 0, N_NODES)
    W1 = jax.random.normal(ks[2], (D_IN, H1), dtype=jnp.float32) / np.sqrt(D_IN)
    b1 = jnp.zeros((H1,), dtype=jnp.float32)
    W2 = jax.random.normal(ks[3], (H1, H2), dtype=jnp.float32) / np.sqrt(H1)
    b2 = jnp.zeros((H2,), dtype=jnp.float32)
    W3 = jax.random.normal(ks[4], (H2, NUM_CLASSES), dtype=jnp.float32) / np.sqrt(H2)
    b3 = jnp.zeros((NUM_CLASSES,), dtype=jnp.float32)
    Wl = jax.random.normal(ks[5], (NUM_CLASSES, 3), dtype=jnp.float32) / np.sqrt(NUM_CLASSES)
    bl = jnp.zeros((3,), dtype=jnp.float32)
    return {"x": x, "edge_index": edge_index, "W1": W1, "b1": b1, "W2": W2, "b2": b2, "W3": W3, "b3": b3, "Wl": Wl, "bl": bl}


def reference(x, edge_index, W1, b1, W2, b2, W3, b3, Wl, bl):
    h = gcn_conv(x, edge_index, W1, b1)
    h = jax.nn.relu(h)
    # dropout is identity in eval mode (training=False)
    h = gcn_conv(h, edge_index, W2, b2)
    h = jax.nn.relu(h)
    h = gcn_conv(h, edge_index, W3, b3)
    # scatter_mean(x, tensor([0]), dim=0): index broadcasts to all-zeros -> global mean pool -> [1, C]
    seg = jnp.zeros((h.shape[0],), dtype=jnp.int32)
    summed = jax.ops.segment_sum(h, seg, num_segments=1)
    cnt = jax.ops.segment_sum(jnp.ones((h.shape[0],), dtype=h.dtype), seg, num_segments=1)
    pooled = summed / cnt[:, None]
    return pooled @ Wl + bl

if __name__ == "__main__":
    import jax
    _d = setup_inputs()
    print(jax.jit(kernel)(*tuple(_d.values())))

</pallas_src>

<mosaic_0001>
#map = affine_map<(d0, d1) -> (0)>
#map1 = affine_map<(d0, d1) -> (0, 0, 0)>
module attributes {stable_mosaic.version = 14 : i64} {
  func.func @_sc_degree(%arg0: i32, %arg1: i32, %arg2: memref<327680xi32, #tpu.memory_space<hbm>>, %arg3: memref<2x10240x16xf32, #tpu.memory_space<hbm>>, %arg4: memref<10240x16xf32, #tpu.memory_space<vmem_shared>>, %arg5: memref<16x16xf32, #tpu.memory_space<vmem>>, %arg6: memref<128x16xf32, #tpu.memory_space<vmem>>, %arg7: memref<128xi32, #tpu.memory_space<vmem>>) attributes {dimension_semantics = [#tpu.dimension_semantics<core_parallel>, #tpu.dimension_semantics<subcore_parallel>], iteration_bounds = array<i64: 2, 16>, scalar_prefetch = 0 : i64, scratch_operands = 4 : i64, tpu.core_type = #tpu.core_type<sc_vector_subcore>, window_params = [{transform_indices = #map}, {transform_indices = #map1}]} {
    %broadcast_in_dim3A = arith.constant 0.000000e+00 : f32
    %broadcast_in_dim3A_0 = vector.broadcast %broadcast_in_dim3A : f32 to vector<16xf32>
    %swap3A = arith.constant 0 : i32
    %swap3A_1 = arith.index_cast %swap3A : i32 to index
    %swap3A_2 = arith.constant 0 : index
    %swap3A_3 = tpu.vector_load %arg5[%swap3A_1, %swap3A_2] {strides = array<i32>} : memref<16x16xf32, #tpu.memory_space<vmem>>, vector<1x16xf32>,
    %swap3A_4 = vector.shape_cast %swap3A_3 : vector<1x16xf32> to vector<16xf32>
    %swap3A_5 = vector.shape_cast %broadcast_in_dim3A_0 : vector<16xf32> to vector<1x16xf32>
    tpu.vector_store %arg5[%swap3A_1, %swap3A_2], %swap3A_5 {strides = array<i32>} : memref<16x16xf32, #tpu.memory_space<vmem>>, vector<1x16xf32>,
    %swap3A_6 = arith.constant 1 : i32
    %swap3A_7 = arith.index_cast %swap3A_6 : i32 to index
    %swap3A_8 = arith.constant 0 : index
    %swap3A_9 = tpu.vector_load %arg5[%swap3A_7, %swap3A_8] {strides = array<i32>} : memref<16x16xf32, #tpu.memory_space<vmem>>, vector<1x16xf32>,
    %swap3A_10 = vector.shape_cast %swap3A_9 : vector<1x16xf32> to vector<16xf32>
    %swap3A_11 = vector.shape_cast %broadcast_in_dim3A_0 : vector<16xf32> to vector<1x16xf32>
    tpu.vector_store %arg5[%swap3A_7, %swap3A_8], %swap3A_11 {strides = array<i32>} : memref<16x16xf32, #tpu.memory_space<vmem>>, vector<1x16xf32>,
    %swap3A_12 = arith.constant 2 : i32
    %swap3A_13 = arith.index_cast %swap3A_12 : i32 to index
    %swap3A_14 = arith.constant 0 : index
    %swap3A_15 = tpu.vector_load %arg5[%swap3A_13, %swap3A_14] {strides = array<i32>} : memref<16x16xf32, #tpu.memory_space<vmem>>, vector<1x16xf32>,
    %swap3A_16 = vector.shape_cast %swap3A_15 : vector<1x16xf32> to vector<16xf32>
    %swap3A_17 = vector.shape_cast %broadcast_in_dim3A_0 : vector<16xf32> to vector<1x16xf32>
    tpu.vector_store %arg5[%swap3A_13, %swap3A_14], %swap3A_17 {strides = array<i32>} : memref<16x16xf32, #tpu.memory_space<vmem>>, vector<1x16xf32>,
    %swap3A_18 = arith.constant 3 : i32
    %swap3A_19 = arith.index_cast %swap3A_18 : i32 to index
    %swap3A_20 = arith.constant 0 : index
    %swap3A_21 = tpu.vector_load %arg5[%swap3A_19, %swap3A_20] {strides = array<i32>} : memref<16x16xf32, #tpu.memory_space<vmem>>, vector<1x16xf32>,
    %swap3A_22 = vector.shape_cast %swap3A_21 : vector<1x16xf32> to vector<16xf32>
    %swap3A_23 = vector.shape_cast %broadcast_in_dim3A_0 : vector<16xf32> to vector<1x16xf32>
    tpu.vector_store %arg5[%swap3A_19, %swap3A_20], %swap3A_23 {strides = array<i32>} : memref<16x16xf32, #tpu.memory_space<vmem>>, vector<1x16xf32>,
    %swap3A_24 = arith.constant 4 : i32
    %swap3A_25 = arith.index_cast %swap3A_24 : i32 to index
    %swap3A_26 = arith.constant 0 : index
    %swap3A_27 = tpu.vector_load %arg5[%swap3A_25, %swap3A_26] {strides = array<i32>} : memref<16x16xf32, #tpu.memory_space<vmem>>, vector<1x16xf32>,
    %swap3A_28 = vector.shape_cast %swap3A_27 : vector<1x16xf32> to vector<16xf32>
    %swap3A_29 = vector.shape_cast %broadcast_in_dim3A_0 : vector<16xf32> to vector<1x16xf32>
    tpu.vector_store %arg5[%swap3A_25, %swap3A_26], %swap3A_29 {strides = array<i32>} : memref<16x16xf32, #tpu.memory_space<vmem>>, vector<1x16xf32>,
    %swap3A_30 = arith.constant 5 : i32
    %swap3A_31 = arith.index_cast %swap3A_30 : i32 to index
    %swap3A_32 = arith.constant 0 : index
    %swap3A_33 = tpu.vector_load %arg5[%swap3A_31, %swap3A_32] {strides = array<i32>} : memref<16x16xf32, #tpu.memory_space<vmem>>, vector<1x16xf32>,
    %swap3A_34 = vector.shape_cast %swap3A_33 : vector<1x16xf32> to vector<16xf32>
    %swap3A_35 = vector.shape_cast %broadcast_in_dim3A_0 : vector<16xf32> to vector<1x16xf32>
    tpu.vector_store %arg5[%swap3A_31, %swap3A_32], %swap3A_35 {strides = array<i32>} : memref<16x16xf32, #tpu.memory_space<vmem>>, vector<1x16xf32>,
    %swap3A_36 = arith.constant 6 : i32
    %swap3A_37 = arith.index_cast %swap3A_36 : i32 to index
    %swap3A_38 = arith.constant 0 : index
    %swap3A_39 = tpu.vector_load %arg5[%swap3A_37, %swap3A_38] {strides = array<i32>} : memref<16x16xf32, #tpu.memory_space<vmem>>, vector<1x16xf32>,
    %swap3A_40 = vector.shape_cast %swap3A_39 : vector<1x16xf32> to vector<16xf32>
    %swap3A_41 = vector.shape_cast %broadcast_in_dim3A_0 : vector<16xf32> to vector<1x16xf32>
    tpu.vector_store %arg5[%swap3A_37, %swap3A_38], %swap3A_41 {strides = array<i32>} : memref<16x16xf32, #tpu.memory_space<vmem>>, vector<1x16xf32>,
    %swap3A_42 = arith.constant 7 : i32
    %swap3A_43 = arith.index_cast %swap3A_42 : i32 to index
    %swap3A_44 = arith.constant 0 : index
    %swap3A_45 = tpu.vector_load %arg5[%swap3A_43, %swap3A_44] {strides = array<i32>} : memref<16x16xf32, #tpu.memory_space<vmem>>, vector<1x16xf32>,
    %swap3A_46 = vector.shape_cast %swap3A_45 : vector<1x16xf32> to vector<16xf32>
    %swap3A_47 = vector.shape_cast %broadcast_in_dim3A_0 : vector<16xf32> to vector<1x16xf32>
    tpu.vector_store %arg5[%swap3A_43, %swap3A_44], %swap3A_47 {strides = array<i32>} : memref<16x16xf32, #tpu.memory_space<vmem>>, vector<1x16xf32>,
    %swap3A_48 = arith.constant 8 : i32
    %swap3A_49 = arith.index_cast %swap3A_48 : i32 to index
    %swap3A_50 = arith.constant 0 : index
    %swap3A_51 = tpu.vector_load %arg5[%swap3A_49, %swap3A_50] {strides = array<i32>} : memref<16x16xf32, #tpu.memory_space<vmem>>, vector<1x16xf32>,
    %swap3A_52 = vector.shape_cast %swap3A_51 : vector<1x16xf32> to vector<16xf32>
    %swap3A_53 = vector.shape_cast %broadcast_in_dim3A_0 : vector<16xf32> to vector<1x16xf32>
    tpu.vector_store %arg5[%swap3A_49, %swap3A_50], %swap3A_53 {strides = array<i32>} : memref<16x16xf32, #tpu.memory_space<vmem>>, vector<1x16xf32>,
    %swap3A_54 = arith.constant 9 : i32
    %swap3A_55 = arith.index_cast %swap3A_54 : i32 to index
    %swap3A_56 = arith.constant 0 : index
    %swap3A_57 = tpu.vector_load %arg5[%swap3A_55, %swap3A_56] {strides = array<i32>} : memref<16x16xf32, #tpu.memory_space<vmem>>, vector<1x16xf32>,
    %swap3A_58 = vector.shape_cast %swap3A_57 : vector<1x16xf32> to vector<16xf32>
    %swap3A_59 = vector.shape_cast %broadcast_in_dim3A_0 : vector<16xf32> to vector<1x16xf32>
    tpu.vector_store %arg5[%swap3A_55, %swap3A_56], %swap3A_59 {strides = array<i32>} : memref<16x16xf32, #tpu.memory_space<vmem>>, vector<1x16xf32>,
    %swap3A_60 = arith.constant 10 : i32
    %swap3A_61 = arith.index_cast %swap3A_60 : i32 to index
    %swap3A_62 = arith.constant 0 : index
    %swap3A_63 = tpu.vector_load %arg5[%swap3A_61, %swap3A_62] {strides = array<i32>} : memref<16x16xf32, #tpu.memory_space<vmem>>, vector<1x16xf32>,
    %swap3A_64 = vector.shape_cast %swap3A_63 : vector<1x16xf32> to vector<16xf32>
    %swap3A_65 = vector.shape_cast %broadcast_in_dim3A_0 : vector<16xf32> to vector<1x16xf32>
    tpu.vector_store %arg5[%swap3A_61, %swap3A_62], %swap3A_65 {strides = array<i32>} : memref<16x16xf32, #tpu.memory_space<vmem>>, vector<1x16xf32>,
    %swap3A_66 = arith.constant 11 : i32
    %swap3A_67 = arith.index_cast %swap3A_66 : i32 to index
    %swap3A_68 = arith.constant 0 : index
    %swap3A_69 = tpu.vector_load %arg5[%swap3A_67, %swap3A_68] {strides = array<i32>} : memref<16x16xf32, #tpu.memory_space<vmem>>, vector<1x16xf32>,
    %swap3A_70 = vector.shape_cast %swap3A_69 : vector<1x16xf32> to vector<16xf32>
    %swap3A_71 = vector.shape_cast %broadcast_in_dim3A_0 : vector<16xf32> to vector<1x16xf32>
    tpu.vector_store %arg5[%swap3A_67, %swap3A_68], %swap3A_71 {strides = array<i32>} : memref<16x16xf32, #tpu.memory_space<vmem>>, vector<1x16xf32>,
    %swap3A_72 = arith.constant 12 : i32
    %swap3A_73 = arith.index_cast %swap3A_72 : i32 to index
    %swap3A_74 = arith.constant 0 : index
    %swap3A_75 = tpu.vector_load %arg5[%swap3A_73, %swap3A_74] {strides = array<i32>} : memref<16x16xf32, #tpu.memory_space<vmem>>, vector<1x16xf32>,
    %swap3A_76 = vector.shape_cast %swap3A_75 : vector<1x16xf32> to vector<16xf32>
    %swap3A_77 = vector.shape_cast %broadcast_in_dim3A_0 : vector<16xf32> to vector<1x16xf32>
    tpu.vector_store %arg5[%swap3A_73, %swap3A_74], %swap3A_77 {strides = array<i32>} : memref<16x16xf32, #tpu.memory_space<vmem>>, vector<1x16xf32>,
    %swap3A_78 = arith.constant 13 : i32
    %swap3A_79 = arith.index_cast %swap3A_78 : i32 to index
    %swap3A_80 = arith.constant 0 : index
    %swap3A_81 = tpu.vector_load %arg5[%swap3A_79, %swap3A_80] {strides = array<i32>} : memref<16x16xf32, #tpu.memory_space<vmem>>, vector<1x16xf32>,
    %swap3A_82 = vector.shape_cast %swap3A_81 : vector<1x16xf32> to vector<16xf32>
    %swap3A_83 = vector.shape_cast %broadcast_in_dim3A_0 : vector<16xf32> to vector<1x16xf32>
    tpu.vector_store %arg5[%swap3A_79, %swap3A_80], %swap3A_83 {strides = array<i32>} : memref<16x16xf32, #tpu.memory_space<vmem>>, vector<1x16xf32>,
    %swap3A_84 = arith.constant 14 : i32
    %swap3A_85 = arith.index_cast %swap3A_84 : i32 to index
    %swap3A_86 = arith.constant 0 : index
    %swap3A_87 = tpu.vector_load %arg5[%swap3A_85, %swap3A_86] {strides = array<i32>} : memref<16x16xf32, #tpu.memory_space<vmem>>, vector<1x16xf32>,
    %swap3A_88 = vector.shape_cast %swap3A_87 : vector<1x16xf32> to vector<16xf32>
    %swap3A_89 = vector.shape_cast %broadcast_in_dim3A_0 : vector<16xf32> to vector<1x16xf32>
    tpu.vector_store %arg5[%swap3A_85, %swap3A_86], %swap3A_89 {strides = array<i32>} : memref<16x16xf32, #tpu.memory_space<vmem>>, vector<1x16xf32>,
    %swap3A_90 = arith.constant 15 : i32
    %swap3A_91 = arith.index_cast %swap3A_90 : i32 to index
    %swap3A_92 = arith.constant 0 : index
    %swap3A_93 = tpu.vector_load %arg5[%swap3A_91, %swap3A_92] {strides = array<i32>} : memref<16x16xf32, #tpu.memory_space<vmem>>, vector<1x16xf32>,
    %swap3A_94 = vector.shape_cast %swap3A_93 : vector<1x16xf32> to vector<16xf32>
    %swap3A_95 = vector.shape_cast %broadcast_in_dim3A_0 : vector<16xf32> to vector<1x16xf32>
    tpu.vector_store %arg5[%swap3A_91, %swap3A_92], %swap3A_95 {strides = array<i32>} : memref<16x16xf32, #tpu.memory_space<vmem>>, vector<1x16xf32>,
    %broadcast_in_dim3A_96 = arith.constant 1.000000e+00 : f32
    %broadcast_in_dim3A_97 = vector.broadcast %broadcast_in_dim3A_96 : f32 to vector<16xf32>
    %swap3A_98 = arith.constant 0 : i32
    %swap3A_99 = arith.index_cast %swap3A_98 : i32 to index
    %swap3A_100 = arith.constant 0 : index
    %swap3A_101 = tpu.vector_load %arg6[%swap3A_99, %swap3A_100] {strides = array<i32>} : memref<128x16xf32, #tpu.memory_space<vmem>>, vector<1x16xf32>,
    %swap3A_102 = vector.shape_cast %swap3A_101 : vector<1x16xf32> to vector<16xf32>
    %swap3A_103 = vector.shape_cast %broadcast_in_dim3A_97 : vector<16xf32> to vector<1x16xf32>
    tpu.vector_store %arg6[%swap3A_99, %swap3A_100], %swap3A_103 {strides = array<i32>} : memref<128x16xf32, #tpu.memory_space<vmem>>, vector<1x16xf32>,
    %swap3A_104 = arith.constant 1 : i32
    %swap3A_105 = arith.index_cast %swap3A_104 : i32 to index
    %swap3A_106 = arith.constant 0 : index
    %swap3A_107 = tpu.vector_load %arg6[%swap3A_105, %swap3A_106] {strides = array<i32>} : memref<128x16xf32, #tpu.memory_space<vmem>>, vector<1x16xf32>,
    %swap3A_108 = vector.shape_cast %swap3A_107 : vector<1x16xf32> to vector<16xf32>
    %swap3A_109 = vector.shape_cast %broadcast_in_dim3A_97 : vector<16xf32> to vector<1x16xf32>
    tpu.vector_store %arg6[%swap3A_105, %swap3A_106], %swap3A_109 {strides = array<i32>} : memref<128x16xf32, #tpu.memory_space<vmem>>, vector<1x16xf32>,
    %swap3A_110 = arith.constant 2 : i32
    %swap3A_111 = arith.index_cast %swap3A_110 : i32 to index
    %swap3A_112 = arith.constant 0 : index
    %swap3A_113 = tpu.vector_load %arg6[%swap3A_111, %swap3A_112] {strides = array<i32>} : memref<128x16xf32, #tpu.memory_space<vmem>>, vector<1x16xf32>,
    %swap3A_114 = vector.shape_cast %swap3A_113 : vector<1x16xf32> to vector<16xf32>
    %swap3A_115 = vector.shape_cast %broadcast_in_dim3A_97 : vector<16xf32> to vector<1x16xf32>
    tpu.vector_store %arg6[%swap3A_111, %swap3A_112], %swap3A_115 {strides = array<i32>} : memref<128x16xf32, #tpu.memory_space<vmem>>, vector<1x16xf32>,
    %swap3A_116 = arith.constant 3 : i32
    %swap3A_117 = arith.index_cast %swap3A_116 : i32 to index
    %swap3A_118 = arith.constant 0 : index
    %swap3A_119 = tpu.vector_load %arg6[%swap3A_117, %swap3A_118] {strides = array<i32>} : memref<128x16xf32, #tpu.memory_space<vmem>>, vector<1x16xf32>,
    %swap3A_120 = vector.shape_cast %swap3A_119 : vector<1x16xf32> to vector<16xf32>
    %swap3A_121 = vector.shape_cast %broadcast_in_dim3A_97 : vector<16xf32> to vector<1x16xf32>
    tpu.vector_store %arg6[%swap3A_117, %swap3A_118], %swap3A_121 {strides = array<i32>} : memref<128x16xf32, #tpu.memory_space<vmem>>, vector<1x16xf32>,
    %swap3A_122 = arith.constant 4 : i32
    %swap3A_123 = arith.index_cast %swap3A_122 : i32 to index
    %swap3A_124 = arith.constant 0 : index
    %swap3A_125 = tpu.vector_load %arg6[%swap3A_123, %swap3A_124] {strides = array<i32>} : memref<128x16xf32, #tpu.memory_space<vmem>>, vector<1x16xf32>,
    %swap3A_126 = vector.shape_cast %swap3A_125 : vector<1x16xf32> to vector<16xf32>
    %swap3A_127 = vector.shape_cast %broadcast_in_dim3A_97 : vector<16xf32> to vector<1x16xf32>
    tpu.vector_store %arg6[%swap3A_123, %swap3A_124], %swap3A_127 {strides = array<i32>} : memref<128x16xf32, #tpu.memory_space<vmem>>, vector<1x16xf32>,
    %swap3A_128 = arith.constant 5 : i32
    %swap3A_129 = arith.index_cast %swap3A_128 : i32 to index
    %swap3A_130 = arith.constant 0 : index
    %swap3A_131 = tpu.vector_load %arg6[%swap3A_129, %swap3A_130] {strides = array<i32>} : memref<128x16xf32, #tpu.memory_space<vmem>>, vector<1x16xf32>,
    %swap3A_132 = vector.shape_cast %swap3A_131 : vector<1x16xf32> to vector<16xf32>
    %swap3A_133 = vector.shape_cast %broadcast_in_dim3A_97 : vector<16xf32> to vector<1x16xf32>
    tpu.vector_store %arg6[%swap3A_129, %swap3A_130], %swap3A_133 {strides = array<i32>} : memref<128x16xf32, #tpu.memory_space<vmem>>, vector<1x16xf32>,
    %swap3A_134 = arith.constant 6 : i32
    %swap3A_135 = arith.index_cast %swap3A_134 : i32 to index
    %swap3A_136 = arith.constant 0 : index
    %swap3A_137 = tpu.vector_load %arg6[%swap3A_135, %swap3A_136] {strides = array<i32>} : memref<128x16xf32, #tpu.memory_space<vmem>>, vector<1x16xf32>,
    %swap3A_138 = vector.shape_cast %swap3A_137 : vector<1x16xf32> to vector<16xf32>
    %swap3A_139 = vector.shape_cast %broadcast_in_dim3A_97 : vector<16xf32> to vector<1x16xf32>
    tpu.vector_store %arg6[%swap3A_135, %swap3A_136], %swap3A_139 {strides = array<i32>} : memref<128x16xf32, #tpu.memory_space<vmem>>, vector<1x16xf32>,
    %swap3A_140 = arith.constant 7 : i32
    %swap3A_141 = arith.index_cast %swap3A_140 : i32 to index
    %swap3A_142 = arith.constant 0 : index
    %swap3A_143 = tpu.vector_load %arg6[%swap3A_141, %swap3A_142] {strides = array<i32>} : memref<128x16xf32, #tpu.memory_space<vmem>>, vector<1x16xf32>,
    %swap3A_144 = vector.shape_cast %swap3A_143 : vector<1x16xf32> to vector<16xf32>
    %swap3A_145 = vector.shape_cast %broadcast_in_dim3A_97 : vector<16xf32> to vector<1x16xf32>
    tpu.vector_store %arg6[%swap3A_141, %swap3A_142], %swap3A_145 {strides = array<i32>} : memref<128x16xf32, #tpu.memory_space<vmem>>, vector<1x16xf32>,
    %swap3A_146 = arith.constant 8 : i32
    %swap3A_147 = arith.index_cast %swap3A_146 : i32 to index
    %swap3A_148 = arith.constant 0 : index
    %swap3A_149 = tpu.vector_load %arg6[%swap3A_147, %swap3A_148] {strides = array<i32>} : memref<128x16xf32, #tpu.memory_space<vmem>>, vector<1x16xf32>,
    %swap3A_150 = vector.shape_cast %swap3A_149 : vector<1x16xf32> to vector<16xf32>
    %swap3A_151 = vector.shape_cast %broadcast_in_dim3A_97 : vector<16xf32> to vector<1x16xf32>
    tpu.vector_store %arg6[%swap3A_147, %swap3A_148], %swap3A_151 {strides = array<i32>} : memref<128x16xf32, #tpu.memory_space<vmem>>, vector<1x16xf32>,
    %swap3A_152 = arith.constant 9 : i32
    %swap3A_153 = arith.index_cast %swap3A_152 : i32 to index
    %swap3A_154 = arith.constant 0 : index
    %swap3A_155 = tpu.vector_load %arg6[%swap3A_153, %swap3A_154] {strides = array<i32>} : memref<128x16xf32, #tpu.memory_space<vmem>>, vector<1x16xf32>,
    %swap3A_156 = vector.shape_cast %swap3A_155 : vector<1x16xf32> to vector<16xf32>
    %swap3A_157 = vector.shape_cast %broadcast_in_dim3A_97 : vector<16xf32> to vector<1x16xf32>
    tpu.vector_store %arg6[%swap3A_153, %swap3A_154], %swap3A_157 {strides = array<i32>} : memref<128x16xf32, #tpu.memory_space<vmem>>, vector<1x16xf32>,
    %swap3A_158 = arith.constant 10 : i32
    %swap3A_159 = arith.index_cast %swap3A_158 : i32 to index
    %swap3A_160 = arith.constant 0 : index
    %swap3A_161 = tpu.vector_load %arg6[%swap3A_159, %swap3A_160] {strides = array<i32>} : memref<128x16xf32, #tpu.memory_space<vmem>>, vector<1x16xf32>,
    %swap3A_162 = vector.shape_cast %swap3A_161 : vector<1x16xf32> to vector<16xf32>
    %swap3A_163 = vector.shape_cast %broadcast_in_dim3A_97 : vector<16xf32> to vector<1x16xf32>
    tpu.vector_store %arg6[%swap3A_159, %swap3A_160], %swap3A_163 {strides = array<i32>} : memref<128x16xf32, #tpu.memory_space<vmem>>, vector<1x16xf32>,
    %swap3A_164 = arith.constant 11 : i32
    %swap3A_165 = arith.index_cast %swap3A_164 : i32 to index
    %swap3A_166 = arith.constant 0 : index
    %swap3A_167 = tpu.vector_load %arg6[%swap3A_165, %swap3A_166] {strides = array<i32>} : memref<128x16xf32, #tpu.memory_space<vmem>>, vector<1x16xf32>,
    %swap3A_168 = vector.shape_cast %swap3A_167 : vector<1x16xf32> to vector<16xf32>
    %swap3A_169 = vector.shape_cast %broadcast_in_dim3A_97 : vector<16xf32> to vector<1x16xf32>
    tpu.vector_store %arg6[%swap3A_165, %swap3A_166], %swap3A_169 {strides = array<i32>} : memref<128x16xf32, #tpu.memory_space<vmem>>, vector<1x16xf32>,
    %swap3A_170 = arith.constant 12 : i32
    %swap3A_171 = arith.index_cast %swap3A_170 : i32 to index
    %swap3A_172 = arith.constant 0 : index
    %swap3A_173 = tpu.vector_load %arg6[%swap3A_171, %swap3A_172] {strides = array<i32>} : memref<128x16xf32, #tpu.memory_space<vmem>>, vector<1x16xf32>,
    %swap3A_174 = vector.shape_cast %swap3A_173 : vector<1x16xf32> to vector<16xf32>
    %swap3A_175 = vector.shape_cast %broadcast_in_dim3A_97 : vector<16xf32> to vector<1x16xf32>
    tpu.vector_store %arg6[%swap3A_171, %swap3A_172], %swap3A_175 {strides = array<i32>} : memref<128x16xf32, #tpu.memory_space<vmem>>, vector<1x16xf32>,
    %swap3A_176 = arith.constant 13 : i32
    %swap3A_177 = arith.index_cast %swap3A_176 : i32 to index
    %swap3A_178 = arith.constant 0 : index
    %swap3A_179 = tpu.vector_load %arg6[%swap3A_177, %swap3A_178] {strides = array<i32>} : memref<128x16xf32, #tpu.memory_space<vmem>>, vector<1x16xf32>,
    %swap3A_180 = vector.shape_cast %swap3A_179 : vector<1x16xf32> to vector<16xf32>
    %swap3A_181 = vector.shape_cast %broadcast_in_dim3A_97 : vector<16xf32> to vector<1x16xf32>
    tpu.vector_store %arg6[%swap3A_177, %swap3A_178], %swap3A_181 {strides = array<i32>} : memref<128x16xf32, #tpu.memory_space<vmem>>, vector<1x16xf32>,
    %swap3A_182 = arith.constant 14 : i32
    %swap3A_183 = arith.index_cast %swap3A_182 : i32 to index
    %swap3A_184 = arith.constant 0 : index
    %swap3A_185 = tpu.vector_load %arg6[%swap3A_183, %swap3A_184] {strides = array<i32>} : memref<128x16xf32, #tpu.memory_space<vmem>>, vector<1x16xf32>,
    %swap3A_186 = vector.shape_cast %swap3A_185 : vector<1x16xf32> to vector<16xf32>
    %swap3A_187 = vector.shape_cast %broadcast_in_dim3A_97 : vector<16xf32> to vector<1x16xf32>
    tpu.vector_store %arg6[%swap3A_183, %swap3A_184], %swap3A_187 {strides = array<i32>} : memref<128x16xf32, #tpu.memory_space<vmem>>, vector<1x16xf32>,
    %swap3A_188 = arith.constant 15 : i32
    %swap3A_189 = arith.index_cast %swap3A_188 : i32 to index
    %swap3A_190 = arith.constant 0 : index
    %swap3A_191 = tpu.vector_load %arg6[%swap3A_189, %swap3A_190] {strides = array<i32>} : memref<128x16xf32, #tpu.memory_space<vmem>>, vector<1x16xf32>,
    %swap3A_192 = vector.shape_cast %swap3A_191 : vector<1x16xf32> to vector<16xf32>
    %swap3A_193 = vector.shape_cast %broadcast_in_dim3A_97 : vector<16xf32> to vector<1x16xf32>
    tpu.vector_store %arg6[%swap3A_189, %swap3A_190], %swap3A_193 {strides = array<i32>} : memref<128x16xf32, #tpu.memory_space<vmem>>, vector<1x16xf32>,
    %swap3A_194 = arith.constant 16 : i32
    %swap3A_195 = arith.index_cast %swap3A_194 : i32 to index
    %swap3A_196 = arith.constant 0 : index
    %swap3A_197 = tpu.vector_load %arg6[%swap3A_195, %swap3A_196] {strides = array<i32>} : memref<128x16xf32, #tpu.memory_space<vmem>>, vector<1x16xf32>,
    %swap3A_198 = vector.shape_cast %swap3A_197 : vector<1x16xf32> to vector<16xf32>
    %swap3A_199 = vector.shape_cast %broadcast_in_dim3A_97 : vector<16xf32> to vector<1x16xf32>
    tpu.vector_store %arg6[%swap3A_195, %swap3A_196], %swap3A_199 {strides = array<i32>} : memref<128x16xf32, #tpu.memory_space<vmem>>, vector<1x16xf32>,
    %swap3A_200 = arith.constant 17 : i32
    %swap3A_201 = arith.index_cast %swap3A_200 : i32 to index
    %swap3A_202 = arith.constant 0 : index
    %swap3A_203 = tpu.vector_load %arg6[%swap3A_201, %swap3A_202] {strides = array<i32>} : memref<128x16xf32, #tpu.memory_space<vmem>>, vector<1x16xf32>,
    %swap3A_204 = vector.shape_cast %swap3A_203 : vector<1x16xf32> to vector<16xf32>
    %swap3A_205 = vector.shape_cast %broadcast_in_dim3A_97 : vector<16xf32> to vector<1x16xf32>
    tpu.vector_store %arg6[%swap3A_201, %swap3A_202], %swap3A_205 {strides = array<i32>} : memref<128x16xf32, #tpu.memory_space<vmem>>, vector<1x16xf32>,
    %swap3A_206 = arith.constant 18 : i32
    %swap3A_207 = arith.index_cast %swap3A_206 : i32 to index
    %swap3A_208 = arith.constant 0 : index
    %swap3A_209 = tpu.vector_load %arg6[%swap3A_207, %swap3A_208] {strides = array<i32>} : memref<128x16xf32, #tpu.memory_space<vmem>>, vector<1x16xf32>,
    %swap3A_210 = vector.shape_cast %swap3A_209 : vector<1x16xf32> to vector<16xf32>
    %swap3A_211 = vector.shape_cast %broadcast_in_dim3A_97 : vector<16xf32> to vector<1x16xf32>
    tpu.vector_store %arg6[%swap3A_207, %swap3A_208], %swap3A_211 {strides = array<i32>} : memref<128x16xf32, #tpu.memory_space<vmem>>, vector<1x16xf32>,
    %swap3A_212 = arith.constant 19 : i32
    %swap3A_213 = arith.index_cast %swap3A_212 : i32 to index
    %swap3A_214 = arith.constant 0 : index
    %swap3A_215 = tpu.vector_load %arg6[%swap3A_213, %swap3A_214] {strides = array<i32>} : memref<128x16xf32, #tpu.memory_space<vmem>>, vector<1x16xf32>,
    %swap3A_216 = vector.shape_cast %swap3A_215 : vector<1x16xf32> to vector<16xf32>
    %swap3A_217 = vector.shape_cast %broadcast_in_dim3A_97 : vector<16xf32> to vector<1x16xf32>
    tpu.vector_store %arg6[%swap3A_213, %swap3A_214], %swap3A_217 {strides = array<i32>} : memref<128x16xf32, #tpu.memory_space<vmem>>, vector<1x16xf32>,
    %swap3A_218 = arith.constant 20 : i32
    %swap3A_219 = arith.index_cast %swap3A_218 : i32 to index
    %swap3A_220 = arith.constant 0 : index
    %swap3A_221 = tpu.vector_load %arg6[%swap3A_219, %swap3A_220] {strides = array<i32>} : memref<128x16xf32, #tpu.memory_space<vmem>>, vector<1x16xf32>,
    %swap3A_222 = vector.shape_cast %swap3A_221 : vector<1x16xf32> to vector<16xf32>
    %swap3A_223 = vector.shape_cast %broadcast_in_dim3A_97 : vector<16xf32> to vector<1x16xf32>
    tpu.vector_store %arg6[%swap3A_219, %swap3A_220], %swap3A_223 {strides = array<i32>} : memref<128x16xf32, #tpu.memory_space<vmem>>, vector<1x16xf32>,
    %swap3A_224 = arith.constant 21 : i32
    %swap3A_225 = arith.index_cast %swap3A_224 : i32 to index
    %swap3A_226 = arith.constant 0 : index
    %swap3A_227 = tpu.vector_load %arg6[%swap3A_225, %swap3A_226] {strides = array<i32>} : memref<128x16xf32, #tpu.memory_space<vmem>>, vector<1x16xf32>,
    %swap3A_228 = vector.shape_cast %swap3A_227 : vector<1x16xf32> to vector<16xf32>
    %swap3A_229 = vector.shape_cast %broadcast_in_dim3A_97 : vector<16xf32> to vector<1x16xf32>
    tpu.vector_store %arg6[%swap3A_225, %swap3A_226], %swap3A_229 {strides = array<i32>} : memref<128x16xf32, #tpu.memory_space<vmem>>, vector<1x16xf32>,
    %swap3A_230 = arith.constant 22 : i32
    %swap3A_231 = arith.index_cast %swap3A_230 : i32 to index
    %swap3A_232 = arith.constant 0 : index
    %swap3A_233 = tpu.vector_load %arg6[%swap3A_231, %swap3A_232] {strides = array<i32>} : memref<128x16xf32, #tpu.memory_space<vmem>>, vector<1x16xf32>,
    %swap3A_234 = vector.shape_cast %swap3A_233 : vector<1x16xf32> to vector<16xf32>
    %swap3A_235 = vector.shape_cast %broadcast_in_dim3A_97 : vector<16xf32> to vector<1x16xf32>
    tpu.vector_store %arg6[%swap3A_231, %swap3A_232], %swap3A_235 {strides = array<i32>} : memref<128x16xf32, #tpu.memory_space<vmem>>, vector<1x16xf32>,
    %swap3A_236 = arith.constant 23 : i32
    %swap3A_237 = arith.index_cast %swap3A_236 : i32 to index
    %swap3A_238 = arith.constant 0 : index
    %swap3A_239 = tpu.vector_load %arg6[%swap3A_237, %swap3A_238] {strides = array<i32>} : memref<128x16xf32, #tpu.memory_space<vmem>>, vector<1x16xf32>,
    %swap3A_240 = vector.shape_cast %swap3A_239 : vector<1x16xf32> to vector<16xf32>
    %swap3A_241 = vector.shape_cast %broadcast_in_dim3A_97 : vector<16xf32> to vector<1x16xf32>
    tpu.vector_store %arg6[%swap3A_237, %swap3A_238], %swap3A_241 {strides = array<i32>} : memref<128x16xf32, #tpu.memory_space<vmem>>, vector<1x16xf32>,
    %swap3A_242 = arith.constant 24 : i32
    %swap3A_243 = arith.index_cast %swap3A_242 : i32 to index
    %swap3A_244 = arith.constant 0 : index
    %swap3A_245 = tpu.vector_load %arg6[%swap3A_243, %swap3A_244] {strides = array<i32>} : memref<128x16xf32, #tpu.memory_space<vmem>>, vector<1x16xf32>,
    %swap3A_246 = vector.shape_cast %swap3A_245 : vector<1x16xf32> to vector<16xf32>
    %swap3A_247 = vector.shape_cast %broadcast_in_dim3A_97 : vector<16xf32> to vector<1x16xf32>
    tpu.vector_store %arg6[%swap3A_243, %swap3A_244], %swap3A_247 {strides = array<i32>} : memref<128x16xf32, #tpu.memory_space<vmem>>, vector<1x16xf32>,
    %swap3A_248 = arith.constant 25 : i32
    %swap3A_249 = arith.index_cast %swap3A_248 : i32 to index
    %swap3A_250 = arith.constant 0 : index
    %swap3A_251 = tpu.vector_load %arg6[%swap3A_249, %swap3A_250] {strides = array<i32>} : memref<128x16xf32, #tpu.memory_space<vmem>>, vector<1x16xf32>,
    %swap3A_252 = vector.shape_cast %swap3A_251 : vector<1x16xf32> to vector<16xf32>
    %swap3A_253 = vector.shape_cast %broadcast_in_dim3A_97 : vector<16xf32> to vector<1x16xf32>
    tpu.vector_store %arg6[%swap3A_249, %swap3A_250], %swap3A_253 {strides = array<i32>} : memref<128x16xf32, #tpu.memory_space<vmem>>, vector<1x16xf32>,
    %swap3A_254 = arith.constant 26 : i32
    %swap3A_255 = arith.index_cast %swap3A_254 : i32 to index
    %swap3A_256 = arith.constant 0 : index
    %swap3A_257 = tpu.vector_load %arg6[%swap3A_255, %swap3A_256] {strides = array<i32>} : memref<128x16xf32, #tpu.memory_space<vmem>>, vector<1x16xf32>,
    %swap3A_258 = vector.shape_cast %swap3A_257 : vector<1x16xf32> to vector<16xf32>
    %swap3A_259 = vector.shape_cast %broadcast_in_dim3A_97 : vector<16xf32> to vector<1x16xf32>
    tpu.vector_store %arg6[%swap3A_255, %swap3A_256], %swap3A_259 {strides = array<i32>} : memref<128x16xf32, #tpu.memory_space<vmem>>, vector<1x16xf32>,
    %swap3A_260 = arith.constant 27 : i32
    %swap3A_261 = arith.index_cast %swap3A_260 : i32 to index
    %swap3A_262 = arith.constant 0 : index
    %swap3A_263 = tpu.vector_load %arg6[%swap3A_261, %swap3A_262] {strides = array<i32>} : memref<128x16xf32, #tpu.memory_space<vmem>>, vector<1x16xf32>,
    %swap3A_264 = vector.shape_cast %swap3A_263 : vector<1x16xf32> to vector<16xf32>
    %swap3A_265 = vector.shape_cast %broadcast_in_dim3A_97 : vector<16xf32> to vector<1x16xf32>
    tpu.vector_store %arg6[%swap3A_261, %swap3A_262], %swap3A_265 {strides = array<i32>} : memref<128x16xf32, #tpu.memory_space<vmem>>, vector<1x16xf32>,
    %swap3A_266 = arith.constant 28 : i32
    %swap3A_267 = arith.index_cast %swap3A_266 : i32 to index
    %swap3A_268 = arith.constant 0 : index
    %swap3A_269 = tpu.vector_load %arg6[%swap3A_267, %swap3A_268] {strides = array<i32>} : memref<128x16xf32, #tpu.memory_space<vmem>>, vector<1x16xf32>,
    %swap3A_270 = vector.shape_cast %swap3A_269 : vector<1x16xf32> to vector<16xf32>
    %swap3A_271 = vector.shape_cast %broadcast_in_dim3A_97 : vector<16xf32> to vector<1x16xf32>
    tpu.vector_store %arg6[%swap3A_267, %swap3A_268], %swap3A_271 {strides = array<i32>} : memref<128x16xf32, #tpu.memory_space<vmem>>, vector<1x16xf32>,
    %swap3A_272 = arith.constant 29 : i32
    %swap3A_273 = arith.index_cast %swap3A_272 : i32 to index
    %swap3A_274 = arith.constant 0 : index
    %swap3A_275 = tpu.vector_load %arg6[%swap3A_273, %swap3A_274] {strides = array<i32>} : memref<128x16xf32, #tpu.memory_space<vmem>>, vector<1x16xf32>,
    %swap3A_276 = vector.shape_cast %swap3A_275 : vector<1x16xf32> to vector<16xf32>
    %swap3A_277 = vector.shape_cast %broadcast_in_dim3A_97 : vector<16xf32> to vector<1x16xf32>
    tpu.vector_store %arg6[%swap3A_273, %swap3A_274], %swap3A_277 {strides = array<i32>} : memref<128x16xf32, #tpu.memory_space<vmem>>, vector<1x16xf32>,
    %swap3A_278 = arith.constant 30 : i32
    %swap3A_279 = arith.index_cast %swap3A_278 : i32 to index
    %swap3A_280 = arith.constant 0 : index
    %swap3A_281 = tpu.vector_load %arg6[%swap3A_279, %swap3A_280] {strides = array<i32>} : memref<128x16xf32, #tpu.memory_space<vmem>>, vector<1x16xf32>,
    %swap3A_282 = vector.shape_cast %swap3A_281 : vector<1x16xf32> to vector<16xf32>
    %swap3A_283 = vector.shape_cast %broadcast_in_dim3A_97 : vector<16xf32> to vector<1x16xf32>
    tpu.vector_store %arg6[%swap3A_279, %swap3A_280], %swap3A_283 {strides = array<i32>} : memref<128x16xf32, #tpu.memory_space<vmem>>, vector<1x16xf32>,
    %swap3A_284 = arith.constant 31 : i32
    %swap3A_285 = arith.index_cast %swap3A_284 : i32 to index
    %swap3A_286 = arith.constant 0 : index
    %swap3A_287 = tpu.vector_load %arg6[%swap3A_285, %swap3A_286] {strides = array<i32>} : memref<128x16xf32, #tpu.memory_space<vmem>>, vector<1x16xf32>,
    %swap3A_288 = vector.shape_cast %swap3A_287 : vector<1x16xf32> to vector<16xf32>
    %swap3A_289 = vector.shape_cast %broadcast_in_dim3A_97 : vector<16xf32> to vector<1x16xf32>
    tpu.vector_store %arg6[%swap3A_285, %swap3A_286], %swap3A_289 {strides = array<i32>} : memref<128x16xf32, #tpu.memory_space<vmem>>, vector<1x16xf32>,
    %swap3A_290 = arith.constant 32 : i32
    %swap3A_291 = arith.index_cast %swap3A_290 : i32 to index
    %swap3A_292 = arith.constant 0 : index
    %swap3A_293 = tpu.vector_load %arg6[%swap3A_291, %swap3A_292] {strides = array<i32>} : memref<128x16xf32, #tpu.memory_space<vmem>>, vector<1x16xf32>,
    %swap3A_294 = vector.shape_cast %swap3A_293 : vector<1x16xf32> to vector<16xf32>
    %swap3A_295 = vector.shape_cast %broadcast_in_dim3A_97 : vector<16xf32> to vector<1x16xf32>
    tpu.vector_store %arg6[%swap3A_291, %swap3A_292], %swap3A_295 {strides = array<i32>} : memref<128x16xf32, #tpu.memory_space<vmem>>, vector<1x16xf32>,
    %swap3A_296 = arith.constant 33 : i32
    %swap3A_297 = arith.index_cast %swap3A_296 : i32 to index
    %swap3A_298 = arith.constant 0 : index
    %swap3A_299 = tpu.vector_load %arg6[%swap3A_297, %swap3A_298] {strides = array<i32>} : memref<128x16xf32, #tpu.memory_space<vmem>>, vector<1x16xf32>,
    %swap3A_300 = vector.shape_cast %swap3A_299 : vector<1x16xf32> to vector<16xf32>
    %swap3A_301 = vector.shape_cast %broadcast_in_dim3A_97 : vector<16xf32> to vector<1x16xf32>
    tpu.vector_store %arg6[%swap3A_297, %swap3A_298], %swap3A_301 {strides = array<i32>} : memref<128x16xf32, #tpu.memory_space<vmem>>, vector<1x16xf32>,
    %swap3A_302 = arith.constant 34 : i32
    %swap3A_303 = arith.index_cast %swap3A_302 : i32 to index
    %swap3A_304 = arith.constant 0 : index
    %swap3A_305 = tpu.vector_load %arg6[%swap3A_303, %swap3A_304] {strides = array<i32>} : memref<128x16xf32, #tpu.memory_space<vmem>>, vector<1x16xf32>,
    %swap3A_306 = vector.shape_cast %swap3A_305 : vector<1x16xf32> to vector<16xf32>
    %swap3A_307 = vector.shape_cast %broadcast_in_dim3A_97 : vector<16xf32> to vector<1x16xf32>
    tpu.vector_store %arg6[%swap3A_303, %swap3A_304], %swap3A_307 {strides = array<i32>} : memref<128x16xf32, #tpu.memory_space<vmem>>, vector<1x16xf32>,
    %swap3A_308 = arith.constant 35 : i32
    %swap3A_309 = arith.index_cast %swap3A_308 : i32 to index
    %swap3A_310 = arith.constant 0 : index
    %swap3A_311 = tpu.vector_load %arg6[%swap3A_309, %swap3A_310] {strides = array<i32>} : memref<128x16xf32, #tpu.memory_space<vmem>>, vector<1x16xf32>,
    %swap3A_312 = vector.shape_cast %swap3A_311 : vector<1x16xf32> to vector<16xf32>
    %swap3A_313 = vector.shape_cast %broadcast_in_dim3A_97 : vector<16xf32> to vector<1x16xf32>
    tpu.vector_store %arg6[%swap3A_309, %swap3A_310], %swap3A_313 {strides = array<i32>} : memref<128x16xf32, #tpu.memory_space<vmem>>, vector<1x16xf32>,
    %swap3A_314 = arith.constant 36 : i32
    %swap3A_315 = arith.index_cast %swap3A_314 : i32 to index
    %swap3A_316 = arith.constant 0 : index
    %swap3A_317 = tpu.vector_load %arg6[%swap3A_315, %swap3A_316] {strides = array<i32>} : memref<128x16xf32, #tpu.memory_space<vmem>>, vector<1x16xf32>,
    %swap3A_318 = vector.shape_cast %swap3A_317 : vector<1x16xf32> to vector<16xf32>
    %swap3A_319 = vector.shape_cast %broadcast_in_dim3A_97 : vector<16xf32> to vector<1x16xf32>
    tpu.vector_store %arg6[%swap3A_315, %swap3A_316], %swap3A_319 {strides = array<i32>} : memref<128x16xf32, #tpu.memory_space<vmem>>, vector<1x16xf32>,
    %swap3A_320 = arith.constant 37 : i32
    %swap3A_321 = arith.index_cast %swap3A_320 : i32 to index
    %swap3A_322 = arith.constant 0 : index
    %swap3A_323 = tpu.vector_load %arg6[%swap3A_321, %swap3A_322] {strides = array<i32>} : memref<128x16xf32, #tpu.memory_space<vmem>>, vector<1x16xf32>,
    %swap3A_324 = vector.shape_cast %swap3A_323 : vector<1x16xf32> to vector<16xf32>
    %swap3A_325 = vector.shape_cast %broadcast_in_dim3A_97 : vector<16xf32> to vector<1x16xf32>
    tpu.vector_store %arg6[%swap3A_321, %swap3A_322], %swap3A_325 {strides = array<i32>} : memref<128x16xf32, #tpu.memory_space<vmem>>, vector<1x16xf32>,
    %swap3A_326 = arith.constant 38 : i32
    %swap3A_327 = arith.index_cast %swap3A_326 : i32 to index
    %swap3A_328 = arith.constant 0 : index
    %swap3A_329 = tpu.vector_load %arg6[%swap3A_327, %swap3A_328] {strides = array<i32>} : memref<128x16xf32, #tpu.memory_space<vmem>>, vector<1x16xf32>,
    %swap3A_330 = vector.shape_cast %swap3A_329 : vector<1x16xf32> to vector<16xf32>
    %swap3A_331 = vector.shape_cast %broadcast_in_dim3A_97 : vector<16xf32> to vector<1x16xf32>
    tpu.vector_store %arg6[%swap3A_327, %swap3A_328], %swap3A_331 {strides = array<i32>} : memref<128x16xf32, #tpu.memory_space<vmem>>, vector<1x16xf32>,
    %swap3A_332 = arith.constant 39 : i32
    %swap3A_333 = arith.index_cast %swap3A_332 : i32 to index
    %swap3A_334 = arith.constant 0 : index
    %swap3A_335 = tpu.vector_load %arg6[%swap3A_333, %swap3A_334] {strides = array<i32>} : memref<128x16xf32, #tpu.memory_space<vmem>>, vector<1x16xf32>,
    %swap3A_336 = vector.shape_cast %swap3A_335 : vector<1x16xf32> to vector<16xf32>
    %swap3A_337 = vector.shape_cast %broadcast_in_dim3A_97 : vector<16xf32> to vector<1x16xf32>
    tpu.vector_store %arg6[%swap3A_333, %swap3A_334], %swap3A_337 {strides = array<i32>} : memref<128x16xf32, #tpu.memory_space<vmem>>, vector<1x16xf32>,
    %swap3A_338 = arith.constant 40 : i32
    %swap3A_339 = arith.index_cast %swap3A_338 : i32 to index
    %swap3A_340 = arith.constant 0 : index
    %swap3A_341 = tpu.vector_load %arg6[%swap3A_339, %swap3A_340] {strides = array<i32>} : memref<128x16xf32, #tpu.memory_space<vmem>>, vector<1x16xf32>,
    %swap3A_342 = vector.shape_cast %swap3A_341 : vector<1x16xf32> to vector<16xf32>
    %swap3A_343 = vector.shape_cast %broadcast_in_dim3A_97 : vector<16xf32> to vector<1x16xf32>
    tpu.vector_store %arg6[%swap3A_339, %swap3A_340], %swap3A_343 {strides = array<i32>} : memref<128x16xf32, #tpu.memory_space<vmem>>, vector<1x16xf32>,
    %swap3A_344 = arith.constant 41 : i32
    %swap3A_345 = arith.index_cast %swap3A_344 : i32 to index
    %swap3A_346 = arith.constant 0 : index
    %swap3A_347 = tpu.vector_load %arg6[%swap3A_345, %swap3A_346] {strides = array<i32>} : memref<128x16xf32, #tpu.memory_space<vmem>>, vector<1x16xf32>,
    %swap3A_348 = vector.shape_cast %swap3A_347 : vector<1x16xf32> to vector<16xf32>
    %swap3A_349 = vector.shape_cast %broadcast_in_dim3A_97 : vector<16xf32> to vector<1x16xf32>
    tpu.vector_store %arg6[%swap3A_345, %swap3A_346], %swap3A_349 {strides = array<i32>} : memref<128x16xf32, #tpu.memory_space<vmem>>, vector<1x16xf32>,
    %swap3A_350 = arith.constant 42 : i32
    %swap3A_351 = arith.index_cast %swap3A_350 : i32 to index
    %swap3A_352 = arith.constant 0 : index
    %swap3A_353 = tpu.vector_load %arg6[%swap3A_351, %swap3A_352] {strides = array<i32>} : memref<128x16xf32, #tpu.memory_space<vmem>>, vector<1x16xf32>,
    %swap3A_354 = vector.shape_cast %swap3A_353 : vector<1x16xf32> to vector<16xf32>
    %swap3A_355 = vector.shape_cast %broadcast_in_dim3A_97 : vector<16xf32> to vector<1x16xf32>
    tpu.vector_store %arg6[%swap3A_351, %swap3A_352], %swap3A_355 {strides = array<i32>} : memref<128x16xf32, #tpu.memory_space<vmem>>, vector<1x16xf32>,
    %swap3A_356 = arith.constant 43 : i32
    %swap3A_357 = arith.index_cast %swap3A_356 : i32 to index
    %swap3A_358 = arith.constant 0 : index
    %swap3A_359 = tpu.vector_load %arg6[%swap3A_357, %swap3A_358] {strides = array<i32>} : memref<128x16xf32, #tpu.memory_space<vmem>>, vector<1x16xf32>,
    %swap3A_360 = vector.shape_cast %swap3A_359 : vector<1x16xf32> to vector<16xf32>
    %swap3A_361 = vector.shape_cast %broadcast_in_dim3A_97 : vector<16xf32> to vector<1x16xf32>
    tpu.vector_store %arg6[%swap3A_357, %swap3A_358], %swap3A_361 {strides = array<i32>} : memref<128x16xf32, #tpu.memory_space<vmem>>, vector<1x16xf32>,
    %swap3A_362 = arith.constant 44 : i32
    %swap3A_363 = arith.index_cast %swap3A_362 : i32 to index
    %swap3A_364 = arith.constant 0 : index
    %swap3A_365 = tpu.vector_load %arg6[%swap3A_363, %swap3A_364] {strides = array<i32>} : memref<128x16xf32, #tpu.memory_space<vmem>>, vector<1x16xf32>,
    %swap3A_366 = vector.shape_cast %swap3A_365 : vector<1x16xf32> to vector<16xf32>
    %swap3A_367 = vector.shape_cast %broadcast_in_dim3A_97 : vector<16xf32> to vector<1x16xf32>
    tpu.vector_store %arg6[%swap3A_363, %swap3A_364], %swap3A_367 {strides = array<i32>} : memref<128x16xf32, #tpu.memory_space<vmem>>, vector<1x16xf32>,
    %swap3A_368 = arith.constant 45 : i32
    %swap3A_369 = arith.index_cast %swap3A_368 : i32 to index
    %swap3A_370 = arith.constant 0 : index
    %swap3A_371 = tpu.vector_load %arg6[%swap3A_369, %swap3A_370] {strides = array<i32>} : memref<128x16xf32, #tpu.memory_space<vmem>>, vector<1x16xf32>,
    %swap3A_372 = vector.shape_cast %swap3A_371 : vector<1x16xf32> to vector<16xf32>
    %swap3A_373 = vector.shape_cast %broadcast_in_dim3A_97 : vector<16xf32> to vector<1x16xf32>
    tpu.vector_store %arg6[%swap3A_369, %swap3A_370], %swap3A_373 {strides = array<i32>} : memref<128x16xf32, #tpu.memory_space<vmem>>, vector<1x16xf32>,
    %swap3A_374 = arith.constant 46 : i32
    %swap3A_375 = arith.index_cast %swap3A_374 : i32 to index
    %swap3A_376 = arith.constant 0 : index
    %swap3A_377 = tpu.vector_load %arg6[%swap3A_375, %swap3A_376] {strides = array<i32>} : memref<128x16xf32, #tpu.memory_space<vmem>>, vector<1x16xf32>,
    %swap3A_378 = vector.shape_cast %swap3A_377 : vector<1x16xf32> to vector<16xf32>
    %swap3A_379 = vector.shape_cast %broadcast_in_dim3A_97 : vector<16xf32> to vector<1x16xf32>
    tpu.vector_store %arg6[%swap3A_375, %swap3A_376], %swap3A_379 {strides = array<i32>} : memref<128x16xf32, #tpu.memory_space<vmem>>, vector<1x16xf32>,
    %swap3A_380 = arith.constant 47 : i32
    %swap3A_381 = arith.index_cast %swap3A_380 : i32 to index
    %swap3A_382 = arith.constant 0 : index
    %swap3A_383 = tpu.vector_load %arg6[%swap3A_381, %swap3A_382] {strides = array<i32>} : memref<128x16xf32, #tpu.memory_space<vmem>>, vector<1x16xf32>,
    %swap3A_384 = vector.shape_cast %swap3A_383 : vector<1x16xf32> to vector<16xf32>
    %swap3A_385 = vector.shape_cast %broadcast_in_dim3A_97 : vector<16xf32> to vector<1x16xf32>
    tpu.vector_store %arg6[%swap3A_381, %swap3A_382], %swap3A_385 {strides = array<i32>} : memref<128x16xf32, #tpu.memory_space<vmem>>, vector<1x16xf32>,
    %swap3A_386 = arith.constant 48 : i32
    %swap3A_387 = arith.index_cast %swap3A_386 : i32 to index
    %swap3A_388 = arith.constant 0 : index
    %swap3A_389 = tpu.vector_load %arg6[%swap3A_387, %swap3A_388] {strides = array<i32>} : memref<128x16xf32, #tpu.memory_space<vmem>>, vector<1x16xf32>,
    %swap3A_390 = vector.shape_cast %swap3A_389 : vector<1x16xf32> to vector<16xf32>
    %swap3A_391 = vector.shape_cast %broadcast_in_dim3A_97 : vector<16xf32> to vector<1x16xf32>
    tpu.vector_store %arg6[%swap3A_387, %swap3A_388], %swap3A_391 {strides = array<i32>} : memref<128x16xf32, #tpu.memory_space<vmem>>, vector<1x16xf32>,
    %swap3A_392 = arith.constant 49 : i32
    %swap3A_393 = arith.index_cast %swap3A_392 : i32 to index
    %swap3A_394 = arith.constant 0 : index
    %swap3A_395 = tpu.vector_load %arg6[%swap3A_393, %swap3A_394] {strides = array<i32>} : memref<128x16xf32, #tpu.memory_space<vmem>>, vector<1x16xf32>,
    %swap3A_396 = vector.shape_cast %swap3A_395 : vector<1x16xf32> to vector<16xf32>
    %swap3A_397 = vector.shape_cast %broadcast_in_dim3A_97 : vector<16xf32> to vector<1x16xf32>
    tpu.vector_store %arg6[%swap3A_393, %swap3A_394], %swap3A_397 {strides = array<i32>} : memref<128x16xf32, #tpu.memory_space<vmem>>, vector<1x16xf32>,
    %swap3A_398 = arith.constant 50 : i32
    %swap3A_399 = arith.index_cast %swap3A_398 : i32 to index
    %swap3A_400 = arith.constant 0 : index
    %swap3A_401 = tpu.vector_load %arg6[%swap3A_399, %swap3A_400] {strides = array<i32>} : memref<128x16xf32, #tpu.memory_space<vmem>>, vector<1x16xf32>,
    %swap3A_402 = vector.shape_cast %swap3A_401 : vector<1x16xf32> to vector<16xf32>
    %swap3A_403 = vector.shape_cast %broadcast_in_dim3A_97 : vector<16xf32> to vector<1x16xf32>
    tpu.vector_store %arg6[%swap3A_399, %swap3A_400], %swap3A_403 {strides = array<i32>} : memref<128x16xf32, #tpu.memory_space<vmem>>, vector<1x16xf32>,
    %swap3A_404 = arith.constant 51 : i32
    %swap3A_405 = arith.index_cast %swap3A_404 : i32 to index
    %swap3A_406 = arith.constant 0 : index
    %swap3A_407 = tpu.vector_load %arg6[%swap3A_405, %swap3A_406] {strides = array<i32>} : memref<128x16xf32, #tpu.memory_space<vmem>>, vector<1x16xf32>,
    %swap3A_408 = vector.shape_cast %swap3A_407 : vector<1x16xf32> to vector<16xf32>
    %swap3A_409 = vector.shape_cast %broadcast_in_dim3A_97 : vector<16xf32> to vector<1x16xf32>
    tpu.vector_store %arg6[%swap3A_405, %swap3A_406], %swap3A_409 {strides = array<i32>} : memref<128x16xf32, #tpu.memory_space<vmem>>, vector<1x16xf32>,
    %swap3A_410 = arith.constant 52 : i32
    %swap3A_411 = arith.index_cast %swap3A_410 : i32 to index
    %swap3A_412 = arith.constant 0 : index
    %swap3A_413 = tpu.vector_load %arg6[%swap3A_411, %swap3A_412] {strides = array<i32>} : memref<128x16xf32, #tpu.memory_space<vmem>>, vector<1x16xf32>,
    %swap3A_414 = vector.shape_cast %swap3A_413 : vector<1x16xf32> to vector<16xf32>
    %swap3A_415 = vector.shape_cast %broadcast_in_dim3A_97 : vector<16xf32> to vector<1x16xf32>
    tpu.vector_store %arg6[%swap3A_411, %swap3A_412], %swap3A_415 {strides = array<i32>} : memref<128x16xf32, #tpu.memory_space<vmem>>, vector<1x16xf32>,
    %swap3A_416 = arith.constant 53 : i32
    %swap3A_417 = arith.index_cast %swap3A_416 : i32 to index
    %swap3A_418 = arith.constant 0 : index
    %swap3A_419 = tpu.vector_load %arg6[%swap3A_417, %swap3A_418] {strides = array<i32>} : memref<128x16xf32, #tpu.memory_space<vmem>>, vector<1x16xf32>,
    %swap3A_420 = vector.shape_cast %swap3A_419 : vector<1x16xf32> to vector<16xf32>
    %swap3A_421 = vector.shape_cast %broadcast_in_dim3A_97 : vector<16xf32> to vector<1x16xf32>
    tpu.vector_store %arg6[%swap3A_417, %swap3A_418], %swap3A_421 {strides = array<i32>} : memref<128x16xf32, #tpu.memory_space<vmem>>, vector<1x16xf32>,
    %swap3A_422 = arith.constant 54 : i32
    %swap3A_423 = arith.index_cast %swap3A_422 : i32 to index
    %swap3A_424 = arith.constant 0 : index
    %swap3A_425 = tpu.vector_load %arg6[%swap3A_423, %swap3A_424] {strides = array<i32>} : memref<128x16xf32, #tpu.memory_space<vmem>>, vector<1x16xf32>,
    %swap3A_426 = vector.shape_cast %swap3A_425 : vector<1x16xf32> to vector<16xf32>
    %swap3A_427 = vector.shape_cast %broadcast_in_dim3A_97 : vector<16xf32> to vector<1x16xf32>
    tpu.vector_store %arg6[%swap3A_423, %swap3A_424], %swap3A_427 {strides = array<i32>} : memref<128x16xf32, #tpu.memory_space<vmem>>, vector<1x16xf32>,
    %swap3A_428 = arith.constant 55 : i32
    %swap3A_429 = arith.index_cast %swap3A_428 : i32 to index
    %swap3A_430 = arith.constant 0 : index
    %swap3A_431 = tpu.vector_load %arg6[%swap3A_429, %swap3A_430] {strides = array<i32>} : memref<128x16xf32, #tpu.memory_space<vmem>>, vector<1x16xf32>,
    %swap3A_432 = vector.shape_cast %swap3A_431 : vector<1x16xf32> to vector<16xf32>
    %swap3A_433 = vector.shape_cast %broadcast_in_dim3A_97 : vector<16xf32> to vector<1x16xf32>
    tpu.vector_store %arg6[%swap3A_429, %swap3A_430], %swap3A_433 {strides = array<i32>} : memref<128x16xf32, #tpu.memory_space<vmem>>, vector<1x16xf32>,
    %swap3A_434 = arith.constant 56 : i32
    %swap3A_435 = arith.index_cast %swap3A_434 : i32 to index
    %swap3A_436 = arith.constant 0 : index
    %swap3A_437 = tpu.vector_load %arg6[%swap3A_435, %swap3A_436] {strides = array<i32>} : memref<128x16xf32, #tpu.memory_space<vmem>>, vector<1x16xf32>,
    %swap3A_438 = vector.shape_cast %swap3A_437 : vector<1x16xf32> to vector<16xf32>
    %swap3A_439 = vector.shape_cast %broadcast_in_dim3A_97 : vector<16xf32> to vector<1x16xf32>
    tpu.vector_store %arg6[%swap3A_435, %swap3A_436], %swap3A_439 {strides = array<i32>} : memref<128x16xf32, #tpu.memory_space<vmem>>, vector<1x16xf32>,
    %swap3A_440 = arith.constant 57 : i32
    %swap3A_441 = arith.index_cast %swap3A_440 : i32 to index
    %swap3A_442 = arith.constant 0 : index
    %swap3A_443 = tpu.vector_load %arg6[%swap3A_441, %swap3A_442] {strides = array<i32>} : memref<128x16xf32, #tpu.memory_space<vmem>>, vector<1x16xf32>,
    %swap3A_444 = vector.shape_cast %swap3A_443 : vector<1x16xf32> to vector<16xf32>
    %swap3A_445 = vector.shape_cast %broadcast_in_dim3A_97 : vector<16xf32> to vector<1x16xf32>
    tpu.vector_store %arg6[%swap3A_441, %swap3A_442], %swap3A_445 {strides = array<i32>} : memref<128x16xf32, #tpu.memory_space<vmem>>, vector<1x16xf32>,
    %swap3A_446 = arith.constant 58 : i32
    %swap3A_447 = arith.index_cast %swap3A_446 : i32 to index
    %swap3A_448 = arith.constant 0 : index
    %swap3A_449 = tpu.vector_load %arg6[%swap3A_447, %swap3A_448] {strides = array<i32>} : memref<128x16xf32, #tpu.memory_space<vmem>>, vector<1x16xf32>,
    %swap3A_450 = vector.shape_cast %swap3A_449 : vector<1x16xf32> to vector<16xf32>
    %swap3A_451 = vector.shape_cast %broadcast_in_dim3A_97 : vector<16xf32> to vector<1x16xf32>
    tpu.vector_store %arg6[%swap3A_447, %swap3A_448], %swap3A_451 {strides = array<i32>} : memref<128x16xf32, #tpu.memory_space<vmem>>, vector<1x16xf32>,
    %swap3A_452 = arith.constant 59 : i32
    %swap3A_453 = arith.index_cast %swap3A_452 : i32 to index
    %swap3A_454 = arith.constant 0 : index
    %swap3A_455 = tpu.vector_load %arg6[%swap3A_453, %swap3A_454] {strides = array<i32>} : memref<128x16xf32, #tpu.memory_space<vmem>>, vector<1x16xf32>,
    %swap3A_456 = vector.shape_cast %swap3A_455 : vector<1x16xf32> to vector<16xf32>
    %swap3A_457 = vector.shape_cast %broadcast_in_dim3A_97 : vector<16xf32> to vector<1x16xf32>
    tpu.vector_store %arg6[%swap3A_453, %swap3A_454], %swap3A_457 {strides = array<i32>} : memref<128x16xf32, #tpu.memory_space<vmem>>, vector<1x16xf32>,
    %swap3A_458 = arith.constant 60 : i32
    %swap3A_459 = arith.index_cast %swap3A_458 : i32 to index
    %swap3A_460 = arith.constant 0 : index
    %swap3A_461 = tpu.vector_load %arg6[%swap3A_459, %swap3A_460] {strides = array<i32>} : memref<128x16xf32, #tpu.memory_space<vmem>>, vector<1x16xf32>,
    %swap3A_462 = vector.shape_cast %swap3A_461 : vector<1x16xf32> to vector<16xf32>
    %swap3A_463 = vector.shape_cast %broadcast_in_dim3A_97 : vector<16xf32> to vector<1x16xf32>
    tpu.vector_store %arg6[%swap3A_459, %swap3A_460], %swap3A_463 {strides = array<i32>} : memref<128x16xf32, #tpu.memory_space<vmem>>, vector<1x16xf32>,
    %swap3A_464 = arith.constant 61 : i32
    %swap3A_465 = arith.index_cast %swap3A_464 : i32 to index
    %swap3A_466 = arith.constant 0 : index
    %swap3A_467 = tpu.vector_load %arg6[%swap3A_465, %swap3A_466] {strides = array<i32>} : memref<128x16xf32, #tpu.memory_space<vmem>>, vector<1x16xf32>,
    %swap3A_468 = vector.shape_cast %swap3A_467 : vector<1x16xf32> to vector<16xf32>
    %swap3A_469 = vector.shape_cast %broadcast_in_dim3A_97 : vector<16xf32> to vector<1x16xf32>
    tpu.vector_store %arg6[%swap3A_465, %swap3A_466], %swap3A_469 {strides = array<i32>} : memref<128x16xf32, #tpu.memory_space<vmem>>, vector<1x16xf32>,
    %swap3A_470 = arith.constant 62 : i32
    %swap3A_471 = arith.index_cast %swap3A_470 : i32 to index
    %swap3A_472 = arith.constant 0 : index
    %swap3A_473 = tpu.vector_load %arg6[%swap3A_471, %swap3A_472] {strides = array<i32>} : memref<128x16xf32, #tpu.memory_space<vmem>>, vector<1x16xf32>,
    %swap3A_474 = vector.shape_cast %swap3A_473 : vector<1x16xf32> to vector<16xf32>
    %swap3A_475 = vector.shape_cast %broadcast_in_dim3A_97 : vector<16xf32> to vector<1x16xf32>
    tpu.vector_store %arg6[%swap3A_471, %swap3A_472], %swap3A_475 {strides = array<i32>} : memref<128x16xf32, #tpu.memory_space<vmem>>, vector<1x16xf32>,
    %swap3A_476 = arith.constant 63 : i32
    %swap3A_477 = arith.index_cast %swap3A_476 : i32 to index
    %swap3A_478 = arith.constant 0 : index
    %swap3A_479 = tpu.vector_load %arg6[%swap3A_477, %swap3A_478] {strides = array<i32>} : memref<128x16xf32, #tpu.memory_space<vmem>>, vector<1x16xf32>,
    %swap3A_480 = vector.shape_cast %swap3A_479 : vector<1x16xf32> to vector<16xf32>
    %swap3A_481 = vector.shape_cast %broadcast_in_dim3A_97 : vector<16xf32> to vector<1x16xf32>
    tpu.vector_store %arg6[%swap3A_477, %swap3A_478], %swap3A_481 {strides = array<i32>} : memref<128x16xf32, #tpu.memory_space<vmem>>, vector<1x16xf32>,
    %swap3A_482 = arith.constant 64 : i32
    %swap3A_483 = arith.index_cast %swap3A_482 : i32 to index
    %swap3A_484 = arith.constant 0 : index
    %swap3A_485 = tpu.vector_load %arg6[%swap3A_483, %swap3A_484] {strides = array<i32>} : memref<128x16xf32, #tpu.memory_space<vmem>>, vector<1x16xf32>,
    %swap3A_486 = vector.shape_cast %swap3A_485 : vector<1x16xf32> to vector<16xf32>
    %swap3A_487 = vector.shape_cast %broadcast_in_dim3A_97 : vector<16xf32> to vector<1x16xf32>
    tpu.vector_store %arg6[%swap3A_483, %swap3A_484], %swap3A_487 {strides = array<i32>} : memref<128x16xf32, #tpu.memory_space<vmem>>, vector<1x16xf32>,
    %swap3A_488 = arith.constant 65 : i32
    %swap3A_489 = arith.index_cast %swap3A_488 : i32 to index
    %swap3A_490 = arith.constant 0 : index
    %swap3A_491 = tpu.vector_load %arg6[%swap3A_489, %swap3A_490] {strides = array<i32>} : memref<128x16xf32, #tpu.memory_space<vmem>>, vector<1x16xf32>,
    %swap3A_492 = vector.shape_cast %swap3A_491 : vector<1x16xf32> to vector<16xf32>
    %swap3A_493 = vector.shape_cast %broadcast_in_dim3A_97 : vector<16xf32> to vector<1x16xf32>
    tpu.vector_store %arg6[%swap3A_489, %swap3A_490], %swap3A_493 {strides = array<i32>} : memref<128x16xf32, #tpu.memory_space<vmem>>, vector<1x16xf32>,
    %swap3A_494 = arith.constant 66 : i32
    %swap3A_495 = arith.index_cast %swap3A_494 : i32 to index
    %swap3A_496 = arith.constant 0 : index
    %swap3A_497 = tpu.vector_load %arg6[%swap3A_495, %swap3A_496] {strides = array<i32>} : memref<128x16xf32, #tpu.memory_space<vmem>>, vector<1x16xf32>,
    %swap3A_498 = vector.shape_cast %swap3A_497 : vector<1x16xf32> to vector<16xf32>
    %swap3A_499 = vector.shape_cast %broadcast_in_dim3A_97 : vector<16xf32> to vector<1x16xf32>
    tpu.vector_store %arg6[%swap3A_495, %swap3A_496], %swap3A_499 {strides = array<i32>} : memref<128x16xf32, #tpu.memory_space<vmem>>, vector<1x16xf32>,
    %swap3A_500 = arith.constant 67 : i32
    %swap3A_501 = arith.index_cast %swap3A_500 : i32 to index
    %swap3A_502 = arith.constant 0 : index
    %swap3A_503 = tpu.vector_load %arg6[%swap3A_501, %swap3A_502] {strides = array<i32>} : memref<128x16xf32, #tpu.memory_space<vmem>>, vector<1x16xf32>,
    %swap3A_504 = vector.shape_cast %swap3A_503 : vector<1x16xf32> to vector<16xf32>
    %swap3A_505 = vector.shape_cast %broadcast_in_dim3A_97 : vector<16xf32> to vector<1x16xf32>
    tpu.vector_store %arg6[%swap3A_501, %swap3A_502], %swap3A_505 {strides = array<i32>} : memref<128x16xf32, #tpu.memory_space<vmem>>, vector<1x16xf32>,
    %swap3A_506 = arith.constant 68 : i32
    %swap3A_507 = arith.index_cast %swap3A_506 : i32 to index
    %swap3A_508 = arith.constant 0 : index
    %swap3A_509 = tpu.vector_load %arg6[%swap3A_507, %swap3A_508] {strides = array<i32>} : memref<128x16xf32, #tpu.memory_space<vmem>>, vector<1x16xf32>,
    %swap3A_510 = vector.shape_cast %swap3A_509 : vector<1x16xf32> to vector<16xf32>
    %swap3A_511 = vector.shape_cast %broadcast_in_dim3A_97 : vector<16xf32> to vector<1x16xf32>
    tpu.vector_store %arg6[%swap3A_507, %swap3A_508], %swap3A_511 {strides = array<i32>} : memref<128x16xf32, #tpu.memory_space<vmem>>, vector<1x16xf32>,
    %swap3A_512 = arith.constant 69 : i32
    %swap3A_513 = arith.index_cast %swap3A_512 : i32 to index
    %swap3A_514 = arith.constant 0 : index
    %swap3A_515 = tpu.vector_load %arg6[%swap3A_513, %swap3A_514] {strides = array<i32>} : memref<128x16xf32, #tpu.memory_space<vmem>>, vector<1x16xf32>,
    %swap3A_516 = vector.shape_cast %swap3A_515 : vector<1x16xf32> to vector<16xf32>
    %swap3A_517 = vector.shape_cast %broadcast_in_dim3A_97 : vector<16xf32> to vector<1x16xf32>
    tpu.vector_store %arg6[%swap3A_513, %swap3A_514], %swap3A_517 {strides = array<i32>} : memref<128x16xf32, #tpu.memory_space<vmem>>, vector<1x16xf32>,
    %swap3A_518 = arith.constant 70 : i32
    %swap3A_519 = arith.index_cast %swap3A_518 : i32 to index
    %swap3A_520 = arith.constant 0 : index
    %swap3A_521 = tpu.vector_load %arg6[%swap3A_519, %swap3A_520] {strides = array<i32>} : memref<128x16xf32, #tpu.memory_space<vmem>>, vector<1x16xf32>,
    %swap3A_522 = vector.shape_cast %swap3A_521 : vector<1x16xf32> to vector<16xf32>
    %swap3A_523 = vector.shape_cast %broadcast_in_dim3A_97 : vector<16xf32> to vector<1x16xf32>
    tpu.vector_store %arg6[%swap3A_519, %swap3A_520], %swap3A_523 {strides = array<i32>} : memref<128x16xf32, #tpu.memory_space<vmem>>, vector<1x16xf32>,
    %swap3A_524 = arith.constant 71 : i32
    %swap3A_525 = arith.index_cast %swap3A_524 : i32 to index
    %swap3A_526 = arith.constant 0 : index
    %swap3A_527 = tpu.vector_load %arg6[%swap3A_525, %swap3A_526] {strides = array<i32>} : memref<128x16xf32, #tpu.memory_space<vmem>>, vector<1x16xf32>,
    %swap3A_528 = vector.shape_cast %swap3A_527 : vector<1x16xf32> to vector<16xf32>
    %swap3A_529 = vector.shape_cast %broadcast_in_dim3A_97 : vector<16xf32> to vector<1x16xf32>
    tpu.vector_store %arg6[%swap3A_525, %swap3A_526], %swap3A_529 {strides = array<i32>} : memref<128x16xf32, #tpu.memory_space<vmem>>, vector<1x16xf32>,
    %swap3A_530 = arith.constant 72 : i32
    %swap3A_531 = arith.index_cast %swap3A_530 : i32 to index
    %swap3A_532 = arith.constant 0 : index
    %swap3A_533 = tpu.vector_load %arg6[%swap3A_531, %swap3A_532] {strides = array<i32>} : memref<128x16xf32, #tpu.memory_space<vmem>>, vector<1x16xf32>,
    %swap3A_534 = vector.shape_cast %swap3A_533 : vector<1x16xf32> to vector<16xf32>
    %swap3A_535 = vector.shape_cast %broadcast_in_dim3A_97 : vector<16xf32> to vector<1x16xf32>
    tpu.vector_store %arg6[%swap3A_531, %swap3A_532], %swap3A_535 {strides = array<i32>} : memref<128x16xf32, #tpu.memory_space<vmem>>, vector<1x16xf32>,
    %swap3A_536 = arith.constant 73 : i32
    %swap3A_537 = arith.index_cast %swap3A_536 : i32 to index
    %swap3A_538 = arith.constant 0 : index
    %swap3A_539 = tpu.vector_load %arg6[%swap3A_537, %swap3A_538] {strides = array<i32>} : memref<128x16xf32, #tpu.memory_space<vmem>>, vector<1x16xf32>,
    %swap3A_540 = vector.shape_cast %swap3A_539 : vector<1x16xf32> to vector<16xf32>
    %swap3A_541 = vector.shape_cast %broadcast_in_dim3A_97 : vector<16xf32> to vector<1x16xf32>
    tpu.vector_store %arg6[%swap3A_537, %swap3A_538], %swap3A_541 {strides = array<i32>} : memref<128x16xf32, #tpu.memory_space<vmem>>, vector<1x16xf32>,
    %swap3A_542 = arith.constant 74 : i32
    %swap3A_543 = arith.index_cast %swap3A_542 : i32 to index
    %swap3A_544 = arith.constant 0 : index
    %swap3A_545 = tpu.vector_load %arg6[%swap3A_543, %swap3A_544] {strides = array<i32>} : memref<128x16xf32, #tpu.memory_space<vmem>>, vector<1x16xf32>,
    %swap3A_546 = vector.shape_cast %swap3A_545 : vector<1x16xf32> to vector<16xf32>
    %swap3A_547 = vector.shape_cast %broadcast_in_dim3A_97 : vector<16xf32> to vector<1x16xf32>
    tpu.vector_store %arg6[%swap3A_543, %swap3A_544], %swap3A_547 {strides = array<i32>} : memref<128x16xf32, #tpu.memory_space<vmem>>, vector<1x16xf32>,
    %swap3A_548 = arith.constant 75 : i32
    %swap3A_549 = arith.index_cast %swap3A_548 : i32 to index
    %swap3A_550 = arith.constant 0 : index
    %swap3A_551 = tpu.vector_load %arg6[%swap3A_549, %swap3A_550] {strides = array<i32>} : memref<128x16xf32, #tpu.memory_space<vmem>>, vector<1x16xf32>,
    %swap3A_552 = vector.shape_cast %swap3A_551 : vector<1x16xf32> to vector<16xf32>
    %swap3A_553 = vector.shape_cast %broadcast_in_dim3A_97 : vector<16xf32> to vector<1x16xf32>
    tpu.vector_store %arg6[%swap3A_549, %swap3A_550], %swap3A_553 {strides = array<i32>} : memref<128x16xf32, #tpu.memory_space<vmem>>, vector<1x16xf32>,
    %swap3A_554 = arith.constant 76 : i32
    %swap3A_555 = arith.index_cast %swap3A_554 : i32 to index
    %swap3A_556 = arith.constant 0 : index
    %swap3A_557 = tpu.vector_load %arg6[%swap3A_555, %swap3A_556] {strides = array<i32>} : memref<128x16xf32, #tpu.memory_space<vmem>>, vector<1x16xf32>,
    %swap3A_558 = vector.shape_cast %swap3A_557 : vector<1x16xf32> to vector<16xf32>
    %swap3A_559 = vector.shape_cast %broadcast_in_dim3A_97 : vector<16xf32> to vector<1x16xf32>
    tpu.vector_store %arg6[%swap3A_555, %swap3A_556], %swap3A_559 {strides = array<i32>} : memref<128x16xf32, #tpu.memory_space<vmem>>, vector<1x16xf32>,
    %swap3A_560 = arith.constant 77 : i32
    %swap3A_561 = arith.index_cast %swap3A_560 : i32 to index
    %swap3A_562 = arith.constant 0 : index
    %swap3A_563 = tpu.vector_load %arg6[%swap3A_561, %swap3A_562] {strides = array<i32>} : memref<128x16xf32, #tpu.memory_space<vmem>>, vector<1x16xf32>,
    %swap3A_564 = vector.shape_cast %swap3A_563 : vector<1x16xf32> to vector<16xf32>
    %swap3A_565 = vector.shape_cast %broadcast_in_dim3A_97 : vector<16xf32> to vector<1x16xf32>
    tpu.vector_store %arg6[%swap3A_561, %swap3A_562], %swap3A_565 {strides = array<i32>} : memref<128x16xf32, #tpu.memory_space<vmem>>, vector<1x16xf32>,
    %swap3A_566 = arith.constant 78 : i32
    %swap3A_567 = arith.index_cast %swap3A_566 : i32 to index
    %swap3A_568 = arith.constant 0 : index
    %swap3A_569 = tpu.vector_load %arg6[%swap3A_567, %swap3A_568] {strides = array<i32>} : memref<128x16xf32, #tpu.memory_space<vmem>>, vector<1x16xf32>,
    %swap3A_570 = vector.shape_cast %swap3A_569 : vector<1x16xf32> to vector<16xf32>
    %swap3A_571 = vector.shape_cast %broadcast_in_dim3A_97 : vector<16xf32> to vector<1x16xf32>
    tpu.vector_store %arg6[%swap3A_567, %swap3A_568], %swap3A_571 {strides = array<i32>} : memref<128x16xf32, #tpu.memory_space<vmem>>, vector<1x16xf32>,
    %swap3A_572 = arith.constant 79 : i32
    %swap3A_573 = arith.index_cast %swap3A_572 : i32 to index
    %swap3A_574 = arith.constant 0 : index
    %swap3A_575 = tpu.vector_load %arg6[%swap3A_573, %swap3A_574] {strides = array<i32>} : memref<128x16xf32, #tpu.memory_space<vmem>>, vector<1x16xf32>,
    %swap3A_576 = vector.shape_cast %swap3A_575 : vector<1x16xf32> to vector<16xf32>
    %swap3A_577 = vector.shape_cast %broadcast_in_dim3A_97 : vector<16xf32> to vector<1x16xf32>
    tpu.vector_store %arg6[%swap3A_573, %swap3A_574], %swap3A_577 {strides = array<i32>} : memref<128x16xf32, #tpu.memory_space<vmem>>, vector<1x16xf32>,
    %swap3A_578 = arith.constant 80 : i32
    %swap3A_579 = arith.index_cast %swap3A_578 : i32 to index
    %swap3A_580 = arith.constant 0 : index
    %swap3A_581 = tpu.vector_load %arg6[%swap3A_579, %swap3A_580] {strides = array<i32>} : memref<128x16xf32, #tpu.memory_space<vmem>>, vector<1x16xf32>,
    %swap3A_582 = vector.shape_cast %swap3A_581 : vector<1x16xf32> to vector<16xf32>
    %swap3A_583 = vector.shape_cast %broadcast_in_dim3A_97 : vector<16xf32> to vector<1x16xf32>
    tpu.vector_store %arg6[%swap3A_579, %swap3A_580], %swap3A_583 {strides = array<i32>} : memref<128x16xf32, #tpu.memory_space<vmem>>, vector<1x16xf32>,
    %swap3A_584 = arith.constant 81 : i32
    %swap3A_585 = arith.index_cast %swap3A_584 : i32 to index
    %swap3A_586 = arith.constant 0 : index
    %swap3A_587 = tpu.vector_load %arg6[%swap3A_585, %swap3A_586] {strides = array<i32>} : memref<128x16xf32, #tpu.memory_space<vmem>>, vector<1x16xf32>,
    %swap3A_588 = vector.shape_cast %swap3A_587 : vector<1x16xf32> to vector<16xf32>
    %swap3A_589 = vector.shape_cast %broadcast_in_dim3A_97 : vector<16xf32> to vector<1x16xf32>
    tpu.vector_store %arg6[%swap3A_585, %swap3A_586], %swap3A_589 {strides = array<i32>} : memref<128x16xf32, #tpu.memory_space<vmem>>, vector<1x16xf32>,
    %swap3A_590 = arith.constant 82 : i32
    %swap3A_591 = arith.index_cast %swap3A_590 : i32 to index
    %swap3A_592 = arith.constant 0 : index
    %swap3A_593 = tpu.vector_load %arg6[%swap3A_591, %swap3A_592] {strides = array<i32>} : memref<128x16xf32, #tpu.memory_space<vmem>>, vector<1x16xf32>,
    %swap3A_594 = vector.shape_cast %swap3A_593 : vector<1x16xf32> to vector<16xf32>
    %swap3A_595 = vector.shape_cast %broadcast_in_dim3A_97 : vector<16xf32> to vector<1x16xf32>
    tpu.vector_store %arg6[%swap3A_591, %swap3A_592], %swap3A_595 {strides = array<i32>} : memref<128x16xf32, #tpu.memory_space<vmem>>, vector<1x16xf32>,
    %swap3A_596 = arith.constant 83 : i32
    %swap3A_597 = arith.index_cast %swap3A_596 : i32 to index
    %swap3A_598 = arith.constant 0 : index
    %swap3A_599 = tpu.vector_load %arg6[%swap3A_597, %swap3A_598] {strides = array<i32>} : memref<128x16xf32, #tpu.memory_space<vmem>>, vector<1x16xf32>,
    %swap3A_600 = vector.shape_cast %swap3A_599 : vector<1x16xf32> to vector<16xf32>
    %swap3A_601 = vector.shape_cast %broadcast_in_dim3A_97 : vector<16xf32> to vector<1x16xf32>
    tpu.vector_store %arg6[%swap3A_597, %swap3A_598], %swap3A_601 {strides = array<i32>} : memref<128x16xf32, #tpu.memory_space<vmem>>, vector<1x16xf32>,
    %swap3A_602 = arith.constant 84 : i32
    %swap3A_603 = arith.index_cast %swap3A_602 : i32 to index
    %swap3A_604 = arith.constant 0 : index
    %swap3A_605 = tpu.vector_load %arg6[%swap3A_603, %swap3A_604] {strides = array<i32>} : memref<128x16xf32, #tpu.memory_space<vmem>>, vector<1x16xf32>,
    %swap3A_606 = vector.shape_cast %swap3A_605 : vector<1x16xf32> to vector<16xf32>
    %swap3A_607 = vector.shape_cast %broadcast_in_dim3A_97 : vector<16xf32> to vector<1x16xf32>
    tpu.vector_store %arg6[%swap3A_603, %swap3A_604], %swap3A_607 {strides = array<i32>} : memref<128x16xf32, #tpu.memory_space<vmem>>, vector<1x16xf32>,
    %swap3A_608 = arith.constant 85 : i32
    %swap3A_609 = arith.index_cast %swap3A_608 : i32 to index
    %swap3A_610 = arith.constant 0 : index
    %swap3A_611 = tpu.vector_load %arg6[%swap3A_609, %swap3A_610] {strides = array<i32>} : memref<128x16xf32, #tpu.memory_space<vmem>>, vector<1x16xf32>,
    %swap3A_612 = vector.shape_cast %swap3A_611 : vector<1x16xf32> to vector<16xf32>
    %swap3A_613 = vector.shape_cast %broadcast_in_dim3A_97 : vector<16xf32> to vector<1x16xf32>
    tpu.vector_store %arg6[%swap3A_609, %swap3A_610], %swap3A_613 {strides = array<i32>} : memref<128x16xf32, #tpu.memory_space<vmem>>, vector<1x16xf32>,
    %swap3A_614 = arith.constant 86 : i32
    %swap3A_615 = arith.index_cast %swap3A_614 : i32 to index
    %swap3A_616 = arith.constant 0 : index
    %swap3A_617 = tpu.vector_load %arg6[%swap3A_615, %swap3A_616] {strides = array<i32>} : memref<128x16xf32, #tpu.memory_space<vmem>>, vector<1x16xf32>,
    %swap3A_618 = vector.shape_cast %swap3A_617 : vector<1x16xf32> to vector<16xf32>
    %swap3A_619 = vector.shape_cast %broadcast_in_dim3A_97 : vector<16xf32> to vector<1x16xf32>
    tpu.vector_store %arg6[%swap3A_615, %swap3A_616], %swap3A_619 {strides = array<i32>} : memref<128x16xf32, #tpu.memory_space<vmem>>, vector<1x16xf32>,
    %swap3A_620 = arith.constant 87 : i32
    %swap3A_621 = arith.index_cast %swap3A_620 : i32 to index
    %swap3A_622 = arith.constant 0 : index
    %swap3A_623 = tpu.vector_load %arg6[%swap3A_621, %swap3A_622] {strides = array<i32>} : memref<128x16xf32, #tpu.memory_space<vmem>>, vector<1x16xf32>,
    %swap3A_624 = vector.shape_cast %swap3A_623 : vector<1x16xf32> to vector<16xf32>
    %swap3A_625 = vector.shape_cast %broadcast_in_dim3A_97 : vector<16xf32> to vector<1x16xf32>
    tpu.vector_store %arg6[%swap3A_621, %swap3A_622], %swap3A_625 {strides = array<i32>} : memref<128x16xf32, #tpu.memory_space<vmem>>, vector<1x16xf32>,
    %swap3A_626 = arith.constant 88 : i32
    %swap3A_627 = arith.index_cast %swap3A_626 : i32 to index
    %swap3A_628 = arith.constant 0 : index
    %swap3A_629 = tpu.vector_load %arg6[%swap3A_627, %swap3A_628] {strides = array<i32>} : memref<128x16xf32, #tpu.memory_space<vmem>>, vector<1x16xf32>,
    %swap3A_630 = vector.shape_cast %swap3A_629 : vector<1x16xf32> to vector<16xf32>
    %swap3A_631 = vector.shape_cast %broadcast_in_dim3A_97 : vector<16xf32> to vector<1x16xf32>
    tpu.vector_store %arg6[%swap3A_627, %swap3A_628], %swap3A_631 {strides = array<i32>} : memref<128x16xf32, #tpu.memory_space<vmem>>, vector<1x16xf32>,
    %swap3A_632 = arith.constant 89 : i32
    %swap3A_633 = arith.index_cast %swap3A_632 : i32 to index
    %swap3A_634 = arith.constant 0 : index
    %swap3A_635 = tpu.vector_load %arg6[%swap3A_633, %swap3A_634] {strides = array<i32>} : memref<128x16xf32, #tpu.memory_space<vmem>>, vector<1x16xf32>,
    %swap3A_636 = vector.shape_cast %swap3A_635 : vector<1x16xf32> to vector<16xf32>
    %swap3A_637 = vector.shape_cast %broadcast_in_dim3A_97 : vector<16xf32> to vector<1x16xf32>
    tpu.vector_store %arg6[%swap3A_633, %swap3A_634], %swap3A_637 {strides = array<i32>} : memref<128x16xf32, #tpu.memory_space<vmem>>, vector<1x16xf32>,
    %swap3A_638 = arith.constant 90 : i32
    %swap3A_639 = arith.index_cast %swap3A_638 : i32 to index
    %swap3A_640 = arith.constant 0 : index
    %swap3A_641 = tpu.vector_load %arg6[%swap3A_639, %swap3A_640] {strides = array<i32>} : memref<128x16xf32, #tpu.memory_space<vmem>>, vector<1x16xf32>,
    %swap3A_642 = vector.shape_cast %swap3A_641 : vector<1x16xf32> to vector<16xf32>
    %swap3A_643 = vector.shape_cast %broadcast_in_dim3A_97 : vector<16xf32> to vector<1x16xf32>
    tpu.vector_store %arg6[%swap3A_639, %swap3A_640], %swap3A_643 {strides = array<i32>} : memref<128x16xf32, #tpu.memory_space<vmem>>, vector<1x16xf32>,
    %swap3A_644 = arith.constant 91 : i32
    %swap3A_645 = arith.index_cast %swap3A_644 : i32 to index
    %swap3A_646 = arith.constant 0 : index
    %swap3A_647 = tpu.vector_load %arg6[%swap3A_645, %swap3A_646] {strides = array<i32>} : memref<128x16xf32, #tpu.memory_space<vmem>>, vector<1x16xf32>,
    %swap3A_648 = vector.shape_cast %swap3A_647 : vector<1x16xf32> to vector<16xf32>
    %swap3A_649 = vector.shape_cast %broadcast_in_dim3A_97 : vector<16xf32> to vector<1x16xf32>
    tpu.vector_store %arg6[%swap3A_645, %swap3A_646], %swap3A_649 {strides = array<i32>} : memref<128x16xf32, #tpu.memory_space<vmem>>, vector<1x16xf32>,
    %swap3A_650 = arith.constant 92 : i32
    %swap3A_651 = arith.index_cast %swap3A_650 : i32 to index
    %swap3A_652 = arith.constant 0 : index
    %swap3A_653 = tpu.vector_load %arg6[%swap3A_651, %swap3A_652] {strides = array<i32>} : memref<128x16xf32, #tpu.memory_space<vmem>>, vector<1x16xf32>,
    %swap3A_654 = vector.shape_cast %swap3A_653 : vector<1x16xf32> to vector<16xf32>
    %swap3A_655 = vector.shape_cast %broadcast_in_dim3A_97 : vector<16xf32> to vector<1x16xf32>
    tpu.vector_store %arg6[%swap3A_651, %swap3A_652], %swap3A_655 {strides = array<i32>} : memref<128x16xf32, #tpu.memory_space<vmem>>, vector<1x16xf32>,
    %swap3A_656 = arith.constant 93 : i32
    %swap3A_657 = arith.index_cast %swap3A_656 : i32 to index
    %swap3A_658 = arith.constant 0 : index
    %swap3A_659 = tpu.vector_load %arg6[%swap3A_657, %swap3A_658] {strides = array<i32>} : memref<128x16xf32, #tpu.memory_space<vmem>>, vector<1x16xf32>,
    %swap3A_660 = vector.shape_cast %swap3A_659 : vector<1x16xf32> to vector<16xf32>
    %swap3A_661 = vector.shape_cast %broadcast_in_dim3A_97 : vector<16xf32> to vector<1x16xf32>
    tpu.vector_store %arg6[%swap3A_657, %swap3A_658], %swap3A_661 {strides = array<i32>} : memref<128x16xf32, #tpu.memory_space<vmem>>, vector<1x16xf32>,
    %swap3A_662 = arith.constant 94 : i32
    %swap3A_663 = arith.index_cast %swap3A_662 : i32 to index
    %swap3A_664 = arith.constant 0 : index
    %swap3A_665 = tpu.vector_load %arg6[%swap3A_663, %swap3A_664] {strides = array<i32>} : memref<128x16xf32, #tpu.memory_space<vmem>>, vector<1x16xf32>,
    %swap3A_666 = vector.shape_cast %swap3A_665 : vector<1x16xf32> to vector<16xf32>
    %swap3A_667 = vector.shape_cast %broadcast_in_dim3A_97 : vector<16xf32> to vector<1x16xf32>
    tpu.vector_store %arg6[%swap3A_663, %swap3A_664], %swap3A_667 {strides = array<i32>} : memref<128x16xf32, #tpu.memory_space<vmem>>, vector<1x16xf32>,
    %swap3A_668 = arith.constant 95 : i32
    %swap3A_669 = arith.index_cast %swap3A_668 : i32 to index
    %swap3A_670 = arith.constant 0 : index
    %swap3A_671 = tpu.vector_load %arg6[%swap3A_669, %swap3A_670] {strides = array<i32>} : memref<128x16xf32, #tpu.memory_space<vmem>>, vector<1x16xf32>,
    %swap3A_672 = vector.shape_cast %swap3A_671 : vector<1x16xf32> to vector<16xf32>
    %swap3A_673 = vector.shape_cast %broadcast_in_dim3A_97 : vector<16xf32> to vector<1x16xf32>
    tpu.vector_store %arg6[%swap3A_669, %swap3A_670], %swap3A_673 {strides = array<i32>} : memref<128x16xf32, #tpu.memory_space<vmem>>, vector<1x16xf32>,
    %swap3A_674 = arith.constant 96 : i32
    %swap3A_675 = arith.index_cast %swap3A_674 : i32 to index
    %swap3A_676 = arith.constant 0 : index
    %swap3A_677 = tpu.vector_load %arg6[%swap3A_675, %swap3A_676] {strides = array<i32>} : memref<128x16xf32, #tpu.memory_space<vmem>>, vector<1x16xf32>,
    %swap3A_678 = vector.shape_cast %swap3A_677 : vector<1x16xf32> to vector<16xf32>
    %swap3A_679 = vector.shape_cast %broadcast_in_dim3A_97 : vector<16xf32> to vector<1x16xf32>
    tpu.vector_store %arg6[%swap3A_675, %swap3A_676], %swap3A_679 {strides = array<i32>} : memref<128x16xf32, #tpu.memory_space<vmem>>, vector<1x16xf32>,
    %swap3A_680 = arith.constant 97 : i32
    %swap3A_681 = arith.index_cast %swap3A_680 : i32 to index
    %swap3A_682 = arith.constant 0 : index
    %swap3A_683 = tpu.vector_load %arg6[%swap3A_681, %swap3A_682] {strides = array<i32>} : memref<128x16xf32, #tpu.memory_space<vmem>>, vector<1x16xf32>,
    %swap3A_684 = vector.shape_cast %swap3A_683 : vector<1x16xf32> to vector<16xf32>
    %swap3A_685 = vector.shape_cast %broadcast_in_dim3A_97 : vector<16xf32> to vector<1x16xf32>
    tpu.vector_store %arg6[%swap3A_681, %swap3A_682], %swap3A_685 {strides = array<i32>} : memref<128x16xf32, #tpu.memory_space<vmem>>, vector<1x16xf32>,
    %swap3A_686 = arith.constant 98 : i32
    %swap3A_687 = arith.index_cast %swap3A_686 : i32 to index
    %swap3A_688 = arith.constant 0 : index
    %swap3A_689 = tpu.vector_load %arg6[%swap3A_687, %swap3A_688] {strides = array<i32>} : memref<128x16xf32, #tpu.memory_space<vmem>>, vector<1x16xf32>,
    %swap3A_690 = vector.shape_cast %swap3A_689 : vector<1x16xf32> to vector<16xf32>
    %swap3A_691 = vector.shape_cast %broadcast_in_dim3A_97 : vector<16xf32> to vector<1x16xf32>
    tpu.vector_store %arg6[%swap3A_687, %swap3A_688], %swap3A_691 {strides = array<i32>} : memref<128x16xf32, #tpu.memory_space<vmem>>, vector<1x16xf32>,
    %swap3A_692 = arith.constant 99 : i32
    %swap3A_693 = arith.index_cast %swap3A_692 : i32 to index
    %swap3A_694 = arith.constant 0 : index
    %swap3A_695 = tpu.vector_load %arg6[%swap3A_693, %swap3A_694] {strides = array<i32>} : memref<128x16xf32, #tpu.memory_space<vmem>>, vector<1x16xf32>,
    %swap3A_696 = vector.shape_cast %swap3A_695 : vector<1x16xf32> to vector<16xf32>
    %swap3A_697 = vector.shape_cast %broadcast_in_dim3A_97 : vector<16xf32> to vector<1x16xf32>
    tpu.vector_store %arg6[%swap3A_693, %swap3A_694], %swap3A_697 {strides = array<i32>} : memref<128x16xf32, #tpu.memory_space<vmem>>, vector<1x16xf32>,
    %swap3A_698 = arith.constant 100 : i32
    %swap3A_699 = arith.index_cast %swap3A_698 : i32 to index
    %swap3A_700 = arith.constant 0 : index
    %swap3A_701 = tpu.vector_load %arg6[%swap3A_699, %swap3A_700] {strides = array<i32>} : memref<128x16xf32, #tpu.memory_space<vmem>>, vector<1x16xf32>,
    %swap3A_702 = vector.shape_cast %swap3A_701 : vector<1x16xf32> to vector<16xf32>
    %swap3A_703 = vector.shape_cast %broadcast_in_dim3A_97 : vector<16xf32> to vector<1x16xf32>
    tpu.vector_store %arg6[%swap3A_699, %swap3A_700], %swap3A_703 {strides = array<i32>} : memref<128x16xf32, #tpu.memory_space<vmem>>, vector<1x16xf32>,
    %swap3A_704 = arith.constant 101 : i32
    %swap3A_705 = arith.index_cast %swap3A_704 : i32 to index
    %swap3A_706 = arith.constant 0 : index
    %swap3A_707 = tpu.vector_load %arg6[%swap3A_705, %swap3A_706] {strides = array<i32>} : memref<128x16xf32, #tpu.memory_space<vmem>>, vector<1x16xf32>,
    %swap3A_708 = vector.shape_cast %swap3A_707 : vector<1x16xf32> to vector<16xf32>
    %swap3A_709 = vector.shape_cast %broadcast_in_dim3A_97 : vector<16xf32> to vector<1x16xf32>
    tpu.vector_store %arg6[%swap3A_705, %swap3A_706], %swap3A_709 {strides = array<i32>} : memref<128x16xf32, #tpu.memory_space<vmem>>, vector<1x16xf32>,
    %swap3A_710 = arith.constant 102 : i32
    %swap3A_711 = arith.index_cast %swap3A_710 : i32 to index
    %swap3A_712 = arith.constant 0 : index
    %swap3A_713 = tpu.vector_load %arg6[%swap3A_711, %swap3A_712] {strides = array<i32>} : memref<128x16xf32, #tpu.memory_space<vmem>>, vector<1x16xf32>,
    %swap3A_714 = vector.shape_cast %swap3A_713 : vector<1x16xf32> to vector<16xf32>
    %swap3A_715 = vector.shape_cast %broadcast_in_dim3A_97 : vector<16xf32> to vector<1x16xf32>
    tpu.vector_store %arg6[%swap3A_711, %swap3A_712], %swap3A_715 {strides = array<i32>} : memref<128x16xf32, #tpu.memory_space<vmem>>, vector<1x16xf32>,
    %swap3A_716 = arith.constant 103 : i32
    %swap3A_717 = arith.index_cast %swap3A_716 : i32 to index
    %swap3A_718 = arith.constant 0 : index
    %swap3A_719 = tpu.vector_load %arg6[%swap3A_717, %swap3A_718] {strides = array<i32>} : memref<128x16xf32, #tpu.memory_space<vmem>>, vector<1x16xf32>,
    %swap3A_720 = vector.shape_cast %swap3A_719 : vector<1x16xf32> to vector<16xf32>
    %swap3A_721 = vector.shape_cast %broadcast_in_dim3A_97 : vector<16xf32> to vector<1x16xf32>
    tpu.vector_store %arg6[%swap3A_717, %swap3A_718], %swap3A_721 {strides = array<i32>} : memref<128x16xf32, #tpu.memory_space<vmem>>, vector<1x16xf32>,
    %swap3A_722 = arith.constant 104 : i32
    %swap3A_723 = arith.index_cast %swap3A_722 : i32 to index
    %swap3A_724 = arith.constant 0 : index
    %swap3A_725 = tpu.vector_load %arg6[%swap3A_723, %swap3A_724] {strides = array<i32>} : memref<128x16xf32, #tpu.memory_space<vmem>>, vector<1x16xf32>,
    %swap3A_726 = vector.shape_cast %swap3A_725 : vector<1x16xf32> to vector<16xf32>
    %swap3A_727 = vector.shape_cast %broadcast_in_dim3A_97 : vector<16xf32> to vector<1x16xf32>
    tpu.vector_store %arg6[%swap3A_723, %swap3A_724], %swap3A_727 {strides = array<i32>} : memref<128x16xf32, #tpu.memory_space<vmem>>, vector<1x16xf32>,
    %swap3A_728 = arith.constant 105 : i32
    %swap3A_729 = arith.index_cast %swap3A_728 : i32 to index
    %swap3A_730 = arith.constant 0 : index
    %swap3A_731 = tpu.vector_load %arg6[%swap3A_729, %swap3A_730] {strides = array<i32>} : memref<128x16xf32, #tpu.memory_space<vmem>>, vector<1x16xf32>,
    %swap3A_732 = vector.shape_cast %swap3A_731 : vector<1x16xf32> to vector<16xf32>
    %swap3A_733 = vector.shape_cast %broadcast_in_dim3A_97 : vector<16xf32> to vector<1x16xf32>
    tpu.vector_store %arg6[%swap3A_729, %swap3A_730], %swap3A_733 {strides = array<i32>} : memref<128x16xf32, #tpu.memory_space<vmem>>, vector<1x16xf32>,
    %swap3A_734 = arith.constant 106 : i32
    %swap3A_735 = arith.index_cast %swap3A_734 : i32 to index
    %swap3A_736 = arith.constant 0 : index
    %swap3A_737 = tpu.vector_load %arg6[%swap3A_735, %swap3A_736] {strides = array<i32>} : memref<128x16xf32, #tpu.memory_space<vmem>>, vector<1x16xf32>,
    %swap3A_738 = vector.shape_cast %swap3A_737 : vector<1x16xf32> to vector<16xf32>
    %swap3A_739 = vector.shape_cast %broadcast_in_dim3A_97 : vector<16xf32> to vector<1x16xf32>
    tpu.vector_store %arg6[%swap3A_735, %swap3A_736], %swap3A_739 {strides = array<i32>} : memref<128x16xf32, #tpu.memory_space<vmem>>, vector<1x16xf32>,
    %swap3A_740 = arith.constant 107 : i32
    %swap3A_741 = arith.index_cast %swap3A_740 : i32 to index
    %swap3A_742 = arith.constant 0 : index
    %swap3A_743 = tpu.vector_load %arg6[%swap3A_741, %swap3A_742] {strides = array<i32>} : memref<128x16xf32, #tpu.memory_space<vmem>>, vector<1x16xf32>,
    %swap3A_744 = vector.shape_cast %swap3A_743 : vector<1x16xf32> to vector<16xf32>
    %swap3A_745 = vector.shape_cast %broadcast_in_dim3A_97 : vector<16xf32> to vector<1x16xf32>
    tpu.vector_store %arg6[%swap3A_741, %swap3A_742], %swap3A_745 {strides = array<i32>} : memref<128x16xf32, #tpu.memory_space<vmem>>, vector<1x16xf32>,
    %swap3A_746 = arith.constant 108 : i32
    %swap3A_747 = arith.index_cast %swap3A_746 : i32 to index
    %swap3A_748 = arith.constant 0 : index
    %swap3A_749 = tpu.vector_load %arg6[%swap3A_747, %swap3A_748] {strides = array<i32>} : memref<128x16xf32, #tpu.memory_space<vmem>>, vector<1x16xf32>,
    %swap3A_750 = vector.shape_cast %swap3A_749 : vector<1x16xf32> to vector<16xf32>
    %swap3A_751 = vector.shape_cast %broadcast_in_dim3A_97 : vector<16xf32> to vector<1x16xf32>
    tpu.vector_store %arg6[%swap3A_747, %swap3A_748], %swap3A_751 {strides = array<i32>} : memref<128x16xf32, #tpu.memory_space<vmem>>, vector<1x16xf32>,
    %swap3A_752 = arith.constant 109 : i32
    %swap3A_753 = arith.index_cast %swap3A_752 : i32 to index
    %swap3A_754 = arith.constant 0 : index
    %swap3A_755 = tpu.vector_load %arg6[%swap3A_753, %swap3A_754] {strides = array<i32>} : memref<128x16xf32, #tpu.memory_space<vmem>>, vector<1x16xf32>,
    %swap3A_756 = vector.shape_cast %swap3A_755 : vector<1x16xf32> to vector<16xf32>
    %swap3A_757 = vector.shape_cast %broadcast_in_dim3A_97 : vector<16xf32> to vector<1x16xf32>
    tpu.vector_store %arg6[%swap3A_753, %swap3A_754], %swap3A_757 {strides = array<i32>} : memref<128x16xf32, #tpu.memory_space<vmem>>, vector<1x16xf32>,
    %swap3A_758 = arith.constant 110 : i32
    %swap3A_759 = arith.index_cast %swap3A_758 : i32 to index
    %swap3A_760 = arith.constant 0 : index
    %swap3A_761 = tpu.vector_load %arg6[%swap3A_759, %swap3A_760] {strides = array<i32>} : memref<128x16xf32, #tpu.memory_space<vmem>>, vector<1x16xf32>,
    %swap3A_762 = vector.shape_cast %swap3A_761 : vector<1x16xf32> to vector<16xf32>
    %swap3A_763 = vector.shape_cast %broadcast_in_dim3A_97 : vector<16xf32> to vector<1x16xf32>
    tpu.vector_store %arg6[%swap3A_759, %swap3A_760], %swap3A_763 {strides = array<i32>} : memref<128x16xf32, #tpu.memory_space<vmem>>, vector<1x16xf32>,
    %swap3A_764 = arith.constant 111 : i32
    %swap3A_765 = arith.index_cast %swap3A_764 : i32 to index
    %swap3A_766 = arith.constant 0 : index
    %swap3A_767 = tpu.vector_load %arg6[%swap3A_765, %swap3A_766] {strides = array<i32>} : memref<128x16xf32, #tpu.memory_space<vmem>>, vector<1x16xf32>,
    %swap3A_768 = vector.shape_cast %swap3A_767 : vector<1x16xf32> to vector<16xf32>
    %swap3A_769 = vector.shape_cast %broadcast_in_dim3A_97 : vector<16xf32> to vector<1x16xf32>
    tpu.vector_store %arg6[%swap3A_765, %swap3A_766], %swap3A_769 {strides = array<i32>} : memref<128x16xf32, #tpu.memory_space<vmem>>, vector<1x16xf32>,
    %swap3A_770 = arith.constant 112 : i32
    %swap3A_771 = arith.index_cast %swap3A_770 : i32 to index
    %swap3A_772 = arith.constant 0 : index
    %swap3A_773 = tpu.vector_load %arg6[%swap3A_771, %swap3A_772] {strides = array<i32>} : memref<128x16xf32, #tpu.memory_space<vmem>>, vector<1x16xf32>,
    %swap3A_774 = vector.shape_cast %swap3A_773 : vector<1x16xf32> to vector<16xf32>
    %swap3A_775 = vector.shape_cast %broadcast_in_dim3A_97 : vector<16xf32> to vector<1x16xf32>
    tpu.vector_store %arg6[%swap3A_771, %swap3A_772], %swap3A_775 {strides = array<i32>} : memref<128x16xf32, #tpu.memory_space<vmem>>, vector<1x16xf32>,
    %swap3A_776 = arith.constant 113 : i32
    %swap3A_777 = arith.index_cast %swap3A_776 : i32 to index
    %swap3A_778 = arith.constant 0 : index
    %swap3A_779 = tpu.vector_load %arg6[%swap3A_777, %swap3A_778] {strides = array<i32>} : memref<128x16xf32, #tpu.memory_space<vmem>>, vector<1x16xf32>,
    %swap3A_780 = vector.shape_cast %swap3A_779 : vector<1x16xf32> to vector<16xf32>
    %swap3A_781 = vector.shape_cast %broadcast_in_dim3A_97 : vector<16xf32> to vector<1x16xf32>
    tpu.vector_store %arg6[%swap3A_777, %swap3A_778], %swap3A_781 {strides = array<i32>} : memref<128x16xf32, #tpu.memory_space<vmem>>, vector<1x16xf32>,
    %swap3A_782 = arith.constant 114 : i32
    %swap3A_783 = arith.index_cast %swap3A_782 : i32 to index
    %swap3A_784 = arith.constant 0 : index
    %swap3A_785 = tpu.vector_load %arg6[%swap3A_783, %swap3A_784] {strides = array<i32>} : memref<128x16xf32, #tpu.memory_space<vmem>>, vector<1x16xf32>,
    %swap3A_786 = vector.shape_cast %swap3A_785 : vector<1x16xf32> to vector<16xf32>
    %swap3A_787 = vector.shape_cast %broadcast_in_dim3A_97 : vector<16xf32> to vector<1x16xf32>
    tpu.vector_store %arg6[%swap3A_783, %swap3A_784], %swap3A_787 {strides = array<i32>} : memref<128x16xf32, #tpu.memory_space<vmem>>, vector<1x16xf32>,
    %swap3A_788 = arith.constant 115 : i32
    %swap3A_789 = arith.index_cast %swap3A_788 : i32 to index
    %swap3A_790 = arith.constant 0 : index
    %swap3A_791 = tpu.vector_load %arg6[%swap3A_789, %swap3A_790] {strides = array<i32>} : memref<128x16xf32, #tpu.memory_space<vmem>>, vector<1x16xf32>,
    %swap3A_792 = vector.shape_cast %swap3A_791 : vector<1x16xf32> to vector<16xf32>
    %swap3A_793 = vector.shape_cast %broadcast_in_dim3A_97 : vector<16xf32> to vector<1x16xf32>
    tpu.vector_store %arg6[%swap3A_789, %swap3A_790], %swap3A_793 {strides = array<i32>} : memref<128x16xf32, #tpu.memory_space<vmem>>, vector<1x16xf32>,
    %swap3A_794 = arith.constant 116 : i32
    %swap3A_795 = arith.index_cast %swap3A_794 : i32 to index
    %swap3A_796 = arith.constant 0 : index
    %swap3A_797 = tpu.vector_load %arg6[%swap3A_795, %swap3A_796] {strides = array<i32>} : memref<128x16xf32, #tpu.memory_space<vmem>>, vector<1x16xf32>,
    %swap3A_798 = vector.shape_cast %swap3A_797 : vector<1x16xf32> to vector<16xf32>
    %swap3A_799 = vector.shape_cast %broadcast_in_dim3A_97 : vector<16xf32> to vector<1x16xf32>
    tpu.vector_store %arg6[%swap3A_795, %swap3A_796], %swap3A_799 {strides = array<i32>} : memref<128x16xf32, #tpu.memory_space<vmem>>, vector<1x16xf32>,
    %swap3A_800 = arith.constant 117 : i32
    %swap3A_801 = arith.index_cast %swap3A_800 : i32 to index
    %swap3A_802 = arith.constant 0 : index
    %swap3A_803 = tpu.vector_load %arg6[%swap3A_801, %swap3A_802] {strides = array<i32>} : memref<128x16xf32, #tpu.memory_space<vmem>>, vector<1x16xf32>,
    %swap3A_804 = vector.shape_cast %swap3A_803 : vector<1x16xf32> to vector<16xf32>
    %swap3A_805 = vector.shape_cast %broadcast_in_dim3A_97 : vector<16xf32> to vector<1x16xf32>
    tpu.vector_store %arg6[%swap3A_801, %swap3A_802], %swap3A_805 {strides = array<i32>} : memref<128x16xf32, #tpu.memory_space<vmem>>, vector<1x16xf32>,
    %swap3A_806 = arith.constant 118 : i32
    %swap3A_807 = arith.index_cast %swap3A_806 : i32 to index
    %swap3A_808 = arith.constant 0 : index
    %swap3A_809 = tpu.vector_load %arg6[%swap3A_807, %swap3A_808] {strides = array<i32>} : memref<128x16xf32, #tpu.memory_space<vmem>>, vector<1x16xf32>,
    %swap3A_810 = vector.shape_cast %swap3A_809 : vector<1x16xf32> to vector<16xf32>
    %swap3A_811 = vector.shape_cast %broadcast_in_dim3A_97 : vector<16xf32> to vector<1x16xf32>
    tpu.vector_store %arg6[%swap3A_807, %swap3A_808], %swap3A_811 {strides = array<i32>} : memref<128x16xf32, #tpu.memory_space<vmem>>, vector<1x16xf32>,
    %swap3A_812 = arith.constant 119 : i32
    %swap3A_813 = arith.index_cast %swap3A_812 : i32 to index
    %swap3A_814 = arith.constant 0 : index
    %swap3A_815 = tpu.vector_load %arg6[%swap3A_813, %swap3A_814] {strides = array<i32>} : memref<128x16xf32, #tpu.memory_space<vmem>>, vector<1x16xf32>,
    %swap3A_816 = vector.shape_cast %swap3A_815 : vector<1x16xf32> to vector<16xf32>
    %swap3A_817 = vector.shape_cast %broadcast_in_dim3A_97 : vector<16xf32> to vector<1x16xf32>
    tpu.vector_store %arg6[%swap3A_813, %swap3A_814], %swap3A_817 {strides = array<i32>} : memref<128x16xf32, #tpu.memory_space<vmem>>, vector<1x16xf32>,
    %swap3A_818 = arith.constant 120 : i32
    %swap3A_819 = arith.index_cast %swap3A_818 : i32 to index
    %swap3A_820 = arith.constant 0 : index
    %swap3A_821 = tpu.vector_load %arg6[%swap3A_819, %swap3A_820] {strides = array<i32>} : memref<128x16xf32, #tpu.memory_space<vmem>>, vector<1x16xf32>,
    %swap3A_822 = vector.shape_cast %swap3A_821 : vector<1x16xf32> to vector<16xf32>
    %swap3A_823 = vector.shape_cast %broadcast_in_dim3A_97 : vector<16xf32> to vector<1x16xf32>
    tpu.vector_store %arg6[%swap3A_819, %swap3A_820], %swap3A_823 {strides = array<i32>} : memref<128x16xf32, #tpu.memory_space<vmem>>, vector<1x16xf32>,
    %swap3A_824 = arith.constant 121 : i32
    %swap3A_825 = arith.index_cast %swap3A_824 : i32 to index
    %swap3A_826 = arith.constant 0 : index
    %swap3A_827 = tpu.vector_load %arg6[%swap3A_825, %swap3A_826] {strides = array<i32>} : memref<128x16xf32, #tpu.memory_space<vmem>>, vector<1x16xf32>,
    %swap3A_828 = vector.shape_cast %swap3A_827 : vector<1x16xf32> to vector<16xf32>
    %swap3A_829 = vector.shape_cast %broadcast_in_dim3A_97 : vector<16xf32> to vector<1x16xf32>
    tpu.vector_store %arg6[%swap3A_825, %swap3A_826], %swap3A_829 {strides = array<i32>} : memref<128x16xf32, #tpu.memory_space<vmem>>, vector<1x16xf32>,
    %swap3A_830 = arith.constant 122 : i32
    %swap3A_831 = arith.index_cast %swap3A_830 : i32 to index
    %swap3A_832 = arith.constant 0 : index
    %swap3A_833 = tpu.vector_load %arg6[%swap3A_831, %swap3A_832] {strides = array<i32>} : memref<128x16xf32, #tpu.memory_space<vmem>>, vector<1x16xf32>,
    %swap3A_834 = vector.shape_cast %swap3A_833 : vector<1x16xf32> to vector<16xf32>
    %swap3A_835 = vector.shape_cast %broadcast_in_dim3A_97 : vector<16xf32> to vector<1x16xf32>
    tpu.vector_store %arg6[%swap3A_831, %swap3A_832], %swap3A_835 {strides = array<i32>} : memref<128x16xf32, #tpu.memory_space<vmem>>, vector<1x16xf32>,
    %swap3A_836 = arith.constant 123 : i32
    %swap3A_837 = arith.index_cast %swap3A_836 : i32 to index
    %swap3A_838 = arith.constant 0 : index
    %swap3A_839 = tpu.vector_load %arg6[%swap3A_837, %swap3A_838] {strides = array<i32>} : memref<128x16xf32, #tpu.memory_space<vmem>>, vector<1x16xf32>,
    %swap3A_840 = vector.shape_cast %swap3A_839 : vector<1x16xf32> to vector<16xf32>
    %swap3A_841 = vector.shape_cast %broadcast_in_dim3A_97 : vector<16xf32> to vector<1x16xf32>
    tpu.vector_store %arg6[%swap3A_837, %swap3A_838], %swap3A_841 {strides = array<i32>} : memref<128x16xf32, #tpu.memory_space<vmem>>, vector<1x16xf32>,
    %swap3A_842 = arith.constant 124 : i32
    %swap3A_843 = arith.index_cast %swap3A_842 : i32 to index
    %swap3A_844 = arith.constant 0 : index
    %swap3A_845 = tpu.vector_load %arg6[%swap3A_843, %swap3A_844] {strides = array<i32>} : memref<128x16xf32, #tpu.memory_space<vmem>>, vector<1x16xf32>,
    %swap3A_846 = vector.shape_cast %swap3A_845 : vector<1x16xf32> to vector<16xf32>
    %swap3A_847 = vector.shape_cast %broadcast_in_dim3A_97 : vector<16xf32> to vector<1x16xf32>
    tpu.vector_store %arg6[%swap3A_843, %swap3A_844], %swap3A_847 {strides = array<i32>} : memref<128x16xf32, #tpu.memory_space<vmem>>, vector<1x16xf32>,
    %swap3A_848 = arith.constant 125 : i32
    %swap3A_849 = arith.index_cast %swap3A_848 : i32 to index
    %swap3A_850 = arith.constant 0 : index
    %swap3A_851 = tpu.vector_load %arg6[%swap3A_849, %swap3A_850] {strides = array<i32>} : memref<128x16xf32, #tpu.memory_space<vmem>>, vector<1x16xf32>,
    %swap3A_852 = vector.shape_cast %swap3A_851 : vector<1x16xf32> to vector<16xf32>
    %swap3A_853 = vector.shape_cast %broadcast_in_dim3A_97 : vector<16xf32> to vector<1x16xf32>
    tpu.vector_store %arg6[%swap3A_849, %swap3A_850], %swap3A_853 {strides = array<i32>} : memref<128x16xf32, #tpu.memory_space<vmem>>, vector<1x16xf32>,
    %swap3A_854 = arith.constant 126 : i32
    %swap3A_855 = arith.index_cast %swap3A_854 : i32 to index
    %swap3A_856 = arith.constant 0 : index
    %swap3A_857 = tpu.vector_load %arg6[%swap3A_855, %swap3A_856] {strides = array<i32>} : memref<128x16xf32, #tpu.memory_space<vmem>>, vector<1x16xf32>,
    %swap3A_858 = vector.shape_cast %swap3A_857 : vector<1x16xf32> to vector<16xf32>
    %swap3A_859 = vector.shape_cast %broadcast_in_dim3A_97 : vector<16xf32> to vector<1x16xf32>
    tpu.vector_store %arg6[%swap3A_855, %swap3A_856], %swap3A_859 {strides = array<i32>} : memref<128x16xf32, #tpu.memory_space<vmem>>, vector<1x16xf32>,
    %swap3A_860 = arith.constant 127 : i32
    %swap3A_861 = arith.index_cast %swap3A_860 : i32 to index
    %swap3A_862 = arith.constant 0 : index
    %swap3A_863 = tpu.vector_load %arg6[%swap3A_861, %swap3A_862] {strides = array<i32>} : memref<128x16xf32, #tpu.memory_space<vmem>>, vector<1x16xf32>,
    %swap3A_864 = vector.shape_cast %swap3A_863 : vector<1x16xf32> to vector<16xf32>
    %swap3A_865 = vector.shape_cast %broadcast_in_dim3A_97 : vector<16xf32> to vector<1x16xf32>
    tpu.vector_store %arg6[%swap3A_861, %swap3A_862], %swap3A_865 {strides = array<i32>} : memref<128x16xf32, #tpu.memory_space<vmem>>, vector<1x16xf32>,
    %mul3A = arith.constant 640 : i32
    %mul3A_866 = arith.muli %arg1, %mul3A : i32
    %scan3A = arith.constant 0 : i32
    %scan3A_867 = arith.constant 40 : i32
    %scan3A_868 = arith.addi %scan3A, %scan3A_867 : i32
    %scan3A_869 = arith.constant 1 : i32
    scf.for %scan3A_881 = %scan3A to %scan3A_868 step %scan3A_869  : i32 {
      %mul3A_882 = arith.constant 16 : i32
      %mul3A_883 = arith.muli %scan3A_881, %mul3A_882 : i32
      %add3A_884 = arith.addi %mul3A_866, %mul3A_883 : i32
      "tpu.region"() ({
        %run_scoped3A = tpu.sem_alloc : memref<!tpu.dma_semaphore, #tpu.memory_space<semaphore_mem>>
        %dma_start3A = arith.constant 0 : i32
        %dma_start3A_885 = tpu.memref_slice %arg4[%add3A_884, %dma_start3A] : memref<10240x16xf32, #tpu.memory_space<vmem_shared>> -> memref<16x16xf32, #tpu.memory_space<vmem_shared>>
        %dma_start3A_886 = arith.constant 0 : i32
        %dma_start3A_887 = tpu.memref_slice %arg4[%add3A_884, %dma_start3A_886] : memref<10240x16xf32, #tpu.memory_space<vmem_shared>> -> memref<16x16xf32, #tpu.memory_space<vmem_shared>>
        tpu.enqueue_dma source(%arg5 : memref<16x16xf32, #tpu.memory_space<vmem>>) target(%dma_start3A_887 : memref<16x16xf32, #tpu.memory_space<vmem_shared>>) target_semaphore(%run_scoped3A : memref<!tpu.dma_semaphore, #tpu.memory_space<semaphore_mem>>)
        %dma_wait3A = arith.constant 0 : i32
        %dma_wait3A_888 = tpu.memref_slice %arg4[%add3A_884, %dma_wait3A] : memref<10240x16xf32, #tpu.memory_space<vmem_shared>> -> memref<16x16xf32, #tpu.memory_space<vmem_shared>>
        %dma_wait3A_889 = arith.constant 0 : i32
        %dma_wait3A_890 = tpu.memref_slice %arg4[%add3A_884, %dma_wait3A_889] : memref<10240x16xf32, #tpu.memory_space<vmem_shared>> -> memref<16x16xf32, #tpu.memory_space<vmem_shared>>
        tpu.wait_dma2 semaphore(%run_scoped3A : memref<!tpu.dma_semaphore, #tpu.memory_space<semaphore_mem>>) src(%arg5 : memref<16x16xf32, #tpu.memory_space<vmem>>) dst(%dma_wait3A_890 : memref<16x16xf32, #tpu.memory_space<vmem_shared>>)
        tpu.yield
      }) : () -> ()
    }
    %scan3A_870 = arith.constant 40 : i32
    %barrier3A = arith.constant 0 : index
    tpu.barrier barrier_id(%barrier3A)
    %mul3A_871 = arith.constant 16 : i32
    %mul3A_872 = arith.muli %arg0, %mul3A_871 : i32
    %add3A = arith.addi %mul3A_872, %arg1 : i32
    %mul3A_873 = arith.constant 10240 : i32
    %mul3A_874 = arith.muli %add3A, %mul3A_873 : i32
    %scan3A_875 = arith.constant 0 : i32
    %scan3A_876 = arith.constant 80 : i32
    %scan3A_877 = arith.addi %scan3A_875, %scan3A_876 : i32
    %scan3A_878 = arith.constant 1 : i32
    scf.for %scan3A_881 = %scan3A_875 to %scan3A_877 step %scan3A_878  : i32 {
      %mul3A_882 = arith.constant 128 : i32
      %mul3A_883 = arith.muli %scan3A_881, %mul3A_882 : i32
      %add3A_884 = arith.addi %mul3A_874, %mul3A_883 : i32
      "tpu.region"() ({
        %run_scoped3A = tpu.sem_alloc : memref<!tpu.dma_semaphore, #tpu.memory_space<semaphore_mem>>
        %dma_start3A = tpu.memref_slice %arg2[%add3A_884] : memref<327680xi32, #tpu.memory_space<hbm>> -> memref<128xi32, #tpu.memory_space<hbm>>
        %dma_start3A_885 = tpu.memref_slice %arg2[%add3A_884] : memref<327680xi32, #tpu.memory_space<hbm>> -> memref<128xi32, #tpu.memory_space<hbm>>
        tpu.enqueue_dma source(%dma_start3A_885 : memref<128xi32, #tpu.memory_space<hbm>>) target(%arg7 : memref<128xi32, #tpu.memory_space<vmem>>) target_semaphore(%run_scoped3A : memref<!tpu.dma_semaphore, #tpu.memory_space<semaphore_mem>>)
        %dma_wait3A = tpu.memref_slice %arg2[%add3A_884] : memref<327680xi32, #tpu.memory_space<hbm>> -> memref<128xi32, #tpu.memory_space<hbm>>
        %dma_wait3A_886 = tpu.memref_slice %arg2[%add3A_884] : memref<327680xi32, #tpu.memory_space<hbm>> -> memref<128xi32, #tpu.memory_space<hbm>>
        tpu.wait_dma2 semaphore(%run_scoped3A : memref<!tpu.dma_semaphore, #tpu.memory_space<semaphore_mem>>) src(%dma_wait3A_886 : memref<128xi32, #tpu.memory_space<hbm>>) dst(%arg7 : memref<128xi32, #tpu.memory_space<vmem>>)
        tpu.yield
      }) : () -> ()
      "tpu.region"() ({
        %run_scoped3A = tpu.sem_alloc : memref<!tpu.dma_semaphore, #tpu.memory_space<semaphore_mem>>
        %dma_start3A = arith.constant 0 : i32
        %dma_start3A_885 = arith.constant 0 : i32
        %dma_start3A_886 = tpu.memref_slice %arg4[%dma_start3A, %dma_start3A_885] : memref<10240x16xf32, #tpu.memory_space<vmem_shared>> -> memref<10240x16xf32, #tpu.memory_space<vmem_shared>>
        tpu.enqueue_indirect_dma source(%arg6 : memref<128x16xf32, #tpu.memory_space<vmem>>) target(%dma_start3A_886 : memref<10240x16xf32, #tpu.memory_space<vmem_shared>>) offsets(%arg7 : memref<128xi32, #tpu.memory_space<vmem>>) semaphore(%run_scoped3A : memref<!tpu.dma_semaphore, #tpu.memory_space<semaphore_mem>>) {add = true}
        %dma_wait3A = arith.constant 0 : i32
        %dma_wait3A_887 = arith.constant 0 : i32
        %dma_wait3A_888 = tpu.memref_slice %arg4[%dma_wait3A, %dma_wait3A_887] : memref<10240x16xf32, #tpu.memory_space<vmem_shared>> -> memref<10240x16xf32, #tpu.memory_space<vmem_shared>>
        tpu.wait_indirect_dma semaphore(%run_scoped3A : memref<!tpu.dma_semaphore, #tpu.memory_space<semaphore_mem>>) src(%arg6 : memref<128x16xf32, #tpu.memory_space<vmem>>) dst(%dma_wait3A_888 : memref<10240x16xf32, #tpu.memory_space<vmem_shared>>)
        tpu.yield
      }) : () -> ()
    }
    %scan3A_879 = arith.constant 80 : i32
    %barrier3A_880 = arith.constant 0 : index
    tpu.barrier barrier_id(%barrier3A_880)
    "tpu.region"() ({
      %run_scoped3A = tpu.sem_alloc : memref<!tpu.dma_semaphore, #tpu.memory_space<semaphore_mem>>
      %dma_start3A = arith.constant 0 : i32
      %dma_start3A_881 = tpu.memref_slice %arg3[%arg0, %mul3A_866, %dma_start3A] : memref<2x10240x16xf32, #tpu.memory_space<hbm>> -> memref<1x640x16xf32, #tpu.memory_space<hbm>>
      %dma_start3A_882 = tpu.memref_squeeze %dma_start3A_881 : memref<1x640x16xf32, #tpu.memory_space<hbm>> -> memref<640x16xf32, #tpu.memory_space<hbm>>
      %dma_start3A_883 = arith.constant 0 : i32
      %dma_start3A_884 = tpu.memref_slice %arg4[%mul3A_866, %dma_start3A_883] : memref<10240x16xf32, #tpu.memory_space<vmem_shared>> -> memref<640x16xf32, #tpu.memory_space<vmem_shared>>
      tpu.enqueue_dma source(%dma_start3A_884 : memref<640x16xf32, #tpu.memory_space<vmem_shared>>) target(%dma_start3A_882 : memref<640x16xf32, #tpu.memory_space<hbm>>) target_semaphore(%run_scoped3A : memref<!tpu.dma_semaphore, #tpu.memory_space<semaphore_mem>>)
      %dma_wait3A = arith.constant 0 : i32
      %dma_wait3A_885 = tpu.memref_slice %arg3[%arg0, %mul3A_866, %dma_wait3A] : memref<2x10240x16xf32, #tpu.memory_space<hbm>> -> memref<1x640x16xf32, #tpu.memory_space<hbm>>
      %dma_wait3A_886 = tpu.memref_squeeze %dma_wait3A_885 : memref<1x640x16xf32, #tpu.memory_space<hbm>> -> memref<640x16xf32, #tpu.memory_space<hbm>>
      %dma_wait3A_887 = arith.constant 0 : i32
      %dma_wait3A_888 = tpu.memref_slice %arg4[%mul3A_866, %dma_wait3A_887] : memref<10240x16xf32, #tpu.memory_space<vmem_shared>> -> memref<640x16xf32, #tpu.memory_space<vmem_shared>>
      tpu.wait_dma2 semaphore(%run_scoped3A : memref<!tpu.dma_semaphore, #tpu.memory_space<semaphore_mem>>) src(%dma_wait3A_888 : memref<640x16xf32, #tpu.memory_space<vmem_shared>>) dst(%dma_wait3A_886 : memref<640x16xf32, #tpu.memory_space<hbm>>)
      tpu.yield
    }) : () -> ()
    return
  }
}

#map = affine_map<(d0, d1) -> (0, 0)>
#map1 = affine_map<(d0, d1) -> (0)>
#map2 = affine_map<(d0, d1) -> (0, 0, 0)>
module attributes {stable_mosaic.version = 14 : i64} {
  func.func @_sc_agg128(%arg0: i32, %arg1: i32, %arg2: memref<10240x128xf32, #tpu.memory_space<hbm>>, %arg3: memref<327680xi32, #tpu.memory_space<hbm>>, %arg4: memref<327680xi32, #tpu.memory_space<hbm>>, %arg5: memref<2x10240x128xf32, #tpu.memory_space<hbm>>, %arg6: memref<10240x128xf32, #tpu.memory_space<vmem_shared>>, %arg7: memref<16x128xf32, #tpu.memory_space<vmem>>, %arg8: memref<128x128xf32, #tpu.memory_space<vmem>>, %arg9: memref<128xi32, #tpu.memory_space<vmem>>, %arg10: memref<128xi32, #tpu.memory_space<vmem>>, %arg11: memref<!tpu.dma_semaphore, #tpu.memory_space<semaphore_mem>>) attributes {dimension_semantics = [#tpu.dimension_semantics<core_parallel>, #tpu.dimension_semantics<subcore_parallel>], iteration_bounds = array<i64: 2, 16>, scalar_prefetch = 0 : i64, scratch_operands = 6 : i64, tpu.core_type = #tpu.core_type<sc_vector_subcore>, window_params = [{transform_indices = #map}, {transform_indices = #map1}, {transform_indices = #map1}, {transform_indices = #map2}]} {
    %broadcast_in_dim3A = arith.constant 0.000000e+00 : f32
    %broadcast_in_dim3A_0 = vector.broadcast %broadcast_in_dim3A : f32 to vector<16xf32>
    %swap3A = arith.constant 0 : i32
    %swap3A_1 = arith.index_cast %swap3A : i32 to index
    %swap3A_2 = arith.constant 0 : index
    %swap3A_3 = tpu.vector_load %arg7[%swap3A_1, %swap3A_2] {strides = array<i32>} : memref<16x128xf32, #tpu.memory_space<vmem>>, vector<1x16xf32>,
    %swap3A_4 = vector.shape_cast %swap3A_3 : vector<1x16xf32> to vector<16xf32>
    %swap3A_5 = vector.shape_cast %broadcast_in_dim3A_0 : vector<16xf32> to vector<1x16xf32>
    tpu.vector_store %arg7[%swap3A_1, %swap3A_2], %swap3A_5 {strides = array<i32>} : memref<16x128xf32, #tpu.memory_space<vmem>>, vector<1x16xf32>,
    %swap3A_6 = arith.constant 0 : i32
    %swap3A_7 = arith.index_cast %swap3A_6 : i32 to index
    %swap3A_8 = arith.constant 16 : index
    %swap3A_9 = tpu.vector_load %arg7[%swap3A_7, %swap3A_8] {strides = array<i32>} : memref<16x128xf32, #tpu.memory_space<vmem>>, vector<1x16xf32>,
    %swap3A_10 = vector.shape_cast %swap3A_9 : vector<1x16xf32> to vector<16xf32>
    %swap3A_11 = vector.shape_cast %broadcast_in_dim3A_0 : vector<16xf32> to vector<1x16xf32>
    tpu.vector_store %arg7[%swap3A_7, %swap3A_8], %swap3A_11 {strides = array<i32>} : memref<16x128xf32, #tpu.memory_space<vmem>>, vector<1x16xf32>,
    %swap3A_12 = arith.constant 0 : i32
    %swap3A_13 = arith.index_cast %swap3A_12 : i32 to index
    %swap3A_14 = arith.constant 32 : index
    %swap3A_15 = tpu.vector_load %arg7[%swap3A_13, %swap3A_14] {strides = array<i32>} : memref<16x128xf32, #tpu.memory_space<vmem>>, vector<1x16xf32>,
    %swap3A_16 = vector.shape_cast %swap3A_15 : vector<1x16xf32> to vector<16xf32>
    %swap3A_17 = vector.shape_cast %broadcast_in_dim3A_0 : vector<16xf32> to vector<1x16xf32>
    tpu.vector_store %arg7[%swap3A_13, %swap3A_14], %swap3A_17 {strides = array<i32>} : memref<16x128xf32, #tpu.memory_space<vmem>>, vector<1x16xf32>,
    %swap3A_18 = arith.constant 0 : i32
    %swap3A_19 = arith.index_cast %swap3A_18 : i32 to index
    %swap3A_20 = arith.constant 48 : index
    %swap3A_21 = tpu.vector_load %arg7[%swap3A_19, %swap3A_20] {strides = array<i32>} : memref<16x128xf32, #tpu.memory_space<vmem>>, vector<1x16xf32>,
    %swap3A_22 = vector.shape_cast %swap3A_21 : vector<1x16xf32> to vector<16xf32>
    %swap3A_23 = vector.shape_cast %broadcast_in_dim3A_0 : vector<16xf32> to vector<1x16xf32>
    tpu.vector_store %arg7[%swap3A_19, %swap3A_20], %swap3A_23 {strides = array<i32>} : memref<16x128xf32, #tpu.memory_space<vmem>>, vector<1x16xf32>,
    %swap3A_24 = arith.constant 0 : i32
    %swap3A_25 = arith.index_cast %swap3A_24 : i32 to index
    %swap3A_26 = arith.constant 64 : index
    %swap3A_27 = tpu.vector_load %arg7[%swap3A_25, %swap3A_26] {strides = array<i32>} : memref<16x128xf32, #tpu.memory_space<vmem>>, vector<1x16xf32>,
    %swap3A_28 = vector.shape_cast %swap3A_27 : vector<1x16xf32> to vector<16xf32>
    %swap3A_29 = vector.shape_cast %broadcast_in_dim3A_0 : vector<16xf32> to vector<1x16xf32>
    tpu.vector_store %arg7[%swap3A_25, %swap3A_26], %swap3A_29 {strides = array<i32>} : memref<16x128xf32, #tpu.memory_space<vmem>>, vector<1x16xf32>,
    %swap3A_30 = arith.constant 0 : i32
    %swap3A_31 = arith.index_cast %swap3A_30 : i32 to index
    %swap3A_32 = arith.constant 80 : index
    %swap3A_33 = tpu.vector_load %arg7[%swap3A_31, %swap3A_32] {strides = array<i32>} : memref<16x128xf32, #tpu.memory_space<vmem>>, vector<1x16xf32>,
    %swap3A_34 = vector.shape_cast %swap3A_33 : vector<1x16xf32> to vector<16xf32>
    %swap3A_35 = vector.shape_cast %broadcast_in_dim3A_0 : vector<16xf32> to vector<1x16xf32>
    tpu.vector_store %arg7[%swap3A_31, %swap3A_32], %swap3A_35 {strides = array<i32>} : memref<16x128xf32, #tpu.memory_space<vmem>>, vector<1x16xf32>,
    %swap3A_36 = arith.constant 0 : i32
    %swap3A_37 = arith.index_cast %swap3A_36 : i32 to index
    %swap3A_38 = arith.constant 96 : index
    %swap3A_39 = tpu.vector_load %arg7[%swap3A_37, %swap3A_38] {strides = array<i32>} : memref<16x128xf32, #tpu.memory_space<vmem>>, vector<1x16xf32>,
    %swap3A_40 = vector.shape_cast %swap3A_39 : vector<1x16xf32> to vector<16xf32>
    %swap3A_41 = vector.shape_cast %broadcast_in_dim3A_0 : vector<16xf32> to vector<1x16xf32>
    tpu.vector_store %arg7[%swap3A_37, %swap3A_38], %swap3A_41 {strides = array<i32>} : memref<16x128xf32, #tpu.memory_space<vmem>>, vector<1x16xf32>,
    %swap3A_42 = arith.constant 0 : i32
    %swap3A_43 = arith.index_cast %swap3A_42 : i32 to index
    %swap3A_44 = arith.constant 112 : index
    %swap3A_45 = tpu.vector_load %arg7[%swap3A_43, %swap3A_44] {strides = array<i32>} : memref<16x128xf32, #tpu.memory_space<vmem>>, vector<1x16xf32>,
    %swap3A_46 = vector.shape_cast %swap3A_45 : vector<1x16xf32> to vector<16xf32>
    %swap3A_47 = vector.shape_cast %broadcast_in_dim3A_0 : vector<16xf32> to vector<1x16xf32>
    tpu.vector_store %arg7[%swap3A_43, %swap3A_44], %swap3A_47 {strides = array<i32>} : memref<16x128xf32, #tpu.memory_space<vmem>>, vector<1x16xf32>,
    %swap3A_48 = arith.constant 1 : i32
    %swap3A_49 = arith.index_cast %swap3A_48 : i32 to index
    %swap3A_50 = arith.constant 0 : index
    %swap3A_51 = tpu.vector_load %arg7[%swap3A_49, %swap3A_50] {strides = array<i32>} : memref<16x128xf32, #tpu.memory_space<vmem>>, vector<1x16xf32>,
    %swap3A_52 = vector.shape_cast %swap3A_51 : vector<1x16xf32> to vector<16xf32>
    %swap3A_53 = vector.shape_cast %broadcast_in_dim3A_0 : vector<16xf32> to vector<1x16xf32>
    tpu.vector_store %arg7[%swap3A_49, %swap3A_50], %swap3A_53 {strides = array<i32>} : memref<16x128xf32, #tpu.memory_space<vmem>>, vector<1x16xf32>,
    %swap3A_54 = arith.constant 1 : i32
    %swap3A_55 = arith.index_cast %swap3A_54 : i32 to index
    %swap3A_56 = arith.constant 16 : index
    %swap3A_57 = tpu.vector_load %arg7[%swap3A_55, %swap3A_56] {strides = array<i32>} : memref<16x128xf32, #tpu.memory_space<vmem>>, vector<1x16xf32>,
    %swap3A_58 = vector.shape_cast %swap3A_57 : vector<1x16xf32> to vector<16xf32>
    %swap3A_59 = vector.shape_cast %broadcast_in_dim3A_0 : vector<16xf32> to vector<1x16xf32>
    tpu.vector_store %arg7[%swap3A_55, %swap3A_56], %swap3A_59 {strides = array<i32>} : memref<16x128xf32, #tpu.memory_space<vmem>>, vector<1x16xf32>,
    %swap3A_60 = arith.constant 1 : i32
    %swap3A_61 = arith.index_cast %swap3A_60 : i32 to index
    %swap3A_62 = arith.constant 32 : index
    %swap3A_63 = tpu.vector_load %arg7[%swap3A_61, %swap3A_62] {strides = array<i32>} : memref<16x128xf32, #tpu.memory_space<vmem>>, vector<1x16xf32>,
    %swap3A_64 = vector.shape_cast %swap3A_63 : vector<1x16xf32> to vector<16xf32>
    %swap3A_65 = vector.shape_cast %broadcast_in_dim3A_0 : vector<16xf32> to vector<1x16xf32>
    tpu.vector_store %arg7[%swap3A_61, %swap3A_62], %swap3A_65 {strides = array<i32>} : memref<16x128xf32, #tpu.memory_space<vmem>>, vector<1x16xf32>,
    %swap3A_66 = arith.constant 1 : i32
    %swap3A_67 = arith.index_cast %swap3A_66 : i32 to index
    %swap3A_68 = arith.constant 48 : index
    %swap3A_69 = tpu.vector_load %arg7[%swap3A_67, %swap3A_68] {strides = array<i32>} : memref<16x128xf32, #tpu.memory_space<vmem>>, vector<1x16xf32>,
    %swap3A_70 = vector.shape_cast %swap3A_69 : vector<1x16xf32> to vector<16xf32>
    %swap3A_71 = vector.shape_cast %broadcast_in_dim3A_0 : vector<16xf32> to vector<1x16xf32>
    tpu.vector_store %arg7[%swap3A_67, %swap3A_68], %swap3A_71 {strides = array<i32>} : memref<16x128xf32, #tpu.memory_space<vmem>>, vector<1x16xf32>,
    %swap3A_72 = arith.constant 1 : i32
    %swap3A_73 = arith.index_cast %swap3A_72 : i32 to index
    %swap3A_74 = arith.constant 64 : index
    %swap3A_75 = tpu.vector_load %arg7[%swap3A_73, %swap3A_74] {strides = array<i32>} : memref<16x128xf32, #tpu.memory_space<vmem>>, vector<1x16xf32>,
    %swap3A_76 = vector.shape_cast %swap3A_75 : vector<1x16xf32> to vector<16xf32>
    %swap3A_77 = vector.shape_cast %broadcast_in_dim3A_0 : vector<16xf32> to vector<1x16xf32>
    tpu.vector_store %arg7[%swap3A_73, %swap3A_74], %swap3A_77 {strides = array<i32>} : memref<16x128xf32, #tpu.memory_space<vmem>>, vector<1x16xf32>,
    %swap3A_78 = arith.constant 1 : i32
    %swap3A_79 = arith.index_cast %swap3A_78 : i32 to index
    %swap3A_80 = arith.constant 80 : index
    %swap3A_81 = tpu.vector_load %arg7[%swap3A_79, %swap3A_80] {strides = array<i32>} : memref<16x128xf32, #tpu.memory_space<vmem>>, vector<1x16xf32>,
    %swap3A_82 = vector.shape_cast %swap3A_81 : vector<1x16xf32> to vector<16xf32>
    %swap3A_83 = vector.shape_cast %broadcast_in_dim3A_0 : vector<16xf32> to vector<1x16xf32>
    tpu.vector_store %arg7[%swap3A_79, %swap3A_80], %swap3A_83 {strides = array<i32>} : memref<16x128xf32, #tpu.memory_space<vmem>>, vector<1x16xf32>,
    %swap3A_84 = arith.constant 1 : i32
    %swap3A_85 = arith.index_cast %swap3A_84 : i32 to index
    %swap3A_86 = arith.constant 96 : index
    %swap3A_87 = tpu.vector_load %arg7[%swap3A_85, %swap3A_86] {strides = array<i32>} : memref<16x128xf32, #tpu.memory_space<vmem>>, vector<1x16xf32>,
    %swap3A_88 = vector.shape_cast %swap3A_87 : vector<1x16xf32> to vector<16xf32>
    %swap3A_89 = vector.shape_cast %broadcast_in_dim3A_0 : vector<16xf32> to vector<1x16xf32>
    tpu.vector_store %arg7[%swap3A_85, %swap3A_86], %swap3A_89 {strides = array<i32>} : memref<16x128xf32, #tpu.memory_space<vmem>>, vector<1x16xf32>,
    %swap3A_90 = arith.constant 1 : i32
    %swap3A_91 = arith.index_cast %swap3A_90 : i32 to index
    %swap3A_92 = arith.constant 112 : index
    %swap3A_93 = tpu.vector_load %arg7[%swap3A_91, %swap3A_92] {strides = array<i32>} : memref<16x128xf32, #tpu.memory_space<vmem>>, vector<1x16xf32>,
    %swap3A_94 = vector.shape_cast %swap3A_93 : vector<1x16xf32> to vector<16xf32>
    %swap3A_95 = vector.shape_cast %broadcast_in_dim3A_0 : vector<16xf32> to vector<1x16xf32>
    tpu.vector_store %arg7[%swap3A_91, %swap3A_92], %swap3A_95 {strides = array<i32>} : memref<16x128xf32, #tpu.memory_space<vmem>>, vector<1x16xf32>,
    %swap3A_96 = arith.constant 2 : i32
    %swap3A_97 = arith.index_cast %swap3A_96 : i32 to index
    %swap3A_98 = arith.constant 0 : index
    %swap3A_99 = tpu.vector_load %arg7[%swap3A_97, %swap3A_98] {strides = array<i32>} : memref<16x128xf32, #tpu.memory_space<vmem>>, vector<1x16xf32>,
    %swap3A_100 = vector.shape_cast %swap3A_99 : vector<1x16xf32> to vector<16xf32>
    %swap3A_101 = vector.shape_cast %broadcast_in_dim3A_0 : vector<16xf32> to vector<1x16xf32>
    tpu.vector_store %arg7[%swap3A_97, %swap3A_98], %swap3A_101 {strides = array<i32>} : memref<16x128xf32, #tpu.memory_space<vmem>>, vector<1x16xf32>,
    %swap3A_102 = arith.constant 2 : i32
    %swap3A_103 = arith.index_cast %swap3A_102 : i32 to index
    %swap3A_104 = arith.constant 16 : index
    %swap3A_105 = tpu.vector_load %arg7[%swap3A_103, %swap3A_104] {strides = array<i32>} : memref<16x128xf32, #tpu.memory_space<vmem>>, vector<1x16xf32>,
    %swap3A_106 = vector.shape_cast %swap3A_105 : vector<1x16xf32> to vector<16xf32>
    %swap3A_107 = vector.shape_cast %broadcast_in_dim3A_0 : vector<16xf32> to vector<1x16xf32>
    tpu.vector_store %arg7[%swap3A_103, %swap3A_104], %swap3A_107 {strides = array<i32>} : memref<16x128xf32, #tpu.memory_space<vmem>>, vector<1x16xf32>,
    %swap3A_108 = arith.constant 2 : i32
    %swap3A_109 = arith.index_cast %swap3A_108 : i32 to index
    %swap3A_110 = arith.constant 32 : index
    %swap3A_111 = tpu.vector_load %arg7[%swap3A_109, %swap3A_110] {strides = array<i32>} : memref<16x128xf32, #tpu.memory_space<vmem>>, vector<1x16xf32>,
    %swap3A_112 = vector.shape_cast %swap3A_111 : vector<1x16xf32> to vector<16xf32>
    %swap3A_113 = vector.shape_cast %broadcast_in_dim3A_0 : vector<16xf32> to vector<1x16xf32>
    tpu.vector_store %arg7[%swap3A_109, %swap3A_110], %swap3A_113 {strides = array<i32>} : memref<16x128xf32, #tpu.memory_space<vmem>>, vector<1x16xf32>,
    %swap3A_114 = arith.constant 2 : i32
    %swap3A_115 = arith.index_cast %swap3A_114 : i32 to index
    %swap3A_116 = arith.constant 48 : index
    %swap3A_117 = tpu.vector_load %arg7[%swap3A_115, %swap3A_116] {strides = array<i32>} : memref<16x128xf32, #tpu.memory_space<vmem>>, vector<1x16xf32>,
    %swap3A_118 = vector.shape_cast %swap3A_117 : vector<1x16xf32> to vector<16xf32>
    %swap3A_119 = vector.shape_cast %broadcast_in_dim3A_0 : vector<16xf32> to vector<1x16xf32>
    tpu.vector_store %arg7[%swap3A_115, %swap3A_116], %swap3A_119 {strides = array<i32>} : memref<16x128xf32, #tpu.memory_space<vmem>>, vector<1x16xf32>,
    %swap3A_120 = arith.constant 2 : i32
    %swap3A_121 = arith.index_cast %swap3A_120 : i32 to index
    %swap3A_122 = arith.constant 64 : index
    %swap3A_123 = tpu.vector_load %arg7[%swap3A_121, %swap3A_122] {strides = array<i32>} : memref<16x128xf32, #tpu.memory_space<vmem>>, vector<1x16xf32>,
    %swap3A_124 = vector.shape_cast %swap3A_123 : vector<1x16xf32> to vector<16xf32>
    %swap3A_125 = vector.shape_cast %broadcast_in_dim3A_0 : vector<16xf32> to vector<1x16xf32>
    tpu.vector_store %arg7[%swap3A_121, %swap3A_122], %swap3A_125 {strides = array<i32>} : memref<16x128xf32, #tpu.memory_space<vmem>>, vector<1x16xf32>,
    %swap3A_126 = arith.constant 2 : i32
    %swap3A_127 = arith.index_cast %swap3A_126 : i32 to index
    %swap3A_128 = arith.constant 80 : index
    %swap3A_129 = tpu.vector_load %arg7[%swap3A_127, %swap3A_128] {strides = array<i32>} : memref<16x128xf32, #tpu.memory_space<vmem>>, vector<1x16xf32>,
    %swap3A_130 = vector.shape_cast %swap3A_129 : vector<1x16xf32> to vector<16xf32>
    %swap3A_131 = vector.shape_cast %broadcast_in_dim3A_0 : vector<16xf32> to vector<1x16xf32>
    tpu.vector_store %arg7[%swap3A_127, %swap3A_128], %swap3A_131 {strides = array<i32>} : memref<16x128xf32, #tpu.memory_space<vmem>>, vector<1x16xf32>,
    %swap3A_132 = arith.constant 2 : i32
    %swap3A_133 = arith.index_cast %swap3A_132 : i32 to index
    %swap3A_134 = arith.constant 96 : index
    %swap3A_135 = tpu.vector_load %arg7[%swap3A_133, %swap3A_134] {strides = array<i32>} : memref<16x128xf32, #tpu.memory_space<vmem>>, vector<1x16xf32>,
    %swap3A_136 = vector.shape_cast %swap3A_135 : vector<1x16xf32> to vector<16xf32>
    %swap3A_137 = vector.shape_cast %broadcast_in_dim3A_0 : vector<16xf32> to vector<1x16xf32>
    tpu.vector_store %arg7[%swap3A_133, %swap3A_134], %swap3A_137 {strides = array<i32>} : memref<16x128xf32, #tpu.memory_space<vmem>>, vector<1x16xf32>,
    %swap3A_138 = arith.constant 2 : i32
    %swap3A_139 = arith.index_cast %swap3A_138 : i32 to index
    %swap3A_140 = arith.constant 112 : index
    %swap3A_141 = tpu.vector_load %arg7[%swap3A_139, %swap3A_140] {strides = array<i32>} : memref<16x128xf32, #tpu.memory_space<vmem>>, vector<1x16xf32>,
    %swap3A_142 = vector.shape_cast %swap3A_141 : vector<1x16xf32> to vector<16xf32>
    %swap3A_143 = vector.shape_cast %broadcast_in_dim3A_0 : vector<16xf32> to vector<1x16xf32>
    tpu.vector_store %arg7[%swap3A_139, %swap3A_140], %swap3A_143 {strides = array<i32>} : memref<16x128xf32, #tpu.memory_space<vmem>>, vector<1x16xf32>,
    %swap3A_144 = arith.constant 3 : i32
    %swap3A_145 = arith.index_cast %swap3A_144 : i32 to index
    %swap3A_146 = arith.constant 0 : index
    %swap3A_147 = tpu.vector_load %arg7[%swap3A_145, %swap3A_146] {strides = array<i32>} : memref<16x128xf32, #tpu.memory_space<vmem>>, vector<1x16xf32>,
    %swap3A_148 = vector.shape_cast %swap3A_147 : vector<1x16xf32> to vector<16xf32>
    %swap3A_149 = vector.shape_cast %broadcast_in_dim3A_0 : vector<16xf32> to vector<1x16xf32>
    tpu.vector_store %arg7[%swap3A_145, %swap3A_146], %swap3A_149 {strides = array<i32>} : memref<16x128xf32, #tpu.memory_space<vmem>>, vector<1x16xf32>,
    %swap3A_150 = arith.constant 3 : i32
    %swap3A_151 = arith.index_cast %swap3A_150 : i32 to index
    %swap3A_152 = arith.constant 16 : index
    %swap3A_153 = tpu.vector_load %arg7[%swap3A_151, %swap3A_152] {strides = array<i32>} : memref<16x128xf32, #tpu.memory_space<vmem>>, vector<1x16xf32>,
    %swap3A_154 = vector.shape_cast %swap3A_153 : vector<1x16xf32> to vector<16xf32>
    %swap3A_155 = vector.shape_cast %broadcast_in_dim3A_0 : vector<16xf32> to vector<1x16xf32>
    tpu.vector_store %arg7[%swap3A_151, %swap3A_152], %swap3A_155 {strides = array<i32>} : memref<16x128xf32, #tpu.memory_space<vmem>>, vector<1x16xf32>,
    %swap3A_156 = arith.constant 3 : i32
    %swap3A_157 = arith.index_cast %swap3A_156 : i32 to index
    %swap3A_158 = arith.constant 32 : index
    %swap3A_159 = tpu.vector_load %arg7[%swap3A_157, %swap3A_158] {strides = array<i32>} : memref<16x128xf32, #tpu.memory_space<vmem>>, vector<1x16xf32>,
    %swap3A_160 = vector.shape_cast %swap3A_159 : vector<1x16xf32> to vector<16xf32>
    %swap3A_161 = vector.shape_cast %broadcast_in_dim3A_0 : vector<16xf32> to vector<1x16xf32>
    tpu.vector_store %arg7[%swap3A_157, %swap3A_158], %swap3A_161 {strides = array<i32>} : memref<16x128xf32, #tpu.memory_space<vmem>>, vector<1x16xf32>,
    %swap3A_162 = arith.constant 3 : i32
    %swap3A_163 = arith.index_cast %swap3A_162 : i32 to index
    %swap3A_164 = arith.constant 48 : index
    %swap3A_165 = tpu.vector_load %arg7[%swap3A_163, %swap3A_164] {strides = array<i32>} : memref<16x128xf32, #tpu.memory_space<vmem>>, vector<1x16xf32>,
    %swap3A_166 = vector.shape_cast %swap3A_165 : vector<1x16xf32> to vector<16xf32>
    %swap3A_167 = vector.shape_cast %broadcast_in_dim3A_0 : vector<16xf32> to vector<1x16xf32>
    tpu.vector_store %arg7[%swap3A_163, %swap3A_164], %swap3A_167 {strides = array<i32>} : memref<16x128xf32, #tpu.memory_space<vmem>>, vector<1x16xf32>,
    %swap3A_168 = arith.constant 3 : i32
    %swap3A_169 = arith.index_cast %swap3A_168 : i32 to index
    %swap3A_170 = arith.constant 64 : index
    %swap3A_171 = tpu.vector_load %arg7[%swap3A_169, %swap3A_170] {strides = array<i32>} : memref<16x128xf32, #tpu.memory_space<vmem>>, vector<1x16xf32>,
    %swap3A_172 = vector.shape_cast %swap3A_171 : vector<1x16xf32> to vector<16xf32>
    %swap3A_173 = vector.shape_cast %broadcast_in_dim3A_0 : vector<16xf32> to vector<1x16xf32>
    tpu.vector_store %arg7[%swap3A_169, %swap3A_170], %swap3A_173 {strides = array<i32>} : memref<16x128xf32, #tpu.memory_space<vmem>>, vector<1x16xf32>,
    %swap3A_174 = arith.constant 3 : i32
    %swap3A_175 = arith.index_cast %swap3A_174 : i32 to index
    %swap3A_176 = arith.constant 80 : index
    %swap3A_177 = tpu.vector_load %arg7[%swap3A_175, %swap3A_176] {strides = array<i32>} : memref<16x128xf32, #tpu.memory_space<vmem>>, vector<1x16xf32>,
    %swap3A_178 = vector.shape_cast %swap3A_177 : vector<1x16xf32> to vector<16xf32>
    %swap3A_179 = vector.shape_cast %broadcast_in_dim3A_0 : vector<16xf32> to vector<1x16xf32>
    tpu.vector_store %arg7[%swap3A_175, %swap3A_176], %swap3A_179 {strides = array<i32>} : memref<16x128xf32, #tpu.memory_space<vmem>>, vector<1x16xf32>,
    %swap3A_180 = arith.constant 3 : i32
    %swap3A_181 = arith.index_cast %swap3A_180 : i32 to index
    %swap3A_182 = arith.constant 96 : index
    %swap3A_183 = tpu.vector_load %arg7[%swap3A_181, %swap3A_182] {strides = array<i32>} : memref<16x128xf32, #tpu.memory_space<vmem>>, vector<1x16xf32>,
    %swap3A_184 = vector.shape_cast %swap3A_183 : vector<1x16xf32> to vector<16xf32>
    %swap3A_185 = vector.shape_cast %broadcast_in_dim3A_0 : vector<16xf32> to vector<1x16xf32>
    tpu.vector_store %arg7[%swap3A_181, %swap3A_182], %swap3A_185 {strides = array<i32>} : memref<16x128xf32, #tpu.memory_space<vmem>>, vector<1x16xf32>,
    %swap3A_186 = arith.constant 3 : i32
    %swap3A_187 = arith.index_cast %swap3A_186 : i32 to index
    %swap3A_188 = arith.constant 112 : index
    %swap3A_189 = tpu.vector_load %arg7[%swap3A_187, %swap3A_188] {strides = array<i32>} : memref<16x128xf32, #tpu.memory_space<vmem>>, vector<1x16xf32>,
    %swap3A_190 = vector.shape_cast %swap3A_189 : vector<1x16xf32> to vector<16xf32>
    %swap3A_191 = vector.shape_cast %broadcast_in_dim3A_0 : vector<16xf32> to vector<1x16xf32>
    tpu.vector_store %arg7[%swap3A_187, %swap3A_188], %swap3A_191 {strides = array<i32>} : memref<16x128xf32, #tpu.memory_space<vmem>>, vector<1x16xf32>,
    %swap3A_192 = arith.constant 4 : i32
    %swap3A_193 = arith.index_cast %swap3A_192 : i32 to index
    %swap3A_194 = arith.constant 0 : index
    %swap3A_195 = tpu.vector_load %arg7[%swap3A_193, %swap3A_194] {strides = array<i32>} : memref<16x128xf32, #tpu.memory_space<vmem>>, vector<1x16xf32>,
    %swap3A_196 = vector.shape_cast %swap3A_195 : vector<1x16xf32> to vector<16xf32>
    %swap3A_197 = vector.shape_cast %broadcast_in_dim3A_0 : vector<16xf32> to vector<1x16xf32>
    tpu.vector_store %arg7[%swap3A_193, %swap3A_194], %swap3A_197 {strides = array<i32>} : memref<16x128xf32, #tpu.memory_space<vmem>>, vector<1x16xf32>,
    %swap3A_198 = arith.constant 4 : i32
    %swap3A_199 = arith.index_cast %swap3A_198 : i32 to index
    %swap3A_200 = arith.constant 16 : index
    %swap3A_201 = tpu.vector_load %arg7[%swap3A_199, %swap3A_200] {strides = array<i32>} : memref<16x128xf32, #tpu.memory_space<vmem>>, vector<1x16xf32>,
    %swap3A_202 = vector.shape_cast %swap3A_201 : vector<1x16xf32> to vector<16xf32>
    %swap3A_203 = vector.shape_cast %broadcast_in_dim3A_0 : vector<16xf32> to vector<1x16xf32>
    tpu.vector_store %arg7[%swap3A_199, %swap3A_200], %swap3A_203 {strides = array<i32>} : memref<16x128xf32, #tpu.memory_space<vmem>>, vector<1x16xf32>,
    %swap3A_204 = arith.constant 4 : i32
    %swap3A_205 = arith.index_cast %swap3A_204 : i32 to index
    %swap3A_206 = arith.constant 32 : index
    %swap3A_207 = tpu.vector_load %arg7[%swap3A_205, %swap3A_206] {strides = array<i32>} : memref<16x128xf32, #tpu.memory_space<vmem>>, vector<1x16xf32>,
    %swap3A_208 = vector.shape_cast %swap3A_207 : vector<1x16xf32> to vector<16xf32>
    %swap3A_209 = vector.shape_cast %broadcast_in_dim3A_0 : vector<16xf32> to vector<1x16xf32>
    tpu.vector_store %arg7[%swap3A_205, %swap3A_206], %swap3A_209 {strides = array<i32>} : memref<16x128xf32, #tpu.memory_space<vmem>>, vector<1x16xf32>,
    %swap3A_210 = arith.constant 4 : i32
    %swap3A_211 = arith.index_cast %swap3A_210 : i32 to index
    %swap3A_212 = arith.constant 48 : index
    %swap3A_213 = tpu.vector_load %arg7[%swap3A_211, %swap3A_212] {strides = array<i32>} : memref<16x128xf32, #tpu.memory_space<vmem>>, vector<1x16xf32>,
    %swap3A_214 = vector.shape_cast %swap3A_213 : vector<1x16xf32> to vector<16xf32>
    %swap3A_215 = vector.shape_cast %broadcast_in_dim3A_0 : vector<16xf32> to vector<1x16xf32>
    tpu.vector_store %arg7[%swap3A_211, %swap3A_212], %swap3A_215 {strides = array<i32>} : memref<16x128xf32, #tpu.memory_space<vmem>>, vector<1x16xf32>,
    %swap3A_216 = arith.constant 4 : i32
    %swap3A_217 = arith.index_cast %swap3A_216 : i32 to index
    %swap3A_218 = arith.constant 64 : index
    %swap3A_219 = tpu.vector_load %arg7[%swap3A_217, %swap3A_218] {strides = array<i32>} : memref<16x128xf32, #tpu.memory_space<vmem>>, vector<1x16xf32>,
    %swap3A_220 = vector.shape_cast %swap3A_219 : vector<1x16xf32> to vector<16xf32>
    %swap3A_221 = vector.shape_cast %broadcast_in_dim3A_0 : vector<16xf32> to vector<1x16xf32>
    tpu.vector_store %arg7[%swap3A_217, %swap3A_218], %swap3A_221 {strides = array<i32>} : memref<16x128xf32, #tpu.memory_space<vmem>>, vector<1x16xf32>,
    %swap3A_222 = arith.constant 4 : i32
    %swap3A_223 = arith.index_cast %swap3A_222 : i32 to index
    %swap3A_224 = arith.constant 80 : index
    %swap3A_225 = tpu.vector_load %arg7[%swap3A_223, %swap3A_224] {strides = array<i32>} : memref<16x128xf32, #tpu.memory_space<vmem>>, vector<1x16xf32>,
    %swap3A_226 = vector.shape_cast %swap3A_225 : vector<1x16xf32> to vector<16xf32>
    %swap3A_227 = vector.shape_cast %broadcast_in_dim3A_0 : vector<16xf32> to vector<1x16xf32>
    tpu.vector_store %arg7[%swap3A_223, %swap3A_224], %swap3A_227 {strides = array<i32>} : memref<16x128xf32, #tpu.memory_space<vmem>>, vector<1x16xf32>,
    %swap3A_228 = arith.constant 4 : i32
    %swap3A_229 = arith.index_cast %swap3A_228 : i32 to index
    %swap3A_230 = arith.constant 96 : index
    %swap3A_231 = tpu.vector_load %arg7[%swap3A_229, %swap3A_230] {strides = array<i32>} : memref<16x128xf32, #tpu.memory_space<vmem>>, vector<1x16xf32>,
    %swap3A_232 = vector.shape_cast %swap3A_231 : vector<1x16xf32> to vector<16xf32>
    %swap3A_233 = vector.shape_cast %broadcast_in_dim3A_0 : vector<16xf32> to vector<1x16xf32>
    tpu.vector_store %arg7[%swap3A_229, %swap3A_230], %swap3A_233 {strides = array<i32>} : memref<16x128xf32, #tpu.memory_space<vmem>>, vector<1x16xf32>,
    %swap3A_234 = arith.constant 4 : i32
    %swap3A_235 = arith.index_cast %swap3A_234 : i32 to index
    %swap3A_236 = arith.constant 112 : index
    %swap3A_237 = tpu.vector_load %arg7[%swap3A_235, %swap3A_236] {strides = array<i32>} : memref<16x128xf32, #tpu.memory_space<vmem>>, vector<1x16xf32>,
    %swap3A_238 = vector.shape_cast %swap3A_237 : vector<1x16xf32> to vector<16xf32>
    %swap3A_239 = vector.shape_cast %broadcast_in_dim3A_0 : vector<16xf32> to vector<1x16xf32>
    tpu.vector_store %arg7[%swap3A_235, %swap3A_236], %swap3A_239 {strides = array<i32>} : memref<16x128xf32, #tpu.memory_space<vmem>>, vector<1x16xf32>,
    %swap3A_240 = arith.constant 5 : i32
    %swap3A_241 = arith.index_cast %swap3A_240 : i32 to index
    %swap3A_242 = arith.constant 0 : index
    %swap3A_243 = tpu.vector_load %arg7[%swap3A_241, %swap3A_242] {strides = array<i32>} : memref<16x128xf32, #tpu.memory_space<vmem>>, vector<1x16xf32>,
    %swap3A_244 = vector.shape_cast %swap3A_243 : vector<1x16xf32> to vector<16xf32>
    %swap3A_245 = vector.shape_cast %broadcast_in_dim3A_0 : vector<16xf32> to vector<1x16xf32>
    tpu.vector_store %arg7[%swap3A_241, %swap3A_242], %swap3A_245 {strides = array<i32>} : memref<16x128xf32, #tpu.memory_space<vmem>>, vector<1x16xf32>,
    %swap3A_246 = arith.constant 5 : i32
    %swap3A_247 = arith.index_cast %swap3A_246 : i32 to index
    %swap3A_248 = arith.constant 16 : index
    %swap3A_249 = tpu.vector_load %arg7[%swap3A_247, %swap3A_248] {strides = array<i32>} : memref<16x128xf32, #tpu.memory_space<vmem>>, vector<1x16xf32>,
    %swap3A_250 = vector.shape_cast %swap3A_249 : vector<1x16xf32> to vector<16xf32>
    %swap3A_251 = vector.shape_cast %broadcast_in_dim3A_0 : vector<16xf32> to vector<1x16xf32>
    tpu.vector_store %arg7[%swap3A_247, %swap3A_248], %swap3A_251 {strides = array<i32>} : memref<16x128xf32, #tpu.memory_space<vmem>>, vector<1x16xf32>,
    %swap3A_252 = arith.constant 5 : i32
    %swap3A_253 = arith.index_cast %swap3A_252 : i32 to index
    %swap3A_254 = arith.constant 32 : index
    %swap3A_255 = tpu.vector_load %arg7[%swap3A_253, %swap3A_254] {strides = array<i32>} : memref<16x128xf32, #tpu.memory_space<vmem>>, vector<1x16xf32>,
    %swap3A_256 = vector.shape_cast %swap3A_255 : vector<1x16xf32> to vector<16xf32>
    %swap3A_257 = vector.shape_cast %broadcast_in_dim3A_0 : vector<16xf32> to vector<1x16xf32>
    tpu.vector_store %arg7[%swap3A_253, %swap3A_254], %swap3A_257 {strides = array<i32>} : memref<16x128xf32, #tpu.memory_space<vmem>>, vector<1x16xf32>,
    %swap3A_258 = arith.constant 5 : i32
    %swap3A_259 = arith.index_cast %swap3A_258 : i32 to index
    %swap3A_260 = arith.constant 48 : index
    %swap3A_261 = tpu.vector_load %arg7[%swap3A_259, %swap3A_260] {strides = array<i32>} : memref<16x128xf32, #tpu.memory_space<vmem>>, vector<1x16xf32>,
    %swap3A_262 = vector.shape_cast %swap3A_261 : vector<1x16xf32> to vector<16xf32>
    %swap3A_263 = vector.shape_cast %broadcast_in_dim3A_0 : vector<16xf32> to vector<1x16xf32>
    tpu.vector_store %arg7[%swap3A_259, %swap3A_260], %swap3A_263 {strides = array<i32>} : memref<16x128xf32, #tpu.memory_space<vmem>>, vector<1x16xf32>,
    %swap3A_264 = arith.constant 5 : i32
    %swap3A_265 = arith.index_cast %swap3A_264 : i32 to index
    %swap3A_266 = arith.constant 64 : index
    %swap3A_267 = tpu.vector_load %arg7[%swap3A_265, %swap3A_266] {strides = array<i32>} : memref<16x128xf32, #tpu.memory_space<vmem>>, vector<1x16xf32>,
    %swap3A_268 = vector.shape_cast %swap3A_267 : vector<1x16xf32> to vector<16xf32>
    %swap3A_269 = vector.shape_cast %broadcast_in_dim3A_0 : vector<16xf32> to vector<1x16xf32>
    tpu.vector_store %arg7[%swap3A_265, %swap3A_266], %swap3A_269 {strides = array<i32>} : memref<16x128xf32, #tpu.memory_space<vmem>>, vector<1x16xf32>,
    %swap3A_270 = arith.constant 5 : i32
    %swap3A_271 = arith.index_cast %swap3A_270 : i32 to index
    %swap3A_272 = arith.constant 80 : index
    %swap3A_273 = tpu.vector_load %arg7[%swap3A_271, %swap3A_272] {strides = array<i32>} : memref<16x128xf32, #tpu.memory_space<vmem>>, vector<1x16xf32>,
    %swap3A_274 = vector.shape_cast %swap3A_273 : vector<1x16xf32> to vector<16xf32>
    %swap3A_275 = vector.shape_cast %broadcast_in_dim3A_0 : vector<16xf32> to vector<1x16xf32>
    tpu.vector_store %arg7[%swap3A_271, %swap3A_272], %swap3A_275 {strides = array<i32>} : memref<16x128xf32, #tpu.memory_space<vmem>>, vector<1x16xf32>,
    %swap3A_276 = arith.constant 5 : i32
    %swap3A_277 = arith.index_cast %swap3A_276 : i32 to index
    %swap3A_278 = arith.constant 96 : index
    %swap3A_279 = tpu.vector_load %arg7[%swap3A_277, %swap3A_278] {strides = array<i32>} : memref<16x128xf32, #tpu.memory_space<vmem>>, vector<1x16xf32>,
    %swap3A_280 = vector.shape_cast %swap3A_279 : vector<1x16xf32> to vector<16xf32>
    %swap3A_281 = vector.shape_cast %broadcast_in_dim3A_0 : vector<16xf32> to vector<1x16xf32>
    tpu.vector_store %arg7[%swap3A_277, %swap3A_278], %swap3A_281 {strides = array<i32>} : memref<16x128xf32, #tpu.memory_space<vmem>>, vector<1x16xf32>,
    %swap3A_282 = arith.constant 5 : i32
    %swap3A_283 = arith.index_cast %swap3A_282 : i32 to index
    %swap3A_284 = arith.constant 112 : index
    %swap3A_285 = tpu.vector_load %arg7[%swap3A_283, %swap3A_284] {strides = array<i32>} : memref<16x128xf32, #tpu.memory_space<vmem>>, vector<1x16xf32>,
    %swap3A_286 = vector.shape_cast %swap3A_285 : vector<1x16xf32> to vector<16xf32>
    %swap3A_287 = vector.shape_cast %broadcast_in_dim3A_0 : vector<16xf32> to vector<1x16xf32>
    tpu.vector_store %arg7[%swap3A_283, %swap3A_284], %swap3A_287 {strides = array<i32>} : memref<16x128xf32, #tpu.memory_space<vmem>>, vector<1x16xf32>,
    %swap3A_288 = arith.constant 6 : i32
    %swap3A_289 = arith.index_cast %swap3A_288 : i32 to index
    %swap3A_290 = arith.constant 0 : index
    %swap3A_291 = tpu.vector_load %arg7[%swap3A_289, %swap3A_290] {strides = array<i32>} : memref<16x128xf32, #tpu.memory_space<vmem>>, vector<1x16xf32>,
    %swap3A_292 = vector.shape_cast %swap3A_291 : vector<1x16xf32> to vector<16xf32>
    %swap3A_293 = vector.shape_cast %broadcast_in_dim3A_0 : vector<16xf32> to vector<1x16xf32>
    tpu.vector_store %arg7[%swap3A_289, %swap3A_290], %swap3A_293 {strides = array<i32>} : memref<16x128xf32, #tpu.memory_space<vmem>>, vector<1x16xf32>,
    %swap3A_294 = arith.constant 6 : i32
    %swap3A_295 = arith.index_cast %swap3A_294 : i32 to index
    %swap3A_296 = arith.constant 16 : index
    %swap3A_297 = tpu.vector_load %arg7[%swap3A_295, %swap3A_296] {strides = array<i32>} : memref<16x128xf32, #tpu.memory_space<vmem>>, vector<1x16xf32>,
    %swap3A_298 = vector.shape_cast %swap3A_297 : vector<1x16xf32> to vector<16xf32>
    %swap3A_299 = vector.shape_cast %broadcast_in_dim3A_0 : vector<16xf32> to vector<1x16xf32>
    tpu.vector_store %arg7[%swap3A_295, %swap3A_296], %swap3A_299 {strides = array<i32>} : memref<16x128xf32, #tpu.memory_space<vmem>>, vector<1x16xf32>,
    %swap3A_300 = arith.constant 6 : i32
    %swap3A_301 = arith.index_cast %swap3A_300 : i32 to index
    %swap3A_302 = arith.constant 32 : index
    %swap3A_303 = tpu.vector_load %arg7[%swap3A_301, %swap3A_302] {strides = array<i32>} : memref<16x128xf32, #tpu.memory_space<vmem>>, vector<1x16xf32>,
    %swap3A_304 = vector.shape_cast %swap3A_303 : vector<1x16xf32> to vector<16xf32>
    %swap3A_305 = vector.shape_cast %broadcast_in_dim3A_0 : vector<16xf32> to vector<1x16xf32>
    tpu.vector_store %arg7[%swap3A_301, %swap3A_302], %swap3A_305 {strides = array<i32>} : memref<16x128xf32, #tpu.memory_space<vmem>>, vector<1x16xf32>,
    %swap3A_306 = arith.constant 6 : i32
    %swap3A_307 = arith.index_cast %swap3A_306 : i32 to index
    %swap3A_308 = arith.constant 48 : index
    %swap3A_309 = tpu.vector_load %arg7[%swap3A_307, %swap3A_308] {strides = array<i32>} : memref<16x128xf32, #tpu.memory_space<vmem>>, vector<1x16xf32>,
    %swap3A_310 = vector.shape_cast %swap3A_309 : vector<1x16xf32> to vector<16xf32>
    %swap3A_311 = vector.shape_cast %broadcast_in_dim3A_0 : vector<16xf32> to vector<1x16xf32>
    tpu.vector_store %arg7[%swap3A_307, %swap3A_308], %swap3A_311 {strides = array<i32>} : memref<16x128xf32, #tpu.memory_space<vmem>>, vector<1x16xf32>,
    %swap3A_312 = arith.constant 6 : i32
    %swap3A_313 = arith.index_cast %swap3A_312 : i32 to index
    %swap3A_314 = arith.constant 64 : index
    %swap3A_315 = tpu.vector_load %arg7[%swap3A_313, %swap3A_314] {strides = array<i32>} : memref<16x128xf32, #tpu.memory_space<vmem>>, vector<1x16xf32>,
    %swap3A_316 = vector.shape_cast %swap3A_315 : vector<1x16xf32> to vector<16xf32>
    %swap3A_317 = vector.shape_cast %broadcast_in_dim3A_0 : vector<16xf32> to vector<1x16xf32>
    tpu.vector_store %arg7[%swap3A_313, %swap3A_314], %swap3A_317 {strides = array<i32>} : memref<16x128xf32, #tpu.memory_space<vmem>>, vector<1x16xf32>,
    %swap3A_318 = arith.constant 6 : i32
    %swap3A_319 = arith.index_cast %swap3A_318 : i32 to index
    %swap3A_320 = arith.constant 80 : index
    %swap3A_321 = tpu.vector_load %arg7[%swap3A_319, %swap3A_320] {strides = array<i32>} : memref<16x128xf32, #tpu.memory_space<vmem>>, vector<1x16xf32>,
    %swap3A_322 = vector.shape_cast %swap3A_321 : vector<1x16xf32> to vector<16xf32>
    %swap3A_323 = vector.shape_cast %broadcast_in_dim3A_0 : vector<16xf32> to vector<1x16xf32>
    tpu.vector_store %arg7[%swap3A_319, %swap3A_320], %swap3A_323 {strides = array<i32>} : memref<16x128xf32, #tpu.memory_space<vmem>>, vector<1x16xf32>,
    %swap3A_324 = arith.constant 6 : i32
    %swap3A_325 = arith.index_cast %swap3A_324 : i32 to index
    %swap3A_326 = arith.constant 96 : index
    %swap3A_327 = tpu.vector_load %arg7[%swap3A_325, %swap3A_326] {strides = array<i32>} : memref<16x128xf32, #tpu.memory_space<vmem>>, vector<1x16xf32>,
    %swap3A_328 = vector.shape_cast %swap3A_327 : vector<1x16xf32> to vector<16xf32>
    %swap3A_329 = vector.shape_cast %broadcast_in_dim3A_0 : vector<16xf32> to vector<1x16xf32>
    tpu.vector_store %arg7[%swap3A_325, %swap3A_326], %swap3A_329 {strides = array<i32>} : memref<16x128xf32, #tpu.memory_space<vmem>>, vector<1x16xf32>,
    %swap3A_330 = arith.constant 6 : i32
    %swap3A_331 = arith.index_cast %swap3A_330 : i32 to index
    %swap3A_332 = arith.constant 112 : index
    %swap3A_333 = tpu.vector_load %arg7[%swap3A_331, %swap3A_332] {strides = array<i32>} : memref<16x128xf32, #tpu.memory_space<vmem>>, vector<1x16xf32>,
    %swap3A_334 = vector.shape_cast %swap3A_333 : vector<1x16xf32> to vector<16xf32>
    %swap3A_335 = vector.shape_cast %broadcast_in_dim3A_0 : vector<16xf32> to vector<1x16xf32>
    tpu.vector_store %arg7[%swap3A_331, %swap3A_332], %swap3A_335 {strides = array<i32>} : memref<16x128xf32, #tpu.memory_space<vmem>>, vector<1x16xf32>,
    %swap3A_336 = arith.constant 7 : i32
    %swap3A_337 = arith.index_cast %swap3A_336 : i32 to index
    %swap3A_338 = arith.constant 0 : index
    %swap3A_339 = tpu.vector_load %arg7[%swap3A_337, %swap3A_338] {strides = array<i32>} : memref<16x128xf32, #tpu.memory_space<vmem>>, vector<1x16xf32>,
    %swap3A_340 = vector.shape_cast %swap3A_339 : vector<1x16xf32> to vector<16xf32>
    %swap3A_341 = vector.shape_cast %broadcast_in_dim3A_0 : vector<16xf32> to vector<1x16xf32>
    tpu.vector_store %arg7[%swap3A_337, %swap3A_338], %swap3A_341 {strides = array<i32>} : memref<16x128xf32, #tpu.memory_space<vmem>>, vector<1x16xf32>,
    %swap3A_342 = arith.constant 7 : i32
    %swap3A_343 = arith.index_cast %swap3A_342 : i32 to index
    %swap3A_344 = arith.constant 16 : index
    %swap3A_345 = tpu.vector_load %arg7[%swap3A_343, %swap3A_344] {strides = array<i32>} : memref<16x128xf32, #tpu.memory_space<vmem>>, vector<1x16xf32>,
    %swap3A_346 = vector.shape_cast %swap3A_345 : vector<1x16xf32> to vector<16xf32>
    %swap3A_347 = vector.shape_cast %broadcast_in_dim3A_0 : vector<16xf32> to vector<1x16xf32>
    tpu.vector_store %arg7[%swap3A_343, %swap3A_344], %swap3A_347 {strides = array<i32>} : memref<16x128xf32, #tpu.memory_space<vmem>>, vector<1x16xf32>,
    %swap3A_348 = arith.constant 7 : i32
    %swap3A_349 = arith.index_cast %swap3A_348 : i32 to index
    %swap3A_350 = arith.constant 32 : index
    %swap3A_351 = tpu.vector_load %arg7[%swap3A_349, %swap3A_350] {strides = array<i32>} : memref<16x128xf32, #tpu.memory_space<vmem>>, vector<1x16xf32>,
    %swap3A_352 = vector.shape_cast %swap3A_351 : vector<1x16xf32> to vector<16xf32>
    %swap3A_353 = vector.shape_cast %broadcast_in_dim3A_0 : vector<16xf32> to vector<1x16xf32>
    tpu.vector_store %arg7[%swap3A_349, %swap3A_350], %swap3A_353 {strides = array<i32>} : memref<16x128xf32, #tpu.memory_space<vmem>>, vector<1x16xf32>,
    %swap3A_354 = arith.constant 7 : i32
    %swap3A_355 = arith.index_cast %swap3A_354 : i32 to index
    %swap3A_356 = arith.constant 48 : index
    %swap3A_357 = tpu.vector_load %arg7[%swap3A_355, %swap3A_356] {strides = array<i32>} : memref<16x128xf32, #tpu.memory_space<vmem>>, vector<1x16xf32>,
    %swap3A_358 = vector.shape_cast %swap3A_357 : vector<1x16xf32> to vector<16xf32>
    %swap3A_359 = vector.shape_cast %broadcast_in_dim3A_0 : vector<16xf32> to vector<1x16xf32>
    tpu.vector_store %arg7[%swap3A_355, %swap3A_356], %swap3A_359 {strides = array<i32>} : memref<16x128xf32, #tpu.memory_space<vmem>>, vector<1x16xf32>,
    %swap3A_360 = arith.constant 7 : i32
    %swap3A_361 = arith.index_cast %swap3A_360 : i32 to index
    %swap3A_362 = arith.constant 64 : index
    %swap3A_363 = tpu.vector_load %arg7[%swap3A_361, %swap3A_362] {strides = array<i32>} : memref<16x128xf32, #tpu.memory_space<vmem>>, vector<1x16xf32>,
    %swap3A_364 = vector.shape_cast %swap3A_363 : vector<1x16xf32> to vector<16xf32>
    %swap3A_365 = vector.shape_cast %broadcast_in_dim3A_0 : vector<16xf32> to vector<1x16xf32>
    tpu.vector_store %arg7[%swap3A_361, %swap3A_362], %swap3A_365 {strides = array<i32>} : memref<16x128xf32, #tpu.memory_space<vmem>>, vector<1x16xf32>,
    %swap3A_366 = arith.constant 7 : i32
    %swap3A_367 = arith.index_cast %swap3A_366 : i32 to index
    %swap3A_368 = arith.constant 80 : index
    %swap3A_369 = tpu.vector_load %arg7[%swap3A_367, %swap3A_368] {strides = array<i32>} : memref<16x128xf32, #tpu.memory_space<vmem>>, vector<1x16xf32>,
    %swap3A_370 = vector.shape_cast %swap3A_369 : vector<1x16xf32> to vector<16xf32>
    %swap3A_371 = vector.shape_cast %broadcast_in_dim3A_0 : vector<16xf32> to vector<1x16xf32>
    tpu.vector_store %arg7[%swap3A_367, %swap3A_368], %swap3A_371 {strides = array<i32>} : memref<16x128xf32, #tpu.memory_space<vmem>>, vector<1x16xf32>,
    %swap3A_372 = arith.constant 7 : i32
    %swap3A_373 = arith.index_cast %swap3A_372 : i32 to index
    %swap3A_374 = arith.constant 96 : index
    %swap3A_375 = tpu.vector_load %arg7[%swap3A_373, %swap3A_374] {strides = array<i32>} : memref<16x128xf32, #tpu.memory_space<vmem>>, vector<1x16xf32>,
    %swap3A_376 = vector.shape_cast %swap3A_375 : vector<1x16xf32> to vector<16xf32>
    %swap3A_377 = vector.shape_cast %broadcast_in_dim3A_0 : vector<16xf32> to vector<1x16xf32>
    tpu.vector_store %arg7[%swap3A_373, %swap3A_374], %swap3A_377 {strides = array<i32>} : memref<16x128xf32, #tpu.memory_space<vmem>>, vector<1x16xf32>,
    %swap3A_378 = arith.constant 7 : i32
    %swap3A_379 = arith.index_cast %swap3A_378 : i32 to index
    %swap3A_380 = arith.constant 112 : index
    %swap3A_381 = tpu.vector_load %arg7[%swap3A_379, %swap3A_380] {strides = array<i32>} : memref<16x128xf32, #tpu.memory_space<vmem>>, vector<1x16xf32>,
    %swap3A_382 = vector.shape_cast %swap3A_381 : vector<1x16xf32> to vector<16xf32>
    %swap3A_383 = vector.shape_cast %broadcast_in_dim3A_0 : vector<16xf32> to vector<1x16xf32>
    tpu.vector_store %arg7[%swap3A_379, %swap3A_380], %swap3A_383 {strides = array<i32>} : memref<16x128xf32, #tpu.memory_space<vmem>>, vector<1x16xf32>,
    %swap3A_384 = arith.constant 8 : i32
    %swap3A_385 = arith.index_cast %swap3A_384 : i32 to index
    %swap3A_386 = arith.constant 0 : index
    %swap3A_387 = tpu.vector_load %arg7[%swap3A_385, %swap3A_386] {strides = array<i32>} : memref<16x128xf32, #tpu.memory_space<vmem>>, vector<1x16xf32>,
    %swap3A_388 = vector.shape_cast %swap3A_387 : vector<1x16xf32> to vector<16xf32>
    %swap3A_389 = vector.shape_cast %broadcast_in_dim3A_0 : vector<16xf32> to vector<1x16xf32>
    tpu.vector_store %arg7[%swap3A_385, %swap3A_386], %swap3A_389 {strides = array<i32>} : memref<16x128xf32, #tpu.memory_space<vmem>>, vector<1x16xf32>,
    %swap3A_390 = arith.constant 8 : i32
    %swap3A_391 = arith.index_cast %swap3A_390 : i32 to index
    %swap3A_392 = arith.constant 16 : index
    %swap3A_393 = tpu.vector_load %arg7[%swap3A_391, %swap3A_392] {strides = array<i32>} : memref<16x128xf32, #tpu.memory_space<vmem>>, vector<1x16xf32>,
    %swap3A_394 = vector.shape_cast %swap3A_393 : vector<1x16xf32> to vector<16xf32>
    %swap3A_395 = vector.shape_cast %broadcast_in_dim3A_0 : vector<16xf32> to vector<1x16xf32>
    tpu.vector_store %arg7[%swap3A_391, %swap3A_392], %swap3A_395 {strides = array<i32>} : memref<16x128xf32, #tpu.memory_space<vmem>>, vector<1x16xf32>,
    %swap3A_396 = arith.constant 8 : i32
    %swap3A_397 = arith.index_cast %swap3A_396 : i32 to index
    %swap3A_398 = arith.constant 32 : index
    %swap3A_399 = tpu.vector_load %arg7[%swap3A_397, %swap3A_398] {strides = array<i32>} : memref<16x128xf32, #tpu.memory_space<vmem>>, vector<1x16xf32>,
    %swap3A_400 = vector.shape_cast %swap3A_399 : vector<1x16xf32> to vector<16xf32>
    %swap3A_401 = vector.shape_cast %broadcast_in_dim3A_0 : vector<16xf32> to vector<1x16xf32>
    tpu.vector_store %arg7[%swap3A_397, %swap3A_398], %swap3A_401 {strides = array<i32>} : memref<16x128xf32, #tpu.memory_space<vmem>>, vector<1x16xf32>,
    %swap3A_402 = arith.constant 8 : i32
    %swap3A_403 = arith.index_cast %swap3A_402 : i32 to index
    %swap3A_404 = arith.constant 48 : index
    %swap3A_405 = tpu.vector_load %arg7[%swap3A_403, %swap3A_404] {strides = array<i32>} : memref<16x128xf32, #tpu.memory_space<vmem>>, vector<1x16xf32>,
    %swap3A_406 = vector.shape_cast %swap3A_405 : vector<1x16xf32> to vector<16xf32>
    %swap3A_407 = vector.shape_cast %broadcast_in_dim3A_0 : vector<16xf32> to vector<1x16xf32>
    tpu.vector_store %arg7[%swap3A_403, %swap3A_404], %swap3A_407 {strides = array<i32>} : memref<16x128xf32, #tpu.memory_space<vmem>>, vector<1x16xf32>,
    %swap3A_408 = arith.constant 8 : i32
    %swap3A_409 = arith.index_cast %swap3A_408 : i32 to index
    %swap3A_410 = arith.constant 64 : index
    %swap3A_411 = tpu.vector_load %arg7[%swap3A_409, %swap3A_410] {strides = array<i32>} : memref<16x128xf32, #tpu.memory_space<vmem>>, vector<1x16xf32>,
    %swap3A_412 = vector.shape_cast %swap3A_411 : vector<1x16xf32> to vector<16xf32>
    %swap3A_413 = vector.shape_cast %broadcast_in_dim3A_0 : vector<16xf32> to vector<1x16xf32>
    tpu.vector_store %arg7[%swap3A_409, %swap3A_410], %swap3A_413 {strides = array<i32>} : memref<16x128xf32, #tpu.memory_space<vmem>>, vector<1x16xf32>,
    %swap3A_414 = arith.constant 8 : i32
    %swap3A_415 = arith.index_cast %swap3A_414 : i32 to index
    %swap3A_416 = arith.constant 80 : index
    %swap3A_417 = tpu.vector_load %arg7[%swap3A_415, %swap3A_416] {strides = array<i32>} : memref<16x128xf32, #tpu.memory_space<vmem>>, vector<1x16xf32>,
    %swap3A_418 = vector.shape_cast %swap3A_417 : vector<1x16xf32> to vector<16xf32>
    %swap3A_419 = vector.shape_cast %broadcast_in_dim3A_0 : vector<16xf32> to vector<1x16xf32>
    tpu.vector_store %arg7[%swap3A_415, %swap3A_416], %swap3A_419 {strides = array<i32>} : memref<16x128xf32, #tpu.memory_space<vmem>>, vector<1x16xf32>,
    %swap3A_420 = arith.constant 8 : i32
    %swap3A_421 = arith.index_cast %swap3A_420 : i32 to index
    %swap3A_422 = arith.constant 96 : index
    %swap3A_423 = tpu.vector_load %arg7[%swap3A_421, %swap3A_422] {strides = array<i32>} : memref<16x128xf32, #tpu.memory_space<vmem>>, vector<1x16xf32>,
    %swap3A_424 = vector.shape_cast %swap3A_423 : vector<1x16xf32> to vector<16xf32>
    %swap3A_425 = vector.shape_cast %broadcast_in_dim3A_0 : vector<16xf32> to vector<1x16xf32>
    tpu.vector_store %arg7[%swap3A_421, %swap3A_422], %swap3A_425 {strides = array<i32>} : memref<16x128xf32, #tpu.memory_space<vmem>>, vector<1x16xf32>,
    %swap3A_426 = arith.constant 8 : i32
    %swap3A_427 = arith.index_cast %swap3A_426 : i32 to index
    %swap3A_428 = arith.constant 112 : index
    %swap3A_429 = tpu.vector_load %arg7[%swap3A_427, %swap3A_428] {strides = array<i32>} : memref<16x128xf32, #tpu.memory_space<vmem>>, vector<1x16xf32>,
    %swap3A_430 = vector.shape_cast %swap3A_429 : vector<1x16xf32> to vector<16xf32>
    %swap3A_431 = vector.shape_cast %broadcast_in_dim3A_0 : vector<16xf32> to vector<1x16xf32>
    tpu.vector_store %arg7[%swap3A_427, %swap3A_428], %swap3A_431 {strides = array<i32>} : memref<16x128xf32, #tpu.memory_space<vmem>>, vector<1x16xf32>,
    %swap3A_432 = arith.constant 9 : i32
    %swap3A_433 = arith.index_cast %swap3A_432 : i32 to index
    %swap3A_434 = arith.constant 0 : index
    %swap3A_435 = tpu.vector_load %arg7[%swap3A_433, %swap3A_434] {strides = array<i32>} : memref<16x128xf32, #tpu.memory_space<vmem>>, vector<1x16xf32>,
    %swap3A_436 = vector.shape_cast %swap3A_435 : vector<1x16xf32> to vector<16xf32>
    %swap3A_437 = vector.shape_cast %broadcast_in_dim3A_0 : vector<16xf32> to vector<1x16xf32>
    tpu.vector_store %arg7[%swap3A_433, %swap3A_434], %swap3A_437 {strides = array<i32>} : memref<16x128xf32, #tpu.memory_space<vmem>>, vector<1x16xf32>,
    %swap3A_438 = arith.constant 9 : i32
    %swap3A_439 = arith.index_cast %swap3A_438 : i32 to index
    %swap3A_440 = arith.constant 16 : index
    %swap3A_441 = tpu.vector_load %arg7[%swap3A_439, %swap3A_440] {strides = array<i32>} : memref<16x128xf32, #tpu.memory_space<vmem>>, vector<1x16xf32>,
    %swap3A_442 = vector.shape_cast %swap3A_441 : vector<1x16xf32> to vector<16xf32>
    %swap3A_443 = vector.shape_cast %broadcast_in_dim3A_0 : vector<16xf32> to vector<1x16xf32>
    tpu.vector_store %arg7[%swap3A_439, %swap3A_440], %swap3A_443 {strides = array<i32>} : memref<16x128xf32, #tpu.memory_space<vmem>>, vector<1x16xf32>,
    %swap3A_444 = arith.constant 9 : i32
    %swap3A_445 = arith.index_cast %swap3A_444 : i32 to index
    %swap3A_446 = arith.constant 32 : index
    %swap3A_447 = tpu.vector_load %arg7[%swap3A_445, %swap3A_446] {strides = array<i32>} : memref<16x128xf32, #tpu.memory_space<vmem>>, vector<1x16xf32>,
    %swap3A_448 = vector.shape_cast %swap3A_447 : vector<1x16xf32> to vector<16xf32>
    %swap3A_449 = vector.shape_cast %broadcast_in_dim3A_0 : vector<16xf32> to vector<1x16xf32>
    tpu.vector_store %arg7[%swap3A_445, %swap3A_446], %swap3A_449 {strides = array<i32>} : memref<16x128xf32, #tpu.memory_space<vmem>>, vector<1x16xf32>,
    %swap3A_450 = arith.constant 9 : i32
    %swap3A_451 = arith.index_cast %swap3A_450 : i32 to index
    %swap3A_452 = arith.constant 48 : index
    %swap3A_453 = tpu.vector_load %arg7[%swap3A_451, %swap3A_452] {strides = array<i32>} : memref<16x128xf32, #tpu.memory_space<vmem>>, vector<1x16xf32>,
    %swap3A_454 = vector.shape_cast %swap3A_453 : vector<1x16xf32> to vector<16xf32>
    %swap3A_455 = vector.shape_cast %broadcast_in_dim3A_0 : vector<16xf32> to vector<1x16xf32>
    tpu.vector_store %arg7[%swap3A_451, %swap3A_452], %swap3A_455 {strides = array<i32>} : memref<16x128xf32, #tpu.memory_space<vmem>>, vector<1x16xf32>,
    %swap3A_456 = arith.constant 9 : i32
    %swap3A_457 = arith.index_cast %swap3A_456 : i32 to index
    %swap3A_458 = arith.constant 64 : index
    %swap3A_459 = tpu.vector_load %arg7[%swap3A_457, %swap3A_458] {strides = array<i32>} : memref<16x128xf32, #tpu.memory_space<vmem>>, vector<1x16xf32>,
    %swap3A_460 = vector.shape_cast %swap3A_459 : vector<1x16xf32> to vector<16xf32>
    %swap3A_461 = vector.shape_cast %broadcast_in_dim3A_0 : vector<16xf32> to vector<1x16xf32>
    tpu.vector_store %arg7[%swap3A_457, %swap3A_458], %swap3A_461 {strides = array<i32>} : memref<16x128xf32, #tpu.memory_space<vmem>>, vector<1x16xf32>,
    %swap3A_462 = arith.constant 9 : i32
    %swap3A_463 = arith.index_cast %swap3A_462 : i32 to index
    %swap3A_464 = arith.constant 80 : index
    %swap3A_465 = tpu.vector_load %arg7[%swap3A_463, %swap3A_464] {strides = array<i32>} : memref<16x128xf32, #tpu.memory_space<vmem>>, vector<1x16xf32>,
    %swap3A_466 = vector.shape_cast %swap3A_465 : vector<1x16xf32> to vector<16xf32>
    %swap3A_467 = vector.shape_cast %broadcast_in_dim3A_0 : vector<16xf32> to vector<1x16xf32>
    tpu.vector_store %arg7[%swap3A_463, %swap3A_464], %swap3A_467 {strides = array<i32>} : memref<16x128xf32, #tpu.memory_space<vmem>>, vector<1x16xf32>,
    %swap3A_468 = arith.constant 9 : i32
    %swap3A_469 = arith.index_cast %swap3A_468 : i32 to index
    %swap3A_470 = arith.constant 96 : index
    %swap3A_471 = tpu.vector_load %arg7[%swap3A_469, %swap3A_470] {strides = array<i32>} : memref<16x128xf32, #tpu.memory_space<vmem>>, vector<1x16xf32>,
    %swap3A_472 = vector.shape_cast %swap3A_471 : vector<1x16xf32> to vector<16xf32>
    %swap3A_473 = vector.shape_cast %broadcast_in_dim3A_0 : vector<16xf32> to vector<1x16xf32>
    tpu.vector_store %arg7[%swap3A_469, %swap3A_470], %swap3A_473 {strides = array<i32>} : memref<16x128xf32, #tpu.memory_space<vmem>>, vector<1x16xf32>,
    %swap3A_474 = arith.constant 9 : i32
    %swap3A_475 = arith.index_cast %swap3A_474 : i32 to index
    %swap3A_476 = arith.constant 112 : index
    %swap3A_477 = tpu.vector_load %arg7[%swap3A_475, %swap3A_476] {strides = array<i32>} : memref<16x128xf32, #tpu.memory_space<vmem>>, vector<1x16xf32>,
    %swap3A_478 = vector.shape_cast %swap3A_477 : vector<1x16xf32> to vector<16xf32>
    %swap3A_479 = vector.shape_cast %broadcast_in_dim3A_0 : vector<16xf32> to vector<1x16xf32>
    tpu.vector_store %arg7[%swap3A_475, %swap3A_476], %swap3A_479 {strides = array<i32>} : memref<16x128xf32, #tpu.memory_space<vmem>>, vector<1x16xf32>,
    %swap3A_480 = arith.constant 10 : i32
    %swap3A_481 = arith.index_cast %swap3A_480 : i32 to index
    %swap3A_482 = arith.constant 0 : index
    %swap3A_483 = tpu.vector_load %arg7[%swap3A_481, %swap3A_482] {strides = array<i32>} : memref<16x128xf32, #tpu.memory_space<vmem>>, vector<1x16xf32>,
    %swap3A_484 = vector.shape_cast %swap3A_483 : vector<1x16xf32> to vector<16xf32>
    %swap3A_485 = vector.shape_cast %broadcast_in_dim3A_0 : vector<16xf32> to vector<1x16xf32>
    tpu.vector_store %arg7[%swap3A_481, %swap3A_482], %swap3A_485 {strides = array<i32>} : memref<16x128xf32, #tpu.memory_space<vmem>>, vector<1x16xf32>,
    %swap3A_486 = arith.constant 10 : i32
    %swap3A_487 = arith.index_cast %swap3A_486 : i32 to index
    %swap3A_488 = arith.constant 16 : index
    %swap3A_489 = tpu.vector_load %arg7[%swap3A_487, %swap3A_488] {strides = array<i32>} : memref<16x128xf32, #tpu.memory_space<vmem>>, vector<1x16xf32>,
    %swap3A_490 = vector.shape_cast %swap3A_489 : vector<1x16xf32> to vector<16xf32>
    %swap3A_491 = vector.shape_cast %broadcast_in_dim3A_0 : vector<16xf32> to vector<1x16xf32>
    tpu.vector_store %arg7[%swap3A_487, %swap3A_488], %swap3A_491 {strides = array<i32>} : memref<16x128xf32, #tpu.memory_space<vmem>>, vector<1x16xf32>,
    %swap3A_492 = arith.constant 10 : i32
    %swap3A_493 = arith.index_cast %swap3A_492 : i32 to index
    %swap3A_494 = arith.constant 32 : index
    %swap3A_495 = tpu.vector_load %arg7[%swap3A_493, %swap3A_494] {strides = array<i32>} : memref<16x128xf32, #tpu.memory_space<vmem>>, vector<1x16xf32>,
    %swap3A_496 = vector.shape_cast %swap3A_495 : vector<1x16xf32> to vector<16xf32>
    %swap3A_497 = vector.shape_cast %broadcast_in_dim3A_0 : vector<16xf32> to vector<1x16xf32>
    tpu.vector_store %arg7[%swap3A_493, %swap3A_494], %swap3A_497 {strides = array<i32>} : memref<16x128xf32, #tpu.memory_space<vmem>>, vector<1x16xf32>,
    %swap3A_498 = arith.constant 10 : i32
    %swap3A_499 = arith.index_cast %swap3A_498 : i32 to index
    %swap3A_500 = arith.constant 48 : index
    %swap3A_501 = tpu.vector_load %arg7[%swap3A_499, %swap3A_500] {strides = array<i32>} : memref<16x128xf32, #tpu.memory_space<vmem>>, vector<1x16xf32>,
    %swap3A_502 = vector.shape_cast %swap3A_501 : vector<1x16xf32> to vector<16xf32>
    %swap3A_503 = vector.shape_cast %broadcast_in_dim3A_0 : vector<16xf32> to vector<1x16xf32>
    tpu.vector_store %arg7[%swap3A_499, %swap3A_500], %swap3A_503 {strides = array<i32>} : memref<16x128xf32, #tpu.memory_space<vmem>>, vector<1x16xf32>,
    %swap3A_504 = arith.constant 10 : i32
    %swap3A_505 = arith.index_cast %swap3A_504 : i32 to index
    %swap3A_506 = arith.constant 64 : index
    %swap3A_507 = tpu.vector_load %arg7[%swap3A_505, %swap3A_506] {strides = array<i32>} : memref<16x128xf32, #tpu.memory_space<vmem>>, vector<1x16xf32>,
    %swap3A_508 = vector.shape_cast %swap3A_507 : vector<1x16xf32> to vector<16xf32>
    %swap3A_509 = vector.shape_cast %broadcast_in_dim3A_0 : vector<16xf32> to vector<1x16xf32>
    tpu.vector_store %arg7[%swap3A_505, %swap3A_506], %swap3A_509 {strides = array<i32>} : memref<16x128xf32, #tpu.memory_space<vmem>>, vector<1x16xf32>,
    %swap3A_510 = arith.constant 10 : i32
    %swap3A_511 = arith.index_cast %swap3A_510 : i32 to index
    %swap3A_512 = arith.constant 80 : index
    %swap3A_513 = tpu.vector_load %arg7[%swap3A_511, %swap3A_512] {strides = array<i32>} : memref<16x128xf32, #tpu.memory_space<vmem>>, vector<1x16xf32>,
    %swap3A_514 = vector.shape_cast %swap3A_513 : vector<1x16xf32> to vector<16xf32>
    %swap3A_515 = vector.shape_cast %broadcast_in_dim3A_0 : vector<16xf32> to vector<1x16xf32>
    tpu.vector_store %arg7[%swap3A_511, %swap3A_512], %swap3A_515 {strides = array<i32>} : memref<16x128xf32, #tpu.memory_space<vmem>>, vector<1x16xf32>,
    %swap3A_516 = arith.constant 10 : i32
    %swap3A_517 = arith.index_cast %swap3A_516 : i32 to index
    %swap3A_518 = arith.constant 96 : index
    %swap3A_519 = tpu.vector_load %arg7[%swap3A_517, %swap3A_518] {strides = array<i32>} : memref<16x128xf32, #tpu.memory_space<vmem>>, vector<1x16xf32>,
    %swap3A_520 = vector.shape_cast %swap3A_519 : vector<1x16xf32> to vector<16xf32>
    %swap3A_521 = vector.shape_cast %broadcast_in_dim3A_0 : vector<16xf32> to vector<1x16xf32>
    tpu.vector_store %arg7[%swap3A_517, %swap3A_518], %swap3A_521 {strides = array<i32>} : memref<16x128xf32, #tpu.memory_space<vmem>>, vector<1x16xf32>,
    %swap3A_522 = arith.constant 10 : i32
    %swap3A_523 = arith.index_cast %swap3A_522 : i32 to index
    %swap3A_524 = arith.constant 112 : index
    %swap3A_525 = tpu.vector_load %arg7[%swap3A_523, %swap3A_524] {strides = array<i32>} : memref<16x128xf32, #tpu.memory_space<vmem>>, vector<1x16xf32>,
    %swap3A_526 = vector.shape_cast %swap3A_525 : vector<1x16xf32> to vector<16xf32>
    %swap3A_527 = vector.shape_cast %broadcast_in_dim3A_0 : vector<16xf32> to vector<1x16xf32>
    tpu.vector_store %arg7[%swap3A_523, %swap3A_524], %swap3A_527 {strides = array<i32>} : memref<16x128xf32, #tpu.memory_space<vmem>>, vector<1x16xf32>,
    %swap3A_528 = arith.constant 11 : i32
    %swap3A_529 = arith.index_cast %swap3A_528 : i32 to index
    %swap3A_530 = arith.constant 0 : index
    %swap3A_531 = tpu.vector_load %arg7[%swap3A_529, %swap3A_530] {strides = array<i32>} : memref<16x128xf32, #tpu.memory_space<vmem>>, vector<1x16xf32>,
    %swap3A_532 = vector.shape_cast %swap3A_531 : vector<1x16xf32> to vector<16xf32>
    %swap3A_533 = vector.shape_cast %broadcast_in_dim3A_0 : vector<16xf32> to vector<1x16xf32>
    tpu.vector_store %arg7[%swap3A_529, %swap3A_530], %swap3A_533 {strides = array<i32>} : memref<16x128xf32, #tpu.memory_space<vmem>>, vector<1x16xf32>,
    %swap3A_534 = arith.constant 11 : i32
    %swap3A_535 = arith.index_cast %swap3A_534 : i32 to index
    %swap3A_536 = arith.constant 16 : index
    %swap3A_537 = tpu.vector_load %arg7[%swap3A_535, %swap3A_536] {strides = array<i32>} : memref<16x128xf32, #tpu.memory_space<vmem>>, vector<1x16xf32>,
    %swap3A_538 = vector.shape_cast %swap3A_537 : vector<1x16xf32> to vector<16xf32>
    %swap3A_539 = vector.shape_cast %broadcast_in_dim3A_0 : vector<16xf32> to vector<1x16xf32>
    tpu.vector_store %arg7[%swap3A_535, %swap3A_536], %swap3A_539 {strides = array<i32>} : memref<16x128xf32, #tpu.memory_space<vmem>>, vector<1x16xf32>,
    %swap3A_540 = arith.constant 11 : i32
    %swap3A_541 = arith.index_cast %swap3A_540 : i32 to index
    %swap3A_542 = arith.constant 32 : index
    %swap3A_543 = tpu.vector_load %arg7[%swap3A_541, %swap3A_542] {strides = array<i32>} : memref<16x128xf32, #tpu.memory_space<vmem>>, vector<1x16xf32>,
    %swap3A_544 = vector.shape_cast %swap3A_543 : vector<1x16xf32> to vector<16xf32>
    %swap3A_545 = vector.shape_cast %broadcast_in_dim3A_0 : vector<16xf32> to vector<1x16xf32>
    tpu.vector_store %arg7[%swap3A_541, %swap3A_542], %swap3A_545 {strides = array<i32>} : memref<16x128xf32, #tpu.memory_space<vmem>>, vector<1x16xf32>,
    %swap3A_546 = arith.constant 11 : i32
    %swap3A_547 = arith.index_cast %swap3A_546 : i32 to index
    %swap3A_548 = arith.constant 48 : index
    %swap3A_549 = tpu.vector_load %arg7[%swap3A_547, %swap3A_548] {strides = array<i32>} : memref<16x128xf32, #tpu.memory_space<vmem>>, vector<1x16xf32>,
    %swap3A_550 = vector.shape_cast %swap3A_549 : vector<1x16xf32> to vector<16xf32>
    %swap3A_551 = vector.shape_cast %broadcast_in_dim3A_0 : vector<16xf32> to vector<1x16xf32>
    tpu.vector_store %arg7[%swap3A_547, %swap3A_548], %swap3A_551 {strides = array<i32>} : memref<16x128xf32, #tpu.memory_space<vmem>>, vector<1x16xf32>,
    %swap3A_552 = arith.constant 11 : i32
    %swap3A_553 = arith.index_cast %swap3A_552 : i32 to index
    %swap3A_554 = arith.constant 64 : index
    %swap3A_555 = tpu.vector_load %arg7[%swap3A_553, %swap3A_554] {strides = array<i32>} : memref<16x128xf32, #tpu.memory_space<vmem>>, vector<1x16xf32>,
    %swap3A_556 = vector.shape_cast %swap3A_555 : vector<1x16xf32> to vector<16xf32>
    %swap3A_557 = vector.shape_cast %broadcast_in_dim3A_0 : vector<16xf32> to vector<1x16xf32>
    tpu.vector_store %arg7[%swap3A_553, %swap3A_554], %swap3A_557 {strides = array<i32>} : memref<16x128xf32, #tpu.memory_space<vmem>>, vector<1x16xf32>,
    %swap3A_558 = arith.constant 11 : i32
    %swap3A_559 = arith.index_cast %swap3A_558 : i32 to index
    %swap3A_560 = arith.constant 80 : index
    %swap3A_561 = tpu.vector_load %arg7[%swap3A_559, %swap3A_560] {strides = array<i32>} : memref<16x128xf32, #tpu.memory_space<vmem>>, vector<1x16xf32>,
    %swap3A_562 = vector.shape_cast %swap3A_561 : vector<1x16xf32> to vector<16xf32>
    %swap3A_563 = vector.shape_cast %broadcast_in_dim3A_0 : vector<16xf32> to vector<1x16xf32>
    tpu.vector_store %arg7[%swap3A_559, %swap3A_560], %swap3A_563 {strides = array<i32>} : memref<16x128xf32, #tpu.memory_space<vmem>>, vector<1x16xf32>,
    %swap3A_564 = arith.constant 11 : i32
    %swap3A_565 = arith.index_cast %swap3A_564 : i32 to index
    %swap3A_566 = arith.constant 96 : index
    %swap3A_567 = tpu.vector_load %arg7[%swap3A_565, %swap3A_566] {strides = array<i32>} : memref<16x128xf32, #tpu.memory_space<vmem>>, vector<1x16xf32>,
    %swap3A_568 = vector.shape_cast %swap3A_567 : vector<1x16xf32> to vector<16xf32>
    %swap3A_569 = vector.shape_cast %broadcast_in_dim3A_0 : vector<16xf32> to vector<1x16xf32>
    tpu.vector_store %arg7[%swap3A_565, %swap3A_566], %swap3A_569 {strides = array<i32>} : memref<16x128xf32, #tpu.memory_space<vmem>>, vector<1x16xf32>,
    %swap3A_570 = arith.constant 11 : i32
    %swap3A_571 = arith.index_cast %swap3A_570 : i32 to index
    %swap3A_572 = arith.constant 112 : index
    %swap3A_573 = tpu.vector_load %arg7[%swap3A_571, %swap3A_572] {strides = array<i32>} : memref<16x128xf32, #tpu.memory_space<vmem>>, vector<1x16xf32>,
    %swap3A_574 = vector.shape_cast %swap3A_573 : vector<1x16xf32> to vector<16xf32>
    %swap3A_575 = vector.shape_cast %broadcast_in_dim3A_0 : vector<16xf32> to vector<1x16xf32>
    tpu.vector_store %arg7[%swap3A_571, %swap3A_572], %swap3A_575 {strides = array<i32>} : memref<16x128xf32, #tpu.memory_space<vmem>>, vector<1x16xf32>,
    %swap3A_576 = arith.constant 12 : i32
    %swap3A_577 = arith.index_cast %swap3A_576 : i32 to index
    %swap3A_578 = arith.constant 0 : index
    %swap3A_579 = tpu.vector_load %arg7[%swap3A_577, %swap3A_578] {strides = array<i32>} : memref<16x128xf32, #tpu.memory_space<vmem>>, vector<1x16xf32>,
    %swap3A_580 = vector.shape_cast %swap3A_579 : vector<1x16xf32> to vector<16xf32>
    %swap3A_581 = vector.shape_cast %broadcast_in_dim3A_0 : vector<16xf32> to vector<1x16xf32>
    tpu.vector_store %arg7[%swap3A_577, %swap3A_578], %swap3A_581 {strides = array<i32>} : memref<16x128xf32, #tpu.memory_space<vmem>>, vector<1x16xf32>,
    %swap3A_582 = arith.constant 12 : i32
    %swap3A_583 = arith.index_cast %swap3A_582 : i32 to index
    %swap3A_584 = arith.constant 16 : index
    %swap3A_585 = tpu.vector_load %arg7[%swap3A_583, %swap3A_584] {strides = array<i32>} : memref<16x128xf32, #tpu.memory_space<vmem>>, vector<1x16xf32>,
    %swap3A_586 = vector.shape_cast %swap3A_585 : vector<1x16xf32> to vector<16xf32>
    %swap3A_587 = vector.shape_cast %broadcast_in_dim3A_0 : vector<16xf32> to vector<1x16xf32>
    tpu.vector_store %arg7[%swap3A_583, %swap3A_584], %swap3A_587 {strides = array<i32>} : memref<16x128xf32, #tpu.memory_space<vmem>>, vector<1x16xf32>,
    %swap3A_588 = arith.constant 12 : i32
    %swap3A_589 = arith.index_cast %swap3A_588 : i32 to index
    %swap3A_590 = arith.constant 32 : index
    %swap3A_591 = tpu.vector_load %arg7[%swap3A_589, %swap3A_590] {strides = array<i32>} : memref<16x128xf32, #tpu.memory_space<vmem>>, vector<1x16xf32>,
    %swap3A_592 = vector.shape_cast %swap3A_591 : vector<1x16xf32> to vector<16xf32>
    %swap3A_593 = vector.shape_cast %broadcast_in_dim3A_0 : vector<16xf32> to vector<1x16xf32>
    tpu.vector_store %arg7[%swap3A_589, %swap3A_590], %swap3A_593 {strides = array<i32>} : memref<16x128xf32, #tpu.memory_space<vmem>>, vector<1x16xf32>,
    %swap3A_594 = arith.constant 12 : i32
    %swap3A_595 = arith.index_cast %swap3A_594 : i32 to index
    %swap3A_596 = arith.constant 48 : index
    %swap3A_597 = tpu.vector_load %arg7[%swap3A_595, %swap3A_596] {strides = array<i32>} : memref<16x128xf32, #tpu.memory_space<vmem>>, vector<1x16xf32>,
    %swap3A_598 = vector.shape_cast %swap3A_597 : vector<1x16xf32> to vector<16xf32>
    %swap3A_599 = vector.shape_cast %broadcast_in_dim3A_0 : vector<16xf32> to vector<1x16xf32>
    tpu.vector_store %arg7[%swap3A_595, %swap3A_596], %swap3A_599 {strides = array<i32>} : memref<16x128xf32, #tpu.memory_space<vmem>>, vector<1x16xf32>,
    %swap3A_600 = arith.constant 12 : i32
    %swap3A_601 = arith.index_cast %swap3A_600 : i32 to index
    %swap3A_602 = arith.constant 64 : index
    %swap3A_603 = tpu.vector_load %arg7[%swap3A_601, %swap3A_602] {strides = array<i32>} : memref<16x128xf32, #tpu.memory_space<vmem>>, vector<1x16xf32>,
    %swap3A_604 = vector.shape_cast %swap3A_603 : vector<1x16xf32> to vector<16xf32>
    %swap3A_605 = vector.shape_cast %broadcast_in_dim3A_0 : vector<16xf32> to vector<1x16xf32>
    tpu.vector_store %arg7[%swap3A_601, %swap3A_602], %swap3A_605 {strides = array<i32>} : memref<16x128xf32, #tpu.memory_space<vmem>>, vector<1x16xf32>,
    %swap3A_606 = arith.constant 12 : i32
    %swap3A_607 = arith.index_cast %swap3A_606 : i32 to index
    %swap3A_608 = arith.constant 80 : index
    %swap3A_609 = tpu.vector_load %arg7[%swap3A_607, %swap3A_608] {strides = array<i32>} : memref<16x128xf32, #tpu.memory_space<vmem>>, vector<1x16xf32>,
    %swap3A_610 = vector.shape_cast %swap3A_609 : vector<1x16xf32> to vector<16xf32>
    %swap3A_611 = vector.shape_cast %broadcast_in_dim3A_0 : vector<16xf32> to vector<1x16xf32>
    tpu.vector_store %arg7[%swap3A_607, %swap3A_608], %swap3A_611 {strides = array<i32>} : memref<16x128xf32, #tpu.memory_space<vmem>>, vector<1x16xf32>,
    %swap3A_612 = arith.constant 12 : i32
    %swap3A_613 = arith.index_cast %swap3A_612 : i32 to index
    %swap3A_614 = arith.constant 96 : index
    %swap3A_615 = tpu.vector_load %arg7[%swap3A_613, %swap3A_614] {strides = array<i32>} : memref<16x128xf32, #tpu.memory_space<vmem>>, vector<1x16xf32>,
    %swap3A_616 = vector.shape_cast %swap3A_615 : vector<1x16xf32> to vector<16xf32>
    %swap3A_617 = vector.shape_cast %broadcast_in_dim3A_0 : vector<16xf32> to vector<1x16xf32>
    tpu.vector_store %arg7[%swap3A_613, %swap3A_614], %swap3A_617 {strides = array<i32>} : memref<16x128xf32, #tpu.memory_space<vmem>>, vector<1x16xf32>,
    %swap3A_618 = arith.constant 12 : i32
    %swap3A_619 = arith.index_cast %swap3A_618 : i32 to index
    %swap3A_620 = arith.constant 112 : index
    %swap3A_621 = tpu.vector_load %arg7[%swap3A_619, %swap3A_620] {strides = array<i32>} : memref<16x128xf32, #tpu.memory_space<vmem>>, vector<1x16xf32>,
    %swap3A_622 = vector.shape_cast %swap3A_621 : vector<1x16xf32> to vector<16xf32>
    %swap3A_623 = vector.shape_cast %broadcast_in_dim3A_0 : vector<16xf32> to vector<1x16xf32>
    tpu.vector_store %arg7[%swap3A_619, %swap3A_620], %swap3A_623 {strides = array<i32>} : memref<16x128xf32, #tpu.memory_space<vmem>>, vector<1x16xf32>,
    %swap3A_624 = arith.constant 13 : i32
    %swap3A_625 = arith.index_cast %swap3A_624 : i32 to index
    %swap3A_626 = arith.constant 0 : index
    %swap3A_627 = tpu.vector_load %arg7[%swap3A_625, %swap3A_626] {strides = array<i32>} : memref<16x128xf32, #tpu.memory_space<vmem>>, vector<1x16xf32>,
    %swap3A_628 = vector.shape_cast %swap3A_627 : vector<1x16xf32> to vector<16xf32>
    %swap3A_629 = vector.shape_cast %broadcast_in_dim3A_0 : vector<16xf32> to vector<1x16xf32>
    tpu.vector_store %arg7[%swap3A_625, %swap3A_626], %swap3A_629 {strides = array<i32>} : memref<16x128xf32, #tpu.memory_space<vmem>>, vector<1x16xf32>,
    %swap3A_630 = arith.constant 13 : i32
    %swap3A_631 = arith.index_cast %swap3A_630 : i32 to index
    %swap3A_632 = arith.constant 16 : index
    %swap3A_633 = tpu.vector_load %arg7[%swap3A_631, %swap3A_632] {strides = array<i32>} : memref<16x128xf32, #tpu.memory_space<vmem>>, vector<1x16xf32>,
    %swap3A_634 = vector.shape_cast %swap3A_633 : vector<1x16xf32> to vector<16xf32>
    %swap3A_635 = vector.shape_cast %broadcast_in_dim3A_0 : vector<16xf32> to vector<1x16xf32>
    tpu.vector_store %arg7[%swap3A_631, %swap3A_632], %swap3A_635 {strides = array<i32>} : memref<16x128xf32, #tpu.memory_space<vmem>>, vector<1x16xf32>,
    %swap3A_636 = arith.constant 13 : i32
    %swap3A_637 = arith.index_cast %swap3A_636 : i32 to index
    %swap3A_638 = arith.constant 32 : index
    %swap3A_639 = tpu.vector_load %arg7[%swap3A_637, %swap3A_638] {strides = array<i32>} : memref<16x128xf32, #tpu.memory_space<vmem>>, vector<1x16xf32>,
    %swap3A_640 = vector.shape_cast %swap3A_639 : vector<1x16xf32> to vector<16xf32>
    %swap3A_641 = vector.shape_cast %broadcast_in_dim3A_0 : vector<16xf32> to vector<1x16xf32>
    tpu.vector_store %arg7[%swap3A_637, %swap3A_638], %swap3A_641 {strides = array<i32>} : memref<16x128xf32, #tpu.memory_space<vmem>>, vector<1x16xf32>,
    %swap3A_642 = arith.constant 13 : i32
    %swap3A_643 = arith.index_cast %swap3A_642 : i32 to index
    %swap3A_644 = arith.constant 48 : index
    %swap3A_645 = tpu.vector_load %arg7[%swap3A_643, %swap3A_644] {strides = array<i32>} : memref<16x128xf32, #tpu.memory_space<vmem>>, vector<1x16xf32>,
    %swap3A_646 = vector.shape_cast %swap3A_645 : vector<1x16xf32> to vector<16xf32>
    %swap3A_647 = vector.shape_cast %broadcast_in_dim3A_0 : vector<16xf32> to vector<1x16xf32>
    tpu.vector_store %arg7[%swap3A_643, %swap3A_644], %swap3A_647 {strides = array<i32>} : memref<16x128xf32, #tpu.memory_space<vmem>>, vector<1x16xf32>,
    %swap3A_648 = arith.constant 13 : i32
    %swap3A_649 = arith.index_cast %swap3A_648 : i32 to index
    %swap3A_650 = arith.constant 64 : index
    %swap3A_651 = tpu.vector_load %arg7[%swap3A_649, %swap3A_650] {strides = array<i32>} : memref<16x128xf32, #tpu.memory_space<vmem>>, vector<1x16xf32>,
    %swap3A_652 = vector.shape_cast %swap3A_651 : vector<1x16xf32> to vector<16xf32>
    %swap3A_653 = vector.shape_cast %broadcast_in_dim3A_0 : vector<16xf32> to vector<1x16xf32>
    tpu.vector_store %arg7[%swap3A_649, %swap3A_650], %swap3A_653 {strides = array<i32>} : memref<16x128xf32, #tpu.memory_space<vmem>>, vector<1x16xf32>,
    %swap3A_654 = arith.constant 13 : i32
    %swap3A_655 = arith.index_cast %swap3A_654 : i32 to index
    %swap3A_656 = arith.constant 80 : index
    %swap3A_657 = tpu.vector_load %arg7[%swap3A_655, %swap3A_656] {strides = array<i32>} : memref<16x128xf32, #tpu.memory_space<vmem>>, vector<1x16xf32>,
    %swap3A_658 = vector.shape_cast %swap3A_657 : vector<1x16xf32> to vector<16xf32>
    %swap3A_659 = vector.shape_cast %broadcast_in_dim3A_0 : vector<16xf32> to vector<1x16xf32>
    tpu.vector_store %arg7[%swap3A_655, %swap3A_656], %swap3A_659 {strides = array<i32>} : memref<16x128xf32, #tpu.memory_space<vmem>>, vector<1x16xf32>,
    %swap3A_660 = arith.constant 13 : i32
    %swap3A_661 = arith.index_cast %swap3A_660 : i32 to index
    %swap3A_662 = arith.constant 96 : index
    %swap3A_663 = tpu.vector_load %arg7[%swap3A_661, %swap3A_662] {strides = array<i32>} : memref<16x128xf32, #tpu.memory_space<vmem>>, vector<1x16xf32>,
    %swap3A_664 = vector.shape_cast %swap3A_663 : vector<1x16xf32> to vector<16xf32>
    %swap3A_665 = vector.shape_cast %broadcast_in_dim3A_0 : vector<16xf32> to vector<1x16xf32>
    tpu.vector_store %arg7[%swap3A_661, %swap3A_662], %swap3A_665 {strides = array<i32>} : memref<16x128xf32, #tpu.memory_space<vmem>>, vector<1x16xf32>,
    %swap3A_666 = arith.constant 13 : i32
    %swap3A_667 = arith.index_cast %swap3A_666 : i32 to index
    %swap3A_668 = arith.constant 112 : index
    %swap3A_669 = tpu.vector_load %arg7[%swap3A_667, %swap3A_668] {strides = array<i32>} : memref<16x128xf32, #tpu.memory_space<vmem>>, vector<1x16xf32>,
    %swap3A_670 = vector.shape_cast %swap3A_669 : vector<1x16xf32> to vector<16xf32>
    %swap3A_671 = vector.shape_cast %broadcast_in_dim3A_0 : vector<16xf32> to vector<1x16xf32>
    tpu.vector_store %arg7[%swap3A_667, %swap3A_668], %swap3A_671 {strides = array<i32>} : memref<16x128xf32, #tpu.memory_space<vmem>>, vector<1x16xf32>,
    %swap3A_672 = arith.constant 14 : i32
    %swap3A_673 = arith.index_cast %swap3A_672 : i32 to index
    %swap3A_674 = arith.constant 0 : index
    %swap3A_675 = tpu.vector_load %arg7[%swap3A_673, %swap3A_674] {strides = array<i32>} : memref<16x128xf32, #tpu.memory_space<vmem>>, vector<1x16xf32>,
    %swap3A_676 = vector.shape_cast %swap3A_675 : vector<1x16xf32> to vector<16xf32>
    %swap3A_677 = vector.shape_cast %broadcast_in_dim3A_0 : vector<16xf32> to vector<1x16xf32>
    tpu.vector_store %arg7[%swap3A_673, %swap3A_674], %swap3A_677 {strides = array<i32>} : memref<16x128xf32, #tpu.memory_space<vmem>>, vector<1x16xf32>,
    %swap3A_678 = arith.constant 14 : i32
    %swap3A_679 = arith.index_cast %swap3A_678 : i32 to index
    %swap3A_680 = arith.constant 16 : index
    %swap3A_681 = tpu.vector_load %arg7[%swap3A_679, %swap3A_680] {strides = array<i32>} : memref<16x128xf32, #tpu.memory_space<vmem>>, vector<1x16xf32>,
    %swap3A_682 = vector.shape_cast %swap3A_681 : vector<1x16xf32> to vector<16xf32>
    %swap3A_683 = vector.shape_cast %broadcast_in_dim3A_0 : vector<16xf32> to vector<1x16xf32>
    tpu.vector_store %arg7[%swap3A_679, %swap3A_680], %swap3A_683 {strides = array<i32>} : memref<16x128xf32, #tpu.memory_space<vmem>>, vector<1x16xf32>,
    %swap3A_684 = arith.constant 14 : i32
    %swap3A_685 = arith.index_cast %swap3A_684 : i32 to index
    %swap3A_686 = arith.constant 32 : index
    %swap3A_687 = tpu.vector_load %arg7[%swap3A_685, %swap3A_686] {strides = array<i32>} : memref<16x128xf32, #tpu.memory_space<vmem>>, vector<1x16xf32>,
    %swap3A_688 = vector.shape_cast %swap3A_687 : vector<1x16xf32> to vector<16xf32>
    %swap3A_689 = vector.shape_cast %broadcast_in_dim3A_0 : vector<16xf32> to vector<1x16xf32>
    tpu.vector_store %arg7[%swap3A_685, %swap3A_686], %swap3A_689 {strides = array<i32>} : memref<16x128xf32, #tpu.memory_space<vmem>>, vector<1x16xf32>,
    %swap3A_690 = arith.constant 14 : i32
    %swap3A_691 = arith.index_cast %swap3A_690 : i32 to index
    %swap3A_692 = arith.constant 48 : index
    %swap3A_693 = tpu.vector_load %arg7[%swap3A_691, %swap3A_692] {strides = array<i32>} : memref<16x128xf32, #tpu.memory_space<vmem>>, vector<1x16xf32>,
    %swap3A_694 = vector.shape_cast %swap3A_693 : vector<1x16xf32> to vector<16xf32>
    %swap3A_695 = vector.shape_cast %broadcast_in_dim3A_0 : vector<16xf32> to vector<1x16xf32>
    tpu.vector_store %arg7[%swap3A_691, %swap3A_692], %swap3A_695 {strides = array<i32>} : memref<16x128xf32, #tpu.memory_space<vmem>>, vector<1x16xf32>,
    %swap3A_696 = arith.constant 14 : i32
    %swap3A_697 = arith.index_cast %swap3A_696 : i32 to index
    %swap3A_698 = arith.constant 64 : index
    %swap3A_699 = tpu.vector_load %arg7[%swap3A_697, %swap3A_698] {strides = array<i32>} : memref<16x128xf32, #tpu.memory_space<vmem>>, vector<1x16xf32>,
    %swap3A_700 = vector.shape_cast %swap3A_699 : vector<1x16xf32> to vector<16xf32>
    %swap3A_701 = vector.shape_cast %broadcast_in_dim3A_0 : vector<16xf32> to vector<1x16xf32>
    tpu.vector_store %arg7[%swap3A_697, %swap3A_698], %swap3A_701 {strides = array<i32>} : memref<16x128xf32, #tpu.memory_space<vmem>>, vector<1x16xf32>,
    %swap3A_702 = arith.constant 14 : i32
    %swap3A_703 = arith.index_cast %swap3A_702 : i32 to index
    %swap3A_704 = arith.constant 80 : index
    %swap3A_705 = tpu.vector_load %arg7[%swap3A_703, %swap3A_704] {strides = array<i32>} : memref<16x128xf32, #tpu.memory_space<vmem>>, vector<1x16xf32>,
    %swap3A_706 = vector.shape_cast %swap3A_705 : vector<1x16xf32> to vector<16xf32>
    %swap3A_707 = vector.shape_cast %broadcast_in_dim3A_0 : vector<16xf32> to vector<1x16xf32>
    tpu.vector_store %arg7[%swap3A_703, %swap3A_704], %swap3A_707 {strides = array<i32>} : memref<16x128xf32, #tpu.memory_space<vmem>>, vector<1x16xf32>,
    %swap3A_708 = arith.constant 14 : i32
    %swap3A_709 = arith.index_cast %swap3A_708 : i32 to index
    %swap3A_710 = arith.constant 96 : index
    %swap3A_711 = tpu.vector_load %arg7[%swap3A_709, %swap3A_710] {strides = array<i32>} : memref<16x128xf32, #tpu.memory_space<vmem>>, vector<1x16xf32>,
    %swap3A_712 = vector.shape_cast %swap3A_711 : vector<1x16xf32> to vector<16xf32>
    %swap3A_713 = vector.shape_cast %broadcast_in_dim3A_0 : vector<16xf32> to vector<1x16xf32>
    tpu.vector_store %arg7[%swap3A_709, %swap3A_710], %swap3A_713 {strides = array<i32>} : memref<16x128xf32, #tpu.memory_space<vmem>>, vector<1x16xf32>,
    %swap3A_714 = arith.constant 14 : i32
    %swap3A_715 = arith.index_cast %swap3A_714 : i32 to index
    %swap3A_716 = arith.constant 112 : index
    %swap3A_717 = tpu.vector_load %arg7[%swap3A_715, %swap3A_716] {strides = array<i32>} : memref<16x128xf32, #tpu.memory_space<vmem>>, vector<1x16xf32>,
    %swap3A_718 = vector.shape_cast %swap3A_717 : vector<1x16xf32> to vector<16xf32>
    %swap3A_719 = vector.shape_cast %broadcast_in_dim3A_0 : vector<16xf32> to vector<1x16xf32>
    tpu.vector_store %arg7[%swap3A_715, %swap3A_716], %swap3A_719 {strides = array<i32>} : memref<16x128xf32, #tpu.memory_space<vmem>>, vector<1x16xf32>,
    %swap3A_720 = arith.constant 15 : i32
    %swap3A_721 = arith.index_cast %swap3A_720 : i32 to index
    %swap3A_722 = arith.constant 0 : index
    %swap3A_723 = tpu.vector_load %arg7[%swap3A_721, %swap3A_722] {strides = array<i32>} : memref<16x128xf32, #tpu.memory_space<vmem>>, vector<1x16xf32>,
    %swap3A_724 = vector.shape_cast %swap3A_723 : vector<1x16xf32> to vector<16xf32>
    %swap3A_725 = vector.shape_cast %broadcast_in_dim3A_0 : vector<16xf32> to vector<1x16xf32>
    tpu.vector_store %arg7[%swap3A_721, %swap3A_722], %swap3A_725 {strides = array<i32>} : memref<16x128xf32, #tpu.memory_space<vmem>>, vector<1x16xf32>,
    %swap3A_726 = arith.constant 15 : i32
    %swap3A_727 = arith.index_cast %swap3A_726 : i32 to index
    %swap3A_728 = arith.constant 16 : index
    %swap3A_729 = tpu.vector_load %arg7[%swap3A_727, %swap3A_728] {strides = array<i32>} : memref<16x128xf32, #tpu.memory_space<vmem>>, vector<1x16xf32>,
    %swap3A_730 = vector.shape_cast %swap3A_729 : vector<1x16xf32> to vector<16xf32>
    %swap3A_731 = vector.shape_cast %broadcast_in_dim3A_0 : vector<16xf32> to vector<1x16xf32>
    tpu.vector_store %arg7[%swap3A_727, %swap3A_728], %swap3A_731 {strides = array<i32>} : memref<16x128xf32, #tpu.memory_space<vmem>>, vector<1x16xf32>,
    %swap3A_732 = arith.constant 15 : i32
    %swap3A_733 = arith.index_cast %swap3A_732 : i32 to index
    %swap3A_734 = arith.constant 32 : index
    %swap3A_735 = tpu.vector_load %arg7[%swap3A_733, %swap3A_734] {strides = array<i32>} : memref<16x128xf32, #tpu.memory_space<vmem>>, vector<1x16xf32>,
    %swap3A_736 = vector.shape_cast %swap3A_735 : vector<1x16xf32> to vector<16xf32>
    %swap3A_737 = vector.shape_cast %broadcast_in_dim3A_0 : vector<16xf32> to vector<1x16xf32>
    tpu.vector_store %arg7[%swap3A_733, %swap3A_734], %swap3A_737 {strides = array<i32>} : memref<16x128xf32, #tpu.memory_space<vmem>>, vector<1x16xf32>,
    %swap3A_738 = arith.constant 15 : i32
    %swap3A_739 = arith.index_cast %swap3A_738 : i32 to index
    %swap3A_740 = arith.constant 48 : index
    %swap3A_741 = tpu.vector_load %arg7[%swap3A_739, %swap3A_740] {strides = array<i32>} : memref<16x128xf32, #tpu.memory_space<vmem>>, vector<1x16xf32>,
    %swap3A_742 = vector.shape_cast %swap3A_741 : vector<1x16xf32> to vector<16xf32>
    %swap3A_743 = vector.shape_cast %broadcast_in_dim3A_0 : vector<16xf32> to vector<1x16xf32>
    tpu.vector_store %arg7[%swap3A_739, %swap3A_740], %swap3A_743 {strides = array<i32>} : memref<16x128xf32, #tpu.memory_space<vmem>>, vector<1x16xf32>,
    %swap3A_744 = arith.constant 15 : i32
    %swap3A_745 = arith.index_cast %swap3A_744 : i32 to index
    %swap3A_746 = arith.constant 64 : index
    %swap3A_747 = tpu.vector_load %arg7[%swap3A_745, %swap3A_746] {strides = array<i32>} : memref<16x128xf32, #tpu.memory_space<vmem>>, vector<1x16xf32>,
    %swap3A_748 = vector.shape_cast %swap3A_747 : vector<1x16xf32> to vector<16xf32>
    %swap3A_749 = vector.shape_cast %broadcast_in_dim3A_0 : vector<16xf32> to vector<1x16xf32>
    tpu.vector_store %arg7[%swap3A_745, %swap3A_746], %swap3A_749 {strides = array<i32>} : memref<16x128xf32, #tpu.memory_space<vmem>>, vector<1x16xf32>,
    %swap3A_750 = arith.constant 15 : i32
    %swap3A_751 = arith.index_cast %swap3A_750 : i32 to index
    %swap3A_752 = arith.constant 80 : index
    %swap3A_753 = tpu.vector_load %arg7[%swap3A_751, %swap3A_752] {strides = array<i32>} : memref<16x128xf32, #tpu.memory_space<vmem>>, vector<1x16xf32>,
    %swap3A_754 = vector.shape_cast %swap3A_753 : vector<1x16xf32> to vector<16xf32>
    %swap3A_755 = vector.shape_cast %broadcast_in_dim3A_0 : vector<16xf32> to vector<1x16xf32>
    tpu.vector_store %arg7[%swap3A_751, %swap3A_752], %swap3A_755 {strides = array<i32>} : memref<16x128xf32, #tpu.memory_space<vmem>>, vector<1x16xf32>,
    %swap3A_756 = arith.constant 15 : i32
    %swap3A_757 = arith.index_cast %swap3A_756 : i32 to index
    %swap3A_758 = arith.constant 96 : index
    %swap3A_759 = tpu.vector_load %arg7[%swap3A_757, %swap3A_758] {strides = array<i32>} : memref<16x128xf32, #tpu.memory_space<vmem>>, vector<1x16xf32>,
    %swap3A_760 = vector.shape_cast %swap3A_759 : vector<1x16xf32> to vector<16xf32>
    %swap3A_761 = vector.shape_cast %broadcast_in_dim3A_0 : vector<16xf32> to vector<1x16xf32>
    tpu.vector_store %arg7[%swap3A_757, %swap3A_758], %swap3A_761 {strides = array<i32>} : memref<16x128xf32, #tpu.memory_space<vmem>>, vector<1x16xf32>,
    %swap3A_762 = arith.constant 15 : i32
    %swap3A_763 = arith.index_cast %swap3A_762 : i32 to index
    %swap3A_764 = arith.constant 112 : index
    %swap3A_765 = tpu.vector_load %arg7[%swap3A_763, %swap3A_764] {strides = array<i32>} : memref<16x128xf32, #tpu.memory_space<vmem>>, vector<1x16xf32>,
    %swap3A_766 = vector.shape_cast %swap3A_765 : vector<1x16xf32> to vector<16xf32>
    %swap3A_767 = vector.shape_cast %broadcast_in_dim3A_0 : vector<16xf32> to vector<1x16xf32>
    tpu.vector_store %arg7[%swap3A_763, %swap3A_764], %swap3A_767 {strides = array<i32>} : memref<16x128xf32, #tpu.memory_space<vmem>>, vector<1x16xf32>,
    %mul3A = arith.constant 640 : i32
    %mul3A_768 = arith.muli %arg1, %mul3A : i32
    %scan3A = arith.constant 0 : i32
    %scan3A_769 = arith.constant 40 : i32
    %scan3A_770 = arith.addi %scan3A, %scan3A_769 : i32
    %scan3A_771 = arith.constant 1 : i32
    scf.for %scan3A_783 = %scan3A to %scan3A_770 step %scan3A_771  : i32 {
      %mul3A_784 = arith.constant 16 : i32
      %mul3A_785 = arith.muli %scan3A_783, %mul3A_784 : i32
      %add3A_786 = arith.addi %mul3A_768, %mul3A_785 : i32
      "tpu.region"() ({
        %run_scoped3A = tpu.sem_alloc : memref<!tpu.dma_semaphore, #tpu.memory_space<semaphore_mem>>
        %dma_start3A = arith.constant 0 : i32
        %dma_start3A_787 = tpu.memref_slice %arg6[%add3A_786, %dma_start3A] : memref<10240x128xf32, #tpu.memory_space<vmem_shared>> -> memref<16x128xf32, #tpu.memory_space<vmem_shared>>
        %dma_start3A_788 = arith.constant 0 : i32
        %dma_start3A_789 = tpu.memref_slice %arg6[%add3A_786, %dma_start3A_788] : memref<10240x128xf32, #tpu.memory_space<vmem_shared>> -> memref<16x128xf32, #tpu.memory_space<vmem_shared>>
        tpu.enqueue_dma source(%arg7 : memref<16x128xf32, #tpu.memory_space<vmem>>) target(%dma_start3A_789 : memref<16x128xf32, #tpu.memory_space<vmem_shared>>) target_semaphore(%run_scoped3A : memref<!tpu.dma_semaphore, #tpu.memory_space<semaphore_mem>>)
        %dma_wait3A = arith.constant 0 : i32
        %dma_wait3A_790 = tpu.memref_slice %arg6[%add3A_786, %dma_wait3A] : memref<10240x128xf32, #tpu.memory_space<vmem_shared>> -> memref<16x128xf32, #tpu.memory_space<vmem_shared>>
        %dma_wait3A_791 = arith.constant 0 : i32
        %dma_wait3A_792 = tpu.memref_slice %arg6[%add3A_786, %dma_wait3A_791] : memref<10240x128xf32, #tpu.memory_space<vmem_shared>> -> memref<16x128xf32, #tpu.memory_space<vmem_shared>>
        tpu.wait_dma2 semaphore(%run_scoped3A : memref<!tpu.dma_semaphore, #tpu.memory_space<semaphore_mem>>) src(%arg7 : memref<16x128xf32, #tpu.memory_space<vmem>>) dst(%dma_wait3A_792 : memref<16x128xf32, #tpu.memory_space<vmem_shared>>)
        tpu.yield
      }) : () -> ()
    }
    %scan3A_772 = arith.constant 40 : i32
    %barrier3A = arith.constant 0 : index
    tpu.barrier barrier_id(%barrier3A)
    %mul3A_773 = arith.constant 16 : i32
    %mul3A_774 = arith.muli %arg0, %mul3A_773 : i32
    %add3A = arith.addi %mul3A_774, %arg1 : i32
    %mul3A_775 = arith.constant 10240 : i32
    %mul3A_776 = arith.muli %add3A, %mul3A_775 : i32
    %scan3A_777 = arith.constant 0 : i32
    %scan3A_778 = arith.constant 80 : i32
    %scan3A_779 = arith.addi %scan3A_777, %scan3A_778 : i32
    %scan3A_780 = arith.constant 1 : i32
    scf.for %scan3A_783 = %scan3A_777 to %scan3A_779 step %scan3A_780  : i32 {
      %mul3A_784 = arith.constant 128 : i32
      %mul3A_785 = arith.muli %scan3A_783, %mul3A_784 : i32
      %add3A_786 = arith.addi %mul3A_776, %mul3A_785 : i32
      "tpu.region"() ({
        %run_scoped3A = tpu.sem_alloc : memref<!tpu.dma_semaphore, #tpu.memory_space<semaphore_mem>>
        %dma_start3A_791 = tpu.memref_slice %arg3[%add3A_786] : memref<327680xi32, #tpu.memory_space<hbm>> -> memref<128xi32, #tpu.memory_space<hbm>>
        %dma_start3A_792 = tpu.memref_slice %arg3[%add3A_786] : memref<327680xi32, #tpu.memory_space<hbm>> -> memref<128xi32, #tpu.memory_space<hbm>>
        tpu.enqueue_dma source(%dma_start3A_792 : memref<128xi32, #tpu.memory_space<hbm>>) target(%arg9 : memref<128xi32, #tpu.memory_space<vmem>>) target_semaphore(%run_scoped3A : memref<!tpu.dma_semaphore, #tpu.memory_space<semaphore_mem>>)
        %dma_wait3A_793 = tpu.memref_slice %arg3[%add3A_786] : memref<327680xi32, #tpu.memory_space<hbm>> -> memref<128xi32, #tpu.memory_space<hbm>>
        %dma_wait3A_794 = tpu.memref_slice %arg3[%add3A_786] : memref<327680xi32, #tpu.memory_space<hbm>> -> memref<128xi32, #tpu.memory_space<hbm>>
        tpu.wait_dma2 semaphore(%run_scoped3A : memref<!tpu.dma_semaphore, #tpu.memory_space<semaphore_mem>>) src(%dma_wait3A_794 : memref<128xi32, #tpu.memory_space<hbm>>) dst(%arg9 : memref<128xi32, #tpu.memory_space<vmem>>)
        tpu.yield
      }) : () -> ()
      "tpu.region"() ({
        %run_scoped3A = tpu.sem_alloc : memref<!tpu.dma_semaphore, #tpu.memory_space<semaphore_mem>>
        %dma_start3A_791 = tpu.memref_slice %arg4[%add3A_786] : memref<327680xi32, #tpu.memory_space<hbm>> -> memref<128xi32, #tpu.memory_space<hbm>>
        %dma_start3A_792 = tpu.memref_slice %arg4[%add3A_786] : memref<327680xi32, #tpu.memory_space<hbm>> -> memref<128xi32, #tpu.memory_space<hbm>>
        tpu.enqueue_dma source(%dma_start3A_792 : memref<128xi32, #tpu.memory_space<hbm>>) target(%arg10 : memref<128xi32, #tpu.memory_space<vmem>>) target_semaphore(%run_scoped3A : memref<!tpu.dma_semaphore, #tpu.memory_space<semaphore_mem>>)
        %dma_wait3A_793 = tpu.memref_slice %arg4[%add3A_786] : memref<327680xi32, #tpu.memory_space<hbm>> -> memref<128xi32, #tpu.memory_space<hbm>>
        %dma_wait3A_794 = tpu.memref_slice %arg4[%add3A_786] : memref<327680xi32, #tpu.memory_space<hbm>> -> memref<128xi32, #tpu.memory_space<hbm>>
        tpu.wait_dma2 semaphore(%run_scoped3A : memref<!tpu.dma_semaphore, #tpu.memory_space<semaphore_mem>>) src(%dma_wait3A_794 : memref<128xi32, #tpu.memory_space<hbm>>) dst(%arg10 : memref<128xi32, #tpu.memory_space<vmem>>)
        tpu.yield
      }) : () -> ()
      %dma_start3A = arith.constant 0 : i32
      %dma_start3A_787 = arith.constant 0 : i32
      %dma_start3A_788 = tpu.memref_slice %arg2[%dma_start3A, %dma_start3A_787] : memref<10240x128xf32, #tpu.memory_space<hbm>> -> memref<10240x128xf32, #tpu.memory_space<hbm>>
      tpu.enqueue_indirect_dma source(%dma_start3A_788 : memref<10240x128xf32, #tpu.memory_space<hbm>>) target(%arg8 : memref<128x128xf32, #tpu.memory_space<vmem>>) offsets(%arg9 : memref<128xi32, #tpu.memory_space<vmem>>) semaphore(%arg11 : memref<!tpu.dma_semaphore, #tpu.memory_space<semaphore_mem>>)
      %dma_wait3A = arith.constant 0 : i32
      %dma_wait3A_789 = arith.constant 0 : i32
      %dma_wait3A_790 = tpu.memref_slice %arg2[%dma_wait3A, %dma_wait3A_789] : memref<10240x128xf32, #tpu.memory_space<hbm>> -> memref<10240x128xf32, #tpu.memory_space<hbm>>
      tpu.wait_indirect_dma semaphore(%arg11 : memref<!tpu.dma_semaphore, #tpu.memory_space<semaphore_mem>>) src(%dma_wait3A_790 : memref<10240x128xf32, #tpu.memory_space<hbm>>) dst(%arg8 : memref<128x128xf32, #tpu.memory_space<vmem>>)
      "tpu.region"() ({
        %run_scoped3A = tpu.sem_alloc : memref<!tpu.dma_semaphore, #tpu.memory_space<semaphore_mem>>
        %dma_start3A_791 = arith.constant 0 : i32
        %dma_start3A_792 = arith.constant 0 : i32
        %dma_start3A_793 = tpu.memref_slice %arg6[%dma_start3A_791, %dma_start3A_792] : memref<10240x128xf32, #tpu.memory_space<vmem_shared>> -> memref<10240x128xf32, #tpu.memory_space<vmem_shared>>
        tpu.enqueue_indirect_dma source(%arg8 : memref<128x128xf32, #tpu.memory_space<vmem>>) target(%dma_start3A_793 : memref<10240x128xf32, #tpu.memory_space<vmem_shared>>) offsets(%arg10 : memref<128xi32, #tpu.memory_space<vmem>>) semaphore(%run_scoped3A : memref<!tpu.dma_semaphore, #tpu.memory_space<semaphore_mem>>) {add = true}
        %dma_wait3A_794 = arith.constant 0 : i32
        %dma_wait3A_795 = arith.constant 0 : i32
        %dma_wait3A_796 = tpu.memref_slice %arg6[%dma_wait3A_794, %dma_wait3A_795] : memref<10240x128xf32, #tpu.memory_space<vmem_shared>> -> memref<10240x128xf32, #tpu.memory_space<vmem_shared>>
        tpu.wait_indirect_dma semaphore(%run_scoped3A : memref<!tpu.dma_semaphore, #tpu.memory_space<semaphore_mem>>) src(%arg8 : memref<128x128xf32, #tpu.memory_space<vmem>>) dst(%dma_wait3A_796 : memref<10240x128xf32, #tpu.memory_space<vmem_shared>>)
        tpu.yield
      }) : () -> ()
    }
    %scan3A_781 = arith.constant 80 : i32
    %barrier3A_782 = arith.constant 0 : index
    tpu.barrier barrier_id(%barrier3A_782)
    "tpu.region"() ({
      %run_scoped3A = tpu.sem_alloc : memref<!tpu.dma_semaphore, #tpu.memory_space<semaphore_mem>>
      %dma_start3A = arith.constant 0 : i32
      %dma_start3A_783 = tpu.memref_slice %arg5[%arg0, %mul3A_768, %dma_start3A] : memref<2x10240x128xf32, #tpu.memory_space<hbm>> -> memref<1x640x128xf32, #tpu.memory_space<hbm>>
      %dma_start3A_784 = tpu.memref_squeeze %dma_start3A_783 : memref<1x640x128xf32, #tpu.memory_space<hbm>> -> memref<640x128xf32, #tpu.memory_space<hbm>>
      %dma_start3A_785 = arith.constant 0 : i32
      %dma_start3A_786 = tpu.memref_slice %arg6[%mul3A_768, %dma_start3A_785] : memref<10240x128xf32, #tpu.memory_space<vmem_shared>> -> memref<640x128xf32, #tpu.memory_space<vmem_shared>>
      tpu.enqueue_dma source(%dma_start3A_786 : memref<640x128xf32, #tpu.memory_space<vmem_shared>>) target(%dma_start3A_784 : memref<640x128xf32, #tpu.memory_space<hbm>>) target_semaphore(%run_scoped3A : memref<!tpu.dma_semaphore, #tpu.memory_space<semaphore_mem>>)
      %dma_wait3A = arith.constant 0 : i32
      %dma_wait3A_787 = tpu.memref_slice %arg5[%arg0, %mul3A_768, %dma_wait3A] : memref<2x10240x128xf32, #tpu.memory_space<hbm>> -> memref<1x640x128xf32, #tpu.memory_space<hbm>>
      %dma_wait3A_788 = tpu.memref_squeeze %dma_wait3A_787 : memref<1x640x128xf32, #tpu.memory_space<hbm>> -> memref<640x128xf32, #tpu.memory_space<hbm>>
      %dma_wait3A_789 = arith.constant 0 : i32
      %dma_wait3A_790 = tpu.memref_slice %arg6[%mul3A_768, %dma_wait3A_789] : memref<10240x128xf32, #tpu.memory_space<vmem_shared>> -> memref<640x128xf32, #tpu.memory_space<vmem_shared>>
      tpu.wait_dma2 semaphore(%run_scoped3A : memref<!tpu.dma_semaphore, #tpu.memory_space<semaphore_mem>>) src(%dma_wait3A_790 : memref<640x128xf32, #tpu.memory_space<vmem_shared>>) dst(%dma_wait3A_788 : memref<640x128xf32, #tpu.memory_space<hbm>>)
      tpu.yield
    }) : () -> ()
    return
  }
}

#map = affine_map<(d0, d1) -> (0, 0)>
#map1 = affine_map<(d0, d1) -> (0)>
#map2 = affine_map<(d0, d1) -> (0, 0, 0)>
module attributes {stable_mosaic.version = 14 : i64} {
  func.func @_sc_pass2(%arg0: i32, %arg1: i32, %arg2: memref<10240x16xf32, #tpu.memory_space<hbm>>, %arg3: memref<10240x16xf32, #tpu.memory_space<hbm>>, %arg4: memref<327680xi32, #tpu.memory_space<hbm>>, %arg5: memref<327680xi32, #tpu.memory_space<hbm>>, %arg6: memref<2x10240x16xf32, #tpu.memory_space<hbm>>, %arg7: memref<2x10240x16xf32, #tpu.memory_space<hbm>>, %arg8: memref<10240x16xf32, #tpu.memory_space<vmem_shared>>, %arg9: memref<10240x16xf32, #tpu.memory_space<vmem_shared>>, %arg10: memref<10240x16xf32, #tpu.memory_space<vmem_shared>>, %arg11: memref<10240x16xf32, #tpu.memory_space<vmem_shared>>, %arg12: memref<16x16xf32, #tpu.memory_space<vmem>>, %arg13: memref<128x16xf32, #tpu.memory_space<vmem>>, %arg14: memref<128x16xf32, #tpu.memory_space<vmem>>, %arg15: memref<128xi32, #tpu.memory_space<vmem>>, %arg16: memref<128xi32, #tpu.memory_space<vmem>>, %arg17: memref<!tpu.dma_semaphore, #tpu.memory_space<semaphore_mem>>, %arg18: memref<!tpu.dma_semaphore, #tpu.memory_space<semaphore_mem>>) attributes {dimension_semantics = [#tpu.dimension_semantics<core_parallel>, #tpu.dimension_semantics<subcore_parallel>], iteration_bounds = array<i64: 2, 16>, scalar_prefetch = 0 : i64, scratch_operands = 11 : i64, tpu.core_type = #tpu.core_type<sc_vector_subcore>, window_params = [{transform_indices = #map}, {transform_indices = #map}, {transform_indices = #map1}, {transform_indices = #map1}, {transform_indices = #map2}, {transform_indices = #map2}]} {
    %broadcast_in_dim3A = arith.constant 0.000000e+00 : f32
    %broadcast_in_dim3A_0 = vector.broadcast %broadcast_in_dim3A : f32 to vector<16xf32>
    %swap3A = arith.constant 0 : i32
    %swap3A_1 = arith.index_cast %swap3A : i32 to index
    %swap3A_2 = arith.constant 0 : index
    %swap3A_3 = tpu.vector_load %arg12[%swap3A_1, %swap3A_2] {strides = array<i32>} : memref<16x16xf32, #tpu.memory_space<vmem>>, vector<1x16xf32>,
    %swap3A_4 = vector.shape_cast %swap3A_3 : vector<1x16xf32> to vector<16xf32>
    %swap3A_5 = vector.shape_cast %broadcast_in_dim3A_0 : vector<16xf32> to vector<1x16xf32>
    tpu.vector_store %arg12[%swap3A_1, %swap3A_2], %swap3A_5 {strides = array<i32>} : memref<16x16xf32, #tpu.memory_space<vmem>>, vector<1x16xf32>,
    %swap3A_6 = arith.constant 1 : i32
    %swap3A_7 = arith.index_cast %swap3A_6 : i32 to index
    %swap3A_8 = arith.constant 0 : index
    %swap3A_9 = tpu.vector_load %arg12[%swap3A_7, %swap3A_8] {strides = array<i32>} : memref<16x16xf32, #tpu.memory_space<vmem>>, vector<1x16xf32>,
    %swap3A_10 = vector.shape_cast %swap3A_9 : vector<1x16xf32> to vector<16xf32>
    %swap3A_11 = vector.shape_cast %broadcast_in_dim3A_0 : vector<16xf32> to vector<1x16xf32>
    tpu.vector_store %arg12[%swap3A_7, %swap3A_8], %swap3A_11 {strides = array<i32>} : memref<16x16xf32, #tpu.memory_space<vmem>>, vector<1x16xf32>,
    %swap3A_12 = arith.constant 2 : i32
    %swap3A_13 = arith.index_cast %swap3A_12 : i32 to index
    %swap3A_14 = arith.constant 0 : index
    %swap3A_15 = tpu.vector_load %arg12[%swap3A_13, %swap3A_14] {strides = array<i32>} : memref<16x16xf32, #tpu.memory_space<vmem>>, vector<1x16xf32>,
    %swap3A_16 = vector.shape_cast %swap3A_15 : vector<1x16xf32> to vector<16xf32>
    %swap3A_17 = vector.shape_cast %broadcast_in_dim3A_0 : vector<16xf32> to vector<1x16xf32>
    tpu.vector_store %arg12[%swap3A_13, %swap3A_14], %swap3A_17 {strides = array<i32>} : memref<16x16xf32, #tpu.memory_space<vmem>>, vector<1x16xf32>,
    %swap3A_18 = arith.constant 3 : i32
    %swap3A_19 = arith.index_cast %swap3A_18 : i32 to index
    %swap3A_20 = arith.constant 0 : index
    %swap3A_21 = tpu.vector_load %arg12[%swap3A_19, %swap3A_20] {strides = array<i32>} : memref<16x16xf32, #tpu.memory_space<vmem>>, vector<1x16xf32>,
    %swap3A_22 = vector.shape_cast %swap3A_21 : vector<1x16xf32> to vector<16xf32>
    %swap3A_23 = vector.shape_cast %broadcast_in_dim3A_0 : vector<16xf32> to vector<1x16xf32>
    tpu.vector_store %arg12[%swap3A_19, %swap3A_20], %swap3A_23 {strides = array<i32>} : memref<16x16xf32, #tpu.memory_space<vmem>>, vector<1x16xf32>,
    %swap3A_24 = arith.constant 4 : i32
    %swap3A_25 = arith.index_cast %swap3A_24 : i32 to index
    %swap3A_26 = arith.constant 0 : index
    %swap3A_27 = tpu.vector_load %arg12[%swap3A_25, %swap3A_26] {strides = array<i32>} : memref<16x16xf32, #tpu.memory_space<vmem>>, vector<1x16xf32>,
    %swap3A_28 = vector.shape_cast %swap3A_27 : vector<1x16xf32> to vector<16xf32>
    %swap3A_29 = vector.shape_cast %broadcast_in_dim3A_0 : vector<16xf32> to vector<1x16xf32>
    tpu.vector_store %arg12[%swap3A_25, %swap3A_26], %swap3A_29 {strides = array<i32>} : memref<16x16xf32, #tpu.memory_space<vmem>>, vector<1x16xf32>,
    %swap3A_30 = arith.constant 5 : i32
    %swap3A_31 = arith.index_cast %swap3A_30 : i32 to index
    %swap3A_32 = arith.constant 0 : index
    %swap3A_33 = tpu.vector_load %arg12[%swap3A_31, %swap3A_32] {strides = array<i32>} : memref<16x16xf32, #tpu.memory_space<vmem>>, vector<1x16xf32>,
    %swap3A_34 = vector.shape_cast %swap3A_33 : vector<1x16xf32> to vector<16xf32>
    %swap3A_35 = vector.shape_cast %broadcast_in_dim3A_0 : vector<16xf32> to vector<1x16xf32>
    tpu.vector_store %arg12[%swap3A_31, %swap3A_32], %swap3A_35 {strides = array<i32>} : memref<16x16xf32, #tpu.memory_space<vmem>>, vector<1x16xf32>,
    %swap3A_36 = arith.constant 6 : i32
    %swap3A_37 = arith.index_cast %swap3A_36 : i32 to index
    %swap3A_38 = arith.constant 0 : index
    %swap3A_39 = tpu.vector_load %arg12[%swap3A_37, %swap3A_38] {strides = array<i32>} : memref<16x16xf32, #tpu.memory_space<vmem>>, vector<1x16xf32>,
    %swap3A_40 = vector.shape_cast %swap3A_39 : vector<1x16xf32> to vector<16xf32>
    %swap3A_41 = vector.shape_cast %broadcast_in_dim3A_0 : vector<16xf32> to vector<1x16xf32>
    tpu.vector_store %arg12[%swap3A_37, %swap3A_38], %swap3A_41 {strides = array<i32>} : memref<16x16xf32, #tpu.memory_space<vmem>>, vector<1x16xf32>,
    %swap3A_42 = arith.constant 7 : i32
    %swap3A_43 = arith.index_cast %swap3A_42 : i32 to index
    %swap3A_44 = arith.constant 0 : index
    %swap3A_45 = tpu.vector_load %arg12[%swap3A_43, %swap3A_44] {strides = array<i32>} : memref<16x16xf32, #tpu.memory_space<vmem>>, vector<1x16xf32>,
    %swap3A_46 = vector.shape_cast %swap3A_45 : vector<1x16xf32> to vector<16xf32>
    %swap3A_47 = vector.shape_cast %broadcast_in_dim3A_0 : vector<16xf32> to vector<1x16xf32>
    tpu.vector_store %arg12[%swap3A_43, %swap3A_44], %swap3A_47 {strides = array<i32>} : memref<16x16xf32, #tpu.memory_space<vmem>>, vector<1x16xf32>,
    %swap3A_48 = arith.constant 8 : i32
    %swap3A_49 = arith.index_cast %swap3A_48 : i32 to index
    %swap3A_50 = arith.constant 0 : index
    %swap3A_51 = tpu.vector_load %arg12[%swap3A_49, %swap3A_50] {strides = array<i32>} : memref<16x16xf32, #tpu.memory_space<vmem>>, vector<1x16xf32>,
    %swap3A_52 = vector.shape_cast %swap3A_51 : vector<1x16xf32> to vector<16xf32>
    %swap3A_53 = vector.shape_cast %broadcast_in_dim3A_0 : vector<16xf32> to vector<1x16xf32>
    tpu.vector_store %arg12[%swap3A_49, %swap3A_50], %swap3A_53 {strides = array<i32>} : memref<16x16xf32, #tpu.memory_space<vmem>>, vector<1x16xf32>,
    %swap3A_54 = arith.constant 9 : i32
    %swap3A_55 = arith.index_cast %swap3A_54 : i32 to index
    %swap3A_56 = arith.constant 0 : index
    %swap3A_57 = tpu.vector_load %arg12[%swap3A_55, %swap3A_56] {strides = array<i32>} : memref<16x16xf32, #tpu.memory_space<vmem>>, vector<1x16xf32>,
    %swap3A_58 = vector.shape_cast %swap3A_57 : vector<1x16xf32> to vector<16xf32>
    %swap3A_59 = vector.shape_cast %broadcast_in_dim3A_0 : vector<16xf32> to vector<1x16xf32>
    tpu.vector_store %arg12[%swap3A_55, %swap3A_56], %swap3A_59 {strides = array<i32>} : memref<16x16xf32, #tpu.memory_space<vmem>>, vector<1x16xf32>,
    %swap3A_60 = arith.constant 10 : i32
    %swap3A_61 = arith.index_cast %swap3A_60 : i32 to index
    %swap3A_62 = arith.constant 0 : index
    %swap3A_63 = tpu.vector_load %arg12[%swap3A_61, %swap3A_62] {strides = array<i32>} : memref<16x16xf32, #tpu.memory_space<vmem>>, vector<1x16xf32>,
    %swap3A_64 = vector.shape_cast %swap3A_63 : vector<1x16xf32> to vector<16xf32>
    %swap3A_65 = vector.shape_cast %broadcast_in_dim3A_0 : vector<16xf32> to vector<1x16xf32>
    tpu.vector_store %arg12[%swap3A_61, %swap3A_62], %swap3A_65 {strides = array<i32>} : memref<16x16xf32, #tpu.memory_space<vmem>>, vector<1x16xf32>,
    %swap3A_66 = arith.constant 11 : i32
    %swap3A_67 = arith.index_cast %swap3A_66 : i32 to index
    %swap3A_68 = arith.constant 0 : index
    %swap3A_69 = tpu.vector_load %arg12[%swap3A_67, %swap3A_68] {strides = array<i32>} : memref<16x16xf32, #tpu.memory_space<vmem>>, vector<1x16xf32>,
    %swap3A_70 = vector.shape_cast %swap3A_69 : vector<1x16xf32> to vector<16xf32>
    %swap3A_71 = vector.shape_cast %broadcast_in_dim3A_0 : vector<16xf32> to vector<1x16xf32>
    tpu.vector_store %arg12[%swap3A_67, %swap3A_68], %swap3A_71 {strides = array<i32>} : memref<16x16xf32, #tpu.memory_space<vmem>>, vector<1x16xf32>,
    %swap3A_72 = arith.constant 12 : i32
    %swap3A_73 = arith.index_cast %swap3A_72 : i32 to index
    %swap3A_74 = arith.constant 0 : index
    %swap3A_75 = tpu.vector_load %arg12[%swap3A_73, %swap3A_74] {strides = array<i32>} : memref<16x16xf32, #tpu.memory_space<vmem>>, vector<1x16xf32>,
    %swap3A_76 = vector.shape_cast %swap3A_75 : vector<1x16xf32> to vector<16xf32>
    %swap3A_77 = vector.shape_cast %broadcast_in_dim3A_0 : vector<16xf32> to vector<1x16xf32>
    tpu.vector_store %arg12[%swap3A_73, %swap3A_74], %swap3A_77 {strides = array<i32>} : memref<16x16xf32, #tpu.memory_space<vmem>>, vector<1x16xf32>,
    %swap3A_78 = arith.constant 13 : i32
    %swap3A_79 = arith.index_cast %swap3A_78 : i32 to index
    %swap3A_80 = arith.constant 0 : index
    %swap3A_81 = tpu.vector_load %arg12[%swap3A_79, %swap3A_80] {strides = array<i32>} : memref<16x16xf32, #tpu.memory_space<vmem>>, vector<1x16xf32>,
    %swap3A_82 = vector.shape_cast %swap3A_81 : vector<1x16xf32> to vector<16xf32>
    %swap3A_83 = vector.shape_cast %broadcast_in_dim3A_0 : vector<16xf32> to vector<1x16xf32>
    tpu.vector_store %arg12[%swap3A_79, %swap3A_80], %swap3A_83 {strides = array<i32>} : memref<16x16xf32, #tpu.memory_space<vmem>>, vector<1x16xf32>,
    %swap3A_84 = arith.constant 14 : i32
    %swap3A_85 = arith.index_cast %swap3A_84 : i32 to index
    %swap3A_86 = arith.constant 0 : index
    %swap3A_87 = tpu.vector_load %arg12[%swap3A_85, %swap3A_86] {strides = array<i32>} : memref<16x16xf32, #tpu.memory_space<vmem>>, vector<1x16xf32>,
    %swap3A_88 = vector.shape_cast %swap3A_87 : vector<1x16xf32> to vector<16xf32>
    %swap3A_89 = vector.shape_cast %broadcast_in_dim3A_0 : vector<16xf32> to vector<1x16xf32>
    tpu.vector_store %arg12[%swap3A_85, %swap3A_86], %swap3A_89 {strides = array<i32>} : memref<16x16xf32, #tpu.memory_space<vmem>>, vector<1x16xf32>,
    %swap3A_90 = arith.constant 15 : i32
    %swap3A_91 = arith.index_cast %swap3A_90 : i32 to index
    %swap3A_92 = arith.constant 0 : index
    %swap3A_93 = tpu.vector_load %arg12[%swap3A_91, %swap3A_92] {strides = array<i32>} : memref<16x16xf32, #tpu.memory_space<vmem>>, vector<1x16xf32>,
    %swap3A_94 = vector.shape_cast %swap3A_93 : vector<1x16xf32> to vector<16xf32>
    %swap3A_95 = vector.shape_cast %broadcast_in_dim3A_0 : vector<16xf32> to vector<1x16xf32>
    tpu.vector_store %arg12[%swap3A_91, %swap3A_92], %swap3A_95 {strides = array<i32>} : memref<16x16xf32, #tpu.memory_space<vmem>>, vector<1x16xf32>,
    %mul3A = arith.constant 640 : i32
    %mul3A_96 = arith.muli %arg1, %mul3A : i32
    "tpu.region"() ({
      %run_scoped3A = tpu.sem_alloc : memref<!tpu.dma_semaphore, #tpu.memory_space<semaphore_mem>>
      %dma_start3A = arith.constant 0 : i32
      %dma_start3A_111 = tpu.memref_slice %arg8[%mul3A_96, %dma_start3A] : memref<10240x16xf32, #tpu.memory_space<vmem_shared>> -> memref<640x16xf32, #tpu.memory_space<vmem_shared>>
      %dma_start3A_112 = arith.constant 0 : i32
      %dma_start3A_113 = tpu.memref_slice %arg2[%mul3A_96, %dma_start3A_112] : memref<10240x16xf32, #tpu.memory_space<hbm>> -> memref<640x16xf32, #tpu.memory_space<hbm>>
      tpu.enqueue_dma source(%dma_start3A_113 : memref<640x16xf32, #tpu.memory_space<hbm>>) target(%dma_start3A_111 : memref<640x16xf32, #tpu.memory_space<vmem_shared>>) target_semaphore(%run_scoped3A : memref<!tpu.dma_semaphore, #tpu.memory_space<semaphore_mem>>)
      %dma_wait3A = arith.constant 0 : i32
      %dma_wait3A_114 = tpu.memref_slice %arg8[%mul3A_96, %dma_wait3A] : memref<10240x16xf32, #tpu.memory_space<vmem_shared>> -> memref<640x16xf32, #tpu.memory_space<vmem_shared>>
      %dma_wait3A_115 = arith.constant 0 : i32
      %dma_wait3A_116 = tpu.memref_slice %arg2[%mul3A_96, %dma_wait3A_115] : memref<10240x16xf32, #tpu.memory_space<hbm>> -> memref<640x16xf32, #tpu.memory_space<hbm>>
      tpu.wait_dma2 semaphore(%run_scoped3A : memref<!tpu.dma_semaphore, #tpu.memory_space<semaphore_mem>>) src(%dma_wait3A_116 : memref<640x16xf32, #tpu.memory_space<hbm>>) dst(%dma_wait3A_114 : memref<640x16xf32, #tpu.memory_space<vmem_shared>>)
      tpu.yield
    }) : () -> ()
    "tpu.region"() ({
      %run_scoped3A = tpu.sem_alloc : memref<!tpu.dma_semaphore, #tpu.memory_space<semaphore_mem>>
      %dma_start3A = arith.constant 0 : i32
      %dma_start3A_111 = tpu.memref_slice %arg9[%mul3A_96, %dma_start3A] : memref<10240x16xf32, #tpu.memory_space<vmem_shared>> -> memref<640x16xf32, #tpu.memory_space<vmem_shared>>
      %dma_start3A_112 = arith.constant 0 : i32
      %dma_start3A_113 = tpu.memref_slice %arg3[%mul3A_96, %dma_start3A_112] : memref<10240x16xf32, #tpu.memory_space<hbm>> -> memref<640x16xf32, #tpu.memory_space<hbm>>
      tpu.enqueue_dma source(%dma_start3A_113 : memref<640x16xf32, #tpu.memory_space<hbm>>) target(%dma_start3A_111 : memref<640x16xf32, #tpu.memory_space<vmem_shared>>) target_semaphore(%run_scoped3A : memref<!tpu.dma_semaphore, #tpu.memory_space<semaphore_mem>>)
      %dma_wait3A = arith.constant 0 : i32
      %dma_wait3A_114 = tpu.memref_slice %arg9[%mul3A_96, %dma_wait3A] : memref<10240x16xf32, #tpu.memory_space<vmem_shared>> -> memref<640x16xf32, #tpu.memory_space<vmem_shared>>
      %dma_wait3A_115 = arith.constant 0 : i32
      %dma_wait3A_116 = tpu.memref_slice %arg3[%mul3A_96, %dma_wait3A_115] : memref<10240x16xf32, #tpu.memory_space<hbm>> -> memref<640x16xf32, #tpu.memory_space<hbm>>
      tpu.wait_dma2 semaphore(%run_scoped3A : memref<!tpu.dma_semaphore, #tpu.memory_space<semaphore_mem>>) src(%dma_wait3A_116 : memref<640x16xf32, #tpu.memory_space<hbm>>) dst(%dma_wait3A_114 : memref<640x16xf32, #tpu.memory_space<vmem_shared>>)
      tpu.yield
    }) : () -> ()
    %scan3A = arith.constant 0 : i32
    %scan3A_97 = arith.constant 40 : i32
    %scan3A_98 = arith.addi %scan3A, %scan3A_97 : i32
    %scan3A_99 = arith.constant 1 : i32
    scf.for %scan3A_111 = %scan3A to %scan3A_98 step %scan3A_99  : i32 {
      %mul3A_112 = arith.constant 16 : i32
      %mul3A_113 = arith.muli %scan3A_111, %mul3A_112 : i32
      %add3A_114 = arith.addi %mul3A_96, %mul3A_113 : i32
      "tpu.region"() ({
        %run_scoped3A = tpu.sem_alloc : memref<!tpu.dma_semaphore, #tpu.memory_space<semaphore_mem>>
        %dma_start3A = arith.constant 0 : i32
        %dma_start3A_118 = tpu.memref_slice %arg10[%add3A_114, %dma_start3A] : memref<10240x16xf32, #tpu.memory_space<vmem_shared>> -> memref<16x16xf32, #tpu.memory_space<vmem_shared>>
        %dma_start3A_119 = arith.constant 0 : i32
        %dma_start3A_120 = tpu.memref_slice %arg10[%add3A_114, %dma_start3A_119] : memref<10240x16xf32, #tpu.memory_space<vmem_shared>> -> memref<16x16xf32, #tpu.memory_space<vmem_shared>>
        tpu.enqueue_dma source(%arg12 : memref<16x16xf32, #tpu.memory_space<vmem>>) target(%dma_start3A_120 : memref<16x16xf32, #tpu.memory_space<vmem_shared>>) target_semaphore(%run_scoped3A : memref<!tpu.dma_semaphore, #tpu.memory_space<semaphore_mem>>)
        %dma_wait3A = arith.constant 0 : i32
        %dma_wait3A_121 = tpu.memref_slice %arg10[%add3A_114, %dma_wait3A] : memref<10240x16xf32, #tpu.memory_space<vmem_shared>> -> memref<16x16xf32, #tpu.memory_space<vmem_shared>>
        %dma_wait3A_122 = arith.constant 0 : i32
        %dma_wait3A_123 = tpu.memref_slice %arg10[%add3A_114, %dma_wait3A_122] : memref<10240x16xf32, #tpu.memory_space<vmem_shared>> -> memref<16x16xf32, #tpu.memory_space<vmem_shared>>
        tpu.wait_dma2 semaphore(%run_scoped3A : memref<!tpu.dma_semaphore, #tpu.memory_space<semaphore_mem>>) src(%arg12 : memref<16x16xf32, #tpu.memory_space<vmem>>) dst(%dma_wait3A_123 : memref<16x16xf32, #tpu.memory_space<vmem_shared>>)
        tpu.yield
      }) : () -> ()
      %mul3A_115 = arith.constant 16 : i32
      %mul3A_116 = arith.muli %scan3A_111, %mul3A_115 : i32
      %add3A_117 = arith.addi %mul3A_96, %mul3A_116 : i32
      "tpu.region"() ({
        %run_scoped3A = tpu.sem_alloc : memref<!tpu.dma_semaphore, #tpu.memory_space<semaphore_mem>>
        %dma_start3A = arith.constant 0 : i32
        %dma_start3A_118 = tpu.memref_slice %arg11[%add3A_117, %dma_start3A] : memref<10240x16xf32, #tpu.memory_space<vmem_shared>> -> memref<16x16xf32, #tpu.memory_space<vmem_shared>>
        %dma_start3A_119 = arith.constant 0 : i32
        %dma_start3A_120 = tpu.memref_slice %arg11[%add3A_117, %dma_start3A_119] : memref<10240x16xf32, #tpu.memory_space<vmem_shared>> -> memref<16x16xf32, #tpu.memory_space<vmem_shared>>
        tpu.enqueue_dma source(%arg12 : memref<16x16xf32, #tpu.memory_space<vmem>>) target(%dma_start3A_120 : memref<16x16xf32, #tpu.memory_space<vmem_shared>>) target_semaphore(%run_scoped3A : memref<!tpu.dma_semaphore, #tpu.memory_space<semaphore_mem>>)
        %dma_wait3A = arith.constant 0 : i32
        %dma_wait3A_121 = tpu.memref_slice %arg11[%add3A_117, %dma_wait3A] : memref<10240x16xf32, #tpu.memory_space<vmem_shared>> -> memref<16x16xf32, #tpu.memory_space<vmem_shared>>
        %dma_wait3A_122 = arith.constant 0 : i32
        %dma_wait3A_123 = tpu.memref_slice %arg11[%add3A_117, %dma_wait3A_122] : memref<10240x16xf32, #tpu.memory_space<vmem_shared>> -> memref<16x16xf32, #tpu.memory_space<vmem_shared>>
        tpu.wait_dma2 semaphore(%run_scoped3A : memref<!tpu.dma_semaphore, #tpu.memory_space<semaphore_mem>>) src(%arg12 : memref<16x16xf32, #tpu.memory_space<vmem>>) dst(%dma_wait3A_123 : memref<16x16xf32, #tpu.memory_space<vmem_shared>>)
        tpu.yield
      }) : () -> ()
    }
    %scan3A_100 = arith.constant 40 : i32
    %barrier3A = arith.constant 0 : index
    tpu.barrier barrier_id(%barrier3A)
    %mul3A_101 = arith.constant 16 : i32
    %mul3A_102 = arith.muli %arg0, %mul3A_101 : i32
    %add3A = arith.addi %mul3A_102, %arg1 : i32
    %mul3A_103 = arith.constant 10240 : i32
    %mul3A_104 = arith.muli %add3A, %mul3A_103 : i32
    %scan3A_105 = arith.constant 0 : i32
    %scan3A_106 = arith.constant 80 : i32
    %scan3A_107 = arith.addi %scan3A_105, %scan3A_106 : i32
    %scan3A_108 = arith.constant 1 : i32
    scf.for %scan3A_111 = %scan3A_105 to %scan3A_107 step %scan3A_108  : i32 {
      %mul3A_112 = arith.constant 128 : i32
      %mul3A_113 = arith.muli %scan3A_111, %mul3A_112 : i32
      %add3A_114 = arith.addi %mul3A_104, %mul3A_113 : i32
      "tpu.region"() ({
        %run_scoped3A = tpu.sem_alloc : memref<!tpu.dma_semaphore, #tpu.memory_space<semaphore_mem>>
        %dma_start3A_125 = tpu.memref_slice %arg4[%add3A_114] : memref<327680xi32, #tpu.memory_space<hbm>> -> memref<128xi32, #tpu.memory_space<hbm>>
        %dma_start3A_126 = tpu.memref_slice %arg4[%add3A_114] : memref<327680xi32, #tpu.memory_space<hbm>> -> memref<128xi32, #tpu.memory_space<hbm>>
        tpu.enqueue_dma source(%dma_start3A_126 : memref<128xi32, #tpu.memory_space<hbm>>) target(%arg15 : memref<128xi32, #tpu.memory_space<vmem>>) target_semaphore(%run_scoped3A : memref<!tpu.dma_semaphore, #tpu.memory_space<semaphore_mem>>)
        %dma_wait3A_127 = tpu.memref_slice %arg4[%add3A_114] : memref<327680xi32, #tpu.memory_space<hbm>> -> memref<128xi32, #tpu.memory_space<hbm>>
        %dma_wait3A_128 = tpu.memref_slice %arg4[%add3A_114] : memref<327680xi32, #tpu.memory_space<hbm>> -> memref<128xi32, #tpu.memory_space<hbm>>
        tpu.wait_dma2 semaphore(%run_scoped3A : memref<!tpu.dma_semaphore, #tpu.memory_space<semaphore_mem>>) src(%dma_wait3A_128 : memref<128xi32, #tpu.memory_space<hbm>>) dst(%arg15 : memref<128xi32, #tpu.memory_space<vmem>>)
        tpu.yield
      }) : () -> ()
      "tpu.region"() ({
        %run_scoped3A = tpu.sem_alloc : memref<!tpu.dma_semaphore, #tpu.memory_space<semaphore_mem>>
        %dma_start3A_125 = tpu.memref_slice %arg5[%add3A_114] : memref<327680xi32, #tpu.memory_space<hbm>> -> memref<128xi32, #tpu.memory_space<hbm>>
        %dma_start3A_126 = tpu.memref_slice %arg5[%add3A_114] : memref<327680xi32, #tpu.memory_space<hbm>> -> memref<128xi32, #tpu.memory_space<hbm>>
        tpu.enqueue_dma source(%dma_start3A_126 : memref<128xi32, #tpu.memory_space<hbm>>) target(%arg16 : memref<128xi32, #tpu.memory_space<vmem>>) target_semaphore(%run_scoped3A : memref<!tpu.dma_semaphore, #tpu.memory_space<semaphore_mem>>)
        %dma_wait3A_127 = tpu.memref_slice %arg5[%add3A_114] : memref<327680xi32, #tpu.memory_space<hbm>> -> memref<128xi32, #tpu.memory_space<hbm>>
        %dma_wait3A_128 = tpu.memref_slice %arg5[%add3A_114] : memref<327680xi32, #tpu.memory_space<hbm>> -> memref<128xi32, #tpu.memory_space<hbm>>
        tpu.wait_dma2 semaphore(%run_scoped3A : memref<!tpu.dma_semaphore, #tpu.memory_space<semaphore_mem>>) src(%dma_wait3A_128 : memref<128xi32, #tpu.memory_space<hbm>>) dst(%arg16 : memref<128xi32, #tpu.memory_space<vmem>>)
        tpu.yield
      }) : () -> ()
      %dma_start3A = arith.constant 0 : i32
      %dma_start3A_115 = arith.constant 0 : i32
      %dma_start3A_116 = tpu.memref_slice %arg8[%dma_start3A, %dma_start3A_115] : memref<10240x16xf32, #tpu.memory_space<vmem_shared>> -> memref<10240x16xf32, #tpu.memory_space<vmem_shared>>
      tpu.enqueue_indirect_dma source(%dma_start3A_116 : memref<10240x16xf32, #tpu.memory_space<vmem_shared>>) target(%arg13 : memref<128x16xf32, #tpu.memory_space<vmem>>) offsets(%arg15 : memref<128xi32, #tpu.memory_space<vmem>>) semaphore(%arg17 : memref<!tpu.dma_semaphore, #tpu.memory_space<semaphore_mem>>)
      %dma_start3A_117 = arith.constant 0 : i32
      %dma_start3A_118 = arith.constant 0 : i32
      %dma_start3A_119 = tpu.memref_slice %arg9[%dma_start3A_117, %dma_start3A_118] : memref<10240x16xf32, #tpu.memory_space<vmem_shared>> -> memref<10240x16xf32, #tpu.memory_space<vmem_shared>>
      tpu.enqueue_indirect_dma source(%dma_start3A_119 : memref<10240x16xf32, #tpu.memory_space<vmem_shared>>) target(%arg14 : memref<128x16xf32, #tpu.memory_space<vmem>>) offsets(%arg16 : memref<128xi32, #tpu.memory_space<vmem>>) semaphore(%arg18 : memref<!tpu.dma_semaphore, #tpu.memory_space<semaphore_mem>>)
      %dma_wait3A = arith.constant 0 : i32
      %dma_wait3A_120 = arith.constant 0 : i32
      %dma_wait3A_121 = tpu.memref_slice %arg8[%dma_wait3A, %dma_wait3A_120] : memref<10240x16xf32, #tpu.memory_space<vmem_shared>> -> memref<10240x16xf32, #tpu.memory_space<vmem_shared>>
      tpu.wait_indirect_dma semaphore(%arg17 : memref<!tpu.dma_semaphore, #tpu.memory_space<semaphore_mem>>) src(%dma_wait3A_121 : memref<10240x16xf32, #tpu.memory_space<vmem_shared>>) dst(%arg13 : memref<128x16xf32, #tpu.memory_space<vmem>>)
      %dma_wait3A_122 = arith.constant 0 : i32
      %dma_wait3A_123 = arith.constant 0 : i32
      %dma_wait3A_124 = tpu.memref_slice %arg9[%dma_wait3A_122, %dma_wait3A_123] : memref<10240x16xf32, #tpu.memory_space<vmem_shared>> -> memref<10240x16xf32, #tpu.memory_space<vmem_shared>>
      tpu.wait_indirect_dma semaphore(%arg18 : memref<!tpu.dma_semaphore, #tpu.memory_space<semaphore_mem>>) src(%dma_wait3A_124 : memref<10240x16xf32, #tpu.memory_space<vmem_shared>>) dst(%arg14 : memref<128x16xf32, #tpu.memory_space<vmem>>)
      "tpu.region"() ({
        %run_scoped3A = tpu.sem_alloc : memref<!tpu.dma_semaphore, #tpu.memory_space<semaphore_mem>>
        %dma_start3A_125 = arith.constant 0 : i32
        %dma_start3A_126 = arith.constant 0 : i32
        %dma_start3A_127 = tpu.memref_slice %arg10[%dma_start3A_125, %dma_start3A_126] : memref<10240x16xf32, #tpu.memory_space<vmem_shared>> -> memref<10240x16xf32, #tpu.memory_space<vmem_shared>>
        tpu.enqueue_indirect_dma source(%arg13 : memref<128x16xf32, #tpu.memory_space<vmem>>) target(%dma_start3A_127 : memref<10240x16xf32, #tpu.memory_space<vmem_shared>>) offsets(%arg16 : memref<128xi32, #tpu.memory_space<vmem>>) semaphore(%run_scoped3A : memref<!tpu.dma_semaphore, #tpu.memory_space<semaphore_mem>>) {add = true}
        %dma_wait3A_128 = arith.constant 0 : i32
        %dma_wait3A_129 = arith.constant 0 : i32
        %dma_wait3A_130 = tpu.memref_slice %arg10[%dma_wait3A_128, %dma_wait3A_129] : memref<10240x16xf32, #tpu.memory_space<vmem_shared>> -> memref<10240x16xf32, #tpu.memory_space<vmem_shared>>
        tpu.wait_indirect_dma semaphore(%run_scoped3A : memref<!tpu.dma_semaphore, #tpu.memory_space<semaphore_mem>>) src(%arg13 : memref<128x16xf32, #tpu.memory_space<vmem>>) dst(%dma_wait3A_130 : memref<10240x16xf32, #tpu.memory_space<vmem_shared>>)
        tpu.yield
      }) : () -> ()
      "tpu.region"() ({
        %run_scoped3A = tpu.sem_alloc : memref<!tpu.dma_semaphore, #tpu.memory_space<semaphore_mem>>
        %dma_start3A_125 = arith.constant 0 : i32
        %dma_start3A_126 = arith.constant 0 : i32
        %dma_start3A_127 = tpu.memref_slice %arg11[%dma_start3A_125, %dma_start3A_126] : memref<10240x16xf32, #tpu.memory_space<vmem_shared>> -> memref<10240x16xf32, #tpu.memory_space<vmem_shared>>
        tpu.enqueue_indirect_dma source(%arg14 : memref<128x16xf32, #tpu.memory_space<vmem>>) target(%dma_start3A_127 : memref<10240x16xf32, #tpu.memory_space<vmem_shared>>) offsets(%arg15 : memref<128xi32, #tpu.memory_space<vmem>>) semaphore(%run_scoped3A : memref<!tpu.dma_semaphore, #tpu.memory_space<semaphore_mem>>) {add = true}
        %dma_wait3A_128 = arith.constant 0 : i32
        %dma_wait3A_129 = arith.constant 0 : i32
        %dma_wait3A_130 = tpu.memref_slice %arg11[%dma_wait3A_128, %dma_wait3A_129] : memref<10240x16xf32, #tpu.memory_space<vmem_shared>> -> memref<10240x16xf32, #tpu.memory_space<vmem_shared>>
        tpu.wait_indirect_dma semaphore(%run_scoped3A : memref<!tpu.dma_semaphore, #tpu.memory_space<semaphore_mem>>) src(%arg14 : memref<128x16xf32, #tpu.memory_space<vmem>>) dst(%dma_wait3A_130 : memref<10240x16xf32, #tpu.memory_space<vmem_shared>>)
        tpu.yield
      }) : () -> ()
    }
    %scan3A_109 = arith.constant 80 : i32
    %barrier3A_110 = arith.constant 0 : index
    tpu.barrier barrier_id(%barrier3A_110)
    "tpu.region"() ({
      %run_scoped3A = tpu.sem_alloc : memref<!tpu.dma_semaphore, #tpu.memory_space<semaphore_mem>>
      %dma_start3A = arith.constant 0 : i32
      %dma_start3A_111 = tpu.memref_slice %arg6[%arg0, %mul3A_96, %dma_start3A] : memref<2x10240x16xf32, #tpu.memory_space<hbm>> -> memref<1x640x16xf32, #tpu.memory_space<hbm>>
      %dma_start3A_112 = tpu.memref_squeeze %dma_start3A_111 : memref<1x640x16xf32, #tpu.memory_space<hbm>> -> memref<640x16xf32, #tpu.memory_space<hbm>>
      %dma_start3A_113 = arith.constant 0 : i32
      %dma_start3A_114 = tpu.memref_slice %arg10[%mul3A_96, %dma_start3A_113] : memref<10240x16xf32, #tpu.memory_space<vmem_shared>> -> memref<640x16xf32, #tpu.memory_space<vmem_shared>>
      tpu.enqueue_dma source(%dma_start3A_114 : memref<640x16xf32, #tpu.memory_space<vmem_shared>>) target(%dma_start3A_112 : memref<640x16xf32, #tpu.memory_space<hbm>>) target_semaphore(%run_scoped3A : memref<!tpu.dma_semaphore, #tpu.memory_space<semaphore_mem>>)
      %dma_wait3A = arith.constant 0 : i32
      %dma_wait3A_115 = tpu.memref_slice %arg6[%arg0, %mul3A_96, %dma_wait3A] : memref<2x10240x16xf32, #tpu.memory_space<hbm>> -> memref<1x640x16xf32, #tpu.memory_space<hbm>>
      %dma_wait3A_116 = tpu.memref_squeeze %dma_wait3A_115 : memref<1x640x16xf32, #tpu.memory_space<hbm>> -> memref<640x16xf32, #tpu.memory_space<hbm>>
      %dma_wait3A_117 = arith.constant 0 : i32
      %dma_wait3A_118 = tpu.memref_slice %arg10[%mul3A_96, %dma_wait3A_117] : memref<10240x16xf32, #tpu.memory_space<vmem_shared>> -> memref<640x16xf32, #tpu.memory_space<vmem_shared>>
      tpu.wait_dma2 semaphore(%run_scoped3A : memref<!tpu.dma_semaphore, #tpu.memory_space<semaphore_mem>>) src(%dma_wait3A_118 : memref<640x16xf32, #tpu.memory_space<vmem_shared>>) dst(%dma_wait3A_116 : memref<640x16xf32, #tpu.memory_space<hbm>>)
      tpu.yield
    }) : () -> ()
    "tpu.region"() ({
      %run_scoped3A = tpu.sem_alloc : memref<!tpu.dma_semaphore, #tpu.memory_space<semaphore_mem>>
      %dma_start3A = arith.constant 0 : i32
      %dma_start3A_111 = tpu.memref_slice %arg7[%arg0, %mul3A_96, %dma_start3A] : memref<2x10240x16xf32, #tpu.memory_space<hbm>> -> memref<1x640x16xf32, #tpu.memory_space<hbm>>
      %dma_start3A_112 = tpu.memref_squeeze %dma_start3A_111 : memref<1x640x16xf32, #tpu.memory_space<hbm>> -> memref<640x16xf32, #tpu.memory_space<hbm>>
      %dma_start3A_113 = arith.constant 0 : i32
      %dma_start3A_114 = tpu.memref_slice %arg11[%mul3A_96, %dma_start3A_113] : memref<10240x16xf32, #tpu.memory_space<vmem_shared>> -> memref<640x16xf32, #tpu.memory_space<vmem_shared>>
      tpu.enqueue_dma source(%dma_start3A_114 : memref<640x16xf32, #tpu.memory_space<vmem_shared>>) target(%dma_start3A_112 : memref<640x16xf32, #tpu.memory_space<hbm>>) target_semaphore(%run_scoped3A : memref<!tpu.dma_semaphore, #tpu.memory_space<semaphore_mem>>)
      %dma_wait3A = arith.constant 0 : i32
      %dma_wait3A_115 = tpu.memref_slice %arg7[%arg0, %mul3A_96, %dma_wait3A] : memref<2x10240x16xf32, #tpu.memory_space<hbm>> -> memref<1x640x16xf32, #tpu.memory_space<hbm>>
      %dma_wait3A_116 = tpu.memref_squeeze %dma_wait3A_115 : memref<1x640x16xf32, #tpu.memory_space<hbm>> -> memref<640x16xf32, #tpu.memory_space<hbm>>
      %dma_wait3A_117 = arith.constant 0 : i32
      %dma_wait3A_118 = tpu.memref_slice %arg11[%mul3A_96, %dma_wait3A_117] : memref<10240x16xf32, #tpu.memory_space<vmem_shared>> -> memref<640x16xf32, #tpu.memory_space<vmem_shared>>
      tpu.wait_dma2 semaphore(%run_scoped3A : memref<!tpu.dma_semaphore, #tpu.memory_space<semaphore_mem>>) src(%dma_wait3A_118 : memref<640x16xf32, #tpu.memory_space<vmem_shared>>) dst(%dma_wait3A_116 : memref<640x16xf32, #tpu.memory_space<hbm>>)
      tpu.yield
    }) : () -> ()
    return
  }
}

module attributes {stable_mosaic.version = 14 : i64} {
  func.func @body(%arg0: i32, %arg1: memref<1280x16xf32, #tpu.memory_space<vmem>>, %arg2: memref<1280x16xf32, #tpu.memory_space<vmem>>, %arg3: memref<1280x128xf32, #tpu.memory_space<vmem>>, %arg4: memref<1280x128xf32, #tpu.memory_space<vmem>>, %arg5: memref<1280x16xf32, #tpu.memory_space<vmem>>) attributes {dimension_semantics = [#tpu.dimension_semantics<arbitrary>], iteration_bounds = array<i64: 8>, scalar_prefetch = 0 : i64, scratch_operands = 0 : i64, tpu.core_type = #tpu.core_type<tc>, window_params = [{transform_indices = @transform_0, window_bounds = array<i64: 1280, 16>}, {transform_indices = @transform_1, window_bounds = array<i64: 1280, 16>}, {transform_indices = @transform_2, window_bounds = array<i64: 1280, 128>}, {transform_indices = @transform_3, window_bounds = array<i64: 1280, 128>}, {transform_indices = @transform_4, window_bounds = array<i64: 1280, 16>}]} {
    %get3A = arith.constant 0 : index
    %get3A_0 = arith.constant 0 : index
    %get3A_1 = vector.load %arg1[%get3A, %get3A_0] : memref<1280x16xf32, #tpu.memory_space<vmem>>, vector<1280x16xf32>
    %get3A_2 = arith.constant 0 : index
    %get3A_3 = arith.constant 0 : index
    %get3A_4 = vector.load %arg2[%get3A_2, %get3A_3] : memref<1280x16xf32, #tpu.memory_space<vmem>>, vector<1280x16xf32>
    %add3A = arith.addf %get3A_1, %get3A_4 : vector<1280x16xf32>
    %add3A_5 = arith.constant 1.000000e+00 : f32
    %add3A_6 = vector.broadcast %add3A_5 : f32 to vector<1280x16xf32>
    %add3A_7 = arith.addf %add3A, %add3A_6 : vector<1280x16xf32>
    %rsqrt3A = math.rsqrt %add3A_7 : vector<1280x16xf32>
    %swap3A = arith.constant 0 : index
    %swap3A_8 = arith.constant 0 : index
    %swap3A_9 = vector.load %arg5[%swap3A, %swap3A_8] : memref<1280x16xf32, #tpu.memory_space<vmem>>, vector<1280x16xf32>
    tpu.vector_store %arg5[%swap3A, %swap3A_8], %rsqrt3A {strides = array<i32>} : memref<1280x16xf32, #tpu.memory_space<vmem>>, vector<1280x16xf32>,
    %get3A_10 = arith.constant 0 : index
    %get3A_11 = arith.constant 0 : index
    %get3A_12 = vector.load %arg3[%get3A_10, %get3A_11] : memref<1280x128xf32, #tpu.memory_space<vmem>>, vector<1280x128xf32>
    %slice3A = vector.extract_strided_slice %rsqrt3A {offsets = [0, 0], sizes = [1280, 1], strides = [1, 1]} : vector<1280x16xf32> to vector<1280x1xf32>
    %mul3A = vector.broadcast %slice3A : vector<1280x1xf32> to vector<1280x128xf32>
    %mul3A_13 = arith.mulf %get3A_12, %mul3A : vector<1280x128xf32>
    %swap3A_14 = arith.constant 0 : index
    %swap3A_15 = arith.constant 0 : index
    %swap3A_16 = vector.load %arg4[%swap3A_14, %swap3A_15] : memref<1280x128xf32, #tpu.memory_space<vmem>>, vector<1280x128xf32>
    tpu.vector_store %arg4[%swap3A_14, %swap3A_15], %mul3A_13 {strides = array<i32>} : memref<1280x128xf32, #tpu.memory_space<vmem>>, vector<1280x128xf32>,
    return
  }
  func.func @transform_0(%arg0: i32) -> (i32, i32) {
    %c0_i32 = arith.constant 0 : i32
    %c0_i32_0 = arith.constant 0 : i32
    return %arg0, %c0_i32 : i32, i32
  }
  func.func @transform_1(%arg0: i32) -> (i32, i32) {
    %c0_i32 = arith.constant 0 : i32
    %c0_i32_0 = arith.constant 0 : i32
    return %arg0, %c0_i32 : i32, i32
  }
  func.func @transform_2(%arg0: i32) -> (i32, i32) {
    %c0_i32 = arith.constant 0 : i32
    %c0_i32_0 = arith.constant 0 : i32
    return %arg0, %c0_i32 : i32, i32
  }
  func.func @transform_3(%arg0: i32) -> (i32, i32) {
    %c0_i32 = arith.constant 0 : i32
    %c0_i32_0 = arith.constant 0 : i32
    return %arg0, %c0_i32 : i32, i32
  }
  func.func @transform_4(%arg0: i32) -> (i32, i32) {
    %c0_i32 = arith.constant 0 : i32
    %c0_i32_0 = arith.constant 0 : i32
    return %arg0, %c0_i32 : i32, i32
  }
}

module attributes {stable_mosaic.version = 14 : i64} {
  func.func @body(%arg0: i32, %arg1: memref<512x128xf32, #tpu.memory_space<vmem>>, %arg2: memref<512x128xf32, #tpu.memory_space<vmem>>, %arg3: memref<512x128xf32, #tpu.memory_space<vmem>>, %arg4: memref<512x16xf32, #tpu.memory_space<vmem>>, %arg5: memref<128x1024xf32, #tpu.memory_space<vmem>>, %arg6: memref<1x1024xf32, #tpu.memory_space<vmem>>, %arg7: memref<1024x16xf32, #tpu.memory_space<vmem>>, %arg8: memref<512x16xf32, #tpu.memory_space<vmem>>) attributes {dimension_semantics = [#tpu.dimension_semantics<arbitrary>], iteration_bounds = array<i64: 20>, scalar_prefetch = 0 : i64, scratch_operands = 0 : i64, tpu.core_type = #tpu.core_type<tc>, window_params = [{transform_indices = @transform_0, window_bounds = array<i64: 512, 128>}, {transform_indices = @transform_1, window_bounds = array<i64: 512, 128>}, {transform_indices = @transform_2, window_bounds = array<i64: 512, 128>}, {transform_indices = @transform_3, window_bounds = array<i64: 512, 16>}, {pipeline_mode = #tpu.pipeline_mode<synchronous>, transform_indices = @transform_4, window_bounds = array<i64: 128, 1024>}, {pipeline_mode = #tpu.pipeline_mode<synchronous>, transform_indices = @transform_5, window_bounds = array<i64: 1, 1024>}, {pipeline_mode = #tpu.pipeline_mode<synchronous>, transform_indices = @transform_6, window_bounds = array<i64: 1024, 16>}, {transform_indices = @transform_7, window_bounds = array<i64: 512, 16>}]} {
    %get3A = arith.constant 0 : index
    %get3A_0 = arith.constant 0 : index
    %get3A_1 = vector.load %arg4[%get3A, %get3A_0] : memref<512x16xf32, #tpu.memory_space<vmem>>, vector<512x1xf32>
    %get3A_2 = arith.constant 0 : index
    %get3A_3 = arith.constant 0 : index
    %get3A_4 = vector.load %arg1[%get3A_2, %get3A_3] : memref<512x128xf32, #tpu.memory_space<vmem>>, vector<512x128xf32>
    %get3A_5 = arith.constant 0 : index
    %get3A_6 = arith.constant 0 : index
    %get3A_7 = vector.load %arg2[%get3A_5, %get3A_6] : memref<512x128xf32, #tpu.memory_space<vmem>>, vector<512x128xf32>
    %add3A = arith.addf %get3A_4, %get3A_7 : vector<512x128xf32>
    %get3A_8 = arith.constant 0 : index
    %get3A_9 = arith.constant 0 : index
    %get3A_10 = vector.load %arg3[%get3A_8, %get3A_9] : memref<512x128xf32, #tpu.memory_space<vmem>>, vector<512x128xf32>
    %add3A_11 = arith.addf %add3A, %get3A_10 : vector<512x128xf32>
    %mul3A = vector.broadcast %get3A_1 : vector<512x1xf32> to vector<512x128xf32>
    %mul3A_12 = arith.mulf %add3A_11, %mul3A : vector<512x128xf32>
    %get3A_13 = arith.constant 0 : index
    %get3A_14 = arith.constant 0 : index
    %get3A_15 = vector.load %arg5[%get3A_13, %get3A_14] : memref<128x1024xf32, #tpu.memory_space<vmem>>, vector<128x1024xf32>
    %dot_general3A = arith.constant dense<0.000000e+00> : vector<512x1024xf32>
    %dot_general3A_16 = tpu.matmul %mul3A_12, %get3A_15, %dot_general3A {dimension_numbers = #tpu.dot_dimension_numbers<[1], [0], [0], [1], [0, 0, 1, 1], [], []>, transpose_lhs_hint = false} : vector<512x128xf32>, vector<128x1024xf32>, vector<512x1024xf32> -> vector<512x1024xf32>
    %get3A_17 = arith.constant 0 : index
    %get3A_18 = arith.constant 0 : index
    %get3A_19 = vector.load %arg6[%get3A_17, %get3A_18] : memref<1x1024xf32, #tpu.memory_space<vmem>>, vector<1x1024xf32>
    %add3A_20 = vector.broadcast %get3A_19 : vector<1x1024xf32> to vector<512x1024xf32>
    %add3A_21 = arith.addf %dot_general3A_16, %add3A_20 : vector<512x1024xf32>
    %max3A = arith.constant 0.000000e+00 : f32
    %max3A_22 = vector.broadcast %max3A : f32 to vector<512x1024xf32>
    %max3A_23 = arith.maximumf %add3A_21, %max3A_22 : vector<512x1024xf32>
    %get3A_24 = arith.constant 0 : index
    %get3A_25 = arith.constant 0 : index
    %get3A_26 = vector.load %arg7[%get3A_24, %get3A_25] : memref<1024x16xf32, #tpu.memory_space<vmem>>, vector<1024x16xf32>
    %dot_general3A_27 = arith.constant dense<0.000000e+00> : vector<512x16xf32>
    %dot_general3A_28 = tpu.matmul %max3A_23, %get3A_26, %dot_general3A_27 {dimension_numbers = #tpu.dot_dimension_numbers<[1], [0], [0], [1], [0, 0, 1, 1], [], []>, transpose_lhs_hint = false} : vector<512x1024xf32>, vector<1024x16xf32>, vector<512x16xf32> -> vector<512x16xf32>
    %mul3A_29 = vector.broadcast %get3A_1 : vector<512x1xf32> to vector<512x16xf32>
    %mul3A_30 = arith.mulf %dot_general3A_28, %mul3A_29 : vector<512x16xf32>
    %swap3A = arith.constant 0 : index
    %swap3A_31 = arith.constant 0 : index
    %swap3A_32 = vector.load %arg8[%swap3A, %swap3A_31] : memref<512x16xf32, #tpu.memory_space<vmem>>, vector<512x16xf32>
    tpu.vector_store %arg8[%swap3A, %swap3A_31], %mul3A_30 {strides = array<i32>} : memref<512x16xf32, #tpu.memory_space<vmem>>, vector<512x16xf32>,
    return
  }
  func.func @transform_0(%arg0: i32) -> (i32, i32) {
    %c0_i32 = arith.constant 0 : i32
    %c0_i32_0 = arith.constant 0 : i32
    return %arg0, %c0_i32 : i32, i32
  }
  func.func @transform_1(%arg0: i32) -> (i32, i32) {
    %c0_i32 = arith.constant 0 : i32
    %c0_i32_0 = arith.constant 0 : i32
    return %arg0, %c0_i32 : i32, i32
  }
  func.func @transform_2(%arg0: i32) -> (i32, i32) {
    %c0_i32 = arith.constant 0 : i32
    %c0_i32_0 = arith.constant 0 : i32
    return %arg0, %c0_i32 : i32, i32
  }
  func.func @transform_3(%arg0: i32) -> (i32, i32) {
    %c0_i32 = arith.constant 0 : i32
    %c0_i32_0 = arith.constant 0 : i32
    return %arg0, %c0_i32 : i32, i32
  }
  func.func @transform_4(%arg0: i32) -> (i32, i32) {
    %c0_i32 = arith.constant 0 : i32
    %c0_i32_0 = arith.constant 0 : i32
    %c0_i32_1 = arith.constant 0 : i32
    return %c0_i32, %c0_i32_0 : i32, i32
  }
  func.func @transform_5(%arg0: i32) -> (i32, i32) {
    %c0_i32 = arith.constant 0 : i32
    %c0_i32_0 = arith.constant 0 : i32
    %c0_i32_1 = arith.constant 0 : i32
    return %c0_i32, %c0_i32_0 : i32, i32
  }
  func.func @transform_6(%arg0: i32) -> (i32, i32) {
    %c0_i32 = arith.constant 0 : i32
    %c0_i32_0 = arith.constant 0 : i32
    %c0_i32_1 = arith.constant 0 : i32
    return %c0_i32, %c0_i32_0 : i32, i32
  }
  func.func @transform_7(%arg0: i32) -> (i32, i32) {
    %c0_i32 = arith.constant 0 : i32
    %c0_i32_0 = arith.constant 0 : i32
    return %arg0, %c0_i32 : i32, i32
  }
}

module attributes {stable_mosaic.version = 14 : i64} {
  func.func @body(%arg0: i32, %arg1: memref<1280x16xf32, #tpu.memory_space<vmem>>, %arg2: memref<1280x16xf32, #tpu.memory_space<vmem>>, %arg3: memref<1280x16xf32, #tpu.memory_space<vmem>>, %arg4: memref<1280x16xf32, #tpu.memory_space<vmem>>, %arg5: memref<1280x16xf32, #tpu.memory_space<vmem>>, %arg6: memref<1280x16xf32, #tpu.memory_space<vmem>>, %arg7: memref<1x16xf32, #tpu.memory_space<vmem>>, %arg8: memref<16x16xf32, #tpu.memory_space<vmem>>, %arg9: memref<1x16xf32, #tpu.memory_space<vmem>>, %arg10: memref<16x128xf32, #tpu.memory_space<vmem>>, %arg11: memref<1x128xf32, #tpu.memory_space<vmem>>, %arg12: memref<1x128xf32, #tpu.memory_space<vmem>>, %arg13: memref<1x16xf32, #tpu.memory_space<vmem>>) attributes {dimension_semantics = [#tpu.dimension_semantics<arbitrary>], iteration_bounds = array<i64: 8>, scalar_prefetch = 0 : i64, scratch_operands = 1 : i64, tpu.core_type = #tpu.core_type<tc>, window_params = [{transform_indices = @transform_0, window_bounds = array<i64: 1280, 16>}, {transform_indices = @transform_1, window_bounds = array<i64: 1280, 16>}, {transform_indices = @transform_2, window_bounds = array<i64: 1280, 16>}, {transform_indices = @transform_3, window_bounds = array<i64: 1280, 16>}, {transform_indices = @transform_4, window_bounds = array<i64: 1280, 16>}, {transform_indices = @transform_5, window_bounds = array<i64: 1280, 16>}, {pipeline_mode = #tpu.pipeline_mode<synchronous>, transform_indices = @transform_6, window_bounds = array<i64: 1, 16>}, {pipeline_mode = #tpu.pipeline_mode<synchronous>, transform_indices = @transform_7, window_bounds = array<i64: 16, 16>}, {pipeline_mode = #tpu.pipeline_mode<synchronous>, transform_indices = @transform_8, window_bounds = array<i64: 1, 16>}, {pipeline_mode = #tpu.pipeline_mode<synchronous>, transform_indices = @transform_9, window_bounds = array<i64: 16, 128>}, {pipeline_mode = #tpu.pipeline_mode<synchronous>, transform_indices = @transform_10, window_bounds = array<i64: 1, 128>}, {pipeline_mode = #tpu.pipeline_mode<synchronous>, transform_indices = @transform_11, window_bounds = array<i64: 1, 128>}]} {
    %get3A = arith.constant 0 : index
    %get3A_0 = arith.constant 0 : index
    %get3A_1 = vector.load %arg4[%get3A, %get3A_0] : memref<1280x16xf32, #tpu.memory_space<vmem>>, vector<1280x1xf32>
    %get3A_2 = arith.constant 0 : index
    %get3A_3 = arith.constant 0 : index
    %get3A_4 = vector.load %arg1[%get3A_2, %get3A_3] : memref<1280x16xf32, #tpu.memory_space<vmem>>, vector<1280x16xf32>
    %get3A_5 = arith.constant 0 : index
    %get3A_6 = arith.constant 0 : index
    %get3A_7 = vector.load %arg2[%get3A_5, %get3A_6] : memref<1280x16xf32, #tpu.memory_space<vmem>>, vector<1280x16xf32>
    %add3A = arith.addf %get3A_4, %get3A_7 : vector<1280x16xf32>
    %get3A_8 = arith.constant 0 : index
    %get3A_9 = arith.constant 0 : index
    %get3A_10 = vector.load %arg3[%get3A_8, %get3A_9] : memref<1280x16xf32, #tpu.memory_space<vmem>>, vector<1280x16xf32>
    %add3A_11 = arith.addf %add3A, %get3A_10 : vector<1280x16xf32>
    %mul3A = vector.broadcast %get3A_1 : vector<1280x1xf32> to vector<1280x16xf32>
    %mul3A_12 = arith.mulf %add3A_11, %mul3A : vector<1280x16xf32>
    %get3A_13 = arith.constant 0 : index
    %get3A_14 = arith.constant 0 : index
    %get3A_15 = vector.load %arg7[%get3A_13, %get3A_14] : memref<1x16xf32, #tpu.memory_space<vmem>>, vector<1x16xf32>
    %add3A_16 = vector.broadcast %get3A_15 : vector<1x16xf32> to vector<1280x16xf32>
    %add3A_17 = arith.addf %mul3A_12, %add3A_16 : vector<1280x16xf32>
    %max3A = arith.constant 0.000000e+00 : f32
    %max3A_18 = vector.broadcast %max3A : f32 to vector<1280x16xf32>
    %max3A_19 = arith.maximumf %add3A_17, %max3A_18 : vector<1280x16xf32>
    %get3A_20 = arith.constant 0 : index
    %get3A_21 = arith.constant 0 : index
    %get3A_22 = vector.load %arg5[%get3A_20, %get3A_21] : memref<1280x16xf32, #tpu.memory_space<vmem>>, vector<1280x1xf32>
    %get3A_23 = arith.constant 0 : index
    %get3A_24 = arith.constant 0 : index
    %get3A_25 = vector.load %arg6[%get3A_23, %get3A_24] : memref<1280x16xf32, #tpu.memory_space<vmem>>, vector<1280x1xf32>
    %add3A_26 = arith.addf %get3A_22, %get3A_25 : vector<1280x1xf32>
    %mul3A_27 = arith.mulf %get3A_1, %add3A_26 : vector<1280x1xf32>
    %mul3A_28 = arith.mulf %get3A_1, %get3A_1 : vector<1280x1xf32>
    %add3A_29 = arith.addf %mul3A_27, %mul3A_28 : vector<1280x1xf32>
    %mul3A_30 = arith.constant 1280 : i32
    %mul3A_31 = arith.muli %arg0, %mul3A_30 : i32
    %iota3A = tpu.iota {dimensions = array<i32: 0>} : vector<1280x1xi32>
    %add3A_32 = vector.broadcast %mul3A_31 : i32 to vector<1280x1xi32>
    %add3A_33 = arith.addi %add3A_32, %iota3A : vector<1280x1xi32>
    %lt3A = arith.constant 10000 : i32
    %lt3A_34 = vector.broadcast %lt3A : i32 to vector<1280x1xi32>
    %lt3A_35 = arith.cmpi slt, %add3A_33, %lt3A_34 : vector<1280x1xi32>
    %jit3A = arith.constant 0.000000e+00 : f32
    %broadcast_in_dim3A = vector.broadcast %jit3A : f32 to vector<1280x1xf32>
    %select_n3A = arith.select %lt3A_35, %add3A_29, %broadcast_in_dim3A : vector<1280x1xi1>, vector<1280x1xf32>
    %mul3A_36 = vector.broadcast %select_n3A : vector<1280x1xf32> to vector<1280x16xf32>
    %mul3A_37 = arith.mulf %max3A_19, %mul3A_36 : vector<1280x16xf32>
    %reduce_sum3A = arith.constant dense<0.000000e+00> : vector<16xf32>
    %reduce_sum3A_38 = vector.multi_reduction <add>, %mul3A_37, %reduce_sum3A [0] : vector<1280x16xf32> to vector<16xf32>
    %broadcast_in_dim3A_39 = vector.shape_cast %reduce_sum3A_38 : vector<16xf32> to vector<1x16xf32>
    %eq3A = arith.constant 0 : i32
    %eq3A_40 = arith.cmpi eq, %arg0, %eq3A : i32
    %convert_element_type3A = arith.extui %eq3A_40 : i1 to i32
    %cond3A = arith.constant 0 : i32
    %cond3A_41 = arith.cmpi ne, %convert_element_type3A, %cond3A : i32
    scf.if %cond3A_41 {
      %broadcast_in_dim3A_53 = arith.constant 0.000000e+00 : f32
      %broadcast_in_dim3A_54 = vector.broadcast %broadcast_in_dim3A_53 : f32 to vector<1x16xf32>
      %swap3A_55 = arith.constant 0 : index
      %swap3A_56 = arith.constant 0 : index
      %swap3A_57 = vector.load %arg13[%swap3A_55, %swap3A_56] : memref<1x16xf32, #tpu.memory_space<vmem>>, vector<1x16xf32>
      tpu.vector_store %arg13[%swap3A_55, %swap3A_56], %broadcast_in_dim3A_54 {strides = array<i32>} : memref<1x16xf32, #tpu.memory_space<vmem>>, vector<1x16xf32>,
    } else {
    }
    %get3A_42 = arith.constant 0 : index
    %get3A_43 = arith.constant 0 : index
    %get3A_44 = vector.load %arg13[%get3A_42, %get3A_43] : memref<1x16xf32, #tpu.memory_space<vmem>>, vector<1x16xf32>
    %add3A_45 = arith.addf %get3A_44, %broadcast_in_dim3A_39 : vector<1x16xf32>
    %swap3A = arith.constant 0 : index
    %swap3A_46 = arith.constant 0 : index
    %swap3A_47 = vector.load %arg13[%swap3A, %swap3A_46] : memref<1x16xf32, #tpu.memory_space<vmem>>, vector<1x16xf32>
    tpu.vector_store %arg13[%swap3A, %swap3A_46], %add3A_45 {strides = array<i32>} : memref<1x16xf32, #tpu.memory_space<vmem>>, vector<1x16xf32>,
    %eq3A_48 = arith.constant 7 : i32
    %eq3A_49 = arith.cmpi eq, %arg0, %eq3A_48 : i32
    %convert_element_type3A_50 = arith.extui %eq3A_49 : i1 to i32
    %cond3A_51 = arith.constant 0 : i32
    %cond3A_52 = arith.cmpi ne, %convert_element_type3A_50, %cond3A_51 : i32
    scf.if %cond3A_52 {
      %get3A_53 = arith.constant 0 : index
      %get3A_54 = arith.constant 0 : index
      %get3A_55 = vector.load %arg13[%get3A_53, %get3A_54] : memref<1x16xf32, #tpu.memory_space<vmem>>, vector<1x16xf32>
      %mul3A_56 = arith.constant 9.99999974E-5 : f32
      %mul3A_57 = vector.broadcast %mul3A_56 : f32 to vector<1x16xf32>
      %mul3A_58 = arith.mulf %get3A_55, %mul3A_57 : vector<1x16xf32>
      %get3A_59 = arith.constant 0 : index
      %get3A_60 = arith.constant 0 : index
      %get3A_61 = vector.load %arg8[%get3A_59, %get3A_60] : memref<16x16xf32, #tpu.memory_space<vmem>>, vector<16x16xf32>
      %dot_general3A = arith.constant dense<0.000000e+00> : vector<1x16xf32>
      %dot_general3A_62 = tpu.matmul %mul3A_58, %get3A_61, %dot_general3A {dimension_numbers = #tpu.dot_dimension_numbers<[1], [0], [0], [1], [0, 0, 1, 1], [], []>, transpose_lhs_hint = false} : vector<1x16xf32>, vector<16x16xf32>, vector<1x16xf32> -> vector<1x16xf32>
      %get3A_63 = arith.constant 0 : index
      %get3A_64 = arith.constant 0 : index
      %get3A_65 = vector.load %arg9[%get3A_63, %get3A_64] : memref<1x16xf32, #tpu.memory_space<vmem>>, vector<1x16xf32>
      %add3A_66 = arith.addf %dot_general3A_62, %get3A_65 : vector<1x16xf32>
      %get3A_67 = arith.constant 0 : index
      %get3A_68 = arith.constant 0 : index
      %get3A_69 = vector.load %arg10[%get3A_67, %get3A_68] : memref<16x128xf32, #tpu.memory_space<vmem>>, vector<16x128xf32>
      %dot_general3A_70 = arith.constant dense<0.000000e+00> : vector<1x128xf32>
      %dot_general3A_71 = tpu.matmul %add3A_66, %get3A_69, %dot_general3A_70 {dimension_numbers = #tpu.dot_dimension_numbers<[1], [0], [0], [1], [0, 0, 1, 1], [], []>, transpose_lhs_hint = false} : vector<1x16xf32>, vector<16x128xf32>, vector<1x128xf32> -> vector<1x128xf32>
      %get3A_72 = arith.constant 0 : index
      %get3A_73 = arith.constant 0 : index
      %get3A_74 = vector.load %arg11[%get3A_72, %get3A_73] : memref<1x128xf32, #tpu.memory_space<vmem>>, vector<1x128xf32>
      %add3A_75 = arith.addf %dot_general3A_71, %get3A_74 : vector<1x128xf32>
      %swap3A_76 = arith.constant 0 : index
      %swap3A_77 = arith.constant 0 : index
      %swap3A_78 = vector.load %arg12[%swap3A_76, %swap3A_77] : memref<1x128xf32, #tpu.memory_space<vmem>>, vector<1x128xf32>
      tpu.vector_store %arg12[%swap3A_76, %swap3A_77], %add3A_75 {strides = array<i32>} : memref<1x128xf32, #tpu.memory_space<vmem>>, vector<1x128xf32>,
    } else {
    }
    return
  }
  func.func @transform_0(%arg0: i32) -> (i32, i32) {
    %c0_i32 = arith.constant 0 : i32
    %c0_i32_0 = arith.constant 0 : i32
    return %arg0, %c0_i32 : i32, i32
  }
  func.func @transform_1(%arg0: i32) -> (i32, i32) {
    %c0_i32 = arith.constant 0 : i32
    %c0_i32_0 = arith.constant 0 : i32
    return %arg0, %c0_i32 : i32, i32
  }
  func.func @transform_2(%arg0: i32) -> (i32, i32) {
    %c0_i32 = arith.constant 0 : i32
    %c0_i32_0 = arith.constant 0 : i32
    return %arg0, %c0_i32 : i32, i32
  }
  func.func @transform_3(%arg0: i32) -> (i32, i32) {
    %c0_i32 = arith.constant 0 : i32
    %c0_i32_0 = arith.constant 0 : i32
    return %arg0, %c0_i32 : i32, i32
  }
  func.func @transform_4(%arg0: i32) -> (i32, i32) {
    %c0_i32 = arith.constant 0 : i32
    %c0_i32_0 = arith.constant 0 : i32
    return %arg0, %c0_i32 : i32, i32
  }
  func.func @transform_5(%arg0: i32) -> (i32, i32) {
    %c0_i32 = arith.constant 0 : i32
    %c0_i32_0 = arith.constant 0 : i32
    return %arg0, %c0_i32 : i32, i32
  }
  func.func @transform_6(%arg0: i32) -> (i32, i32) {
    %c0_i32 = arith.constant 0 : i32
    %c0_i32_0 = arith.constant 0 : i32
    %c0_i32_1 = arith.constant 0 : i32
    return %c0_i32, %c0_i32_0 : i32, i32
  }
  func.func @transform_7(%arg0: i32) -> (i32, i32) {
    %c0_i32 = arith.constant 0 : i32
    %c0_i32_0 = arith.constant 0 : i32
    %c0_i32_1 = arith.constant 0 : i32
    return %c0_i32, %c0_i32_0 : i32, i32
  }
  func.func @transform_8(%arg0: i32) -> (i32, i32) {
    %c0_i32 = arith.constant 0 : i32
    %c0_i32_0 = arith.constant 0 : i32
    %c0_i32_1 = arith.constant 0 : i32
    return %c0_i32, %c0_i32_0 : i32, i32
  }
  func.func @transform_9(%arg0: i32) -> (i32, i32) {
    %c0_i32 = arith.constant 0 : i32
    %c0_i32_0 = arith.constant 0 : i32
    %c0_i32_1 = arith.constant 0 : i32
    return %c0_i32, %c0_i32_0 : i32, i32
  }
  func.func @transform_10(%arg0: i32) -> (i32, i32) {
    %c0_i32 = arith.constant 0 : i32
    %c0_i32_0 = arith.constant 0 : i32
    %c0_i32_1 = arith.constant 0 : i32
    return %c0_i32, %c0_i32_0 : i32, i32
  }
  func.func @transform_11(%arg0: i32) -> (i32, i32) {
    %c0_i32 = arith.constant 0 : i32
    %c0_i32_0 = arith.constant 0 : i32
    %c0_i32_1 = arith.constant 0 : i32
    return %c0_i32, %c0_i32_0 : i32, i32
  }
}

</mosaic_0001>

<sc_bundles>
// kernel: kernel.11.cloned.1.call-start
scs
__scs_entry_jumppad:
0x0: {  	(pc) =	sbr.rel $0x88, $3  }
0x1: {  	(tag) =	ssettag $0x0;
	lr =	simm.s32 $0x1  }
0x2: {  	[smem:$0x3F97] =	sst lr;
	_ =	strace $0xD0000000  }
0x3: {  	_ = 	snop  }
0x4: {  	_ = 	snop  }
0x5: {  	_ = 	snop  }
0x6: {  	_ = 	snop  }
0x7: {  	_ = 	snop  }
__scs_overlays_trampoline_lowered:
0x8: {  	[smem:$0x3FA6] =	sst s0  }
0x9: {  	[smem:$0x3FA7] =	sst s1  }
0xa: {  	[smem:$0x3FA8] =	sst s2  }
0xb: {  	[smem:$0x3FA9] =	sst s3  }
0xc: {  	[smem:$0x3FAA] =	sst s4  }
0xd: {  	[smem:$0x3FAB] =	sst s5  }
0xe: {  	[smem:$0x3FAC] =	sst s6  }
0xf: {  	[smem:$0x3FAD] =	sst s7  }
0x10: {  	[smem:$0x3FAE] =	sst s8  }
0x11: {  	[smem:$0x3FAF] =	sst s9;
	s0 =	simm.s32 @!p0 $0x0  }
0x12: {  	s1 =	sld [smem:$0x3F95];
	s0 =	simm.s32 @p0 $0x1  }
0x13: {  	[smem:$0x3FB0] =	sst s0;
	s0 =	simm.s32 @!p1 $0x0  }
0x14: {  	s2 =	sld [smem:$0x3F94];
	s0 =	simm.s32 @p1 $0x1  }
0x15: {  	[smem:$0x3FB1] =	sst s0;
	s0 =	simm.s32 @!p2 $0x0  }
0x16: {  	s3 =	sld [smem:$0x3FDB];
	s0 =	simm.s32 @p2 $0x1  }
0x17: {  	s4 =	simm.s32 $0x1BF5;
	[smem:$0x3FB3] =	sst s0  }
0x18: {  	s0 =	sld [smem:$0x3F96];
	_ =	swait.ge [sflag:s4], $0x0  }
0x19: {  	s7 =	sld [smem:$0x3F97]  }
0x1a: {  	s8 =	sadd.s32 $0xFFFFE003, lr  }
0x1b: {  	s9 =	sadd.s32 $0xFFFFFEF7, lr;
	s5 =	simm.s32 $0xFFFFFFFF;
	p2 =	slt.u32 s8, $0xFFFFF086  }
0x1c: {  	p1 =	slt.u32 s9, $0xF7A;
	s5 =	simm.s32 @!p2 $0x0  }
0x1d: {  	s5 =	simm.s32 @p1 $0x1;
	p0 =	seq.s32 s7, s2  }
0x1e: {  	s7 =	smul.u32 @!p0 $0xF7A, s2;
	p2 =	seq.s32 @!p0 s5, $0x0  }
0x1f: {  	s9 =	smul.u32 $0xF7A, s1;
	s8 =	simm.s32 @!p0 $0x1BF5;
	p2 =	por !p2, p0  }
0x20: {  	[sflag:s8] =	ssyncset.s32 @!p0 $0xFFFFF086;
	s6 =	sadd.s32 @!p0 s3, s7;
	s7 =	simm.s32 @!p0 $0x108  }
0x21: {  	s3 =	sadd.s32 s3, s9;
	s6 =	sadd.s32 @!p0 $0x88, s6;
	s7 =	simm.s32 @p2 $0x1082  }
0x22: {  	[simem:s7], [sflag:s8] =	dma.local @!p0 [hbm:s6], $0xF7A  }
0x23: {  	s9 =	sor.u32 $0xD0000000, s2;
	s6 =	simm.s32 $0x108;
	_ =	swait.ge @!p0 [sflag:s8], $0x0  }
0x24: {  	s3 =	sadd.s32 $0x88, s3;
	s6 =	simm.s32 @!p1 $0x1082;
	[sflag:s4] =	ssyncset.s32 $0xFFFFF086  }
0x25: {  	[simem:s6], [sflag:s4] =	dma.local [hbm:s3], $0xF7A  }
0x26: {  	[smem:$0x3F97] =	sst s1;
	(tag) =	ssettag s2;
	_ =	strace s9  }
0x27: {  	s1 =	sld [smem:$0x3FA7]  }
0x28: {  	s2 =	sld [smem:$0x3FA8]  }
0x29: {  	s4 =	sld [smem:$0x3FAA]  }
0x2a: {  	p0 =	seq.s32 s5, $0x0;
	s5 =	sld [smem:$0x3FAB]  }
0x2b: {  	s6 =	sld [smem:$0x3FAC]  }
0x2c: {  	s7 =	sld [smem:$0x3FAD]  }
0x2d: {  	s3 =	simm.s32 $0x108;
	s8 =	sld [smem:$0x3FAE]  }
0x2e: {  	s3 =	simm.s32 @!p0 $0x1082;
	s9 =	sld [smem:$0x3FAF]  }
0x2f: {  	lr =	sadd.s32 s0, s3;
	s0 =	sld [smem:$0x3FA6]  }
0x30: {  	s3 =	sld [smem:$0x3FA9]  }
0x31: {  	[smem:$0x3FB2] =	sst s10  }
0x32: {  	s10 =	sld [smem:$0x3FB0];
	_ =	sdelay $0x3  }
0x33: {  	p0 =	seq.s32 s10, $0x1;
	s10 =	sld [smem:$0x3FB2];
	_ =	sdelay $0x3  }
0x34: {  	[smem:$0x3FB2] =	sst s10  }
0x35: {  	s10 =	sld [smem:$0x3FB1];
	_ =	sdelay $0x3  }
0x36: {  	p1 =	seq.s32 s10, $0x1;
	s10 =	sld [smem:$0x3FB2];
	_ =	sdelay $0x3  }
0x37: {  	[smem:$0x3FB2] =	sst s10  }
0x38: {  	s10 =	sld [smem:$0x3FB3]  }
0x39: {  	_ = 	snop;
	(pc) =	sbr.ind lr, $3  }
0x3a: {  	_ = 	snop  }
0x3b: {  	_ = 	snop  }
0x3c: {  	p2 =	seq.s32 s10, $0x1;
	s10 =	sld [smem:$0x3FB2]  }
0x3d: {  	_ =	shalt  }
0x3e: {  	_ =	shalt  }
0x3f: {  	_ =	shalt  }
0x40: {  	_ =	shalt  }
0x41: {  	_ =	shalt  }
0x42: {  	_ =	shalt  }
0x43: {  	_ =	shalt  }
0x44: {  	_ =	shalt  }
0x45: {  	_ =	shalt  }
0x46: {  	_ =	shalt  }
0x47: {  	_ =	shalt  }
0x48: {  	_ =	shalt  }
0x49: {  	_ =	shalt  }
0x4a: {  	_ =	shalt  }
0x4b: {  	_ =	shalt  }
0x4c: {  	_ =	shalt  }
0x4d: {  	_ =	shalt  }
0x4e: {  	_ =	shalt  }
0x4f: {  	_ =	shalt  }
0x50: {  	_ =	shalt  }
0x51: {  	_ =	shalt  }
0x52: {  	_ =	shalt  }
0x53: {  	_ =	shalt  }
0x54: {  	_ =	shalt  }
0x55: {  	_ =	shalt  }
0x56: {  	_ =	shalt  }
0x57: {  	_ =	shalt  }
0x58: {  	_ =	shalt  }
0x59: {  	_ =	shalt  }
0x5a: {  	_ =	shalt  }
0x5b: {  	_ =	shalt  }
0x5c: {  	_ =	shalt  }
0x5d: {  	_ =	shalt  }
0x5e: {  	_ =	shalt  }
0x5f: {  	_ =	shalt  }
0x60: {  	_ =	shalt  }
0x61: {  	_ =	shalt  }
0x62: {  	_ =	shalt  }
0x63: {  	_ =	shalt  }
0x64: {  	_ =	shalt  }
0x65: {  	_ =	shalt  }
0x66: {  	_ =	shalt  }
0x67: {  	_ =	shalt  }
0x68: {  	_ =	shalt  }
0x69: {  	_ =	shalt  }
0x6a: {  	_ =	shalt  }
0x6b: {  	_ =	shalt  }
0x6c: {  	_ =	shalt  }
0x6d: {  	_ =	shalt  }
0x6e: {  	_ =	shalt  }
0x6f: {  	_ =	shalt  }
0x70: {  	_ =	shalt  }
0x71: {  	_ =	shalt  }
0x72: {  	_ =	shalt  }
0x73: {  	_ =	shalt  }
0x74: {  	_ =	shalt  }
0x75: {  	_ =	shalt  }
0x76: {  	_ =	shalt  }
0x77: {  	_ =	shalt  }
0x78: {  	_ =	shalt  }
0x79: {  	_ =	shalt  }
0x7a: {  	_ =	shalt  }
0x7b: {  	_ =	shalt  }
0x7c: {  	_ =	shalt  }
0x7d: {  	_ =	shalt  }
0x7e: {  	_ =	shalt  }
0x7f: {  	_ =	shalt  }
0x80: {  	_ =	shalt  }
0x81: {  	_ =	shalt  }
0x82: {  	_ =	shalt  }
0x83: {  	_ =	shalt  }
0x84: {  	_ =	shalt  }
0x85: {  	_ =	shalt  }
0x86: {  	_ =	shalt  }
0x87: {  	_ =	shalt  }
.Lfunc_end0:
.L_simem_size_0:
called_computation.1_lowered:
.L_overlay_start_0:
0x88: {  	s2 =	sld [smem:$0x3FD9]  }
0x89: {  	s3 =	sld [smem:$0x3FFE];
	_ =	sdelay $0x1  }
0x8a: {  	s1 =	srdreg.scid  }
0x8b: {  	s0 =	sand.u32 $0x1, s1  }
0x8c: {  	s16 =	sshll.u32 s0, $0xA;
	s2 =	sadd.s32 s3, s2  }
0x8d: {  	s2 =	sadd.s32 s2, s16  }
0x8e: {  	[smem:$0x3FBE] =	sst s2  }
0x8f: {  	_ = 	snop  }
0x90: {  	(tm) =	ssettm $0x1  }
0x91: {  	s17 =	sld [smem:$0x3FFB];
	_ =	sdelay $0x3  }
0x92: {  	_ =	strace s17  }
0x93: {  	s2 =	sld [smem:$0x3FFC];
	_ =	sdelay $0x3  }
0x94: {  	_ =	strace s2  }
0x95: {  	s2 =	sld [smem:$0x3FFD];
	_ =	sdelay $0x3  }
0x96: {  	_ =	strace s2  }
0x97: {  	_ =	strace $0x8FFFFFFF  }
0x98: {  	s18 =	sld [smem:$0x3FDB];
	_ =	sdelay $0x1  }
0x99: {  	s19 =	simm.s32 $_scs_section_size  }
0x9a: {  	s4 =	simm.s32 $_size__tile_overlayer_lowered;
	s5 =	simm.s32 $_tile_overlayer_lowered  }
0x9b: {  	s22 =	simm.s32 $0x1BFF;
	s21 =	sshll.u32 s5, $0x1;
	s2 =	sadd.s32 s19, s18  }
0x9c: {  	s6 =	simm.s32 $0x0;
	s20 =	sshll.u32 s4, $0x1;
	s4 =	sadd.s32 s21, s2  }
0x9d: {  	[timem:s6], [sflag:s22] =	dma.local [hbm:s4], s20  }
0x9e: {  	_ =	swait.ge [sflag:s22], s20  }
0x9f: {  	s3 =	ssub.s32 $0x0, s20;
	[sflag:s22] =	ssyncset.done $0x0  }
0xa0: {  	[sflag:s22] =	ssyncadd.s32 s3;
	_ =	sdelay $0x1  }
0xa1: {  	s23 =	simm.s32 $0x1B8B  }
0xa2: {  	_ =	swait.ge [sflag:s23], $0x1  }
0xa3: {  	[sflag:s23] =	ssyncset.done $0x0  }
0xa4: {  	s25 =	simm.s32 $0x1B8E;
	s24 =	sld [smem:$0x3FFE];
	[sflag:s23] =	ssyncadd.s32 $0xFFFFFFFF  }
0xa5: {  	s26 =	simm.s32 $execute0_lowered;
	[smem:$0x3FD2] =	sst s25  }
0xa6: {  	s4 =	sshll.u32 s26, $0x1;
	_ =	strace $0x80000049;
	[dreg:$0x1] =	wrdreg $0xFFFFFFFF  }
0xa7: {  	s28 =	simm.s32 $_size_execute0_lowered;
	s2 =	sadd.s32 s2, s4;
	[dreg:$0x0] =	wrdreg $0x0  }
0xa8: {  	s4 =	sshll.u32 s28, $0x1;
	[dreg:$0x2] =	wrdreg s2  }
0xa9: {  	[dreg:$0x3] =	wrdreg s4  }
0xaa: {  	[dreg:$0x4] =	wrdreg $0xC0  }
0xab: {  	_ =	task [dreg:s6], $0x5FFFF  }
0xac: {  	[dreg:$0x1] =	wrdreg $0xFFFFFFFF  }
0xad: {  	[dreg:$0x0] =	wrdreg $0x60  }
0xae: {  	[dreg:$0x2] =	wrdreg s24  }
0xaf: {  	[dreg:$0x3] =	wrdreg $0x0  }
0xb0: {  	[dreg:$0x4] =	wrdreg $0x9  }
0xb1: {  	_ =	task.clear_ibuf [dreg:s6], $0x5FFFF;
	_ =	strace $0x90000049  }
0xb2: {  	s29 =	simm.s32 $0x9;
	_ =	strace $0x8000004B  }
0xb3: {  	_ =	swait.ge [sflag:s29], $0x1  }
0xb4: {  	[sflag:s29] =	ssyncadd.s32 $0xFFFFFFFF  }
0xb5: {  	_ =	strace $0x9000004B  }
0xb6: {  	_ =	sfence  }
0xb7: {  	s30 =	sld [smem:$0x0];
	_ =	sdelay $0x2  }
0xb8: {  	s31 =	sshll.u32 s1, $0xD;
	s1 =	sshrl.u32 s1, $0x2  }
0xb9: {  	s3 =	sand.u32 $0x4000, s31;
	s1 =	sadd.s32 s1, s30  }
0xba: {  	s0 =	sor.u32 s3, s0;
	s1 =	sshll.u32 s1, $0x11  }
0xbb: {  	s0 =	sor.u32 s1, s0  }
0xbc: {  	s0 =	sadd.s32 $0x8F2B, s0  }
0xbd: {  	[sflag:s0] =	ssyncadd.remote.s32 $0x1  }
0xbe: {  	_ =	sfence.sel $0xFFFF  }
0xbf: {  	[dreg:$0x0] =	wrdreg $0xFFFFFFFF;
	(pc) =	sbr.abs _section_cstart, $3  }
0xc0: {  	[dreg:$0x1] =	wrdreg $0xFFFFFFFF  }
0xc1: {  	_ =	task.clear_ibuf [dreg:s6], $0x2FFFF;
	_ =	strace $0x9FFFFFFF  }
0xc2: {  	(tm) =	ssettm $0x7FFFFFFF  }
0xc3: {  	_ =	shalt  }
tec
execute0_lowered:
.L_overlay_start_1:
0x0: {  	(tag) =	ssettag $0x1  }
0x1: {  	s5 =	rddreg [dreg:$0x0]  }
0x2: {  	s0 =	srdreg.scid;
	s1 =	rddreg [dreg:$0x1];
	s3 =	simm.s32 $0x0  }
0x3: {  	s2 =	stileid.u32;
	s12 =	simm.s32 $0x18800;
	s13 =	simm.s32 $0x18880  }
0x4: {  	s14 =	simm.s32 $0x80;
	s15 =	simm.s32 $0x14800;
	s9 =	smul.u32 $0x14000, s2  }
0x5: {  	s16 =	simm.s32 $0x1;
	s19 =	simm.s32 $0x0;
	s29 =	smul.u32 $0x50000, s2  }
0x6: {  	s6 =	sand.u32 $0x1, s0;
	s0 =	rddreg [dreg:$0x2];
	s10 =	smul.u32 $0x500, s2  }
0x7: {  	[smem:$0x7FF] =	sst s3;
	s4 =	sadd.s32 $0x18800, s5;
	s7 =	smul.u32 $0x5000, s6  }
0x8: {  	s17 =	sshll.u32 s2, $0x6;
	s8 =	smul.u32 $0x140000, s6;
	s6 =	ssub.s32 $0x2, s6  }
0x9: {  	_ =	strace $0x8000004A;
	s17 =	sor.u32 $0x1C02, s17;
	s30 =	sshrl.u32 s6, $0x1  }
0xa: {  	s7 =	sadd.s32 s7, s5;
	s8 =	sadd.s32 s9, s8;
	s9 =	sshrl.u32 s29, $0x2  }
0xb: {  	s11 =	ssub.s32 s6, s30;
	s8 =	sshrl.u32 s8, $0x3;
	s31 =	sadd.s32 s10, s7  }
0xc: {  	s7 =	smax.u32 s11, $0x1;
	s10 =	simm.s32 $0x14000;
	s11 =	simm.s32 $0x2  }
0xd: {  	s8 =	sadd.s32 s8, s5;
	s5 =	sadd.s32 s9, s1;
	s9 =	sadd.s32 $0x4800, s31  }
0xe: {  	v0 =	vimm.f32 $0.0e+00;
	s6 =	sadd.s32 $0x68800, s8;
	s8 =	sadd.s32 $0xE800, s31;
	s18 =	sshrl.u32 s5, $0x3  }
.LBB2_1:
0xf: {  	[tilespmem:$0x14000] =	vst v0  }
0x10: {  	[tilespmem:$0x14010] =	vst v0  }
0x11: {  	[tilespmem:$0x14020] =	vst v0  }
0x12: {  	[tilespmem:$0x14030] =	vst v0  }
0x13: {  	[tilespmem:$0x14040] =	vst v0  }
0x14: {  	[tilespmem:$0x14050] =	vst v0  }
0x15: {  	[tilespmem:$0x14060] =	vst v0  }
0x16: {  	[tilespmem:$0x14070] =	vst v0  }
0x17: {  	[tilespmem:$0x14080] =	vst v0  }
0x18: {  	[tilespmem:$0x14090] =	vst v0  }
0x19: {  	[tilespmem:$0x140A0] =	vst v0  }
0x1a: {  	[tilespmem:$0x140B0] =	vst v0  }
0x1b: {  	[tilespmem:$0x140C0] =	vst v0  }
0x1c: {  	[tilespmem:$0x140D0] =	vst v0  }
0x1d: {  	[tilespmem:$0x140E0] =	vst v0  }
0x1e: {  	[tilespmem:$0x140F0] =	vst v0  }
0x1f: {  	[tilespmem:$0x14100] =	vst v0  }
0x20: {  	[tilespmem:$0x14110] =	vst v0  }
0x21: {  	[tilespmem:$0x14120] =	vst v0  }
0x22: {  	[tilespmem:$0x14130] =	vst v0  }
0x23: {  	[tilespmem:$0x14140] =	vst v0  }
0x24: {  	[tilespmem:$0x14150] =	vst v0  }
0x25: {  	[tilespmem:$0x14160] =	vst v0  }
0x26: {  	[tilespmem:$0x14170] =	vst v0  }
0x27: {  	[tilespmem:$0x14180] =	vst v0  }
0x28: {  	[tilespmem:$0x14190] =	vst v0  }
0x29: {  	[tilespmem:$0x141A0] =	vst v0  }
0x2a: {  	[tilespmem:$0x141B0] =	vst v0  }
0x2b: {  	[tilespmem:$0x141C0] =	vst v0  }
0x2c: {  	[tilespmem:$0x141D0] =	vst v0  }
0x2d: {  	[tilespmem:$0x141E0] =	vst v0  }
0x2e: {  	[tilespmem:$0x141F0] =	vst v0  }
0x2f: {  	[tilespmem:$0x14200] =	vst v0  }
0x30: {  	[tilespmem:$0x14210] =	vst v0  }
0x31: {  	[tilespmem:$0x14220] =	vst v0  }
0x32: {  	[tilespmem:$0x14230] =	vst v0  }
0x33: {  	[tilespmem:$0x14240] =	vst v0  }
0x34: {  	[tilespmem:$0x14250] =	vst v0  }
0x35: {  	[tilespmem:$0x14260] =	vst v0  }
0x36: {  	[tilespmem:$0x14270] =	vst v0  }
0x37: {  	[tilespmem:$0x14280] =	vst v0  }
0x38: {  	[tilespmem:$0x14290] =	vst v0  }
0x39: {  	[tilespmem:$0x142A0] =	vst v0  }
0x3a: {  	[tilespmem:$0x142B0] =	vst v0  }
0x3b: {  	[tilespmem:$0x142C0] =	vst v0  }
0x3c: {  	[tilespmem:$0x142D0] =	vst v0  }
0x3d: {  	[tilespmem:$0x142E0] =	vst v0  }
0x3e: {  	[tilespmem:$0x142F0] =	vst v0  }
0x3f: {  	[tilespmem:$0x14300] =	vst v0  }
0x40: {  	[tilespmem:$0x14310] =	vst v0  }
0x41: {  	[tilespmem:$0x14320] =	vst v0  }
0x42: {  	[tilespmem:$0x14330] =	vst v0  }
0x43: {  	[tilespmem:$0x14340] =	vst v0  }
0x44: {  	[tilespmem:$0x14350] =	vst v0  }
0x45: {  	[tilespmem:$0x14360] =	vst v0  }
0x46: {  	[tilespmem:$0x14370] =	vst v0  }
0x47: {  	[tilespmem:$0x14380] =	vst v0  }
0x48: {  	[tilespmem:$0x14390] =	vst v0  }
0x49: {  	[tilespmem:$0x143A0] =	vst v0  }
0x4a: {  	[tilespmem:$0x143B0] =	vst v0  }
0x4b: {  	[tilespmem:$0x143C0] =	vst v0  }
0x4c: {  	[tilespmem:$0x143D0] =	vst v0  }
0x4d: {  	[tilespmem:$0x143E0] =	vst v0  }
0x4e: {  	[tilespmem:$0x143F0] =	vst v0  }
0x4f: {  	[tilespmem:$0x14400] =	vst v0  }
0x50: {  	[tilespmem:$0x14410] =	vst v0  }
0x51: {  	[tilespmem:$0x14420] =	vst v0  }
0x52: {  	[tilespmem:$0x14430] =	vst v0  }
0x53: {  	[tilespmem:$0x14440] =	vst v0  }
0x54: {  	[tilespmem:$0x14450] =	vst v0  }
0x55: {  	[tilespmem:$0x14460] =	vst v0  }
0x56: {  	[tilespmem:$0x14470] =	vst v0  }
0x57: {  	[tilespmem:$0x14480] =	vst v0  }
0x58: {  	[tilespmem:$0x14490] =	vst v0  }
0x59: {  	[tilespmem:$0x144A0] =	vst v0  }
0x5a: {  	[tilespmem:$0x144B0] =	vst v0  }
0x5b: {  	[tilespmem:$0x144C0] =	vst v0  }
0x5c: {  	[tilespmem:$0x144D0] =	vst v0  }
0x5d: {  	[tilespmem:$0x144E0] =	vst v0  }
0x5e: {  	[tilespmem:$0x144F0] =	vst v0  }
0x5f: {  	[tilespmem:$0x14500] =	vst v0  }
0x60: {  	[tilespmem:$0x14510] =	vst v0  }
0x61: {  	[tilespmem:$0x14520] =	vst v0  }
0x62: {  	[tilespmem:$0x14530] =	vst v0  }
0x63: {  	[tilespmem:$0x14540] =	vst v0  }
0x64: {  	[tilespmem:$0x14550] =	vst v0  }
0x65: {  	[tilespmem:$0x14560] =	vst v0  }
0x66: {  	[tilespmem:$0x14570] =	vst v0  }
0x67: {  	[tilespmem:$0x14580] =	vst v0  }
0x68: {  	[tilespmem:$0x14590] =	vst v0  }
0x69: {  	[tilespmem:$0x145A0] =	vst v0  }
0x6a: {  	[tilespmem:$0x145B0] =	vst v0  }
0x6b: {  	[tilespmem:$0x145C0] =	vst v0  }
0x6c: {  	[tilespmem:$0x145D0] =	vst v0  }
0x6d: {  	[tilespmem:$0x145E0] =	vst v0  }
0x6e: {  	[tilespmem:$0x145F0] =	vst v0  }
0x6f: {  	[tilespmem:$0x14600] =	vst v0  }
0x70: {  	[tilespmem:$0x14610] =	vst v0  }
0x71: {  	[tilespmem:$0x14620] =	vst v0  }
0x72: {  	[tilespmem:$0x14630] =	vst v0  }
0x73: {  	[tilespmem:$0x14640] =	vst v0  }
0x74: {  	[tilespmem:$0x14650] =	vst v0  }
0x75: {  	[tilespmem:$0x14660] =	vst v0  }
0x76: {  	[tilespmem:$0x14670] =	vst v0  }
0x77: {  	[tilespmem:$0x14680] =	vst v0  }
0x78: {  	[tilespmem:$0x14690] =	vst v0  }
0x79: {  	[tilespmem:$0x146A0] =	vst v0  }
0x7a: {  	[tilespmem:$0x146B0] =	vst v0  }
0x7b: {  	[tilespmem:$0x146C0] =	vst v0  }
0x7c: {  	[tilespmem:$0x146D0] =	vst v0  }
0x7d: {  	[tilespmem:$0x146E0] =	vst v0  }
0x7e: {  	[tilespmem:$0x146F0] =	vst v0  }
0x7f: {  	[tilespmem:$0x14700] =	vst v0  }
0x80: {  	[tilespmem:$0x14710] =	vst v0  }
0x81: {  	[tilespmem:$0x14720] =	vst v0  }
0x82: {  	[tilespmem:$0x14730] =	vst v0  }
0x83: {  	[tilespmem:$0x14740] =	vst v0  }
0x84: {  	[tilespmem:$0x14750] =	vst v0  }
0x85: {  	[tilespmem:$0x14760] =	vst v0  }
0x86: {  	[tilespmem:$0x14770] =	vst v0  }
0x87: {  	[tilespmem:$0x14780] =	vst v0  }
0x88: {  	[tilespmem:$0x14790] =	vst v0  }
0x89: {  	[tilespmem:$0x147A0] =	vst v0  }
0x8a: {  	[tilespmem:$0x147B0] =	vst v0  }
0x8b: {  	[tilespmem:$0x147C0] =	vst v0  }
0x8c: {  	[tilespmem:$0x147D0] =	vst v0  }
0x8d: {  	[tilespmem:$0x147E0] =	vst v0  }
0x8e: {  	[tilespmem:$0x147F0] =	vst v0;
	s20 =	sadd.s32 $0x0, s5  }
0x8f: {  	[spmem:s20] =	stream.linear.scatter [tilespmem:s10], [sflag:$0x2], $0x800, $0x38;
	[tilespmem:$0x18900] =	vst v63  }
0x90: {  	s20 =	simm.s32 $0x2000;
	_ =	swait.ge [sflag:s11], $0x800  }
.LBB2_2:
0x91: {  	s21 =	sshra.s32 s20, $0x2;
	[sflag:s11] =	ssyncset.done $0x0;
	p0 =	sne.s32 s20, $0x4E000  }
.Ltmp0:
0x92: {  	s21 =	sadd.s32 s21, s5;
	[sflag:s11] =	ssyncadd.s32 $0xFFFFF800;
	(pc) =	sbr.rel @p0 .LBB2_2-.Ltmp0, $3  }
0x93: {  	[spmem:s21] =	stream.linear.scatter [tilespmem:s10], [sflag:$0x2], $0x800, $0x38;
	[tilespmem:$0x18900] =	vst v63  }
0x94: {  	s20 =	sadd.s32 $0x2000, s20;
	_ =	sdelay $0x1  }
0x95: {  	_ =	swait.ge [sflag:s11], $0x800  }
0x96: {  	[sflag:s11] =	ssyncset.done $0x0  }
0x97: {  	[sflag:s11] =	ssyncadd.s32 $0xFFFFF800  }
0x98: {  	s20 =	sadd.s32 $0x0, s9;
	[bflag:$0x0] =	sbarrier.arrive $0xFFFF  }
0x99: {  	[tilespmem:s12], [sflag:$0x2] =	stream.linear.gather [hbm4b:s20+s3], $0x80, $0x38;
	[tilespmem:$0x18900] =	vst v63  }
0x9a: {  	_ =	swait.ge [sflag:s11], $0x80  }
0x9b: {  	[sflag:s11] =	ssyncset.done $0x0  }
0x9c: {  	s31 =	sadd.s32 $0x0, s8;
	[sflag:s11] =	ssyncadd.s32 $0xFFFFFF80  }
0x9d: {  	[tilespmem:s13], [sflag:$0x2] =	stream.linear.gather [hbm4b:s31+s3], $0x80, $0x38;
	[tilespmem:$0x18900] =	vst v63  }
0x9e: {  	_ =	swait.ge [sflag:s11], $0x80  }
0x9f: {  	[sflag:s11] =	ssyncset.done $0x0  }
0xa0: {  	[sflag:s11] =	ssyncadd.s32 $0xFFFFFF80  }
0xa1: {  	[tilespmem:s15], [sflag:$0x1] =	stream.indirect.gather [hbm4b:s4+s14], $0x80, s12, s14, $0xb8;
	[tilespmem:$0x18900] =	vst v63  }
0xa2: {  	_ =	swait.ge [sflag:s16], $0x4000  }
0xa3: {  	[sflag:s16] =	ssyncset.done $0x0  }
0xa4: {  	[sflag:s16] =	ssyncadd.s32 $0xFFFFC000  }
0xa5: {  	[spmem:s1] =	stream.indirect.scatter.add.f32 [tilespmem:s15], [sflag:$0x2], $0x80, s13, s14, $0xb8;
	[tilespmem:$0x18900] =	vst v63  }
0xa6: {  	_ =	swait.ge [sflag:s11], $0x4000  }
0xa7: {  	s21 =	simm.s32 $0x20;
	s20 =	simm.s32 $0x10;
	[sflag:s11] =	ssyncset.done $0x0  }
.LBB2_4:
0xa8: {  	s22 =	sadd.s32 s20, s9  }
0xa9: {  	[sflag:s11] =	ssyncadd.s32 $0xFFFFC000;
	s23 =	smov.u32 s21;
	s24 =	sadd.s32 $0x10, s21  }
0xaa: {  	[tilespmem:s12], [sflag:$0x2] =	stream.linear.gather [hbm4b:s22+s3], $0x80, $0x38;
	[tilespmem:$0x18900] =	vst v63  }
0xab: {  	p0 =	sne.s32 s21, $0x4F0;
	_ =	swait.ge [sflag:s11], $0x80  }
0xac: {  	[sflag:s11] =	ssyncset.done $0x0  }
0xad: {  	s21 =	sadd.s32 s20, s8;
	s20 =	smov.u32 s23;
	[sflag:s11] =	ssyncadd.s32 $0xFFFFFF80  }
0xae: {  	[tilespmem:s13], [sflag:$0x2] =	stream.linear.gather [hbm4b:s21+s3], $0x80, $0x38;
	[tilespmem:$0x18900] =	vst v63  }
0xaf: {  	_ =	swait.ge [sflag:s11], $0x80  }
0xb0: {  	[sflag:s11] =	ssyncset.done $0x0  }
0xb1: {  	[sflag:s11] =	ssyncadd.s32 $0xFFFFFF80  }
0xb2: {  	[tilespmem:s15], [sflag:$0x1] =	stream.indirect.gather [hbm4b:s4+s14], $0x80, s12, s14, $0xb8;
	[tilespmem:$0x18900] =	vst v63  }
0xb3: {  	_ =	swait.ge [sflag:s16], $0x4000  }
.Ltmp1:
0xb4: {  	[sflag:s16] =	ssyncset.done $0x0;
	(pc) =	sbr.rel @p0 .LBB2_4-.Ltmp1, $4  }
0xb5: {  	[sflag:s16] =	ssyncadd.s32 $0xFFFFC000  }
0xb6: {  	[spmem:s1] =	stream.indirect.scatter.add.f32 [tilespmem:s15], [sflag:$0x2], $0x80, s13, s14, $0xb8;
	[tilespmem:$0x18900] =	vst v63  }
0xb7: {  	_ =	swait.ge [sflag:s11], $0x4000  }
0xb8: {  	s21 =	smov.u32 s24;
	[sflag:s11] =	ssyncset.done $0x0  }
0xb9: {  	s21 =	sadd.s32 s20, s9;
	[sflag:s11] =	ssyncadd.s32 $0xFFFFC000  }
0xba: {  	[tilespmem:s12], [sflag:$0x2] =	stream.linear.gather [hbm4b:s21+s3], $0x80, $0x38;
	[tilespmem:$0x18900] =	vst v63  }
0xbb: {  	_ =	swait.ge [sflag:s11], $0x80  }
0xbc: {  	[sflag:s11] =	ssyncset.done $0x0  }
0xbd: {  	s31 =	sadd.s32 s20, s8;
	[sflag:s11] =	ssyncadd.s32 $0xFFFFFF80  }
0xbe: {  	[tilespmem:s13], [sflag:$0x2] =	stream.linear.gather [hbm4b:s31+s3], $0x80, $0x38;
	[tilespmem:$0x18900] =	vst v63  }
0xbf: {  	_ =	swait.ge [sflag:s11], $0x80  }
0xc0: {  	[sflag:s11] =	ssyncset.done $0x0  }
0xc1: {  	[sflag:s11] =	ssyncadd.s32 $0xFFFFFF80  }
0xc2: {  	[tilespmem:s15], [sflag:$0x1] =	stream.indirect.gather [hbm4b:s4+s14], $0x80, s12, s14, $0xb8;
	[tilespmem:$0x18900] =	vst v63  }
0xc3: {  	_ =	swait.ge [sflag:s16], $0x4000  }
0xc4: {  	[sflag:s16] =	ssyncset.done $0x0  }
0xc5: {  	[sflag:s16] =	ssyncadd.s32 $0xFFFFC000  }
0xc6: {  	[spmem:s1] =	stream.indirect.scatter.add.f32 [tilespmem:s15], [sflag:$0x2], $0x80, s13, s14, $0xb8;
	[tilespmem:$0x18900] =	vst v63  }
0xc7: {  	_ =	swait.ge [sflag:s11], $0x4000  }
0xc8: {  	s19 =	sadd.s32 $0x1, s19;
	[sflag:s11] =	ssyncset.done $0x0  }
0xc9: {  	p0 =	sne.s32 s19, s7;
	[sflag:s11] =	ssyncadd.s32 $0xFFFFC000  }
.Ltmp2:
0xca: {  	[bflag:$0x0] =	sbarrier.arrive $0xFFFF;
	(pc) =	sbr.rel @p0 .LBB2_1-.Ltmp2, $4  }
0xcb: {  	[hbm:s6], [sflag:s17] =	dma.local [spmem:s18], $0x2800  }
0xcc: {  	_ =	swait.ge [sflag:s11], $0x2800  }
0xcd: {  	[sflag:s11] =	ssyncset.done $0x0  }
0xce: {  	[sflag:s11] =	ssyncadd.s32 $0xFFFFD800  }
0xcf: {  	_ =	sfence.sel $0x180000  }
0xd0: {  	[bflag:$0x0] =	sbarrier.arrive $0xFFFF  }
0xd1: {  	p0 =	sne.s32 s2, $0x0;
	_ =	strace $0x9000004A  }
0xd2: {  	s0 =	sadd.s32 @!p0 $0x100000, s0;
	[bflag:$0x2] =	sbarrier.arrive $0xFFFF  }
0xd3: {  	[sflag:s0] =	ssyncadd.tile.s32 @!p0 $0x1;
	_ =	shalt  }
.Lfunc_end2:
_tile_overlayer_lowered:
.L_overlay_start_2:
0xd4: {  	(tag) =	ssettag $0x2  }
0xd5: {  	s0 =	rddreg [dreg:$0x0];
	s2 =	stileid.u32  }
0xd6: {  	s1 =	rddreg [dreg:$0x1];
	p0 =	sne.s32 s2, $0x0  }
0xd7: {  	s3 =	rddreg [dreg:$0x2];
	[bflag:$0x3] =	sbarrier.arrive $0xFFFF;
	s2 =	simm.s32 @!p0 $0x1C02  }
0xd8: {  	[timem:s3], [sflag:s2] =	dma.local @!p0 [hbm:s0], s1  }
0xd9: {  	s0 =	simm.s32 @!p0 $0x2  }
0xda: {  	_ =	swait.ge @!p0 [sflag:s0], s1  }
0xdb: {  	s1 =	ssub.s32 @!p0 $0x0, s1;
	[sflag:s0] =	ssyncset.done @!p0 $0x0  }
0xdc: {  	[sflag:s0] =	ssyncadd.s32 @!p0 s1  }
0xdd: {  	[bflag:$0x3] =	sbarrier.arrive $0xFFFF  }
0xde: {  	_ =	shalt  }

// kernel: kernel.14.cloned.1.call-start
scs
__scs_entry_jumppad:
0x0: {  	(pc) =	sbr.rel $0x88, $3  }
0x1: {  	(tag) =	ssettag $0x0;
	lr =	simm.s32 $0x1  }
0x2: {  	[smem:$0x3F97] =	sst lr;
	_ =	strace $0xD0000000  }
0x3: {  	_ = 	snop  }
0x4: {  	_ = 	snop  }
0x5: {  	_ = 	snop  }
0x6: {  	_ = 	snop  }
0x7: {  	_ = 	snop  }
__scs_overlays_trampoline_lowered:
0x8: {  	[smem:$0x3FA6] =	sst s0  }
0x9: {  	[smem:$0x3FA7] =	sst s1  }
0xa: {  	[smem:$0x3FA8] =	sst s2  }
0xb: {  	[smem:$0x3FA9] =	sst s3  }
0xc: {  	[smem:$0x3FAA] =	sst s4  }
0xd: {  	[smem:$0x3FAB] =	sst s5  }
0xe: {  	[smem:$0x3FAC] =	sst s6  }
0xf: {  	[smem:$0x3FAD] =	sst s7  }
0x10: {  	[smem:$0x3FAE] =	sst s8  }
0x11: {  	[smem:$0x3FAF] =	sst s9;
	s0 =	simm.s32 @!p0 $0x0  }
0x12: {  	s1 =	sld [smem:$0x3F95];
	s0 =	simm.s32 @p0 $0x1  }
0x13: {  	[smem:$0x3FB0] =	sst s0;
	s0 =	simm.s32 @!p1 $0x0  }
0x14: {  	s2 =	sld [smem:$0x3F94];
	s0 =	simm.s32 @p1 $0x1  }
0x15: {  	[smem:$0x3FB1] =	sst s0;
	s0 =	simm.s32 @!p2 $0x0  }
0x16: {  	s3 =	sld [smem:$0x3FDB];
	s0 =	simm.s32 @p2 $0x1  }
0x17: {  	s4 =	simm.s32 $0x1BF5;
	[smem:$0x3FB3] =	sst s0  }
0x18: {  	s0 =	sld [smem:$0x3F96];
	_ =	swait.ge [sflag:s4], $0x0  }
0x19: {  	s7 =	sld [smem:$0x3F97]  }
0x1a: {  	s8 =	sadd.s32 $0xFFFFE003, lr  }
0x1b: {  	s9 =	sadd.s32 $0xFFFFFEF7, lr;
	s5 =	simm.s32 $0xFFFFFFFF;
	p2 =	slt.u32 s8, $0xFFFFF086  }
0x1c: {  	p1 =	slt.u32 s9, $0xF7A;
	s5 =	simm.s32 @!p2 $0x0  }
0x1d: {  	s5 =	simm.s32 @p1 $0x1;
	p0 =	seq.s32 s7, s2  }
0x1e: {  	s7 =	smul.u32 @!p0 $0xF7A, s2;
	p2 =	seq.s32 @!p0 s5, $0x0  }
0x1f: {  	s9 =	smul.u32 $0xF7A, s1;
	s8 =	simm.s32 @!p0 $0x1BF5;
	p2 =	por !p2, p0  }
0x20: {  	[sflag:s8] =	ssyncset.s32 @!p0 $0xFFFFF086;
	s6 =	sadd.s32 @!p0 s3, s7;
	s7 =	simm.s32 @!p0 $0x108  }
0x21: {  	s3 =	sadd.s32 s3, s9;
	s6 =	sadd.s32 @!p0 $0x88, s6;
	s7 =	simm.s32 @p2 $0x1082  }
0x22: {  	[simem:s7], [sflag:s8] =	dma.local @!p0 [hbm:s6], $0xF7A  }
0x23: {  	s9 =	sor.u32 $0xD0000000, s2;
	s6 =	simm.s32 $0x108;
	_ =	swait.ge @!p0 [sflag:s8], $0x0  }
0x24: {  	s3 =	sadd.s32 $0x88, s3;
	s6 =	simm.s32 @!p1 $0x1082;
	[sflag:s4] =	ssyncset.s32 $0xFFFFF086  }
0x25: {  	[simem:s6], [sflag:s4] =	dma.local [hbm:s3], $0xF7A  }
0x26: {  	[smem:$0x3F97] =	sst s1;
	(tag) =	ssettag s2;
	_ =	strace s9  }
0x27: {  	s1 =	sld [smem:$0x3FA7]  }
0x28: {  	s2 =	sld [smem:$0x3FA8]  }
0x29: {  	s4 =	sld [smem:$0x3FAA]  }
0x2a: {  	p0 =	seq.s32 s5, $0x0;
	s5 =	sld [smem:$0x3FAB]  }
0x2b: {  	s6 =	sld [smem:$0x3FAC]  }
0x2c: {  	s7 =	sld [smem:$0x3FAD]  }
0x2d: {  	s3 =	simm.s32 $0x108;
	s8 =	sld [smem:$0x3FAE]  }
0x2e: {  	s3 =	simm.s32 @!p0 $0x1082;
	s9 =	sld [smem:$0x3FAF]  }
0x2f: {  	lr =	sadd.s32 s0, s3;
	s0 =	sld [smem:$0x3FA6]  }
0x30: {  	s3 =	sld [smem:$0x3FA9]  }
0x31: {  	[smem:$0x3FB2] =	sst s10  }
0x32: {  	s10 =	sld [smem:$0x3FB0];
	_ =	sdelay $0x3  }
0x33: {  	p0 =	seq.s32 s10, $0x1;
	s10 =	sld [smem:$0x3FB2];
	_ =	sdelay $0x3  }
0x34: {  	[smem:$0x3FB2] =	sst s10  }
0x35: {  	s10 =	sld [smem:$0x3FB1];
	_ =	sdelay $0x3  }
0x36: {  	p1 =	seq.s32 s10, $0x1;
	s10 =	sld [smem:$0x3FB2];
	_ =	sdelay $0x3  }
0x37: {  	[smem:$0x3FB2] =	sst s10  }
0x38: {  	s10 =	sld [smem:$0x3FB3]  }
0x39: {  	_ = 	snop;
	(pc) =	sbr.ind lr, $3  }
0x3a: {  	_ = 	snop  }
0x3b: {  	_ = 	snop  }
0x3c: {  	p2 =	seq.s32 s10, $0x1;
	s10 =	sld [smem:$0x3FB2]  }
0x3d: {  	_ =	shalt  }
0x3e: {  	_ =	shalt  }
0x3f: {  	_ =	shalt  }
0x40: {  	_ =	shalt  }
0x41: {  	_ =	shalt  }
0x42: {  	_ =	shalt  }
0x43: {  	_ =	shalt  }
0x44: {  	_ =	shalt  }
0x45: {  	_ =	shalt  }
0x46: {  	_ =	shalt  }
0x47: {  	_ =	shalt  }
0x48: {  	_ =	shalt  }
0x49: {  	_ =	shalt  }
0x4a: {  	_ =	shalt  }
0x4b: {  	_ =	shalt  }
0x4c: {  	_ =	shalt  }
0x4d: {  	_ =	shalt  }
0x4e: {  	_ =	shalt  }
0x4f: {  	_ =	shalt  }
0x50: {  	_ =	shalt  }
0x51: {  	_ =	shalt  }
0x52: {  	_ =	shalt  }
0x53: {  	_ =	shalt  }
0x54: {  	_ =	shalt  }
0x55: {  	_ =	shalt  }
0x56: {  	_ =	shalt  }
0x57: {  	_ =	shalt  }
0x58: {  	_ =	shalt  }
0x59: {  	_ =	shalt  }
0x5a: {  	_ =	shalt  }
0x5b: {  	_ =	shalt  }
0x5c: {  	_ =	shalt  }
0x5d: {  	_ =	shalt  }
0x5e: {  	_ =	shalt  }
0x5f: {  	_ =	shalt  }
0x60: {  	_ =	shalt  }
0x61: {  	_ =	shalt  }
0x62: {  	_ =	shalt  }
0x63: {  	_ =	shalt  }
0x64: {  	_ =	shalt  }
0x65: {  	_ =	shalt  }
0x66: {  	_ =	shalt  }
0x67: {  	_ =	shalt  }
0x68: {  	_ =	shalt  }
0x69: {  	_ =	shalt  }
0x6a: {  	_ =	shalt  }
0x6b: {  	_ =	shalt  }
0x6c: {  	_ =	shalt  }
0x6d: {  	_ =	shalt  }
0x6e: {  	_ =	shalt  }
0x6f: {  	_ =	shalt  }
0x70: {  	_ =	shalt  }
0x71: {  	_ =	shalt  }
0x72: {  	_ =	shalt  }
0x73: {  	_ =	shalt  }
0x74: {  	_ =	shalt  }
0x75: {  	_ =	shalt  }
0x76: {  	_ =	shalt  }
0x77: {  	_ =	shalt  }
0x78: {  	_ =	shalt  }
0x79: {  	_ =	shalt  }
0x7a: {  	_ =	shalt  }
0x7b: {  	_ =	shalt  }
0x7c: {  	_ =	shalt  }
0x7d: {  	_ =	shalt  }
0x7e: {  	_ =	shalt  }
0x7f: {  	_ =	shalt  }
0x80: {  	_ =	shalt  }
0x81: {  	_ =	shalt  }
0x82: {  	_ =	shalt  }
0x83: {  	_ =	shalt  }
0x84: {  	_ =	shalt  }
0x85: {  	_ =	shalt  }
0x86: {  	_ =	shalt  }
0x87: {  	_ =	shalt  }
.Lfunc_end0:
.L_simem_size_0:
called_computation.2_lowered:
.L_overlay_start_0:
0x88: {  	s2 =	sld [smem:$0x3FD9]  }
0x89: {  	s3 =	sld [smem:$0x3FFE];
	_ =	sdelay $0x1  }
0x8a: {  	s1 =	srdreg.scid  }
0x8b: {  	s0 =	sand.u32 $0x1, s1  }
0x8c: {  	s16 =	sshll.u32 s0, $0xA;
	s2 =	sadd.s32 s3, s2  }
0x8d: {  	s2 =	sadd.s32 s2, s16  }
0x8e: {  	[smem:$0x3FBE] =	sst s2  }
0x8f: {  	_ = 	snop  }
0x90: {  	(tm) =	ssettm $0x1  }
0x91: {  	s17 =	sld [smem:$0x3FFB];
	_ =	sdelay $0x3  }
0x92: {  	_ =	strace s17  }
0x93: {  	s2 =	sld [smem:$0x3FFC];
	_ =	sdelay $0x3  }
0x94: {  	_ =	strace s2  }
0x95: {  	s2 =	sld [smem:$0x3FFD];
	_ =	sdelay $0x3  }
0x96: {  	_ =	strace s2  }
0x97: {  	_ =	strace $0x8FFFFFFF  }
0x98: {  	s18 =	sld [smem:$0x3FDB];
	_ =	sdelay $0x1  }
0x99: {  	s19 =	simm.s32 $_scs_section_size  }
0x9a: {  	s4 =	simm.s32 $_size__tile_overlayer_lowered;
	s5 =	simm.s32 $_tile_overlayer_lowered  }
0x9b: {  	s22 =	simm.s32 $0x1BFF;
	s21 =	sshll.u32 s5, $0x1;
	s2 =	sadd.s32 s19, s18  }
0x9c: {  	s6 =	simm.s32 $0x0;
	s20 =	sshll.u32 s4, $0x1;
	s4 =	sadd.s32 s21, s2  }
0x9d: {  	[timem:s6], [sflag:s22] =	dma.local [hbm:s4], s20  }
0x9e: {  	_ =	swait.ge [sflag:s22], s20  }
0x9f: {  	s3 =	ssub.s32 $0x0, s20;
	[sflag:s22] =	ssyncset.done $0x0  }
0xa0: {  	[sflag:s22] =	ssyncadd.s32 s3;
	_ =	sdelay $0x1  }
0xa1: {  	s23 =	simm.s32 $0x1B8B  }
0xa2: {  	_ =	swait.ge [sflag:s23], $0x1  }
0xa3: {  	[sflag:s23] =	ssyncset.done $0x0  }
0xa4: {  	s25 =	simm.s32 $0x1B8E;
	s24 =	sld [smem:$0x3FFE];
	[sflag:s23] =	ssyncadd.s32 $0xFFFFFFFF  }
0xa5: {  	s26 =	simm.s32 $execute0_lowered;
	[smem:$0x3FD2] =	sst s25  }
0xa6: {  	s4 =	sshll.u32 s26, $0x1;
	_ =	strace $0x8000004C;
	[dreg:$0x1] =	wrdreg $0xFFFFFFFF  }
0xa7: {  	s28 =	simm.s32 $_size_execute0_lowered;
	s2 =	sadd.s32 s2, s4;
	[dreg:$0x0] =	wrdreg $0x0  }
0xa8: {  	s4 =	sshll.u32 s28, $0x1;
	[dreg:$0x2] =	wrdreg s2  }
0xa9: {  	[dreg:$0x3] =	wrdreg s4  }
0xaa: {  	[dreg:$0x4] =	wrdreg $0xC0  }
0xab: {  	_ =	task [dreg:s6], $0x5FFFF  }
0xac: {  	[dreg:$0x1] =	wrdreg $0xFFFFFFFF  }
0xad: {  	[dreg:$0x0] =	wrdreg $0x60  }
0xae: {  	[dreg:$0x2] =	wrdreg s24  }
0xaf: {  	[dreg:$0x3] =	wrdreg $0x0  }
0xb0: {  	[dreg:$0x4] =	wrdreg $0x28000  }
0xb1: {  	[dreg:$0x5] =	wrdreg $0x50000  }
0xb2: {  	[dreg:$0x6] =	wrdreg $0x78000  }
0xb3: {  	[dreg:$0x7] =	wrdreg $0x9  }
0xb4: {  	_ =	task.clear_ibuf [dreg:s6], $0x8FFFF;
	_ =	strace $0x9000004C  }
0xb5: {  	s29 =	simm.s32 $0x9;
	_ =	strace $0x8000004E  }
0xb6: {  	_ =	swait.ge [sflag:s29], $0x1  }
0xb7: {  	[sflag:s29] =	ssyncadd.s32 $0xFFFFFFFF  }
0xb8: {  	_ =	strace $0x9000004E  }
0xb9: {  	_ =	sfence  }
0xba: {  	s30 =	sld [smem:$0x0];
	_ =	sdelay $0x2  }
0xbb: {  	s31 =	sshll.u32 s1, $0xD;
	s1 =	sshrl.u32 s1, $0x2  }
0xbc: {  	s3 =	sand.u32 $0x4000, s31;
	s1 =	sadd.s32 s1, s30  }
0xbd: {  	s0 =	sor.u32 s3, s0;
	s1 =	sshll.u32 s1, $0x11  }
0xbe: {  	s0 =	sor.u32 s1, s0  }
0xbf: {  	s0 =	sadd.s32 $0x8F2B, s0  }
0xc0: {  	[sflag:s0] =	ssyncadd.remote.s32 $0x1  }
0xc1: {  	_ =	sfence.sel $0xFFFF  }
0xc2: {  	[dreg:$0x0] =	wrdreg $0xFFFFFFFF;
	(pc) =	sbr.abs _section_cstart, $3  }
0xc3: {  	[dreg:$0x1] =	wrdreg $0xFFFFFFFF  }
0xc4: {  	_ =	task.clear_ibuf [dreg:s6], $0x2FFFF;
	_ =	strace $0x9FFFFFFF  }
0xc5: {  	(tm) =	ssettm $0x7FFFFFFF  }
tec
execute0_lowered:
.L_overlay_start_1:
0x0: {  	(tag) =	ssettag $0x1  }
0x1: {  	s0 =	rddreg [dreg:$0x0]  }
0x2: {  	s1 =	rddreg [dreg:$0x1]  }
0x3: {  	s3 =	rddreg [dreg:$0x2]  }
0x4: {  	s4 =	rddreg [dreg:$0x3]  }
0x5: {  	s5 =	rddreg [dreg:$0x4]  }
0x6: {  	s11 =	stileid.u32;
	s2 =	srdreg.scid;
	s6 =	simm.s32 $0x0  }
0x7: {  	s18 =	simm.s32 $0x3;
	s28 =	simm.s32 $0xE800;
	s12 =	smul.u32 $0x14000, s11  }
0x8: {  	s29 =	simm.s32 $0x1;
	s30 =	simm.s32 $0x2;
	s14 =	smul.u32 $0x50000, s11  }
0x9: {  	s31 =	simm.s32 $0x0;
	s2 =	sand.u32 $0x1, s2;
	s15 =	smul.u32 $0x500, s11  }
0xa: {  	[smem:$0x7FF] =	sst s6;
	s22 =	sshll.u32 s11, $0x6;
	s7 =	smul.u32 $0x140000, s2  }
0xb: {  	_ =	strace $0x8000004D;
	s9 =	smul.u32 $0x5000, s2;
	s2 =	ssub.s32 $0x2, s2  }
0xc: {  	s8 =	sshrl.u32 s12, $0x3;
	s20 =	sshrl.u32 s2, $0x1;
	s17 =	sadd.s32 s12, s1  }
0xd: {  	s19 =	sadd.s32 s12, s3;
	s25 =	sadd.s32 s12, s5;
	s26 =	sshrl.u32 s14, $0x2  }
0xe: {  	s7 =	sadd.s32 s12, s7;
	s10 =	sadd.s32 s8, s0;
	s13 =	sadd.s32 s9, s0  }
0xf: {  	s2 =	ssub.s32 s2, s20;
	s8 =	sor.u32 $0x1C03, s22;
	s14 =	sadd.s32 s26, s4  }
0x10: {  	s17 =	sshrl.u32 s17, $0x3;
	s19 =	sshrl.u32 s19, $0x3;
	s20 =	simm.s32 $0xA000  }
0x11: {  	s22 =	simm.s32 $0x12880;
	s25 =	sshrl.u32 s25, $0x3;
	s7 =	sshrl.u32 s7, $0x3  }
0x12: {  	s21 =	sadd.s32 $0x18800, s10;
	s23 =	sadd.s32 $0x40800, s10;
	s16 =	sadd.s32 s15, s13  }
0x13: {  	s13 =	sadd.s32 s26, s5;
	s26 =	simm.s32 $0xA800;
	[dreg:$0x6] =	wrdreg s21  }
0x14: {  	s0 =	sadd.s32 s7, s0;
	[dreg:$0x7] =	wrdreg s23;
	s15 =	sadd.s32 $0xE800, s16  }
0x15: {  	s16 =	sadd.s32 $0x4800, s16;
	s21 =	simm.s32 $0x12800;
	s24 =	sadd.s32 $0x68800, s0  }
0x16: {  	s23 =	simm.s32 $0x80;
	[dreg:$0x8] =	wrdreg s24;
	s24 =	sadd.s32 s12, s4  }
0x17: {  	v0 =	vimm.f32 $0.0e+00;
	s11 =	sadd.s32 $0xB8800, s0;
	s12 =	smax.u32 s2, $0x1;
	s24 =	sshrl.u32 s24, $0x3  }
.LBB2_1:
0x18: {  	[tilespmem:$0xA000] =	vst v0  }
0x19: {  	[tilespmem:$0xA080] =	vst v0  }
0x1a: {  	[tilespmem:$0xA100] =	vst v0  }
0x1b: {  	[tilespmem:$0xA180] =	vst v0  }
0x1c: {  	[tilespmem:$0xA200] =	vst v0  }
0x1d: {  	[tilespmem:$0xA280] =	vst v0  }
0x1e: {  	[tilespmem:$0xA300] =	vst v0  }
0x1f: {  	[tilespmem:$0xA380] =	vst v0  }
0x20: {  	[tilespmem:$0xA400] =	vst v0  }
0x21: {  	[tilespmem:$0xA480] =	vst v0  }
0x22: {  	[tilespmem:$0xA500] =	vst v0  }
0x23: {  	[tilespmem:$0xA580] =	vst v0  }
0x24: {  	[tilespmem:$0xA600] =	vst v0  }
0x25: {  	[tilespmem:$0xA680] =	vst v0  }
0x26: {  	[tilespmem:$0xA700] =	vst v0  }
0x27: {  	[tilespmem:$0xA780] =	vst v0;
	s0 =	rddreg [dreg:$0x6]  }
0x28: {  	[spmem:s17], [sflag:s8] =	dma.local [hbm:s0], $0x2800  }
0x29: {  	_ =	swait.ge [sflag:s18], $0x2800  }
0x2a: {  	[sflag:s18] =	ssyncset.done $0x0  }
0x2b: {  	s7 =	rddreg [dreg:$0x7];
	[sflag:s18] =	ssyncadd.s32 $0xFFFFD800  }
0x2c: {  	[spmem:s19], [sflag:s8] =	dma.local [hbm:s7], $0x2800  }
0x2d: {  	_ =	swait.ge [sflag:s18], $0x2800  }
0x2e: {  	[sflag:s18] =	ssyncset.done $0x0  }
0x2f: {  	s9 =	sadd.s32 $0x0, s14;
	[sflag:s18] =	ssyncadd.s32 $0xFFFFD800  }
0x30: {  	[spmem:s9] =	stream.linear.scatter [tilespmem:s20], [sflag:$0x3], $0x800, $0x38;
	[tilespmem:$0x12900] =	vst v63  }
0x31: {  	_ =	swait.ge [sflag:s18], $0x800  }
0x32: {  	[sflag:s18] =	ssyncset.done $0x0  }
0x33: {  	s10 =	sadd.s32 $0x0, s13;
	[sflag:s18] =	ssyncadd.s32 $0xFFFFF800  }
0x34: {  	[spmem:s10] =	stream.linear.scatter [tilespmem:s20], [sflag:$0x3], $0x800, $0x38;
	[tilespmem:$0x12900] =	vst v63  }
0x35: {  	_ =	swait.ge [sflag:s18], $0x800  }
0x36: {  	s2 =	simm.s32 $0x4000;
	s0 =	simm.s32 $0x800;
	[sflag:s18] =	ssyncset.done $0x0  }
.LBB2_2:
0x37: {  	s7 =	sadd.s32 s0, s14  }
0x38: {  	[sflag:s18] =	ssyncadd.s32 $0xFFFFF800;
	s9 =	smov.u32 s2;
	s10 =	sadd.s32 $0x2000, s2  }
0x39: {  	[spmem:s7] =	stream.linear.scatter [tilespmem:s20], [sflag:$0x3], $0x800, $0x38;
	[tilespmem:$0x12900] =	vst v63  }
0x3a: {  	p0 =	sne.s32 s2, $0x4E000;
	_ =	swait.ge [sflag:s18], $0x800  }
.Ltmp0:
0x3b: {  	[sflag:s18] =	ssyncset.done $0x0;
	(pc) =	sbr.rel @p0 .LBB2_2-.Ltmp0, $4  }
0x3c: {  	s0 =	sadd.s32 s0, s13;
	[sflag:s18] =	ssyncadd.s32 $0xFFFFF800  }
0x3d: {  	[spmem:s0] =	stream.linear.scatter [tilespmem:s20], [sflag:$0x3], $0x800, $0x38;
	[tilespmem:$0x12900] =	vst v63  }
0x3e: {  	_ =	swait.ge [sflag:s18], $0x800  }
0x3f: {  	s2 =	smov.u32 s10;
	s0 =	sshra.s32 s9, $0x2;
	[sflag:s18] =	ssyncset.done $0x0  }
0x40: {  	s2 =	sadd.s32 s0, s14;
	[sflag:s18] =	ssyncadd.s32 $0xFFFFF800  }
0x41: {  	[spmem:s2] =	stream.linear.scatter [tilespmem:s20], [sflag:$0x3], $0x800, $0x38;
	[tilespmem:$0x12900] =	vst v63  }
0x42: {  	_ =	swait.ge [sflag:s18], $0x800  }
0x43: {  	[sflag:s18] =	ssyncset.done $0x0  }
0x44: {  	s7 =	sadd.s32 s0, s13;
	[sflag:s18] =	ssyncadd.s32 $0xFFFFF800  }
0x45: {  	[spmem:s7] =	stream.linear.scatter [tilespmem:s20], [sflag:$0x3], $0x800, $0x38;
	[tilespmem:$0x12900] =	vst v63  }
0x46: {  	_ =	swait.ge [sflag:s18], $0x800  }
0x47: {  	[sflag:s18] =	ssyncset.done $0x0  }
0x48: {  	[sflag:s18] =	ssyncadd.s32 $0xFFFFF800  }
0x49: {  	s9 =	sadd.s32 $0x0, s16;
	[bflag:$0x0] =	sbarrier.arrive $0xFFFF  }
0x4a: {  	[tilespmem:s21], [sflag:$0x3] =	stream.linear.gather [hbm4b:s9+s6], $0x80, $0x38;
	[tilespmem:$0x12900] =	vst v63  }
0x4b: {  	_ =	swait.ge [sflag:s18], $0x80  }
0x4c: {  	[sflag:s18] =	ssyncset.done $0x0  }
0x4d: {  	s10 =	sadd.s32 $0x0, s15;
	[sflag:s18] =	ssyncadd.s32 $0xFFFFFF80  }
0x4e: {  	[tilespmem:s22], [sflag:$0x3] =	stream.linear.gather [hbm4b:s10+s6], $0x80, $0x38;
	[tilespmem:$0x12900] =	vst v63  }
0x4f: {  	_ =	swait.ge [sflag:s18], $0x80  }
0x50: {  	[sflag:s18] =	ssyncset.done $0x0  }
0x51: {  	[sflag:s18] =	ssyncadd.s32 $0xFFFFFF80  }
0x52: {  	[tilespmem:s26], [sflag:$0x1] =	stream.indirect.gather [spmem:s1], $0x10, s21, s23, $0xb8;
	[tilespmem:$0x12900] =	vst v63  }
0x53: {  	_ = 	snop  }
0x54: {  	[tilespmem:s28], [sflag:$0x2] =	stream.indirect.gather [spmem:s3], $0x10, s22, s23, $0xb8;
	[tilespmem:$0x12900] =	vst v63  }
0x55: {  	_ =	swait.ge [sflag:s29], $0x800  }
0x56: {  	[sflag:s29] =	ssyncset.done $0x0  }
0x57: {  	[sflag:s29] =	ssyncadd.s32 $0xFFFFF800  }
0x58: {  	_ =	swait.ge [sflag:s30], $0x800  }
0x59: {  	[sflag:s30] =	ssyncset.done $0x0  }
0x5a: {  	[sflag:s30] =	ssyncadd.s32 $0xFFFFF800  }
0x5b: {  	[spmem:s4] =	stream.indirect.scatter.add.f32 [tilespmem:s26], [sflag:$0x3], $0x10, s22, s23, $0xb8;
	[tilespmem:$0x12900] =	vst v63  }
0x5c: {  	_ =	swait.ge [sflag:s18], $0x800  }
0x5d: {  	[sflag:s18] =	ssyncset.done $0x0  }
0x5e: {  	[sflag:s18] =	ssyncadd.s32 $0xFFFFF800  }
0x5f: {  	[spmem:s5] =	stream.indirect.scatter.add.f32 [tilespmem:s28], [sflag:$0x3], $0x10, s21, s23, $0xb8;
	[tilespmem:$0x12900] =	vst v63  }
0x60: {  	_ =	swait.ge [sflag:s18], $0x800  }
0x61: {  	s0 =	simm.s32 $0x10;
	s2 =	simm.s32 $0x20;
	[sflag:s18] =	ssyncset.done $0x0  }
.LBB2_4:
0x62: {  	s7 =	sadd.s32 s0, s16  }
0x63: {  	[sflag:s18] =	ssyncadd.s32 $0xFFFFF800;
	s9 =	smov.u32 s2;
	s10 =	sadd.s32 $0x10, s2  }
0x64: {  	[tilespmem:s21], [sflag:$0x3] =	stream.linear.gather [hbm4b:s7+s6], $0x80, $0x38;
	[tilespmem:$0x12900] =	vst v63  }
0x65: {  	p0 =	sne.s32 s2, $0x4F0;
	_ =	swait.ge [sflag:s18], $0x80  }
0x66: {  	[sflag:s18] =	ssyncset.done $0x0  }
0x67: {  	s2 =	sadd.s32 s0, s15;
	s0 =	smov.u32 s9;
	[sflag:s18] =	ssyncadd.s32 $0xFFFFFF80  }
0x68: {  	[tilespmem:s22], [sflag:$0x3] =	stream.linear.gather [hbm4b:s2+s6], $0x80, $0x38;
	[tilespmem:$0x12900] =	vst v63  }
0x69: {  	_ =	swait.ge [sflag:s18], $0x80  }
0x6a: {  	[sflag:s18] =	ssyncset.done $0x0  }
0x6b: {  	[sflag:s18] =	ssyncadd.s32 $0xFFFFFF80  }
0x6c: {  	[tilespmem:s26], [sflag:$0x1] =	stream.indirect.gather [spmem:s1], $0x10, s21, s23, $0xb8;
	[tilespmem:$0x12900] =	vst v63  }
0x6d: {  	_ = 	snop  }
0x6e: {  	[tilespmem:s28], [sflag:$0x2] =	stream.indirect.gather [spmem:s3], $0x10, s22, s23, $0xb8;
	[tilespmem:$0x12900] =	vst v63  }
0x6f: {  	_ =	swait.ge [sflag:s29], $0x800  }
0x70: {  	[sflag:s29] =	ssyncset.done $0x0  }
0x71: {  	[sflag:s29] =	ssyncadd.s32 $0xFFFFF800  }
0x72: {  	_ =	swait.ge [sflag:s30], $0x800  }
0x73: {  	[sflag:s30] =	ssyncset.done $0x0  }
0x74: {  	[sflag:s30] =	ssyncadd.s32 $0xFFFFF800  }
0x75: {  	[spmem:s4] =	stream.indirect.scatter.add.f32 [tilespmem:s26], [sflag:$0x3], $0x10, s22, s23, $0xb8;
	[tilespmem:$0x12900] =	vst v63  }
0x76: {  	_ =	swait.ge [sflag:s18], $0x800  }
.Ltmp1:
0x77: {  	[sflag:s18] =	ssyncset.done $0x0;
	(pc) =	sbr.rel @p0 .LBB2_4-.Ltmp1, $4  }
0x78: {  	[sflag:s18] =	ssyncadd.s32 $0xFFFFF800  }
0x79: {  	[spmem:s5] =	stream.indirect.scatter.add.f32 [tilespmem:s28], [sflag:$0x3], $0x10, s21, s23, $0xb8;
	[tilespmem:$0x12900] =	vst v63  }
0x7a: {  	_ =	swait.ge [sflag:s18], $0x800  }
0x7b: {  	s2 =	smov.u32 s10;
	[sflag:s18] =	ssyncset.done $0x0  }
0x7c: {  	s2 =	sadd.s32 s0, s16;
	[sflag:s18] =	ssyncadd.s32 $0xFFFFF800  }
0x7d: {  	[tilespmem:s21], [sflag:$0x3] =	stream.linear.gather [hbm4b:s2+s6], $0x80, $0x38;
	[tilespmem:$0x12900] =	vst v63  }
0x7e: {  	_ =	swait.ge [sflag:s18], $0x80  }
0x7f: {  	[sflag:s18] =	ssyncset.done $0x0  }
0x80: {  	s9 =	sadd.s32 s0, s15;
	[sflag:s18] =	ssyncadd.s32 $0xFFFFFF80  }
0x81: {  	[tilespmem:s22], [sflag:$0x3] =	stream.linear.gather [hbm4b:s9+s6], $0x80, $0x38;
	[tilespmem:$0x12900] =	vst v63  }
0x82: {  	_ =	swait.ge [sflag:s18], $0x80  }
0x83: {  	[sflag:s18] =	ssyncset.done $0x0  }
0x84: {  	[sflag:s18] =	ssyncadd.s32 $0xFFFFFF80  }
0x85: {  	[tilespmem:s26], [sflag:$0x1] =	stream.indirect.gather [spmem:s1], $0x10, s21, s23, $0xb8;
	[tilespmem:$0x12900] =	vst v63  }
0x86: {  	_ = 	snop  }
0x87: {  	[tilespmem:s28], [sflag:$0x2] =	stream.indirect.gather [spmem:s3], $0x10, s22, s23, $0xb8;
	[tilespmem:$0x12900] =	vst v63  }
0x88: {  	_ =	swait.ge [sflag:s29], $0x800  }
0x89: {  	[sflag:s29] =	ssyncset.done $0x0  }
0x8a: {  	[sflag:s29] =	ssyncadd.s32 $0xFFFFF800  }
0x8b: {  	_ =	swait.ge [sflag:s30], $0x800  }
0x8c: {  	[sflag:s30] =	ssyncset.done $0x0  }
0x8d: {  	[sflag:s30] =	ssyncadd.s32 $0xFFFFF800  }
0x8e: {  	[spmem:s4] =	stream.indirect.scatter.add.f32 [tilespmem:s26], [sflag:$0x3], $0x10, s22, s23, $0xb8;
	[tilespmem:$0x12900] =	vst v63  }
0x8f: {  	_ =	swait.ge [sflag:s18], $0x800  }
0x90: {  	[sflag:s18] =	ssyncset.done $0x0  }
0x91: {  	[sflag:s18] =	ssyncadd.s32 $0xFFFFF800  }
0x92: {  	[spmem:s5] =	stream.indirect.scatter.add.f32 [tilespmem:s28], [sflag:$0x3], $0x10, s21, s23, $0xb8;
	[tilespmem:$0x12900] =	vst v63  }
0x93: {  	_ =	swait.ge [sflag:s18], $0x800  }
0x94: {  	[sflag:s18] =	ssyncset.done $0x0  }
0x95: {  	[sflag:s18] =	ssyncadd.s32 $0xFFFFF800  }
0x96: {  	[bflag:$0x0] =	sbarrier.arrive $0xFFFF  }
0x97: {  	s10 =	rddreg [dreg:$0x8]  }
0x98: {  	[hbm:s10], [sflag:s8] =	dma.local [spmem:s24], $0x2800  }
0x99: {  	s31 =	sadd.s32 $0x1, s31;
	_ =	swait.ge [sflag:s18], $0x2800  }
0x9a: {  	p0 =	sne.s32 s31, s12;
	[sflag:s18] =	ssyncset.done $0x0  }
.Ltmp2:
0x9b: {  	[sflag:s18] =	ssyncadd.s32 $0xFFFFD800;
	(pc) =	sbr.rel @p0 .LBB2_1-.Ltmp2, $4  }
0x9c: {  	[hbm:s11], [sflag:s8] =	dma.local [spmem:s25], $0x2800  }
0x9d: {  	_ =	swait.ge [sflag:s18], $0x2800  }
0x9e: {  	[sflag:s18] =	ssyncset.done $0x0  }
0x9f: {  	[sflag:s18] =	ssyncadd.s32 $0xFFFFD800  }
0xa0: {  	_ =	sfence.sel $0x180000  }
0xa1: {  	[bflag:$0x0] =	sbarrier.arrive $0xFFFF  }
0xa2: {  	_ =	strace $0x9000004D  }
0xa3: {  	s0 =	stileid.u32;
	[bflag:$0x2] =	sbarrier.arrive $0xFFFF  }
0xa4: {  	p0 =	sne.s32 s0, $0x0;
	s0 =	rddreg [dreg:$0x5]  }
0xa5: {  	s0 =	sadd.s32 @!p0 $0x100000, s0  }
0xa6: {  	[sflag:s0] =	ssyncadd.tile.s32 @!p0 $0x1;
	_ =	shalt  }
.Lfunc_end2:
_tile_overlayer_lowered:
.L_overlay_start_2:
0xa7: {  	(tag) =	ssettag $0x2  }
0xa8: {  	s0 =	rddreg [dreg:$0x0];
	s2 =	stileid.u32  }
0xa9: {  	s1 =	rddreg [dreg:$0x1];
	p0 =	sne.s32 s2, $0x0  }
0xaa: {  	s3 =	rddreg [dreg:$0x2];
	[bflag:$0x3] =	sbarrier.arrive $0xFFFF;
	s2 =	simm.s32 @!p0 $0x1C03  }
0xab: {  	[timem:s3], [sflag:s2] =	dma.local @!p0 [hbm:s0], s1  }
0xac: {  	s0 =	simm.s32 @!p0 $0x3  }
0xad: {  	_ =	swait.ge @!p0 [sflag:s0], s1  }
0xae: {  	s1 =	ssub.s32 @!p0 $0x0, s1;
	[sflag:s0] =	ssyncset.done @!p0 $0x0  }
0xaf: {  	[sflag:s0] =	ssyncadd.s32 @!p0 s1  }
0xb0: {  	[bflag:$0x3] =	sbarrier.arrive $0xFFFF  }
0xb1: {  	_ =	shalt  }

// kernel: kernel.8.cloned.1.call-start
scs
__scs_entry_jumppad:
0x0: {  	(pc) =	sbr.rel $0x88, $3  }
0x1: {  	(tag) =	ssettag $0x0;
	lr =	simm.s32 $0x1  }
0x2: {  	[smem:$0x3F97] =	sst lr;
	_ =	strace $0xD0000000  }
0x3: {  	_ = 	snop  }
0x4: {  	_ = 	snop  }
0x5: {  	_ = 	snop  }
0x6: {  	_ = 	snop  }
0x7: {  	_ = 	snop  }
__scs_overlays_trampoline_lowered:
0x8: {  	[smem:$0x3FA6] =	sst s0  }
0x9: {  	[smem:$0x3FA7] =	sst s1  }
0xa: {  	[smem:$0x3FA8] =	sst s2  }
0xb: {  	[smem:$0x3FA9] =	sst s3  }
0xc: {  	[smem:$0x3FAA] =	sst s4  }
0xd: {  	[smem:$0x3FAB] =	sst s5  }
0xe: {  	[smem:$0x3FAC] =	sst s6  }
0xf: {  	[smem:$0x3FAD] =	sst s7  }
0x10: {  	[smem:$0x3FAE] =	sst s8  }
0x11: {  	[smem:$0x3FAF] =	sst s9;
	s0 =	simm.s32 @!p0 $0x0  }
0x12: {  	s1 =	sld [smem:$0x3F95];
	s0 =	simm.s32 @p0 $0x1  }
0x13: {  	[smem:$0x3FB0] =	sst s0;
	s0 =	simm.s32 @!p1 $0x0  }
0x14: {  	s2 =	sld [smem:$0x3F94];
	s0 =	simm.s32 @p1 $0x1  }
0x15: {  	[smem:$0x3FB1] =	sst s0;
	s0 =	simm.s32 @!p2 $0x0  }
0x16: {  	s3 =	sld [smem:$0x3FDB];
	s0 =	simm.s32 @p2 $0x1  }
0x17: {  	s4 =	simm.s32 $0x1BF5;
	[smem:$0x3FB3] =	sst s0  }
0x18: {  	s0 =	sld [smem:$0x3F96];
	_ =	swait.ge [sflag:s4], $0x0  }
0x19: {  	s7 =	sld [smem:$0x3F97]  }
0x1a: {  	s8 =	sadd.s32 $0xFFFFE003, lr  }
0x1b: {  	s9 =	sadd.s32 $0xFFFFFEF7, lr;
	s5 =	simm.s32 $0xFFFFFFFF;
	p2 =	slt.u32 s8, $0xFFFFF086  }
0x1c: {  	p1 =	slt.u32 s9, $0xF7A;
	s5 =	simm.s32 @!p2 $0x0  }
0x1d: {  	s5 =	simm.s32 @p1 $0x1;
	p0 =	seq.s32 s7, s2  }
0x1e: {  	s7 =	smul.u32 @!p0 $0xF7A, s2;
	p2 =	seq.s32 @!p0 s5, $0x0  }
0x1f: {  	s9 =	smul.u32 $0xF7A, s1;
	s8 =	simm.s32 @!p0 $0x1BF5;
	p2 =	por !p2, p0  }
0x20: {  	[sflag:s8] =	ssyncset.s32 @!p0 $0xFFFFF086;
	s6 =	sadd.s32 @!p0 s3, s7;
	s7 =	simm.s32 @!p0 $0x108  }
0x21: {  	s3 =	sadd.s32 s3, s9;
	s6 =	sadd.s32 @!p0 $0x88, s6;
	s7 =	simm.s32 @p2 $0x1082  }
0x22: {  	[simem:s7], [sflag:s8] =	dma.local @!p0 [hbm:s6], $0xF7A  }
0x23: {  	s9 =	sor.u32 $0xD0000000, s2;
	s6 =	simm.s32 $0x108;
	_ =	swait.ge @!p0 [sflag:s8], $0x0  }
0x24: {  	s3 =	sadd.s32 $0x88, s3;
	s6 =	simm.s32 @!p1 $0x1082;
	[sflag:s4] =	ssyncset.s32 $0xFFFFF086  }
0x25: {  	[simem:s6], [sflag:s4] =	dma.local [hbm:s3], $0xF7A  }
0x26: {  	[smem:$0x3F97] =	sst s1;
	(tag) =	ssettag s2;
	_ =	strace s9  }
0x27: {  	s1 =	sld [smem:$0x3FA7]  }
0x28: {  	s2 =	sld [smem:$0x3FA8]  }
0x29: {  	s4 =	sld [smem:$0x3FAA]  }
0x2a: {  	p0 =	seq.s32 s5, $0x0;
	s5 =	sld [smem:$0x3FAB]  }
0x2b: {  	s6 =	sld [smem:$0x3FAC]  }
0x2c: {  	s7 =	sld [smem:$0x3FAD]  }
0x2d: {  	s3 =	simm.s32 $0x108;
	s8 =	sld [smem:$0x3FAE]  }
0x2e: {  	s3 =	simm.s32 @!p0 $0x1082;
	s9 =	sld [smem:$0x3FAF]  }
0x2f: {  	lr =	sadd.s32 s0, s3;
	s0 =	sld [smem:$0x3FA6]  }
0x30: {  	s3 =	sld [smem:$0x3FA9]  }
0x31: {  	[smem:$0x3FB2] =	sst s10  }
0x32: {  	s10 =	sld [smem:$0x3FB0];
	_ =	sdelay $0x3  }
0x33: {  	p0 =	seq.s32 s10, $0x1;
	s10 =	sld [smem:$0x3FB2];
	_ =	sdelay $0x3  }
0x34: {  	[smem:$0x3FB2] =	sst s10  }
0x35: {  	s10 =	sld [smem:$0x3FB1];
	_ =	sdelay $0x3  }
0x36: {  	p1 =	seq.s32 s10, $0x1;
	s10 =	sld [smem:$0x3FB2];
	_ =	sdelay $0x3  }
0x37: {  	[smem:$0x3FB2] =	sst s10  }
0x38: {  	s10 =	sld [smem:$0x3FB3]  }
0x39: {  	_ = 	snop;
	(pc) =	sbr.ind lr, $3  }
0x3a: {  	_ = 	snop  }
0x3b: {  	_ = 	snop  }
0x3c: {  	p2 =	seq.s32 s10, $0x1;
	s10 =	sld [smem:$0x3FB2]  }
0x3d: {  	_ =	shalt  }
0x3e: {  	_ =	shalt  }
0x3f: {  	_ =	shalt  }
0x40: {  	_ =	shalt  }
0x41: {  	_ =	shalt  }
0x42: {  	_ =	shalt  }
0x43: {  	_ =	shalt  }
0x44: {  	_ =	shalt  }
0x45: {  	_ =	shalt  }
0x46: {  	_ =	shalt  }
0x47: {  	_ =	shalt  }
0x48: {  	_ =	shalt  }
0x49: {  	_ =	shalt  }
0x4a: {  	_ =	shalt  }
0x4b: {  	_ =	shalt  }
0x4c: {  	_ =	shalt  }
0x4d: {  	_ =	shalt  }
0x4e: {  	_ =	shalt  }
0x4f: {  	_ =	shalt  }
0x50: {  	_ =	shalt  }
0x51: {  	_ =	shalt  }
0x52: {  	_ =	shalt  }
0x53: {  	_ =	shalt  }
0x54: {  	_ =	shalt  }
0x55: {  	_ =	shalt  }
0x56: {  	_ =	shalt  }
0x57: {  	_ =	shalt  }
0x58: {  	_ =	shalt  }
0x59: {  	_ =	shalt  }
0x5a: {  	_ =	shalt  }
0x5b: {  	_ =	shalt  }
0x5c: {  	_ =	shalt  }
0x5d: {  	_ =	shalt  }
0x5e: {  	_ =	shalt  }
0x5f: {  	_ =	shalt  }
0x60: {  	_ =	shalt  }
0x61: {  	_ =	shalt  }
0x62: {  	_ =	shalt  }
0x63: {  	_ =	shalt  }
0x64: {  	_ =	shalt  }
0x65: {  	_ =	shalt  }
0x66: {  	_ =	shalt  }
0x67: {  	_ =	shalt  }
0x68: {  	_ =	shalt  }
0x69: {  	_ =	shalt  }
0x6a: {  	_ =	shalt  }
0x6b: {  	_ =	shalt  }
0x6c: {  	_ =	shalt  }
0x6d: {  	_ =	shalt  }
0x6e: {  	_ =	shalt  }
0x6f: {  	_ =	shalt  }
0x70: {  	_ =	shalt  }
0x71: {  	_ =	shalt  }
0x72: {  	_ =	shalt  }
0x73: {  	_ =	shalt  }
0x74: {  	_ =	shalt  }
0x75: {  	_ =	shalt  }
0x76: {  	_ =	shalt  }
0x77: {  	_ =	shalt  }
0x78: {  	_ =	shalt  }
0x79: {  	_ =	shalt  }
0x7a: {  	_ =	shalt  }
0x7b: {  	_ =	shalt  }
0x7c: {  	_ =	shalt  }
0x7d: {  	_ =	shalt  }
0x7e: {  	_ =	shalt  }
0x7f: {  	_ =	shalt  }
0x80: {  	_ =	shalt  }
0x81: {  	_ =	shalt  }
0x82: {  	_ =	shalt  }
0x83: {  	_ =	shalt  }
0x84: {  	_ =	shalt  }
0x85: {  	_ =	shalt  }
0x86: {  	_ =	shalt  }
0x87: {  	_ =	shalt  }
.Lfunc_end0:
.L_simem_size_0:
called_computation_lowered:
.L_overlay_start_0:
0x88: {  	s2 =	sld [smem:$0x3FD9]  }
0x89: {  	s3 =	sld [smem:$0x3FFE];
	_ =	sdelay $0x1  }
0x8a: {  	s1 =	srdreg.scid  }
0x8b: {  	s0 =	sand.u32 $0x1, s1  }
0x8c: {  	s16 =	sshll.u32 s0, $0xA;
	s2 =	sadd.s32 s3, s2  }
0x8d: {  	s2 =	sadd.s32 s2, s16  }
0x8e: {  	[smem:$0x3FBE] =	sst s2  }
0x8f: {  	_ = 	snop  }
0x90: {  	(tm) =	ssettm $0x1  }
0x91: {  	s17 =	sld [smem:$0x3FFB];
	_ =	sdelay $0x3  }
0x92: {  	_ =	strace s17  }
0x93: {  	s2 =	sld [smem:$0x3FFC];
	_ =	sdelay $0x3  }
0x94: {  	_ =	strace s2  }
0x95: {  	s2 =	sld [smem:$0x3FFD];
	_ =	sdelay $0x3  }
0x96: {  	_ =	strace s2  }
0x97: {  	_ =	strace $0x8FFFFFFF  }
0x98: {  	s18 =	sld [smem:$0x3FDB];
	_ =	sdelay $0x1  }
0x99: {  	s19 =	simm.s32 $_scs_section_size  }
0x9a: {  	s4 =	simm.s32 $_size__tile_overlayer_lowered;
	s5 =	simm.s32 $_tile_overlayer_lowered  }
0x9b: {  	s22 =	simm.s32 $0x1BFF;
	s21 =	sshll.u32 s5, $0x1;
	s2 =	sadd.s32 s19, s18  }
0x9c: {  	s6 =	simm.s32 $0x0;
	s20 =	sshll.u32 s4, $0x1;
	s4 =	sadd.s32 s21, s2  }
0x9d: {  	[timem:s6], [sflag:s22] =	dma.local [hbm:s4], s20  }
0x9e: {  	_ =	swait.ge [sflag:s22], s20  }
0x9f: {  	s3 =	ssub.s32 $0x0, s20;
	[sflag:s22] =	ssyncset.done $0x0  }
0xa0: {  	[sflag:s22] =	ssyncadd.s32 s3;
	_ =	sdelay $0x1  }
0xa1: {  	s23 =	simm.s32 $0x1B8B  }
0xa2: {  	_ =	swait.ge [sflag:s23], $0x1  }
0xa3: {  	[sflag:s23] =	ssyncset.done $0x0  }
0xa4: {  	s25 =	simm.s32 $0x1B8E;
	s24 =	sld [smem:$0x3FFE];
	[sflag:s23] =	ssyncadd.s32 $0xFFFFFFFF  }
0xa5: {  	s26 =	simm.s32 $execute0_lowered;
	[smem:$0x3FD2] =	sst s25  }
0xa6: {  	s4 =	sshll.u32 s26, $0x1;
	_ =	strace $0x80000046;
	[dreg:$0x1] =	wrdreg $0xFFFFFFFF  }
0xa7: {  	s28 =	simm.s32 $_size_execute0_lowered;
	s2 =	sadd.s32 s2, s4;
	[dreg:$0x0] =	wrdreg $0x0  }
0xa8: {  	s4 =	sshll.u32 s28, $0x1;
	[dreg:$0x2] =	wrdreg s2  }
0xa9: {  	[dreg:$0x3] =	wrdreg s4  }
0xaa: {  	[dreg:$0x4] =	wrdreg $0xC0  }
0xab: {  	_ =	task [dreg:s6], $0x5FFFF  }
0xac: {  	[dreg:$0x1] =	wrdreg $0xFFFFFFFF  }
0xad: {  	[dreg:$0x0] =	wrdreg $0x60  }
0xae: {  	[dreg:$0x2] =	wrdreg s24  }
0xaf: {  	[dreg:$0x3] =	wrdreg $0x0  }
0xb0: {  	[dreg:$0x4] =	wrdreg $0x9  }
0xb1: {  	_ =	task.clear_ibuf [dreg:s6], $0x5FFFF;
	_ =	strace $0x90000046  }
0xb2: {  	s29 =	simm.s32 $0x9;
	_ =	strace $0x80000048  }
0xb3: {  	_ =	swait.ge [sflag:s29], $0x1  }
0xb4: {  	[sflag:s29] =	ssyncadd.s32 $0xFFFFFFFF  }
0xb5: {  	_ =	strace $0x90000048  }
0xb6: {  	_ =	sfence  }
0xb7: {  	s30 =	sld [smem:$0x0];
	_ =	sdelay $0x2  }
0xb8: {  	s31 =	sshll.u32 s1, $0xD;
	s1 =	sshrl.u32 s1, $0x2  }
0xb9: {  	s3 =	sand.u32 $0x4000, s31;
	s1 =	sadd.s32 s1, s30  }
0xba: {  	s0 =	sor.u32 s3, s0;
	s1 =	sshll.u32 s1, $0x11  }
0xbb: {  	s0 =	sor.u32 s1, s0  }
0xbc: {  	s0 =	sadd.s32 $0x8F2B, s0  }
0xbd: {  	[sflag:s0] =	ssyncadd.remote.s32 $0x1  }
0xbe: {  	_ =	sfence.sel $0xFFFF  }
0xbf: {  	[dreg:$0x0] =	wrdreg $0xFFFFFFFF;
	(pc) =	sbr.abs _section_cstart, $3  }
0xc0: {  	[dreg:$0x1] =	wrdreg $0xFFFFFFFF  }
0xc1: {  	_ =	task.clear_ibuf [dreg:s6], $0x2FFFF;
	_ =	strace $0x9FFFFFFF  }
0xc2: {  	(tm) =	ssettm $0x7FFFFFFF  }
0xc3: {  	_ =	shalt  }
tec
execute0_lowered:
.L_overlay_start_1:
0x0: {  	(tag) =	ssettag $0x1  }
0x1: {  	s4 =	rddreg [dreg:$0x0]  }
0x2: {  	s0 =	srdreg.scid;
	s2 =	stileid.u32  }
0x3: {  	s1 =	rddreg [dreg:$0x1];
	s3 =	simm.s32 $0x0;
	s8 =	smul.u32 $0x14000, s2  }
0x4: {  	s11 =	simm.s32 $0x80;
	s12 =	simm.s32 $0x3000;
	s29 =	smul.u32 $0x50000, s2  }
0x5: {  	s5 =	sand.u32 $0x1, s0;
	s0 =	rddreg [dreg:$0x2];
	s9 =	smul.u32 $0x500, s2  }
0x6: {  	s15 =	simm.s32 $0x0;
	[smem:$0x7FF] =	sst s3;
	s6 =	smul.u32 $0x5000, s5  }
0x7: {  	s13 =	sshll.u32 s2, $0x6;
	s7 =	smul.u32 $0x140000, s5;
	s5 =	ssub.s32 $0x2, s5  }
0x8: {  	_ =	strace $0x80000047;
	s13 =	sor.u32 $0x1C01, s13;
	s30 =	sshrl.u32 s5, $0x1  }
0x9: {  	s6 =	sadd.s32 s6, s4;
	s7 =	sadd.s32 s8, s7;
	s8 =	sshrl.u32 s29, $0x2  }
0xa: {  	s10 =	ssub.s32 s5, s30;
	s7 =	sshrl.u32 s7, $0x3;
	s31 =	sadd.s32 s9, s6  }
0xb: {  	s6 =	smax.u32 s10, $0x1;
	s9 =	simm.s32 $0x1;
	s10 =	simm.s32 $0x7000  }
0xc: {  	s7 =	sadd.s32 s7, s4;
	s4 =	sadd.s32 s8, s1;
	s8 =	simm.s32 $0x2800  }
0xd: {  	v0 =	vimm.f32 $0.0e+00;
	v1 =	vimm.f32 $1.000000000e+00;
	s5 =	sadd.s32 $0x18800, s7;
	s7 =	sadd.s32 $0xE800, s31;
	s14 =	sshrl.u32 s4, $0x3  }
.LBB2_1:
0xe: {  	[tilespmem:$0x2800] =	vst v0  }
0xf: {  	[tilespmem:$0x2880] =	vst v0  }
0x10: {  	[tilespmem:$0x2900] =	vst v0  }
0x11: {  	[tilespmem:$0x2980] =	vst v0  }
0x12: {  	[tilespmem:$0x2A00] =	vst v0  }
0x13: {  	[tilespmem:$0x2A80] =	vst v0  }
0x14: {  	[tilespmem:$0x2B00] =	vst v0  }
0x15: {  	[tilespmem:$0x2B80] =	vst v0  }
0x16: {  	[tilespmem:$0x2C00] =	vst v0  }
0x17: {  	[tilespmem:$0x2C80] =	vst v0  }
0x18: {  	[tilespmem:$0x2D00] =	vst v0  }
0x19: {  	[tilespmem:$0x2D80] =	vst v0  }
0x1a: {  	[tilespmem:$0x2E00] =	vst v0  }
0x1b: {  	[tilespmem:$0x2E80] =	vst v0  }
0x1c: {  	[tilespmem:$0x2F00] =	vst v0  }
0x1d: {  	[tilespmem:$0x2F80] =	vst v0  }
0x1e: {  	[tilespmem:$0x3000] =	vst v1  }
0x1f: {  	[tilespmem:$0x3080] =	vst v1  }
0x20: {  	[tilespmem:$0x3100] =	vst v1  }
0x21: {  	[tilespmem:$0x3180] =	vst v1  }
0x22: {  	[tilespmem:$0x3200] =	vst v1  }
0x23: {  	[tilespmem:$0x3280] =	vst v1  }
0x24: {  	[tilespmem:$0x3300] =	vst v1  }
0x25: {  	[tilespmem:$0x3380] =	vst v1  }
0x26: {  	[tilespmem:$0x3400] =	vst v1  }
0x27: {  	[tilespmem:$0x3480] =	vst v1  }
0x28: {  	[tilespmem:$0x3500] =	vst v1  }
0x29: {  	[tilespmem:$0x3580] =	vst v1  }
0x2a: {  	[tilespmem:$0x3600] =	vst v1  }
0x2b: {  	[tilespmem:$0x3680] =	vst v1  }
0x2c: {  	[tilespmem:$0x3700] =	vst v1  }
0x2d: {  	[tilespmem:$0x3780] =	vst v1  }
0x2e: {  	[tilespmem:$0x3800] =	vst v1  }
0x2f: {  	[tilespmem:$0x3880] =	vst v1  }
0x30: {  	[tilespmem:$0x3900] =	vst v1  }
0x31: {  	[tilespmem:$0x3980] =	vst v1  }
0x32: {  	[tilespmem:$0x3A00] =	vst v1  }
0x33: {  	[tilespmem:$0x3A80] =	vst v1  }
0x34: {  	[tilespmem:$0x3B00] =	vst v1  }
0x35: {  	[tilespmem:$0x3B80] =	vst v1  }
0x36: {  	[tilespmem:$0x3C00] =	vst v1  }
0x37: {  	[tilespmem:$0x3C80] =	vst v1  }
0x38: {  	[tilespmem:$0x3D00] =	vst v1  }
0x39: {  	[tilespmem:$0x3D80] =	vst v1  }
0x3a: {  	[tilespmem:$0x3E00] =	vst v1  }
0x3b: {  	[tilespmem:$0x3E80] =	vst v1  }
0x3c: {  	[tilespmem:$0x3F00] =	vst v1  }
0x3d: {  	[tilespmem:$0x3F80] =	vst v1  }
0x3e: {  	[tilespmem:$0x4000] =	vst v1  }
0x3f: {  	[tilespmem:$0x4080] =	vst v1  }
0x40: {  	[tilespmem:$0x4100] =	vst v1  }
0x41: {  	[tilespmem:$0x4180] =	vst v1  }
0x42: {  	[tilespmem:$0x4200] =	vst v1  }
0x43: {  	[tilespmem:$0x4280] =	vst v1  }
0x44: {  	[tilespmem:$0x4300] =	vst v1  }
0x45: {  	[tilespmem:$0x4380] =	vst v1  }
0x46: {  	[tilespmem:$0x4400] =	vst v1  }
0x47: {  	[tilespmem:$0x4480] =	vst v1  }
0x48: {  	[tilespmem:$0x4500] =	vst v1  }
0x49: {  	[tilespmem:$0x4580] =	vst v1  }
0x4a: {  	[tilespmem:$0x4600] =	vst v1  }
0x4b: {  	[tilespmem:$0x4680] =	vst v1  }
0x4c: {  	[tilespmem:$0x4700] =	vst v1  }
0x4d: {  	[tilespmem:$0x4780] =	vst v1  }
0x4e: {  	[tilespmem:$0x4800] =	vst v1  }
0x4f: {  	[tilespmem:$0x4880] =	vst v1  }
0x50: {  	[tilespmem:$0x4900] =	vst v1  }
0x51: {  	[tilespmem:$0x4980] =	vst v1  }
0x52: {  	[tilespmem:$0x4A00] =	vst v1  }
0x53: {  	[tilespmem:$0x4A80] =	vst v1  }
0x54: {  	[tilespmem:$0x4B00] =	vst v1  }
0x55: {  	[tilespmem:$0x4B80] =	vst v1  }
0x56: {  	[tilespmem:$0x4C00] =	vst v1  }
0x57: {  	[tilespmem:$0x4C80] =	vst v1  }
0x58: {  	[tilespmem:$0x4D00] =	vst v1  }
0x59: {  	[tilespmem:$0x4D80] =	vst v1  }
0x5a: {  	[tilespmem:$0x4E00] =	vst v1  }
0x5b: {  	[tilespmem:$0x4E80] =	vst v1  }
0x5c: {  	[tilespmem:$0x4F00] =	vst v1  }
0x5d: {  	[tilespmem:$0x4F80] =	vst v1  }
0x5e: {  	[tilespmem:$0x5000] =	vst v1  }
0x5f: {  	[tilespmem:$0x5080] =	vst v1  }
0x60: {  	[tilespmem:$0x5100] =	vst v1  }
0x61: {  	[tilespmem:$0x5180] =	vst v1  }
0x62: {  	[tilespmem:$0x5200] =	vst v1  }
0x63: {  	[tilespmem:$0x5280] =	vst v1  }
0x64: {  	[tilespmem:$0x5300] =	vst v1  }
0x65: {  	[tilespmem:$0x5380] =	vst v1  }
0x66: {  	[tilespmem:$0x5400] =	vst v1  }
0x67: {  	[tilespmem:$0x5480] =	vst v1  }
0x68: {  	[tilespmem:$0x5500] =	vst v1  }
0x69: {  	[tilespmem:$0x5580] =	vst v1  }
0x6a: {  	[tilespmem:$0x5600] =	vst v1  }
0x6b: {  	[tilespmem:$0x5680] =	vst v1  }
0x6c: {  	[tilespmem:$0x5700] =	vst v1  }
0x6d: {  	[tilespmem:$0x5780] =	vst v1  }
0x6e: {  	[tilespmem:$0x5800] =	vst v1  }
0x6f: {  	[tilespmem:$0x5880] =	vst v1  }
0x70: {  	[tilespmem:$0x5900] =	vst v1  }
0x71: {  	[tilespmem:$0x5980] =	vst v1  }
0x72: {  	[tilespmem:$0x5A00] =	vst v1  }
0x73: {  	[tilespmem:$0x5A80] =	vst v1  }
0x74: {  	[tilespmem:$0x5B00] =	vst v1  }
0x75: {  	[tilespmem:$0x5B80] =	vst v1  }
0x76: {  	[tilespmem:$0x5C00] =	vst v1  }
0x77: {  	[tilespmem:$0x5C80] =	vst v1  }
0x78: {  	[tilespmem:$0x5D00] =	vst v1  }
0x79: {  	[tilespmem:$0x5D80] =	vst v1  }
0x7a: {  	[tilespmem:$0x5E00] =	vst v1  }
0x7b: {  	[tilespmem:$0x5E80] =	vst v1  }
0x7c: {  	[tilespmem:$0x5F00] =	vst v1  }
0x7d: {  	[tilespmem:$0x5F80] =	vst v1  }
0x7e: {  	[tilespmem:$0x6000] =	vst v1  }
0x7f: {  	[tilespmem:$0x6080] =	vst v1  }
0x80: {  	[tilespmem:$0x6100] =	vst v1  }
0x81: {  	[tilespmem:$0x6180] =	vst v1  }
0x82: {  	[tilespmem:$0x6200] =	vst v1  }
0x83: {  	[tilespmem:$0x6280] =	vst v1  }
0x84: {  	[tilespmem:$0x6300] =	vst v1  }
0x85: {  	[tilespmem:$0x6380] =	vst v1  }
0x86: {  	[tilespmem:$0x6400] =	vst v1  }
0x87: {  	[tilespmem:$0x6480] =	vst v1  }
0x88: {  	[tilespmem:$0x6500] =	vst v1  }
0x89: {  	[tilespmem:$0x6580] =	vst v1  }
0x8a: {  	[tilespmem:$0x6600] =	vst v1  }
0x8b: {  	[tilespmem:$0x6680] =	vst v1  }
0x8c: {  	[tilespmem:$0x6700] =	vst v1  }
0x8d: {  	[tilespmem:$0x6780] =	vst v1  }
0x8e: {  	[tilespmem:$0x6800] =	vst v1  }
0x8f: {  	[tilespmem:$0x6880] =	vst v1  }
0x90: {  	[tilespmem:$0x6900] =	vst v1  }
0x91: {  	[tilespmem:$0x6980] =	vst v1  }
0x92: {  	[tilespmem:$0x6A00] =	vst v1  }
0x93: {  	[tilespmem:$0x6A80] =	vst v1  }
0x94: {  	[tilespmem:$0x6B00] =	vst v1  }
0x95: {  	[tilespmem:$0x6B80] =	vst v1  }
0x96: {  	[tilespmem:$0x6C00] =	vst v1  }
0x97: {  	[tilespmem:$0x6C80] =	vst v1  }
0x98: {  	[tilespmem:$0x6D00] =	vst v1  }
0x99: {  	[tilespmem:$0x6D80] =	vst v1  }
0x9a: {  	[tilespmem:$0x6E00] =	vst v1  }
0x9b: {  	[tilespmem:$0x6E80] =	vst v1  }
0x9c: {  	[tilespmem:$0x6F00] =	vst v1  }
0x9d: {  	[tilespmem:$0x6F80] =	vst v1;
	s16 =	sadd.s32 $0x0, s4  }
0x9e: {  	[spmem:s16] =	stream.linear.scatter [tilespmem:s8], [sflag:$0x1], $0x800, $0x38;
	[tilespmem:$0x7080] =	vst v63  }
0x9f: {  	s16 =	simm.s32 $0x2000;
	_ =	swait.ge [sflag:s9], $0x800  }
.LBB2_2:
0xa0: {  	s17 =	sshra.s32 s16, $0x2;
	[sflag:s9] =	ssyncset.done $0x0;
	p0 =	sne.s32 s16, $0x4E000  }
.Ltmp0:
0xa1: {  	s17 =	sadd.s32 s17, s4;
	[sflag:s9] =	ssyncadd.s32 $0xFFFFF800;
	(pc) =	sbr.rel @p0 .LBB2_2-.Ltmp0, $3  }
0xa2: {  	[spmem:s17] =	stream.linear.scatter [tilespmem:s8], [sflag:$0x1], $0x800, $0x38;
	[tilespmem:$0x7080] =	vst v63  }
0xa3: {  	s16 =	sadd.s32 $0x2000, s16;
	_ =	sdelay $0x1  }
0xa4: {  	_ =	swait.ge [sflag:s9], $0x800  }
0xa5: {  	[sflag:s9] =	ssyncset.done $0x0  }
0xa6: {  	[sflag:s9] =	ssyncadd.s32 $0xFFFFF800  }
0xa7: {  	s16 =	sadd.s32 $0x0, s7;
	[bflag:$0x0] =	sbarrier.arrive $0xFFFF  }
0xa8: {  	[tilespmem:s10], [sflag:$0x1] =	stream.linear.gather [hbm4b:s16+s3], $0x80, $0x38;
	[tilespmem:$0x7080] =	vst v63  }
0xa9: {  	_ =	swait.ge [sflag:s9], $0x80  }
0xaa: {  	[sflag:s9] =	ssyncset.done $0x0  }
0xab: {  	[sflag:s9] =	ssyncadd.s32 $0xFFFFFF80  }
0xac: {  	[spmem:s1] =	stream.indirect.scatter.add.f32 [tilespmem:s12], [sflag:$0x1], $0x10, s10, s11, $0xb8;
	[tilespmem:$0x7080] =	vst v63  }
0xad: {  	_ =	swait.ge [sflag:s9], $0x800  }
0xae: {  	s17 =	simm.s32 $0x20;
	s16 =	simm.s32 $0x10;
	[sflag:s9] =	ssyncset.done $0x0  }
.LBB2_4:
0xaf: {  	s18 =	sadd.s32 s16, s7  }
0xb0: {  	[sflag:s9] =	ssyncadd.s32 $0xFFFFF800;
	s16 =	smov.u32 s17;
	s19 =	sadd.s32 $0x10, s17  }
0xb1: {  	[tilespmem:s10], [sflag:$0x1] =	stream.linear.gather [hbm4b:s18+s3], $0x80, $0x38;
	[tilespmem:$0x7080] =	vst v63  }
0xb2: {  	p0 =	sne.s32 s17, $0x4F0;
	_ =	swait.ge [sflag:s9], $0x80  }
.Ltmp1:
0xb3: {  	[sflag:s9] =	ssyncset.done $0x0;
	(pc) =	sbr.rel @p0 .LBB2_4-.Ltmp1, $4  }
0xb4: {  	[sflag:s9] =	ssyncadd.s32 $0xFFFFFF80  }
0xb5: {  	[spmem:s1] =	stream.indirect.scatter.add.f32 [tilespmem:s12], [sflag:$0x1], $0x10, s10, s11, $0xb8;
	[tilespmem:$0x7080] =	vst v63  }
0xb6: {  	_ =	swait.ge [sflag:s9], $0x800  }
0xb7: {  	s17 =	smov.u32 s19;
	[sflag:s9] =	ssyncset.done $0x0  }
0xb8: {  	s16 =	sadd.s32 s16, s7;
	[sflag:s9] =	ssyncadd.s32 $0xFFFFF800  }
0xb9: {  	[tilespmem:s10], [sflag:$0x1] =	stream.linear.gather [hbm4b:s16+s3], $0x80, $0x38;
	[tilespmem:$0x7080] =	vst v63  }
0xba: {  	_ =	swait.ge [sflag:s9], $0x80  }
0xbb: {  	[sflag:s9] =	ssyncset.done $0x0  }
0xbc: {  	[sflag:s9] =	ssyncadd.s32 $0xFFFFFF80  }
0xbd: {  	[spmem:s1] =	stream.indirect.scatter.add.f32 [tilespmem:s12], [sflag:$0x1], $0x10, s10, s11, $0xb8;
	[tilespmem:$0x7080] =	vst v63  }
0xbe: {  	_ =	swait.ge [sflag:s9], $0x800  }
0xbf: {  	s15 =	sadd.s32 $0x1, s15;
	[sflag:s9] =	ssyncset.done $0x0  }
0xc0: {  	p0 =	sne.s32 s15, s6;
	[sflag:s9] =	ssyncadd.s32 $0xFFFFF800  }
.Ltmp2:
0xc1: {  	[bflag:$0x0] =	sbarrier.arrive $0xFFFF;
	(pc) =	sbr.rel @p0 .LBB2_1-.Ltmp2, $4  }
0xc2: {  	[hbm:s5], [sflag:s13] =	dma.local [spmem:s14], $0x2800  }
0xc3: {  	_ =	swait.ge [sflag:s9], $0x2800  }
0xc4: {  	[sflag:s9] =	ssyncset.done $0x0  }
0xc5: {  	[sflag:s9] =	ssyncadd.s32 $0xFFFFD800  }
0xc6: {  	_ =	sfence.sel $0x180000  }
0xc7: {  	[bflag:$0x0] =	sbarrier.arrive $0xFFFF  }
0xc8: {  	p0 =	sne.s32 s2, $0x0;
	_ =	strace $0x90000047  }
0xc9: {  	s0 =	sadd.s32 @!p0 $0x100000, s0;
	[bflag:$0x2] =	sbarrier.arrive $0xFFFF  }
0xca: {  	[sflag:s0] =	ssyncadd.tile.s32 @!p0 $0x1;
	_ =	shalt  }
.Lfunc_end2:
_tile_overlayer_lowered:
.L_overlay_start_2:
0xcb: {  	(tag) =	ssettag $0x2  }
0xcc: {  	s0 =	rddreg [dreg:$0x0];
	s2 =	stileid.u32  }
0xcd: {  	s1 =	rddreg [dreg:$0x1];
	p0 =	sne.s32 s2, $0x0  }
0xce: {  	s3 =	rddreg [dreg:$0x2];
	[bflag:$0x3] =	sbarrier.arrive $0xFFFF;
	s2 =	simm.s32 @!p0 $0x1C01  }
0xcf: {  	[timem:s3], [sflag:s2] =	dma.local @!p0 [hbm:s0], s1  }
0xd0: {  	s0 =	simm.s32 @!p0 $0x1  }
0xd1: {  	_ =	swait.ge @!p0 [sflag:s0], s1  }
0xd2: {  	s1 =	ssub.s32 @!p0 $0x0, s1;
	[sflag:s0] =	ssyncset.done @!p0 $0x0  }
0xd3: {  	[sflag:s0] =	ssyncadd.s32 @!p0 s1  }
0xd4: {  	[bflag:$0x3] =	sbarrier.arrive $0xFFFF  }
0xd5: {  	_ =	shalt  }

</sc_bundles>
